<compile_context>
chip_gen: v7x
topology: tpu7x:2x2x1
jax: 0.10.2.dev20260603
libtpu: 0.0.44.dev20260713+nightly
codegen_flags: <defaults>
</compile_context>

<pallas_src>
import functools

import jax
import jax.numpy as jnp
from jax import lax
from jax.experimental import pallas as pl
from jax.experimental.pallas import tpu as pltpu
from jax.experimental.pallas import tpu_sc as plsc


@functools.lru_cache(maxsize=None)
def _build_sc_kernel(q_len, k_len, in_dim, out_dim):
    info = plsc.get_sparse_core_info()
    num_cores, num_subcores, lanes = (
        info.num_cores, info.num_subcores, info.num_lanes)
    num_workers = num_cores * num_subcores
    rows_per_worker = q_len // num_workers
    phases = 8
    regions = num_workers // phases
    region_rows = q_len // regions
    stride_span = phases * (rows_per_worker - 1)
    window = k_len + stride_span
    window_pad = ((window + lanes - 1) // lanes) * lanes
    max_index = (in_dim - 1) // 2

    mesh = plsc.VectorSubcoreMesh(core_axis_name="c", subcore_axis_name="s")

    @functools.partial(
        pl.kernel,
        mesh=mesh,
        compiler_params=pltpu.CompilerParams(
            use_tc_tiling_on_sc=False, needs_layout_passes=False),
        out_type=jax.ShapeDtypeStruct((q_len, out_dim, k_len), jnp.float32),
        scratch_types=[
            pltpu.VMEM((out_dim * in_dim,), jnp.float32),
            pltpu.VMEM((out_dim, window_pad), jnp.float32),
            pltpu.SemaphoreType.DMA,
        ],
    )
    def rel_pos_kernel(emb_t_hbm, out_hbm, et_v, ywt_v, sem):
        wid = lax.axis_index("s") * num_cores + lax.axis_index("c")
        region = wid // phases
        phase = wid - region * phases
        ibase = region * region_rows + phase

        pltpu.sync_copy(emb_t_hbm, et_v)

        @plsc.parallel_loop(0, window_pad // lanes, 1, unroll=4)
        def build_chunk(t):
            m = t * lanes + lax.iota(jnp.int32, lanes)
            v = stride_span + ibase - m
            col = jnp.clip(v, -max_index, max_index) + max_index
            for e in range(out_dim):
                vals = plsc.load_gather(et_v, [col + e * in_dim])
                ywt_v[e, pl.ds(t * lanes, lanes)] = vals

        lag = 8
        handles = []
        for t in range(rows_per_worker):
            h = pltpu.async_copy(
                ywt_v.at[:, pl.ds(stride_span - phases * t, k_len)],
                out_hbm.at[ibase + phases * t],
                sem,
            )
            handles.append(h)
            if t >= lag:
                handles[t - lag].wait()
        for h in handles[rows_per_worker - lag:]:
            h.wait()

    return rel_pos_kernel


def kernel(q, k, embeddings):
    q_len = q.shape[1]
    k_len = k.shape[1]
    in_dim, out_dim = embeddings.shape
    out_t = _build_sc_kernel(q_len, k_len, in_dim, out_dim)(
        embeddings.T.reshape(-1))
    return jnp.swapaxes(out_t, 1, 2)

# --- scband reference (transcript-rebuilt; emitter-appended) ---
"""Pipeline reference for scband-relative-position-embedding-28673201668249 (READ-ONLY COPY).

The authoritative reference and input builder live on the scoring server;
editing this copy changes nothing except your own understanding.
"""

import jax, jax.numpy as jnp
import numpy as np

INPUT_DIM = 511
OUTPUT_DIM = 32


def setup_inputs(seed: int = 0) -> dict:
    key = jax.random.key(seed)
    k1, k2, k3 = jax.random.split(key, 3)
    q = jax.random.normal(k1, (2, 2048, 1024), dtype=jnp.float32)
    k = jax.random.normal(k2, (2, 2048, 1024), dtype=jnp.float32)
    embeddings = jax.random.normal(k3, (INPUT_DIM, OUTPUT_DIM), dtype=jnp.float32) * 0.02
    return {"q": q, "k": k, "embeddings": embeddings}


def reference(q, k, embeddings):
    q_len = q.shape[1]
    k_len = k.shape[1]
    q_indices = jnp.arange(0, q_len, dtype=jnp.int32)[:, None]
    k_indices = jnp.arange(0, k_len, dtype=jnp.int32)[None, :]
    relative = q_indices - k_indices
    max_index = (INPUT_DIM - 1) // 2
    relative = jnp.clip(relative, -max_index, max_index)
    relative = relative + max_index
    return jnp.take(embeddings, relative, axis=0)

if __name__ == "__main__":
    import jax
    _d = setup_inputs()
    print(jax.jit(kernel)(*tuple(_d.values())))

</pallas_src>

<mosaic_0001>
#map = affine_map<(d0, d1) -> (0)>
#map1 = affine_map<(d0, d1) -> (0, 0, 0)>
module attributes {stable_mosaic.version = 14 : i64} {
  func.func @rel_pos_kernel(%arg0: i32, %arg1: i32, %arg2: memref<16352xf32, #tpu.memory_space<hbm>>, %arg3: memref<2048x32x2048xf32, #tpu.memory_space<hbm>>, %arg4: memref<16352xf32, #tpu.memory_space<vmem>>, %arg5: memref<32x2560xf32, #tpu.memory_space<vmem>>, %arg6: memref<!tpu.dma_semaphore, #tpu.memory_space<semaphore_mem>>) attributes {dimension_semantics = [#tpu.dimension_semantics<core_parallel>, #tpu.dimension_semantics<subcore_parallel>], iteration_bounds = array<i64: 2, 16>, scalar_prefetch = 0 : i64, scratch_operands = 3 : i64, tpu.core_type = #tpu.core_type<sc_vector_subcore>, window_params = [{transform_indices = #map}, {transform_indices = #map1}]} {
    %mul3A = arith.constant 2 : i32
    %mul3A_0 = arith.muli %arg1, %mul3A : i32
    %add3A = arith.addi %mul3A_0, %arg0 : i32
    %jit3A = arith.constant 8 : i32
    %div3A = arith.divsi %add3A, %jit3A : i32
    %sign3A = arith.constant 0 : i32
    %sign3A_1 = arith.cmpi sgt, %add3A, %sign3A : i32
    %sign3A_2 = arith.extui %sign3A_1 : i1 to i32
    %sign3A_3 = arith.constant 0 : i32
    %sign3A_4 = arith.cmpi slt, %add3A, %sign3A_3 : i32
    %sign3A_5 = arith.extui %sign3A_4 : i1 to i32
    %sign3A_6 = arith.subi %sign3A_2, %sign3A_5 : i32
    %sign3A_7 = arith.constant 0 : i32
    %sign3A_8 = arith.cmpi sgt, %jit3A, %sign3A_7 : i32
    %sign3A_9 = arith.extui %sign3A_8 : i1 to i32
    %sign3A_10 = arith.constant 0 : i32
    %sign3A_11 = arith.cmpi slt, %jit3A, %sign3A_10 : i32
    %sign3A_12 = arith.extui %sign3A_11 : i1 to i32
    %sign3A_13 = arith.subi %sign3A_9, %sign3A_12 : i32
    %ne3A = arith.cmpi ne, %sign3A_6, %sign3A_13 : i32
    %rem3A = arith.remsi %add3A, %jit3A : i32
    %ne3A_14 = arith.constant 0 : i32
    %ne3A_15 = arith.cmpi ne, %rem3A, %ne3A_14 : i32
    %and3A = arith.andi %ne3A, %ne3A_15 : i1
    %sub3A = arith.constant 1 : i32
    %sub3A_16 = arith.subi %div3A, %sub3A : i32
    %select_n3A = arith.select %and3A, %sub3A_16, %div3A : i32
    %mul3A_17 = arith.constant 8 : i32
    %mul3A_18 = arith.muli %select_n3A, %mul3A_17 : i32
    %sub3A_19 = arith.subi %add3A, %mul3A_18 : i32
    %mul3A_20 = arith.constant 512 : i32
    %mul3A_21 = arith.muli %select_n3A, %mul3A_20 : i32
    %add3A_22 = arith.addi %mul3A_21, %sub3A_19 : i32
    "tpu.region"() ({
      %run_scoped3A = tpu.sem_alloc : memref<!tpu.dma_semaphore, #tpu.memory_space<semaphore_mem>>
      tpu.enqueue_dma source(%arg2 : memref<16352xf32, #tpu.memory_space<hbm>>) target(%arg4 : memref<16352xf32, #tpu.memory_space<vmem>>) target_semaphore(%run_scoped3A : memref<!tpu.dma_semaphore, #tpu.memory_space<semaphore_mem>>)
      tpu.wait_dma2 semaphore(%run_scoped3A : memref<!tpu.dma_semaphore, #tpu.memory_space<semaphore_mem>>) src(%arg2 : memref<16352xf32, #tpu.memory_space<hbm>>) dst(%arg4 : memref<16352xf32, #tpu.memory_space<vmem>>)
      tpu.yield
    }) : () -> ()
    %parallel_loop3A = arith.constant 0 : i32
    %parallel_loop3A_23 = arith.constant 160 : i32
    %parallel_loop3A_24 = arith.constant 1 : i32
    scf.for %parallel_loop3A_1943 = %parallel_loop3A to %parallel_loop3A_23 step %parallel_loop3A_24  : i32 {
      %parallel_loop3A_1944 = arith.constant 16 : i32
      %parallel_loop3A_1945 = arith.muli %parallel_loop3A_1943, %parallel_loop3A_1944 : i32
      %parallel_loop3A_1946 = tpu.iota {dimensions = array<i32: 0>} : vector<16xi32>
      %parallel_loop3A_1947 = vector.broadcast %parallel_loop3A_1945 : i32 to vector<16xi32>
      %parallel_loop3A_1948 = arith.addi %parallel_loop3A_1947, %parallel_loop3A_1946 : vector<16xi32>
      %parallel_loop3A_1949 = arith.constant 504 : i32
      %parallel_loop3A_1950 = arith.addi %parallel_loop3A_1949, %add3A_22 : i32
      %parallel_loop3A_1951 = vector.broadcast %parallel_loop3A_1950 : i32 to vector<16xi32>
      %parallel_loop3A_1952 = arith.subi %parallel_loop3A_1951, %parallel_loop3A_1948 : vector<16xi32>
      %parallel_loop3A_1953 = arith.constant -255 : i32
      %parallel_loop3A_1954 = arith.constant 255 : i32
      %parallel_loop3A_1955 = vector.broadcast %parallel_loop3A_1953 : i32 to vector<16xi32>
      %parallel_loop3A_1956 = arith.maxsi %parallel_loop3A_1955, %parallel_loop3A_1952 : vector<16xi32>
      %parallel_loop3A_1957 = vector.broadcast %parallel_loop3A_1954 : i32 to vector<16xi32>
      %parallel_loop3A_1958 = arith.minsi %parallel_loop3A_1957, %parallel_loop3A_1956 : vector<16xi32>
      %parallel_loop3A_1959 = arith.constant 255 : i32
      %parallel_loop3A_1960 = vector.broadcast %parallel_loop3A_1959 : i32 to vector<16xi32>
      %parallel_loop3A_1961 = arith.addi %parallel_loop3A_1958, %parallel_loop3A_1960 : vector<16xi32>
      %parallel_loop3A_1962 = arith.constant 0 : i32
      %parallel_loop3A_1963 = vector.broadcast %parallel_loop3A_1962 : i32 to vector<16xi32>
      %parallel_loop3A_1964 = arith.addi %parallel_loop3A_1961, %parallel_loop3A_1963 : vector<16xi32>
      %parallel_loop3A_1965 = tpu.vector_load_idx %arg4[%parallel_loop3A_1964] : memref<16352xf32, #tpu.memory_space<vmem>>[vector<16xi32>], vector<16xf32>,
      %parallel_loop3A_1966 = arith.constant 16 : i32
      %parallel_loop3A_1967 = arith.muli %parallel_loop3A_1943, %parallel_loop3A_1966 : i32
      %parallel_loop3A_1968 = arith.constant 0 : i32
      %parallel_loop3A_1969 = arith.index_cast %parallel_loop3A_1968 : i32 to index
      %parallel_loop3A_1970 = arith.index_cast %parallel_loop3A_1967 : i32 to index
      %parallel_loop3A_1971 = tpu.vector_load %arg5[%parallel_loop3A_1969, %parallel_loop3A_1970] {strides = array<i32>} : memref<32x2560xf32, #tpu.memory_space<vmem>>, vector<16xf32>,
      tpu.vector_store %arg5[%parallel_loop3A_1969, %parallel_loop3A_1970], %parallel_loop3A_1965 {strides = array<i32>} : memref<32x2560xf32, #tpu.memory_space<vmem>>, vector<16xf32>,
      %parallel_loop3A_1972 = arith.constant 511 : i32
      %parallel_loop3A_1973 = vector.broadcast %parallel_loop3A_1972 : i32 to vector<16xi32>
      %parallel_loop3A_1974 = arith.addi %parallel_loop3A_1961, %parallel_loop3A_1973 : vector<16xi32>
      %parallel_loop3A_1975 = tpu.vector_load_idx %arg4[%parallel_loop3A_1974] : memref<16352xf32, #tpu.memory_space<vmem>>[vector<16xi32>], vector<16xf32>,
      %parallel_loop3A_1976 = arith.constant 16 : i32
      %parallel_loop3A_1977 = arith.muli %parallel_loop3A_1943, %parallel_loop3A_1976 : i32
      %parallel_loop3A_1978 = arith.constant 1 : i32
      %parallel_loop3A_1979 = arith.index_cast %parallel_loop3A_1978 : i32 to index
      %parallel_loop3A_1980 = arith.index_cast %parallel_loop3A_1977 : i32 to index
      %parallel_loop3A_1981 = tpu.vector_load %arg5[%parallel_loop3A_1979, %parallel_loop3A_1980] {strides = array<i32>} : memref<32x2560xf32, #tpu.memory_space<vmem>>, vector<16xf32>,
      tpu.vector_store %arg5[%parallel_loop3A_1979, %parallel_loop3A_1980], %parallel_loop3A_1975 {strides = array<i32>} : memref<32x2560xf32, #tpu.memory_space<vmem>>, vector<16xf32>,
      %parallel_loop3A_1982 = arith.constant 1022 : i32
      %parallel_loop3A_1983 = vector.broadcast %parallel_loop3A_1982 : i32 to vector<16xi32>
      %parallel_loop3A_1984 = arith.addi %parallel_loop3A_1961, %parallel_loop3A_1983 : vector<16xi32>
      %parallel_loop3A_1985 = tpu.vector_load_idx %arg4[%parallel_loop3A_1984] : memref<16352xf32, #tpu.memory_space<vmem>>[vector<16xi32>], vector<16xf32>,
      %parallel_loop3A_1986 = arith.constant 16 : i32
      %parallel_loop3A_1987 = arith.muli %parallel_loop3A_1943, %parallel_loop3A_1986 : i32
      %parallel_loop3A_1988 = arith.constant 2 : i32
      %parallel_loop3A_1989 = arith.index_cast %parallel_loop3A_1988 : i32 to index
      %parallel_loop3A_1990 = arith.index_cast %parallel_loop3A_1987 : i32 to index
      %parallel_loop3A_1991 = tpu.vector_load %arg5[%parallel_loop3A_1989, %parallel_loop3A_1990] {strides = array<i32>} : memref<32x2560xf32, #tpu.memory_space<vmem>>, vector<16xf32>,
      tpu.vector_store %arg5[%parallel_loop3A_1989, %parallel_loop3A_1990], %parallel_loop3A_1985 {strides = array<i32>} : memref<32x2560xf32, #tpu.memory_space<vmem>>, vector<16xf32>,
      %parallel_loop3A_1992 = arith.constant 1533 : i32
      %parallel_loop3A_1993 = vector.broadcast %parallel_loop3A_1992 : i32 to vector<16xi32>
      %parallel_loop3A_1994 = arith.addi %parallel_loop3A_1961, %parallel_loop3A_1993 : vector<16xi32>
      %parallel_loop3A_1995 = tpu.vector_load_idx %arg4[%parallel_loop3A_1994] : memref<16352xf32, #tpu.memory_space<vmem>>[vector<16xi32>], vector<16xf32>,
      %parallel_loop3A_1996 = arith.constant 16 : i32
      %parallel_loop3A_1997 = arith.muli %parallel_loop3A_1943, %parallel_loop3A_1996 : i32
      %parallel_loop3A_1998 = arith.constant 3 : i32
      %parallel_loop3A_1999 = arith.index_cast %parallel_loop3A_1998 : i32 to index
      %parallel_loop3A_2000 = arith.index_cast %parallel_loop3A_1997 : i32 to index
      %parallel_loop3A_2001 = tpu.vector_load %arg5[%parallel_loop3A_1999, %parallel_loop3A_2000] {strides = array<i32>} : memref<32x2560xf32, #tpu.memory_space<vmem>>, vector<16xf32>,
      tpu.vector_store %arg5[%parallel_loop3A_1999, %parallel_loop3A_2000], %parallel_loop3A_1995 {strides = array<i32>} : memref<32x2560xf32, #tpu.memory_space<vmem>>, vector<16xf32>,
      %parallel_loop3A_2002 = arith.constant 2044 : i32
      %parallel_loop3A_2003 = vector.broadcast %parallel_loop3A_2002 : i32 to vector<16xi32>
      %parallel_loop3A_2004 = arith.addi %parallel_loop3A_1961, %parallel_loop3A_2003 : vector<16xi32>
      %parallel_loop3A_2005 = tpu.vector_load_idx %arg4[%parallel_loop3A_2004] : memref<16352xf32, #tpu.memory_space<vmem>>[vector<16xi32>], vector<16xf32>,
      %parallel_loop3A_2006 = arith.constant 16 : i32
      %parallel_loop3A_2007 = arith.muli %parallel_loop3A_1943, %parallel_loop3A_2006 : i32
      %parallel_loop3A_2008 = arith.constant 4 : i32
      %parallel_loop3A_2009 = arith.index_cast %parallel_loop3A_2008 : i32 to index
      %parallel_loop3A_2010 = arith.index_cast %parallel_loop3A_2007 : i32 to index
      %parallel_loop3A_2011 = tpu.vector_load %arg5[%parallel_loop3A_2009, %parallel_loop3A_2010] {strides = array<i32>} : memref<32x2560xf32, #tpu.memory_space<vmem>>, vector<16xf32>,
      tpu.vector_store %arg5[%parallel_loop3A_2009, %parallel_loop3A_2010], %parallel_loop3A_2005 {strides = array<i32>} : memref<32x2560xf32, #tpu.memory_space<vmem>>, vector<16xf32>,
      %parallel_loop3A_2012 = arith.constant 2555 : i32
      %parallel_loop3A_2013 = vector.broadcast %parallel_loop3A_2012 : i32 to vector<16xi32>
      %parallel_loop3A_2014 = arith.addi %parallel_loop3A_1961, %parallel_loop3A_2013 : vector<16xi32>
      %parallel_loop3A_2015 = tpu.vector_load_idx %arg4[%parallel_loop3A_2014] : memref<16352xf32, #tpu.memory_space<vmem>>[vector<16xi32>], vector<16xf32>,
      %parallel_loop3A_2016 = arith.constant 16 : i32
      %parallel_loop3A_2017 = arith.muli %parallel_loop3A_1943, %parallel_loop3A_2016 : i32
      %parallel_loop3A_2018 = arith.constant 5 : i32
      %parallel_loop3A_2019 = arith.index_cast %parallel_loop3A_2018 : i32 to index
      %parallel_loop3A_2020 = arith.index_cast %parallel_loop3A_2017 : i32 to index
      %parallel_loop3A_2021 = tpu.vector_load %arg5[%parallel_loop3A_2019, %parallel_loop3A_2020] {strides = array<i32>} : memref<32x2560xf32, #tpu.memory_space<vmem>>, vector<16xf32>,
      tpu.vector_store %arg5[%parallel_loop3A_2019, %parallel_loop3A_2020], %parallel_loop3A_2015 {strides = array<i32>} : memref<32x2560xf32, #tpu.memory_space<vmem>>, vector<16xf32>,
      %parallel_loop3A_2022 = arith.constant 3066 : i32
      %parallel_loop3A_2023 = vector.broadcast %parallel_loop3A_2022 : i32 to vector<16xi32>
      %parallel_loop3A_2024 = arith.addi %parallel_loop3A_1961, %parallel_loop3A_2023 : vector<16xi32>
      %parallel_loop3A_2025 = tpu.vector_load_idx %arg4[%parallel_loop3A_2024] : memref<16352xf32, #tpu.memory_space<vmem>>[vector<16xi32>], vector<16xf32>,
      %parallel_loop3A_2026 = arith.constant 16 : i32
      %parallel_loop3A_2027 = arith.muli %parallel_loop3A_1943, %parallel_loop3A_2026 : i32
      %parallel_loop3A_2028 = arith.constant 6 : i32
      %parallel_loop3A_2029 = arith.index_cast %parallel_loop3A_2028 : i32 to index
      %parallel_loop3A_2030 = arith.index_cast %parallel_loop3A_2027 : i32 to index
      %parallel_loop3A_2031 = tpu.vector_load %arg5[%parallel_loop3A_2029, %parallel_loop3A_2030] {strides = array<i32>} : memref<32x2560xf32, #tpu.memory_space<vmem>>, vector<16xf32>,
      tpu.vector_store %arg5[%parallel_loop3A_2029, %parallel_loop3A_2030], %parallel_loop3A_2025 {strides = array<i32>} : memref<32x2560xf32, #tpu.memory_space<vmem>>, vector<16xf32>,
      %parallel_loop3A_2032 = arith.constant 3577 : i32
      %parallel_loop3A_2033 = vector.broadcast %parallel_loop3A_2032 : i32 to vector<16xi32>
      %parallel_loop3A_2034 = arith.addi %parallel_loop3A_1961, %parallel_loop3A_2033 : vector<16xi32>
      %parallel_loop3A_2035 = tpu.vector_load_idx %arg4[%parallel_loop3A_2034] : memref<16352xf32, #tpu.memory_space<vmem>>[vector<16xi32>], vector<16xf32>,
      %parallel_loop3A_2036 = arith.constant 16 : i32
      %parallel_loop3A_2037 = arith.muli %parallel_loop3A_1943, %parallel_loop3A_2036 : i32
      %parallel_loop3A_2038 = arith.constant 7 : i32
      %parallel_loop3A_2039 = arith.index_cast %parallel_loop3A_2038 : i32 to index
      %parallel_loop3A_2040 = arith.index_cast %parallel_loop3A_2037 : i32 to index
      %parallel_loop3A_2041 = tpu.vector_load %arg5[%parallel_loop3A_2039, %parallel_loop3A_2040] {strides = array<i32>} : memref<32x2560xf32, #tpu.memory_space<vmem>>, vector<16xf32>,
      tpu.vector_store %arg5[%parallel_loop3A_2039, %parallel_loop3A_2040], %parallel_loop3A_2035 {strides = array<i32>} : memref<32x2560xf32, #tpu.memory_space<vmem>>, vector<16xf32>,
      %parallel_loop3A_2042 = arith.constant 4088 : i32
      %parallel_loop3A_2043 = vector.broadcast %parallel_loop3A_2042 : i32 to vector<16xi32>
      %parallel_loop3A_2044 = arith.addi %parallel_loop3A_1961, %parallel_loop3A_2043 : vector<16xi32>
      %parallel_loop3A_2045 = tpu.vector_load_idx %arg4[%parallel_loop3A_2044] : memref<16352xf32, #tpu.memory_space<vmem>>[vector<16xi32>], vector<16xf32>,
      %parallel_loop3A_2046 = arith.constant 16 : i32
      %parallel_loop3A_2047 = arith.muli %parallel_loop3A_1943, %parallel_loop3A_2046 : i32
      %parallel_loop3A_2048 = arith.constant 8 : i32
      %parallel_loop3A_2049 = arith.index_cast %parallel_loop3A_2048 : i32 to index
      %parallel_loop3A_2050 = arith.index_cast %parallel_loop3A_2047 : i32 to index
      %parallel_loop3A_2051 = tpu.vector_load %arg5[%parallel_loop3A_2049, %parallel_loop3A_2050] {strides = array<i32>} : memref<32x2560xf32, #tpu.memory_space<vmem>>, vector<16xf32>,
      tpu.vector_store %arg5[%parallel_loop3A_2049, %parallel_loop3A_2050], %parallel_loop3A_2045 {strides = array<i32>} : memref<32x2560xf32, #tpu.memory_space<vmem>>, vector<16xf32>,
      %parallel_loop3A_2052 = arith.constant 4599 : i32
      %parallel_loop3A_2053 = vector.broadcast %parallel_loop3A_2052 : i32 to vector<16xi32>
      %parallel_loop3A_2054 = arith.addi %parallel_loop3A_1961, %parallel_loop3A_2053 : vector<16xi32>
      %parallel_loop3A_2055 = tpu.vector_load_idx %arg4[%parallel_loop3A_2054] : memref<16352xf32, #tpu.memory_space<vmem>>[vector<16xi32>], vector<16xf32>,
      %parallel_loop3A_2056 = arith.constant 16 : i32
      %parallel_loop3A_2057 = arith.muli %parallel_loop3A_1943, %parallel_loop3A_2056 : i32
      %parallel_loop3A_2058 = arith.constant 9 : i32
      %parallel_loop3A_2059 = arith.index_cast %parallel_loop3A_2058 : i32 to index
      %parallel_loop3A_2060 = arith.index_cast %parallel_loop3A_2057 : i32 to index
      %parallel_loop3A_2061 = tpu.vector_load %arg5[%parallel_loop3A_2059, %parallel_loop3A_2060] {strides = array<i32>} : memref<32x2560xf32, #tpu.memory_space<vmem>>, vector<16xf32>,
      tpu.vector_store %arg5[%parallel_loop3A_2059, %parallel_loop3A_2060], %parallel_loop3A_2055 {strides = array<i32>} : memref<32x2560xf32, #tpu.memory_space<vmem>>, vector<16xf32>,
      %parallel_loop3A_2062 = arith.constant 5110 : i32
      %parallel_loop3A_2063 = vector.broadcast %parallel_loop3A_2062 : i32 to vector<16xi32>
      %parallel_loop3A_2064 = arith.addi %parallel_loop3A_1961, %parallel_loop3A_2063 : vector<16xi32>
      %parallel_loop3A_2065 = tpu.vector_load_idx %arg4[%parallel_loop3A_2064] : memref<16352xf32, #tpu.memory_space<vmem>>[vector<16xi32>], vector<16xf32>,
      %parallel_loop3A_2066 = arith.constant 16 : i32
      %parallel_loop3A_2067 = arith.muli %parallel_loop3A_1943, %parallel_loop3A_2066 : i32
      %parallel_loop3A_2068 = arith.constant 10 : i32
      %parallel_loop3A_2069 = arith.index_cast %parallel_loop3A_2068 : i32 to index
      %parallel_loop3A_2070 = arith.index_cast %parallel_loop3A_2067 : i32 to index
      %parallel_loop3A_2071 = tpu.vector_load %arg5[%parallel_loop3A_2069, %parallel_loop3A_2070] {strides = array<i32>} : memref<32x2560xf32, #tpu.memory_space<vmem>>, vector<16xf32>,
      tpu.vector_store %arg5[%parallel_loop3A_2069, %parallel_loop3A_2070], %parallel_loop3A_2065 {strides = array<i32>} : memref<32x2560xf32, #tpu.memory_space<vmem>>, vector<16xf32>,
      %parallel_loop3A_2072 = arith.constant 5621 : i32
      %parallel_loop3A_2073 = vector.broadcast %parallel_loop3A_2072 : i32 to vector<16xi32>
      %parallel_loop3A_2074 = arith.addi %parallel_loop3A_1961, %parallel_loop3A_2073 : vector<16xi32>
      %parallel_loop3A_2075 = tpu.vector_load_idx %arg4[%parallel_loop3A_2074] : memref<16352xf32, #tpu.memory_space<vmem>>[vector<16xi32>], vector<16xf32>,
      %parallel_loop3A_2076 = arith.constant 16 : i32
      %parallel_loop3A_2077 = arith.muli %parallel_loop3A_1943, %parallel_loop3A_2076 : i32
      %parallel_loop3A_2078 = arith.constant 11 : i32
      %parallel_loop3A_2079 = arith.index_cast %parallel_loop3A_2078 : i32 to index
      %parallel_loop3A_2080 = arith.index_cast %parallel_loop3A_2077 : i32 to index
      %parallel_loop3A_2081 = tpu.vector_load %arg5[%parallel_loop3A_2079, %parallel_loop3A_2080] {strides = array<i32>} : memref<32x2560xf32, #tpu.memory_space<vmem>>, vector<16xf32>,
      tpu.vector_store %arg5[%parallel_loop3A_2079, %parallel_loop3A_2080], %parallel_loop3A_2075 {strides = array<i32>} : memref<32x2560xf32, #tpu.memory_space<vmem>>, vector<16xf32>,
      %parallel_loop3A_2082 = arith.constant 6132 : i32
      %parallel_loop3A_2083 = vector.broadcast %parallel_loop3A_2082 : i32 to vector<16xi32>
      %parallel_loop3A_2084 = arith.addi %parallel_loop3A_1961, %parallel_loop3A_2083 : vector<16xi32>
      %parallel_loop3A_2085 = tpu.vector_load_idx %arg4[%parallel_loop3A_2084] : memref<16352xf32, #tpu.memory_space<vmem>>[vector<16xi32>], vector<16xf32>,
      %parallel_loop3A_2086 = arith.constant 16 : i32
      %parallel_loop3A_2087 = arith.muli %parallel_loop3A_1943, %parallel_loop3A_2086 : i32
      %parallel_loop3A_2088 = arith.constant 12 : i32
      %parallel_loop3A_2089 = arith.index_cast %parallel_loop3A_2088 : i32 to index
      %parallel_loop3A_2090 = arith.index_cast %parallel_loop3A_2087 : i32 to index
      %parallel_loop3A_2091 = tpu.vector_load %arg5[%parallel_loop3A_2089, %parallel_loop3A_2090] {strides = array<i32>} : memref<32x2560xf32, #tpu.memory_space<vmem>>, vector<16xf32>,
      tpu.vector_store %arg5[%parallel_loop3A_2089, %parallel_loop3A_2090], %parallel_loop3A_2085 {strides = array<i32>} : memref<32x2560xf32, #tpu.memory_space<vmem>>, vector<16xf32>,
      %parallel_loop3A_2092 = arith.constant 6643 : i32
      %parallel_loop3A_2093 = vector.broadcast %parallel_loop3A_2092 : i32 to vector<16xi32>
      %parallel_loop3A_2094 = arith.addi %parallel_loop3A_1961, %parallel_loop3A_2093 : vector<16xi32>
      %parallel_loop3A_2095 = tpu.vector_load_idx %arg4[%parallel_loop3A_2094] : memref<16352xf32, #tpu.memory_space<vmem>>[vector<16xi32>], vector<16xf32>,
      %parallel_loop3A_2096 = arith.constant 16 : i32
      %parallel_loop3A_2097 = arith.muli %parallel_loop3A_1943, %parallel_loop3A_2096 : i32
      %parallel_loop3A_2098 = arith.constant 13 : i32
      %parallel_loop3A_2099 = arith.index_cast %parallel_loop3A_2098 : i32 to index
      %parallel_loop3A_2100 = arith.index_cast %parallel_loop3A_2097 : i32 to index
      %parallel_loop3A_2101 = tpu.vector_load %arg5[%parallel_loop3A_2099, %parallel_loop3A_2100] {strides = array<i32>} : memref<32x2560xf32, #tpu.memory_space<vmem>>, vector<16xf32>,
      tpu.vector_store %arg5[%parallel_loop3A_2099, %parallel_loop3A_2100], %parallel_loop3A_2095 {strides = array<i32>} : memref<32x2560xf32, #tpu.memory_space<vmem>>, vector<16xf32>,
      %parallel_loop3A_2102 = arith.constant 7154 : i32
      %parallel_loop3A_2103 = vector.broadcast %parallel_loop3A_2102 : i32 to vector<16xi32>
      %parallel_loop3A_2104 = arith.addi %parallel_loop3A_1961, %parallel_loop3A_2103 : vector<16xi32>
      %parallel_loop3A_2105 = tpu.vector_load_idx %arg4[%parallel_loop3A_2104] : memref<16352xf32, #tpu.memory_space<vmem>>[vector<16xi32>], vector<16xf32>,
      %parallel_loop3A_2106 = arith.constant 16 : i32
      %parallel_loop3A_2107 = arith.muli %parallel_loop3A_1943, %parallel_loop3A_2106 : i32
      %parallel_loop3A_2108 = arith.constant 14 : i32
      %parallel_loop3A_2109 = arith.index_cast %parallel_loop3A_2108 : i32 to index
      %parallel_loop3A_2110 = arith.index_cast %parallel_loop3A_2107 : i32 to index
      %parallel_loop3A_2111 = tpu.vector_load %arg5[%parallel_loop3A_2109, %parallel_loop3A_2110] {strides = array<i32>} : memref<32x2560xf32, #tpu.memory_space<vmem>>, vector<16xf32>,
      tpu.vector_store %arg5[%parallel_loop3A_2109, %parallel_loop3A_2110], %parallel_loop3A_2105 {strides = array<i32>} : memref<32x2560xf32, #tpu.memory_space<vmem>>, vector<16xf32>,
      %parallel_loop3A_2112 = arith.constant 7665 : i32
      %parallel_loop3A_2113 = vector.broadcast %parallel_loop3A_2112 : i32 to vector<16xi32>
      %parallel_loop3A_2114 = arith.addi %parallel_loop3A_1961, %parallel_loop3A_2113 : vector<16xi32>
      %parallel_loop3A_2115 = tpu.vector_load_idx %arg4[%parallel_loop3A_2114] : memref<16352xf32, #tpu.memory_space<vmem>>[vector<16xi32>], vector<16xf32>,
      %parallel_loop3A_2116 = arith.constant 16 : i32
      %parallel_loop3A_2117 = arith.muli %parallel_loop3A_1943, %parallel_loop3A_2116 : i32
      %parallel_loop3A_2118 = arith.constant 15 : i32
      %parallel_loop3A_2119 = arith.index_cast %parallel_loop3A_2118 : i32 to index
      %parallel_loop3A_2120 = arith.index_cast %parallel_loop3A_2117 : i32 to index
      %parallel_loop3A_2121 = tpu.vector_load %arg5[%parallel_loop3A_2119, %parallel_loop3A_2120] {strides = array<i32>} : memref<32x2560xf32, #tpu.memory_space<vmem>>, vector<16xf32>,
      tpu.vector_store %arg5[%parallel_loop3A_2119, %parallel_loop3A_2120], %parallel_loop3A_2115 {strides = array<i32>} : memref<32x2560xf32, #tpu.memory_space<vmem>>, vector<16xf32>,
      %parallel_loop3A_2122 = arith.constant 8176 : i32
      %parallel_loop3A_2123 = vector.broadcast %parallel_loop3A_2122 : i32 to vector<16xi32>
      %parallel_loop3A_2124 = arith.addi %parallel_loop3A_1961, %parallel_loop3A_2123 : vector<16xi32>
      %parallel_loop3A_2125 = tpu.vector_load_idx %arg4[%parallel_loop3A_2124] : memref<16352xf32, #tpu.memory_space<vmem>>[vector<16xi32>], vector<16xf32>,
      %parallel_loop3A_2126 = arith.constant 16 : i32
      %parallel_loop3A_2127 = arith.muli %parallel_loop3A_1943, %parallel_loop3A_2126 : i32
      %parallel_loop3A_2128 = arith.constant 16 : i32
      %parallel_loop3A_2129 = arith.index_cast %parallel_loop3A_2128 : i32 to index
      %parallel_loop3A_2130 = arith.index_cast %parallel_loop3A_2127 : i32 to index
      %parallel_loop3A_2131 = tpu.vector_load %arg5[%parallel_loop3A_2129, %parallel_loop3A_2130] {strides = array<i32>} : memref<32x2560xf32, #tpu.memory_space<vmem>>, vector<16xf32>,
      tpu.vector_store %arg5[%parallel_loop3A_2129, %parallel_loop3A_2130], %parallel_loop3A_2125 {strides = array<i32>} : memref<32x2560xf32, #tpu.memory_space<vmem>>, vector<16xf32>,
      %parallel_loop3A_2132 = arith.constant 8687 : i32
      %parallel_loop3A_2133 = vector.broadcast %parallel_loop3A_2132 : i32 to vector<16xi32>
      %parallel_loop3A_2134 = arith.addi %parallel_loop3A_1961, %parallel_loop3A_2133 : vector<16xi32>
      %parallel_loop3A_2135 = tpu.vector_load_idx %arg4[%parallel_loop3A_2134] : memref<16352xf32, #tpu.memory_space<vmem>>[vector<16xi32>], vector<16xf32>,
      %parallel_loop3A_2136 = arith.constant 16 : i32
      %parallel_loop3A_2137 = arith.muli %parallel_loop3A_1943, %parallel_loop3A_2136 : i32
      %parallel_loop3A_2138 = arith.constant 17 : i32
      %parallel_loop3A_2139 = arith.index_cast %parallel_loop3A_2138 : i32 to index
      %parallel_loop3A_2140 = arith.index_cast %parallel_loop3A_2137 : i32 to index
      %parallel_loop3A_2141 = tpu.vector_load %arg5[%parallel_loop3A_2139, %parallel_loop3A_2140] {strides = array<i32>} : memref<32x2560xf32, #tpu.memory_space<vmem>>, vector<16xf32>,
      tpu.vector_store %arg5[%parallel_loop3A_2139, %parallel_loop3A_2140], %parallel_loop3A_2135 {strides = array<i32>} : memref<32x2560xf32, #tpu.memory_space<vmem>>, vector<16xf32>,
      %parallel_loop3A_2142 = arith.constant 9198 : i32
      %parallel_loop3A_2143 = vector.broadcast %parallel_loop3A_2142 : i32 to vector<16xi32>
      %parallel_loop3A_2144 = arith.addi %parallel_loop3A_1961, %parallel_loop3A_2143 : vector<16xi32>
      %parallel_loop3A_2145 = tpu.vector_load_idx %arg4[%parallel_loop3A_2144] : memref<16352xf32, #tpu.memory_space<vmem>>[vector<16xi32>], vector<16xf32>,
      %parallel_loop3A_2146 = arith.constant 16 : i32
      %parallel_loop3A_2147 = arith.muli %parallel_loop3A_1943, %parallel_loop3A_2146 : i32
      %parallel_loop3A_2148 = arith.constant 18 : i32
      %parallel_loop3A_2149 = arith.index_cast %parallel_loop3A_2148 : i32 to index
      %parallel_loop3A_2150 = arith.index_cast %parallel_loop3A_2147 : i32 to index
      %parallel_loop3A_2151 = tpu.vector_load %arg5[%parallel_loop3A_2149, %parallel_loop3A_2150] {strides = array<i32>} : memref<32x2560xf32, #tpu.memory_space<vmem>>, vector<16xf32>,
      tpu.vector_store %arg5[%parallel_loop3A_2149, %parallel_loop3A_2150], %parallel_loop3A_2145 {strides = array<i32>} : memref<32x2560xf32, #tpu.memory_space<vmem>>, vector<16xf32>,
      %parallel_loop3A_2152 = arith.constant 9709 : i32
      %parallel_loop3A_2153 = vector.broadcast %parallel_loop3A_2152 : i32 to vector<16xi32>
      %parallel_loop3A_2154 = arith.addi %parallel_loop3A_1961, %parallel_loop3A_2153 : vector<16xi32>
      %parallel_loop3A_2155 = tpu.vector_load_idx %arg4[%parallel_loop3A_2154] : memref<16352xf32, #tpu.memory_space<vmem>>[vector<16xi32>], vector<16xf32>,
      %parallel_loop3A_2156 = arith.constant 16 : i32
      %parallel_loop3A_2157 = arith.muli %parallel_loop3A_1943, %parallel_loop3A_2156 : i32
      %parallel_loop3A_2158 = arith.constant 19 : i32
      %parallel_loop3A_2159 = arith.index_cast %parallel_loop3A_2158 : i32 to index
      %parallel_loop3A_2160 = arith.index_cast %parallel_loop3A_2157 : i32 to index
      %parallel_loop3A_2161 = tpu.vector_load %arg5[%parallel_loop3A_2159, %parallel_loop3A_2160] {strides = array<i32>} : memref<32x2560xf32, #tpu.memory_space<vmem>>, vector<16xf32>,
      tpu.vector_store %arg5[%parallel_loop3A_2159, %parallel_loop3A_2160], %parallel_loop3A_2155 {strides = array<i32>} : memref<32x2560xf32, #tpu.memory_space<vmem>>, vector<16xf32>,
      %parallel_loop3A_2162 = arith.constant 10220 : i32
      %parallel_loop3A_2163 = vector.broadcast %parallel_loop3A_2162 : i32 to vector<16xi32>
      %parallel_loop3A_2164 = arith.addi %parallel_loop3A_1961, %parallel_loop3A_2163 : vector<16xi32>
      %parallel_loop3A_2165 = tpu.vector_load_idx %arg4[%parallel_loop3A_2164] : memref<16352xf32, #tpu.memory_space<vmem>>[vector<16xi32>], vector<16xf32>,
      %parallel_loop3A_2166 = arith.constant 16 : i32
      %parallel_loop3A_2167 = arith.muli %parallel_loop3A_1943, %parallel_loop3A_2166 : i32
      %parallel_loop3A_2168 = arith.constant 20 : i32
      %parallel_loop3A_2169 = arith.index_cast %parallel_loop3A_2168 : i32 to index
      %parallel_loop3A_2170 = arith.index_cast %parallel_loop3A_2167 : i32 to index
      %parallel_loop3A_2171 = tpu.vector_load %arg5[%parallel_loop3A_2169, %parallel_loop3A_2170] {strides = array<i32>} : memref<32x2560xf32, #tpu.memory_space<vmem>>, vector<16xf32>,
      tpu.vector_store %arg5[%parallel_loop3A_2169, %parallel_loop3A_2170], %parallel_loop3A_2165 {strides = array<i32>} : memref<32x2560xf32, #tpu.memory_space<vmem>>, vector<16xf32>,
      %parallel_loop3A_2172 = arith.constant 10731 : i32
      %parallel_loop3A_2173 = vector.broadcast %parallel_loop3A_2172 : i32 to vector<16xi32>
      %parallel_loop3A_2174 = arith.addi %parallel_loop3A_1961, %parallel_loop3A_2173 : vector<16xi32>
      %parallel_loop3A_2175 = tpu.vector_load_idx %arg4[%parallel_loop3A_2174] : memref<16352xf32, #tpu.memory_space<vmem>>[vector<16xi32>], vector<16xf32>,
      %parallel_loop3A_2176 = arith.constant 16 : i32
      %parallel_loop3A_2177 = arith.muli %parallel_loop3A_1943, %parallel_loop3A_2176 : i32
      %parallel_loop3A_2178 = arith.constant 21 : i32
      %parallel_loop3A_2179 = arith.index_cast %parallel_loop3A_2178 : i32 to index
      %parallel_loop3A_2180 = arith.index_cast %parallel_loop3A_2177 : i32 to index
      %parallel_loop3A_2181 = tpu.vector_load %arg5[%parallel_loop3A_2179, %parallel_loop3A_2180] {strides = array<i32>} : memref<32x2560xf32, #tpu.memory_space<vmem>>, vector<16xf32>,
      tpu.vector_store %arg5[%parallel_loop3A_2179, %parallel_loop3A_2180], %parallel_loop3A_2175 {strides = array<i32>} : memref<32x2560xf32, #tpu.memory_space<vmem>>, vector<16xf32>,
      %parallel_loop3A_2182 = arith.constant 11242 : i32
      %parallel_loop3A_2183 = vector.broadcast %parallel_loop3A_2182 : i32 to vector<16xi32>
      %parallel_loop3A_2184 = arith.addi %parallel_loop3A_1961, %parallel_loop3A_2183 : vector<16xi32>
      %parallel_loop3A_2185 = tpu.vector_load_idx %arg4[%parallel_loop3A_2184] : memref<16352xf32, #tpu.memory_space<vmem>>[vector<16xi32>], vector<16xf32>,
      %parallel_loop3A_2186 = arith.constant 16 : i32
      %parallel_loop3A_2187 = arith.muli %parallel_loop3A_1943, %parallel_loop3A_2186 : i32
      %parallel_loop3A_2188 = arith.constant 22 : i32
      %parallel_loop3A_2189 = arith.index_cast %parallel_loop3A_2188 : i32 to index
      %parallel_loop3A_2190 = arith.index_cast %parallel_loop3A_2187 : i32 to index
      %parallel_loop3A_2191 = tpu.vector_load %arg5[%parallel_loop3A_2189, %parallel_loop3A_2190] {strides = array<i32>} : memref<32x2560xf32, #tpu.memory_space<vmem>>, vector<16xf32>,
      tpu.vector_store %arg5[%parallel_loop3A_2189, %parallel_loop3A_2190], %parallel_loop3A_2185 {strides = array<i32>} : memref<32x2560xf32, #tpu.memory_space<vmem>>, vector<16xf32>,
      %parallel_loop3A_2192 = arith.constant 11753 : i32
      %parallel_loop3A_2193 = vector.broadcast %parallel_loop3A_2192 : i32 to vector<16xi32>
      %parallel_loop3A_2194 = arith.addi %parallel_loop3A_1961, %parallel_loop3A_2193 : vector<16xi32>
      %parallel_loop3A_2195 = tpu.vector_load_idx %arg4[%parallel_loop3A_2194] : memref<16352xf32, #tpu.memory_space<vmem>>[vector<16xi32>], vector<16xf32>,
      %parallel_loop3A_2196 = arith.constant 16 : i32
      %parallel_loop3A_2197 = arith.muli %parallel_loop3A_1943, %parallel_loop3A_2196 : i32
      %parallel_loop3A_2198 = arith.constant 23 : i32
      %parallel_loop3A_2199 = arith.index_cast %parallel_loop3A_2198 : i32 to index
      %parallel_loop3A_2200 = arith.index_cast %parallel_loop3A_2197 : i32 to index
      %parallel_loop3A_2201 = tpu.vector_load %arg5[%parallel_loop3A_2199, %parallel_loop3A_2200] {strides = array<i32>} : memref<32x2560xf32, #tpu.memory_space<vmem>>, vector<16xf32>,
      tpu.vector_store %arg5[%parallel_loop3A_2199, %parallel_loop3A_2200], %parallel_loop3A_2195 {strides = array<i32>} : memref<32x2560xf32, #tpu.memory_space<vmem>>, vector<16xf32>,
      %parallel_loop3A_2202 = arith.constant 12264 : i32
      %parallel_loop3A_2203 = vector.broadcast %parallel_loop3A_2202 : i32 to vector<16xi32>
      %parallel_loop3A_2204 = arith.addi %parallel_loop3A_1961, %parallel_loop3A_2203 : vector<16xi32>
      %parallel_loop3A_2205 = tpu.vector_load_idx %arg4[%parallel_loop3A_2204] : memref<16352xf32, #tpu.memory_space<vmem>>[vector<16xi32>], vector<16xf32>,
      %parallel_loop3A_2206 = arith.constant 16 : i32
      %parallel_loop3A_2207 = arith.muli %parallel_loop3A_1943, %parallel_loop3A_2206 : i32
      %parallel_loop3A_2208 = arith.constant 24 : i32
      %parallel_loop3A_2209 = arith.index_cast %parallel_loop3A_2208 : i32 to index
      %parallel_loop3A_2210 = arith.index_cast %parallel_loop3A_2207 : i32 to index
      %parallel_loop3A_2211 = tpu.vector_load %arg5[%parallel_loop3A_2209, %parallel_loop3A_2210] {strides = array<i32>} : memref<32x2560xf32, #tpu.memory_space<vmem>>, vector<16xf32>,
      tpu.vector_store %arg5[%parallel_loop3A_2209, %parallel_loop3A_2210], %parallel_loop3A_2205 {strides = array<i32>} : memref<32x2560xf32, #tpu.memory_space<vmem>>, vector<16xf32>,
      %parallel_loop3A_2212 = arith.constant 12775 : i32
      %parallel_loop3A_2213 = vector.broadcast %parallel_loop3A_2212 : i32 to vector<16xi32>
      %parallel_loop3A_2214 = arith.addi %parallel_loop3A_1961, %parallel_loop3A_2213 : vector<16xi32>
      %parallel_loop3A_2215 = tpu.vector_load_idx %arg4[%parallel_loop3A_2214] : memref<16352xf32, #tpu.memory_space<vmem>>[vector<16xi32>], vector<16xf32>,
      %parallel_loop3A_2216 = arith.constant 16 : i32
      %parallel_loop3A_2217 = arith.muli %parallel_loop3A_1943, %parallel_loop3A_2216 : i32
      %parallel_loop3A_2218 = arith.constant 25 : i32
      %parallel_loop3A_2219 = arith.index_cast %parallel_loop3A_2218 : i32 to index
      %parallel_loop3A_2220 = arith.index_cast %parallel_loop3A_2217 : i32 to index
      %parallel_loop3A_2221 = tpu.vector_load %arg5[%parallel_loop3A_2219, %parallel_loop3A_2220] {strides = array<i32>} : memref<32x2560xf32, #tpu.memory_space<vmem>>, vector<16xf32>,
      tpu.vector_store %arg5[%parallel_loop3A_2219, %parallel_loop3A_2220], %parallel_loop3A_2215 {strides = array<i32>} : memref<32x2560xf32, #tpu.memory_space<vmem>>, vector<16xf32>,
      %parallel_loop3A_2222 = arith.constant 13286 : i32
      %parallel_loop3A_2223 = vector.broadcast %parallel_loop3A_2222 : i32 to vector<16xi32>
      %parallel_loop3A_2224 = arith.addi %parallel_loop3A_1961, %parallel_loop3A_2223 : vector<16xi32>
      %parallel_loop3A_2225 = tpu.vector_load_idx %arg4[%parallel_loop3A_2224] : memref<16352xf32, #tpu.memory_space<vmem>>[vector<16xi32>], vector<16xf32>,
      %parallel_loop3A_2226 = arith.constant 16 : i32
      %parallel_loop3A_2227 = arith.muli %parallel_loop3A_1943, %parallel_loop3A_2226 : i32
      %parallel_loop3A_2228 = arith.constant 26 : i32
      %parallel_loop3A_2229 = arith.index_cast %parallel_loop3A_2228 : i32 to index
      %parallel_loop3A_2230 = arith.index_cast %parallel_loop3A_2227 : i32 to index
      %parallel_loop3A_2231 = tpu.vector_load %arg5[%parallel_loop3A_2229, %parallel_loop3A_2230] {strides = array<i32>} : memref<32x2560xf32, #tpu.memory_space<vmem>>, vector<16xf32>,
      tpu.vector_store %arg5[%parallel_loop3A_2229, %parallel_loop3A_2230], %parallel_loop3A_2225 {strides = array<i32>} : memref<32x2560xf32, #tpu.memory_space<vmem>>, vector<16xf32>,
      %parallel_loop3A_2232 = arith.constant 13797 : i32
      %parallel_loop3A_2233 = vector.broadcast %parallel_loop3A_2232 : i32 to vector<16xi32>
      %parallel_loop3A_2234 = arith.addi %parallel_loop3A_1961, %parallel_loop3A_2233 : vector<16xi32>
      %parallel_loop3A_2235 = tpu.vector_load_idx %arg4[%parallel_loop3A_2234] : memref<16352xf32, #tpu.memory_space<vmem>>[vector<16xi32>], vector<16xf32>,
      %parallel_loop3A_2236 = arith.constant 16 : i32
      %parallel_loop3A_2237 = arith.muli %parallel_loop3A_1943, %parallel_loop3A_2236 : i32
      %parallel_loop3A_2238 = arith.constant 27 : i32
      %parallel_loop3A_2239 = arith.index_cast %parallel_loop3A_2238 : i32 to index
      %parallel_loop3A_2240 = arith.index_cast %parallel_loop3A_2237 : i32 to index
      %parallel_loop3A_2241 = tpu.vector_load %arg5[%parallel_loop3A_2239, %parallel_loop3A_2240] {strides = array<i32>} : memref<32x2560xf32, #tpu.memory_space<vmem>>, vector<16xf32>,
      tpu.vector_store %arg5[%parallel_loop3A_2239, %parallel_loop3A_2240], %parallel_loop3A_2235 {strides = array<i32>} : memref<32x2560xf32, #tpu.memory_space<vmem>>, vector<16xf32>,
      %parallel_loop3A_2242 = arith.constant 14308 : i32
      %parallel_loop3A_2243 = vector.broadcast %parallel_loop3A_2242 : i32 to vector<16xi32>
      %parallel_loop3A_2244 = arith.addi %parallel_loop3A_1961, %parallel_loop3A_2243 : vector<16xi32>
      %parallel_loop3A_2245 = tpu.vector_load_idx %arg4[%parallel_loop3A_2244] : memref<16352xf32, #tpu.memory_space<vmem>>[vector<16xi32>], vector<16xf32>,
      %parallel_loop3A_2246 = arith.constant 16 : i32
      %parallel_loop3A_2247 = arith.muli %parallel_loop3A_1943, %parallel_loop3A_2246 : i32
      %parallel_loop3A_2248 = arith.constant 28 : i32
      %parallel_loop3A_2249 = arith.index_cast %parallel_loop3A_2248 : i32 to index
      %parallel_loop3A_2250 = arith.index_cast %parallel_loop3A_2247 : i32 to index
      %parallel_loop3A_2251 = tpu.vector_load %arg5[%parallel_loop3A_2249, %parallel_loop3A_2250] {strides = array<i32>} : memref<32x2560xf32, #tpu.memory_space<vmem>>, vector<16xf32>,
      tpu.vector_store %arg5[%parallel_loop3A_2249, %parallel_loop3A_2250], %parallel_loop3A_2245 {strides = array<i32>} : memref<32x2560xf32, #tpu.memory_space<vmem>>, vector<16xf32>,
      %parallel_loop3A_2252 = arith.constant 14819 : i32
      %parallel_loop3A_2253 = vector.broadcast %parallel_loop3A_2252 : i32 to vector<16xi32>
      %parallel_loop3A_2254 = arith.addi %parallel_loop3A_1961, %parallel_loop3A_2253 : vector<16xi32>
      %parallel_loop3A_2255 = tpu.vector_load_idx %arg4[%parallel_loop3A_2254] : memref<16352xf32, #tpu.memory_space<vmem>>[vector<16xi32>], vector<16xf32>,
      %parallel_loop3A_2256 = arith.constant 16 : i32
      %parallel_loop3A_2257 = arith.muli %parallel_loop3A_1943, %parallel_loop3A_2256 : i32
      %parallel_loop3A_2258 = arith.constant 29 : i32
      %parallel_loop3A_2259 = arith.index_cast %parallel_loop3A_2258 : i32 to index
      %parallel_loop3A_2260 = arith.index_cast %parallel_loop3A_2257 : i32 to index
      %parallel_loop3A_2261 = tpu.vector_load %arg5[%parallel_loop3A_2259, %parallel_loop3A_2260] {strides = array<i32>} : memref<32x2560xf32, #tpu.memory_space<vmem>>, vector<16xf32>,
      tpu.vector_store %arg5[%parallel_loop3A_2259, %parallel_loop3A_2260], %parallel_loop3A_2255 {strides = array<i32>} : memref<32x2560xf32, #tpu.memory_space<vmem>>, vector<16xf32>,
      %parallel_loop3A_2262 = arith.constant 15330 : i32
      %parallel_loop3A_2263 = vector.broadcast %parallel_loop3A_2262 : i32 to vector<16xi32>
      %parallel_loop3A_2264 = arith.addi %parallel_loop3A_1961, %parallel_loop3A_2263 : vector<16xi32>
      %parallel_loop3A_2265 = tpu.vector_load_idx %arg4[%parallel_loop3A_2264] : memref<16352xf32, #tpu.memory_space<vmem>>[vector<16xi32>], vector<16xf32>,
      %parallel_loop3A_2266 = arith.constant 16 : i32
      %parallel_loop3A_2267 = arith.muli %parallel_loop3A_1943, %parallel_loop3A_2266 : i32
      %parallel_loop3A_2268 = arith.constant 30 : i32
      %parallel_loop3A_2269 = arith.index_cast %parallel_loop3A_2268 : i32 to index
      %parallel_loop3A_2270 = arith.index_cast %parallel_loop3A_2267 : i32 to index
      %parallel_loop3A_2271 = tpu.vector_load %arg5[%parallel_loop3A_2269, %parallel_loop3A_2270] {strides = array<i32>} : memref<32x2560xf32, #tpu.memory_space<vmem>>, vector<16xf32>,
      tpu.vector_store %arg5[%parallel_loop3A_2269, %parallel_loop3A_2270], %parallel_loop3A_2265 {strides = array<i32>} : memref<32x2560xf32, #tpu.memory_space<vmem>>, vector<16xf32>,
      %parallel_loop3A_2272 = arith.constant 15841 : i32
      %parallel_loop3A_2273 = vector.broadcast %parallel_loop3A_2272 : i32 to vector<16xi32>
      %parallel_loop3A_2274 = arith.addi %parallel_loop3A_1961, %parallel_loop3A_2273 : vector<16xi32>
      %parallel_loop3A_2275 = tpu.vector_load_idx %arg4[%parallel_loop3A_2274] : memref<16352xf32, #tpu.memory_space<vmem>>[vector<16xi32>], vector<16xf32>,
      %parallel_loop3A_2276 = arith.constant 16 : i32
      %parallel_loop3A_2277 = arith.muli %parallel_loop3A_1943, %parallel_loop3A_2276 : i32
      %parallel_loop3A_2278 = arith.constant 31 : i32
      %parallel_loop3A_2279 = arith.index_cast %parallel_loop3A_2278 : i32 to index
      %parallel_loop3A_2280 = arith.index_cast %parallel_loop3A_2277 : i32 to index
      %parallel_loop3A_2281 = tpu.vector_load %arg5[%parallel_loop3A_2279, %parallel_loop3A_2280] {strides = array<i32>} : memref<32x2560xf32, #tpu.memory_space<vmem>>, vector<16xf32>,
      tpu.vector_store %arg5[%parallel_loop3A_2279, %parallel_loop3A_2280], %parallel_loop3A_2275 {strides = array<i32>} : memref<32x2560xf32, #tpu.memory_space<vmem>>, vector<16xf32>,
    } {sc.loop_unroll_factor = 4 : i64, sc.parallel_access}
    %add3A_25 = arith.constant 0 : i32
    %add3A_26 = arith.addi %add3A_22, %add3A_25 : i32
    %dma_start3A = arith.constant 0 : i32
    %dma_start3A_27 = arith.constant 504 : i32
    %dma_start3A_28 = tpu.memref_slice %arg5[%dma_start3A, %dma_start3A_27] : memref<32x2560xf32, #tpu.memory_space<vmem>> -> memref<32x2048xf32, #tpu.memory_space<vmem>>
    %dma_start3A_29 = arith.constant 0 : i32
    %dma_start3A_30 = arith.constant 0 : i32
    %dma_start3A_31 = tpu.memref_slice %arg3[%add3A_26, %dma_start3A_29, %dma_start3A_30] : memref<2048x32x2048xf32, #tpu.memory_space<hbm>> -> memref<1x32x2048xf32, #tpu.memory_space<hbm>>
    %dma_start3A_32 = tpu.memref_squeeze %dma_start3A_31 : memref<1x32x2048xf32, #tpu.memory_space<hbm>> -> memref<32x2048xf32, #tpu.memory_space<hbm>>
    %dma_start3A_33 = arith.constant 0 : i32
    %dma_start3A_34 = arith.constant 0 : i32
    %dma_start3A_35 = tpu.memref_slice %arg3[%add3A_26, %dma_start3A_33, %dma_start3A_34] : memref<2048x32x2048xf32, #tpu.memory_space<hbm>> -> memref<1x32x2048xf32, #tpu.memory_space<hbm>>
    %dma_start3A_36 = tpu.memref_squeeze %dma_start3A_35 : memref<1x32x2048xf32, #tpu.memory_space<hbm>> -> memref<32x2048xf32, #tpu.memory_space<hbm>>
    %dma_start3A_37 = arith.constant 0 : i32
    %dma_start3A_38 = arith.constant 504 : i32
    %dma_start3A_39 = tpu.memref_slice %arg5[%dma_start3A_37, %dma_start3A_38] : memref<32x2560xf32, #tpu.memory_space<vmem>> -> memref<32x2048xf32, #tpu.memory_space<vmem>>
    tpu.enqueue_dma source(%dma_start3A_39 : memref<32x2048xf32, #tpu.memory_space<vmem>>) target(%dma_start3A_36 : memref<32x2048xf32, #tpu.memory_space<hbm>>) target_semaphore(%arg6 : memref<!tpu.dma_semaphore, #tpu.memory_space<semaphore_mem>>)
    %add3A_40 = arith.constant 8 : i32
    %add3A_41 = arith.addi %add3A_22, %add3A_40 : i32
    %dma_start3A_42 = arith.constant 0 : i32
    %dma_start3A_43 = arith.constant 496 : i32
    %dma_start3A_44 = tpu.memref_slice %arg5[%dma_start3A_42, %dma_start3A_43] : memref<32x2560xf32, #tpu.memory_space<vmem>> -> memref<32x2048xf32, #tpu.memory_space<vmem>>
    %dma_start3A_45 = arith.constant 0 : i32
    %dma_start3A_46 = arith.constant 0 : i32
    %dma_start3A_47 = tpu.memref_slice %arg3[%add3A_41, %dma_start3A_45, %dma_start3A_46] : memref<2048x32x2048xf32, #tpu.memory_space<hbm>> -> memref<1x32x2048xf32, #tpu.memory_space<hbm>>
    %dma_start3A_48 = tpu.memref_squeeze %dma_start3A_47 : memref<1x32x2048xf32, #tpu.memory_space<hbm>> -> memref<32x2048xf32, #tpu.memory_space<hbm>>
    %dma_start3A_49 = arith.constant 0 : i32
    %dma_start3A_50 = arith.constant 0 : i32
    %dma_start3A_51 = tpu.memref_slice %arg3[%add3A_41, %dma_start3A_49, %dma_start3A_50] : memref<2048x32x2048xf32, #tpu.memory_space<hbm>> -> memref<1x32x2048xf32, #tpu.memory_space<hbm>>
    %dma_start3A_52 = tpu.memref_squeeze %dma_start3A_51 : memref<1x32x2048xf32, #tpu.memory_space<hbm>> -> memref<32x2048xf32, #tpu.memory_space<hbm>>
    %dma_start3A_53 = arith.constant 0 : i32
    %dma_start3A_54 = arith.constant 496 : i32
    %dma_start3A_55 = tpu.memref_slice %arg5[%dma_start3A_53, %dma_start3A_54] : memref<32x2560xf32, #tpu.memory_space<vmem>> -> memref<32x2048xf32, #tpu.memory_space<vmem>>
    tpu.enqueue_dma source(%dma_start3A_55 : memref<32x2048xf32, #tpu.memory_space<vmem>>) target(%dma_start3A_52 : memref<32x2048xf32, #tpu.memory_space<hbm>>) target_semaphore(%arg6 : memref<!tpu.dma_semaphore, #tpu.memory_space<semaphore_mem>>)
    %add3A_56 = arith.constant 16 : i32
    %add3A_57 = arith.addi %add3A_22, %add3A_56 : i32
    %dma_start3A_58 = arith.constant 0 : i32
    %dma_start3A_59 = arith.constant 488 : i32
    %dma_start3A_60 = tpu.memref_slice %arg5[%dma_start3A_58, %dma_start3A_59] : memref<32x2560xf32, #tpu.memory_space<vmem>> -> memref<32x2048xf32, #tpu.memory_space<vmem>>
    %dma_start3A_61 = arith.constant 0 : i32
    %dma_start3A_62 = arith.constant 0 : i32
    %dma_start3A_63 = tpu.memref_slice %arg3[%add3A_57, %dma_start3A_61, %dma_start3A_62] : memref<2048x32x2048xf32, #tpu.memory_space<hbm>> -> memref<1x32x2048xf32, #tpu.memory_space<hbm>>
    %dma_start3A_64 = tpu.memref_squeeze %dma_start3A_63 : memref<1x32x2048xf32, #tpu.memory_space<hbm>> -> memref<32x2048xf32, #tpu.memory_space<hbm>>
    %dma_start3A_65 = arith.constant 0 : i32
    %dma_start3A_66 = arith.constant 0 : i32
    %dma_start3A_67 = tpu.memref_slice %arg3[%add3A_57, %dma_start3A_65, %dma_start3A_66] : memref<2048x32x2048xf32, #tpu.memory_space<hbm>> -> memref<1x32x2048xf32, #tpu.memory_space<hbm>>
    %dma_start3A_68 = tpu.memref_squeeze %dma_start3A_67 : memref<1x32x2048xf32, #tpu.memory_space<hbm>> -> memref<32x2048xf32, #tpu.memory_space<hbm>>
    %dma_start3A_69 = arith.constant 0 : i32
    %dma_start3A_70 = arith.constant 488 : i32
    %dma_start3A_71 = tpu.memref_slice %arg5[%dma_start3A_69, %dma_start3A_70] : memref<32x2560xf32, #tpu.memory_space<vmem>> -> memref<32x2048xf32, #tpu.memory_space<vmem>>
    tpu.enqueue_dma source(%dma_start3A_71 : memref<32x2048xf32, #tpu.memory_space<vmem>>) target(%dma_start3A_68 : memref<32x2048xf32, #tpu.memory_space<hbm>>) target_semaphore(%arg6 : memref<!tpu.dma_semaphore, #tpu.memory_space<semaphore_mem>>)
    %add3A_72 = arith.constant 24 : i32
    %add3A_73 = arith.addi %add3A_22, %add3A_72 : i32
    %dma_start3A_74 = arith.constant 0 : i32
    %dma_start3A_75 = arith.constant 480 : i32
    %dma_start3A_76 = tpu.memref_slice %arg5[%dma_start3A_74, %dma_start3A_75] : memref<32x2560xf32, #tpu.memory_space<vmem>> -> memref<32x2048xf32, #tpu.memory_space<vmem>>
    %dma_start3A_77 = arith.constant 0 : i32
    %dma_start3A_78 = arith.constant 0 : i32
    %dma_start3A_79 = tpu.memref_slice %arg3[%add3A_73, %dma_start3A_77, %dma_start3A_78] : memref<2048x32x2048xf32, #tpu.memory_space<hbm>> -> memref<1x32x2048xf32, #tpu.memory_space<hbm>>
    %dma_start3A_80 = tpu.memref_squeeze %dma_start3A_79 : memref<1x32x2048xf32, #tpu.memory_space<hbm>> -> memref<32x2048xf32, #tpu.memory_space<hbm>>
    %dma_start3A_81 = arith.constant 0 : i32
    %dma_start3A_82 = arith.constant 0 : i32
    %dma_start3A_83 = tpu.memref_slice %arg3[%add3A_73, %dma_start3A_81, %dma_start3A_82] : memref<2048x32x2048xf32, #tpu.memory_space<hbm>> -> memref<1x32x2048xf32, #tpu.memory_space<hbm>>
    %dma_start3A_84 = tpu.memref_squeeze %dma_start3A_83 : memref<1x32x2048xf32, #tpu.memory_space<hbm>> -> memref<32x2048xf32, #tpu.memory_space<hbm>>
    %dma_start3A_85 = arith.constant 0 : i32
    %dma_start3A_86 = arith.constant 480 : i32
    %dma_start3A_87 = tpu.memref_slice %arg5[%dma_start3A_85, %dma_start3A_86] : memref<32x2560xf32, #tpu.memory_space<vmem>> -> memref<32x2048xf32, #tpu.memory_space<vmem>>
    tpu.enqueue_dma source(%dma_start3A_87 : memref<32x2048xf32, #tpu.memory_space<vmem>>) target(%dma_start3A_84 : memref<32x2048xf32, #tpu.memory_space<hbm>>) target_semaphore(%arg6 : memref<!tpu.dma_semaphore, #tpu.memory_space<semaphore_mem>>)
    %add3A_88 = arith.constant 32 : i32
    %add3A_89 = arith.addi %add3A_22, %add3A_88 : i32
    %dma_start3A_90 = arith.constant 0 : i32
    %dma_start3A_91 = arith.constant 472 : i32
    %dma_start3A_92 = tpu.memref_slice %arg5[%dma_start3A_90, %dma_start3A_91] : memref<32x2560xf32, #tpu.memory_space<vmem>> -> memref<32x2048xf32, #tpu.memory_space<vmem>>
    %dma_start3A_93 = arith.constant 0 : i32
    %dma_start3A_94 = arith.constant 0 : i32
    %dma_start3A_95 = tpu.memref_slice %arg3[%add3A_89, %dma_start3A_93, %dma_start3A_94] : memref<2048x32x2048xf32, #tpu.memory_space<hbm>> -> memref<1x32x2048xf32, #tpu.memory_space<hbm>>
    %dma_start3A_96 = tpu.memref_squeeze %dma_start3A_95 : memref<1x32x2048xf32, #tpu.memory_space<hbm>> -> memref<32x2048xf32, #tpu.memory_space<hbm>>
    %dma_start3A_97 = arith.constant 0 : i32
    %dma_start3A_98 = arith.constant 0 : i32
    %dma_start3A_99 = tpu.memref_slice %arg3[%add3A_89, %dma_start3A_97, %dma_start3A_98] : memref<2048x32x2048xf32, #tpu.memory_space<hbm>> -> memref<1x32x2048xf32, #tpu.memory_space<hbm>>
    %dma_start3A_100 = tpu.memref_squeeze %dma_start3A_99 : memref<1x32x2048xf32, #tpu.memory_space<hbm>> -> memref<32x2048xf32, #tpu.memory_space<hbm>>
    %dma_start3A_101 = arith.constant 0 : i32
    %dma_start3A_102 = arith.constant 472 : i32
    %dma_start3A_103 = tpu.memref_slice %arg5[%dma_start3A_101, %dma_start3A_102] : memref<32x2560xf32, #tpu.memory_space<vmem>> -> memref<32x2048xf32, #tpu.memory_space<vmem>>
    tpu.enqueue_dma source(%dma_start3A_103 : memref<32x2048xf32, #tpu.memory_space<vmem>>) target(%dma_start3A_100 : memref<32x2048xf32, #tpu.memory_space<hbm>>) target_semaphore(%arg6 : memref<!tpu.dma_semaphore, #tpu.memory_space<semaphore_mem>>)
    %add3A_104 = arith.constant 40 : i32
    %add3A_105 = arith.addi %add3A_22, %add3A_104 : i32
    %dma_start3A_106 = arith.constant 0 : i32
    %dma_start3A_107 = arith.constant 464 : i32
    %dma_start3A_108 = tpu.memref_slice %arg5[%dma_start3A_106, %dma_start3A_107] : memref<32x2560xf32, #tpu.memory_space<vmem>> -> memref<32x2048xf32, #tpu.memory_space<vmem>>
    %dma_start3A_109 = arith.constant 0 : i32
    %dma_start3A_110 = arith.constant 0 : i32
    %dma_start3A_111 = tpu.memref_slice %arg3[%add3A_105, %dma_start3A_109, %dma_start3A_110] : memref<2048x32x2048xf32, #tpu.memory_space<hbm>> -> memref<1x32x2048xf32, #tpu.memory_space<hbm>>
    %dma_start3A_112 = tpu.memref_squeeze %dma_start3A_111 : memref<1x32x2048xf32, #tpu.memory_space<hbm>> -> memref<32x2048xf32, #tpu.memory_space<hbm>>
    %dma_start3A_113 = arith.constant 0 : i32
    %dma_start3A_114 = arith.constant 0 : i32
    %dma_start3A_115 = tpu.memref_slice %arg3[%add3A_105, %dma_start3A_113, %dma_start3A_114] : memref<2048x32x2048xf32, #tpu.memory_space<hbm>> -> memref<1x32x2048xf32, #tpu.memory_space<hbm>>
    %dma_start3A_116 = tpu.memref_squeeze %dma_start3A_115 : memref<1x32x2048xf32, #tpu.memory_space<hbm>> -> memref<32x2048xf32, #tpu.memory_space<hbm>>
    %dma_start3A_117 = arith.constant 0 : i32
    %dma_start3A_118 = arith.constant 464 : i32
    %dma_start3A_119 = tpu.memref_slice %arg5[%dma_start3A_117, %dma_start3A_118] : memref<32x2560xf32, #tpu.memory_space<vmem>> -> memref<32x2048xf32, #tpu.memory_space<vmem>>
    tpu.enqueue_dma source(%dma_start3A_119 : memref<32x2048xf32, #tpu.memory_space<vmem>>) target(%dma_start3A_116 : memref<32x2048xf32, #tpu.memory_space<hbm>>) target_semaphore(%arg6 : memref<!tpu.dma_semaphore, #tpu.memory_space<semaphore_mem>>)
    %add3A_120 = arith.constant 48 : i32
    %add3A_121 = arith.addi %add3A_22, %add3A_120 : i32
    %dma_start3A_122 = arith.constant 0 : i32
    %dma_start3A_123 = arith.constant 456 : i32
    %dma_start3A_124 = tpu.memref_slice %arg5[%dma_start3A_122, %dma_start3A_123] : memref<32x2560xf32, #tpu.memory_space<vmem>> -> memref<32x2048xf32, #tpu.memory_space<vmem>>
    %dma_start3A_125 = arith.constant 0 : i32
    %dma_start3A_126 = arith.constant 0 : i32
    %dma_start3A_127 = tpu.memref_slice %arg3[%add3A_121, %dma_start3A_125, %dma_start3A_126] : memref<2048x32x2048xf32, #tpu.memory_space<hbm>> -> memref<1x32x2048xf32, #tpu.memory_space<hbm>>
    %dma_start3A_128 = tpu.memref_squeeze %dma_start3A_127 : memref<1x32x2048xf32, #tpu.memory_space<hbm>> -> memref<32x2048xf32, #tpu.memory_space<hbm>>
    %dma_start3A_129 = arith.constant 0 : i32
    %dma_start3A_130 = arith.constant 0 : i32
    %dma_start3A_131 = tpu.memref_slice %arg3[%add3A_121, %dma_start3A_129, %dma_start3A_130] : memref<2048x32x2048xf32, #tpu.memory_space<hbm>> -> memref<1x32x2048xf32, #tpu.memory_space<hbm>>
    %dma_start3A_132 = tpu.memref_squeeze %dma_start3A_131 : memref<1x32x2048xf32, #tpu.memory_space<hbm>> -> memref<32x2048xf32, #tpu.memory_space<hbm>>
    %dma_start3A_133 = arith.constant 0 : i32
    %dma_start3A_134 = arith.constant 456 : i32
    %dma_start3A_135 = tpu.memref_slice %arg5[%dma_start3A_133, %dma_start3A_134] : memref<32x2560xf32, #tpu.memory_space<vmem>> -> memref<32x2048xf32, #tpu.memory_space<vmem>>
    tpu.enqueue_dma source(%dma_start3A_135 : memref<32x2048xf32, #tpu.memory_space<vmem>>) target(%dma_start3A_132 : memref<32x2048xf32, #tpu.memory_space<hbm>>) target_semaphore(%arg6 : memref<!tpu.dma_semaphore, #tpu.memory_space<semaphore_mem>>)
    %add3A_136 = arith.constant 56 : i32
    %add3A_137 = arith.addi %add3A_22, %add3A_136 : i32
    %dma_start3A_138 = arith.constant 0 : i32
    %dma_start3A_139 = arith.constant 448 : i32
    %dma_start3A_140 = tpu.memref_slice %arg5[%dma_start3A_138, %dma_start3A_139] : memref<32x2560xf32, #tpu.memory_space<vmem>> -> memref<32x2048xf32, #tpu.memory_space<vmem>>
    %dma_start3A_141 = arith.constant 0 : i32
    %dma_start3A_142 = arith.constant 0 : i32
    %dma_start3A_143 = tpu.memref_slice %arg3[%add3A_137, %dma_start3A_141, %dma_start3A_142] : memref<2048x32x2048xf32, #tpu.memory_space<hbm>> -> memref<1x32x2048xf32, #tpu.memory_space<hbm>>
    %dma_start3A_144 = tpu.memref_squeeze %dma_start3A_143 : memref<1x32x2048xf32, #tpu.memory_space<hbm>> -> memref<32x2048xf32, #tpu.memory_space<hbm>>
    %dma_start3A_145 = arith.constant 0 : i32
    %dma_start3A_146 = arith.constant 0 : i32
    %dma_start3A_147 = tpu.memref_slice %arg3[%add3A_137, %dma_start3A_145, %dma_start3A_146] : memref<2048x32x2048xf32, #tpu.memory_space<hbm>> -> memref<1x32x2048xf32, #tpu.memory_space<hbm>>
    %dma_start3A_148 = tpu.memref_squeeze %dma_start3A_147 : memref<1x32x2048xf32, #tpu.memory_space<hbm>> -> memref<32x2048xf32, #tpu.memory_space<hbm>>
    %dma_start3A_149 = arith.constant 0 : i32
    %dma_start3A_150 = arith.constant 448 : i32
    %dma_start3A_151 = tpu.memref_slice %arg5[%dma_start3A_149, %dma_start3A_150] : memref<32x2560xf32, #tpu.memory_space<vmem>> -> memref<32x2048xf32, #tpu.memory_space<vmem>>
    tpu.enqueue_dma source(%dma_start3A_151 : memref<32x2048xf32, #tpu.memory_space<vmem>>) target(%dma_start3A_148 : memref<32x2048xf32, #tpu.memory_space<hbm>>) target_semaphore(%arg6 : memref<!tpu.dma_semaphore, #tpu.memory_space<semaphore_mem>>)
    %add3A_152 = arith.constant 64 : i32
    %add3A_153 = arith.addi %add3A_22, %add3A_152 : i32
    %dma_start3A_154 = arith.constant 0 : i32
    %dma_start3A_155 = arith.constant 440 : i32
    %dma_start3A_156 = tpu.memref_slice %arg5[%dma_start3A_154, %dma_start3A_155] : memref<32x2560xf32, #tpu.memory_space<vmem>> -> memref<32x2048xf32, #tpu.memory_space<vmem>>
    %dma_start3A_157 = arith.constant 0 : i32
    %dma_start3A_158 = arith.constant 0 : i32
    %dma_start3A_159 = tpu.memref_slice %arg3[%add3A_153, %dma_start3A_157, %dma_start3A_158] : memref<2048x32x2048xf32, #tpu.memory_space<hbm>> -> memref<1x32x2048xf32, #tpu.memory_space<hbm>>
    %dma_start3A_160 = tpu.memref_squeeze %dma_start3A_159 : memref<1x32x2048xf32, #tpu.memory_space<hbm>> -> memref<32x2048xf32, #tpu.memory_space<hbm>>
    %dma_start3A_161 = arith.constant 0 : i32
    %dma_start3A_162 = arith.constant 0 : i32
    %dma_start3A_163 = tpu.memref_slice %arg3[%add3A_153, %dma_start3A_161, %dma_start3A_162] : memref<2048x32x2048xf32, #tpu.memory_space<hbm>> -> memref<1x32x2048xf32, #tpu.memory_space<hbm>>
    %dma_start3A_164 = tpu.memref_squeeze %dma_start3A_163 : memref<1x32x2048xf32, #tpu.memory_space<hbm>> -> memref<32x2048xf32, #tpu.memory_space<hbm>>
    %dma_start3A_165 = arith.constant 0 : i32
    %dma_start3A_166 = arith.constant 440 : i32
    %dma_start3A_167 = tpu.memref_slice %arg5[%dma_start3A_165, %dma_start3A_166] : memref<32x2560xf32, #tpu.memory_space<vmem>> -> memref<32x2048xf32, #tpu.memory_space<vmem>>
    tpu.enqueue_dma source(%dma_start3A_167 : memref<32x2048xf32, #tpu.memory_space<vmem>>) target(%dma_start3A_164 : memref<32x2048xf32, #tpu.memory_space<hbm>>) target_semaphore(%arg6 : memref<!tpu.dma_semaphore, #tpu.memory_space<semaphore_mem>>)
    %dma_wait3A = arith.constant 0 : i32
    %dma_wait3A_168 = arith.constant 504 : i32
    %dma_wait3A_169 = tpu.memref_slice %arg5[%dma_wait3A, %dma_wait3A_168] : memref<32x2560xf32, #tpu.memory_space<vmem>> -> memref<32x2048xf32, #tpu.memory_space<vmem>>
    %dma_wait3A_170 = arith.constant 0 : i32
    %dma_wait3A_171 = arith.constant 0 : i32
    %dma_wait3A_172 = tpu.memref_slice %arg3[%add3A_26, %dma_wait3A_170, %dma_wait3A_171] : memref<2048x32x2048xf32, #tpu.memory_space<hbm>> -> memref<1x32x2048xf32, #tpu.memory_space<hbm>>
    %dma_wait3A_173 = tpu.memref_squeeze %dma_wait3A_172 : memref<1x32x2048xf32, #tpu.memory_space<hbm>> -> memref<32x2048xf32, #tpu.memory_space<hbm>>
    %dma_wait3A_174 = arith.constant 0 : i32
    %dma_wait3A_175 = arith.constant 0 : i32
    %dma_wait3A_176 = tpu.memref_slice %arg3[%add3A_26, %dma_wait3A_174, %dma_wait3A_175] : memref<2048x32x2048xf32, #tpu.memory_space<hbm>> -> memref<1x32x2048xf32, #tpu.memory_space<hbm>>
    %dma_wait3A_177 = tpu.memref_squeeze %dma_wait3A_176 : memref<1x32x2048xf32, #tpu.memory_space<hbm>> -> memref<32x2048xf32, #tpu.memory_space<hbm>>
    %dma_wait3A_178 = arith.constant 0 : i32
    %dma_wait3A_179 = arith.constant 504 : i32
    %dma_wait3A_180 = tpu.memref_slice %arg5[%dma_wait3A_178, %dma_wait3A_179] : memref<32x2560xf32, #tpu.memory_space<vmem>> -> memref<32x2048xf32, #tpu.memory_space<vmem>>
    tpu.wait_dma2 semaphore(%arg6 : memref<!tpu.dma_semaphore, #tpu.memory_space<semaphore_mem>>) src(%dma_wait3A_180 : memref<32x2048xf32, #tpu.memory_space<vmem>>) dst(%dma_wait3A_177 : memref<32x2048xf32, #tpu.memory_space<hbm>>)
    %add3A_181 = arith.constant 72 : i32
    %add3A_182 = arith.addi %add3A_22, %add3A_181 : i32
    %dma_start3A_183 = arith.constant 0 : i32
    %dma_start3A_184 = arith.constant 432 : i32
    %dma_start3A_185 = tpu.memref_slice %arg5[%dma_start3A_183, %dma_start3A_184] : memref<32x2560xf32, #tpu.memory_space<vmem>> -> memref<32x2048xf32, #tpu.memory_space<vmem>>
    %dma_start3A_186 = arith.constant 0 : i32
    %dma_start3A_187 = arith.constant 0 : i32
    %dma_start3A_188 = tpu.memref_slice %arg3[%add3A_182, %dma_start3A_186, %dma_start3A_187] : memref<2048x32x2048xf32, #tpu.memory_space<hbm>> -> memref<1x32x2048xf32, #tpu.memory_space<hbm>>
    %dma_start3A_189 = tpu.memref_squeeze %dma_start3A_188 : memref<1x32x2048xf32, #tpu.memory_space<hbm>> -> memref<32x2048xf32, #tpu.memory_space<hbm>>
    %dma_start3A_190 = arith.constant 0 : i32
    %dma_start3A_191 = arith.constant 0 : i32
    %dma_start3A_192 = tpu.memref_slice %arg3[%add3A_182, %dma_start3A_190, %dma_start3A_191] : memref<2048x32x2048xf32, #tpu.memory_space<hbm>> -> memref<1x32x2048xf32, #tpu.memory_space<hbm>>
    %dma_start3A_193 = tpu.memref_squeeze %dma_start3A_192 : memref<1x32x2048xf32, #tpu.memory_space<hbm>> -> memref<32x2048xf32, #tpu.memory_space<hbm>>
    %dma_start3A_194 = arith.constant 0 : i32
    %dma_start3A_195 = arith.constant 432 : i32
    %dma_start3A_196 = tpu.memref_slice %arg5[%dma_start3A_194, %dma_start3A_195] : memref<32x2560xf32, #tpu.memory_space<vmem>> -> memref<32x2048xf32, #tpu.memory_space<vmem>>
    tpu.enqueue_dma source(%dma_start3A_196 : memref<32x2048xf32, #tpu.memory_space<vmem>>) target(%dma_start3A_193 : memref<32x2048xf32, #tpu.memory_space<hbm>>) target_semaphore(%arg6 : memref<!tpu.dma_semaphore, #tpu.memory_space<semaphore_mem>>)
    %dma_wait3A_197 = arith.constant 0 : i32
    %dma_wait3A_198 = arith.constant 496 : i32
    %dma_wait3A_199 = tpu.memref_slice %arg5[%dma_wait3A_197, %dma_wait3A_198] : memref<32x2560xf32, #tpu.memory_space<vmem>> -> memref<32x2048xf32, #tpu.memory_space<vmem>>
    %dma_wait3A_200 = arith.constant 0 : i32
    %dma_wait3A_201 = arith.constant 0 : i32
    %dma_wait3A_202 = tpu.memref_slice %arg3[%add3A_41, %dma_wait3A_200, %dma_wait3A_201] : memref<2048x32x2048xf32, #tpu.memory_space<hbm>> -> memref<1x32x2048xf32, #tpu.memory_space<hbm>>
    %dma_wait3A_203 = tpu.memref_squeeze %dma_wait3A_202 : memref<1x32x2048xf32, #tpu.memory_space<hbm>> -> memref<32x2048xf32, #tpu.memory_space<hbm>>
    %dma_wait3A_204 = arith.constant 0 : i32
    %dma_wait3A_205 = arith.constant 0 : i32
    %dma_wait3A_206 = tpu.memref_slice %arg3[%add3A_41, %dma_wait3A_204, %dma_wait3A_205] : memref<2048x32x2048xf32, #tpu.memory_space<hbm>> -> memref<1x32x2048xf32, #tpu.memory_space<hbm>>
    %dma_wait3A_207 = tpu.memref_squeeze %dma_wait3A_206 : memref<1x32x2048xf32, #tpu.memory_space<hbm>> -> memref<32x2048xf32, #tpu.memory_space<hbm>>
    %dma_wait3A_208 = arith.constant 0 : i32
    %dma_wait3A_209 = arith.constant 496 : i32
    %dma_wait3A_210 = tpu.memref_slice %arg5[%dma_wait3A_208, %dma_wait3A_209] : memref<32x2560xf32, #tpu.memory_space<vmem>> -> memref<32x2048xf32, #tpu.memory_space<vmem>>
    tpu.wait_dma2 semaphore(%arg6 : memref<!tpu.dma_semaphore, #tpu.memory_space<semaphore_mem>>) src(%dma_wait3A_210 : memref<32x2048xf32, #tpu.memory_space<vmem>>) dst(%dma_wait3A_207 : memref<32x2048xf32, #tpu.memory_space<hbm>>)
    %add3A_211 = arith.constant 80 : i32
    %add3A_212 = arith.addi %add3A_22, %add3A_211 : i32
    %dma_start3A_213 = arith.constant 0 : i32
    %dma_start3A_214 = arith.constant 424 : i32
    %dma_start3A_215 = tpu.memref_slice %arg5[%dma_start3A_213, %dma_start3A_214] : memref<32x2560xf32, #tpu.memory_space<vmem>> -> memref<32x2048xf32, #tpu.memory_space<vmem>>
    %dma_start3A_216 = arith.constant 0 : i32
    %dma_start3A_217 = arith.constant 0 : i32
    %dma_start3A_218 = tpu.memref_slice %arg3[%add3A_212, %dma_start3A_216, %dma_start3A_217] : memref<2048x32x2048xf32, #tpu.memory_space<hbm>> -> memref<1x32x2048xf32, #tpu.memory_space<hbm>>
    %dma_start3A_219 = tpu.memref_squeeze %dma_start3A_218 : memref<1x32x2048xf32, #tpu.memory_space<hbm>> -> memref<32x2048xf32, #tpu.memory_space<hbm>>
    %dma_start3A_220 = arith.constant 0 : i32
    %dma_start3A_221 = arith.constant 0 : i32
    %dma_start3A_222 = tpu.memref_slice %arg3[%add3A_212, %dma_start3A_220, %dma_start3A_221] : memref<2048x32x2048xf32, #tpu.memory_space<hbm>> -> memref<1x32x2048xf32, #tpu.memory_space<hbm>>
    %dma_start3A_223 = tpu.memref_squeeze %dma_start3A_222 : memref<1x32x2048xf32, #tpu.memory_space<hbm>> -> memref<32x2048xf32, #tpu.memory_space<hbm>>
    %dma_start3A_224 = arith.constant 0 : i32
    %dma_start3A_225 = arith.constant 424 : i32
    %dma_start3A_226 = tpu.memref_slice %arg5[%dma_start3A_224, %dma_start3A_225] : memref<32x2560xf32, #tpu.memory_space<vmem>> -> memref<32x2048xf32, #tpu.memory_space<vmem>>
    tpu.enqueue_dma source(%dma_start3A_226 : memref<32x2048xf32, #tpu.memory_space<vmem>>) target(%dma_start3A_223 : memref<32x2048xf32, #tpu.memory_space<hbm>>) target_semaphore(%arg6 : memref<!tpu.dma_semaphore, #tpu.memory_space<semaphore_mem>>)
    %dma_wait3A_227 = arith.constant 0 : i32
    %dma_wait3A_228 = arith.constant 488 : i32
    %dma_wait3A_229 = tpu.memref_slice %arg5[%dma_wait3A_227, %dma_wait3A_228] : memref<32x2560xf32, #tpu.memory_space<vmem>> -> memref<32x2048xf32, #tpu.memory_space<vmem>>
    %dma_wait3A_230 = arith.constant 0 : i32
    %dma_wait3A_231 = arith.constant 0 : i32
    %dma_wait3A_232 = tpu.memref_slice %arg3[%add3A_57, %dma_wait3A_230, %dma_wait3A_231] : memref<2048x32x2048xf32, #tpu.memory_space<hbm>> -> memref<1x32x2048xf32, #tpu.memory_space<hbm>>
    %dma_wait3A_233 = tpu.memref_squeeze %dma_wait3A_232 : memref<1x32x2048xf32, #tpu.memory_space<hbm>> -> memref<32x2048xf32, #tpu.memory_space<hbm>>
    %dma_wait3A_234 = arith.constant 0 : i32
    %dma_wait3A_235 = arith.constant 0 : i32
    %dma_wait3A_236 = tpu.memref_slice %arg3[%add3A_57, %dma_wait3A_234, %dma_wait3A_235] : memref<2048x32x2048xf32, #tpu.memory_space<hbm>> -> memref<1x32x2048xf32, #tpu.memory_space<hbm>>
    %dma_wait3A_237 = tpu.memref_squeeze %dma_wait3A_236 : memref<1x32x2048xf32, #tpu.memory_space<hbm>> -> memref<32x2048xf32, #tpu.memory_space<hbm>>
    %dma_wait3A_238 = arith.constant 0 : i32
    %dma_wait3A_239 = arith.constant 488 : i32
    %dma_wait3A_240 = tpu.memref_slice %arg5[%dma_wait3A_238, %dma_wait3A_239] : memref<32x2560xf32, #tpu.memory_space<vmem>> -> memref<32x2048xf32, #tpu.memory_space<vmem>>
    tpu.wait_dma2 semaphore(%arg6 : memref<!tpu.dma_semaphore, #tpu.memory_space<semaphore_mem>>) src(%dma_wait3A_240 : memref<32x2048xf32, #tpu.memory_space<vmem>>) dst(%dma_wait3A_237 : memref<32x2048xf32, #tpu.memory_space<hbm>>)
    %add3A_241 = arith.constant 88 : i32
    %add3A_242 = arith.addi %add3A_22, %add3A_241 : i32
    %dma_start3A_243 = arith.constant 0 : i32
    %dma_start3A_244 = arith.constant 416 : i32
    %dma_start3A_245 = tpu.memref_slice %arg5[%dma_start3A_243, %dma_start3A_244] : memref<32x2560xf32, #tpu.memory_space<vmem>> -> memref<32x2048xf32, #tpu.memory_space<vmem>>
    %dma_start3A_246 = arith.constant 0 : i32
    %dma_start3A_247 = arith.constant 0 : i32
    %dma_start3A_248 = tpu.memref_slice %arg3[%add3A_242, %dma_start3A_246, %dma_start3A_247] : memref<2048x32x2048xf32, #tpu.memory_space<hbm>> -> memref<1x32x2048xf32, #tpu.memory_space<hbm>>
    %dma_start3A_249 = tpu.memref_squeeze %dma_start3A_248 : memref<1x32x2048xf32, #tpu.memory_space<hbm>> -> memref<32x2048xf32, #tpu.memory_space<hbm>>
    %dma_start3A_250 = arith.constant 0 : i32
    %dma_start3A_251 = arith.constant 0 : i32
    %dma_start3A_252 = tpu.memref_slice %arg3[%add3A_242, %dma_start3A_250, %dma_start3A_251] : memref<2048x32x2048xf32, #tpu.memory_space<hbm>> -> memref<1x32x2048xf32, #tpu.memory_space<hbm>>
    %dma_start3A_253 = tpu.memref_squeeze %dma_start3A_252 : memref<1x32x2048xf32, #tpu.memory_space<hbm>> -> memref<32x2048xf32, #tpu.memory_space<hbm>>
    %dma_start3A_254 = arith.constant 0 : i32
    %dma_start3A_255 = arith.constant 416 : i32
    %dma_start3A_256 = tpu.memref_slice %arg5[%dma_start3A_254, %dma_start3A_255] : memref<32x2560xf32, #tpu.memory_space<vmem>> -> memref<32x2048xf32, #tpu.memory_space<vmem>>
    tpu.enqueue_dma source(%dma_start3A_256 : memref<32x2048xf32, #tpu.memory_space<vmem>>) target(%dma_start3A_253 : memref<32x2048xf32, #tpu.memory_space<hbm>>) target_semaphore(%arg6 : memref<!tpu.dma_semaphore, #tpu.memory_space<semaphore_mem>>)
    %dma_wait3A_257 = arith.constant 0 : i32
    %dma_wait3A_258 = arith.constant 480 : i32
    %dma_wait3A_259 = tpu.memref_slice %arg5[%dma_wait3A_257, %dma_wait3A_258] : memref<32x2560xf32, #tpu.memory_space<vmem>> -> memref<32x2048xf32, #tpu.memory_space<vmem>>
    %dma_wait3A_260 = arith.constant 0 : i32
    %dma_wait3A_261 = arith.constant 0 : i32
    %dma_wait3A_262 = tpu.memref_slice %arg3[%add3A_73, %dma_wait3A_260, %dma_wait3A_261] : memref<2048x32x2048xf32, #tpu.memory_space<hbm>> -> memref<1x32x2048xf32, #tpu.memory_space<hbm>>
    %dma_wait3A_263 = tpu.memref_squeeze %dma_wait3A_262 : memref<1x32x2048xf32, #tpu.memory_space<hbm>> -> memref<32x2048xf32, #tpu.memory_space<hbm>>
    %dma_wait3A_264 = arith.constant 0 : i32
    %dma_wait3A_265 = arith.constant 0 : i32
    %dma_wait3A_266 = tpu.memref_slice %arg3[%add3A_73, %dma_wait3A_264, %dma_wait3A_265] : memref<2048x32x2048xf32, #tpu.memory_space<hbm>> -> memref<1x32x2048xf32, #tpu.memory_space<hbm>>
    %dma_wait3A_267 = tpu.memref_squeeze %dma_wait3A_266 : memref<1x32x2048xf32, #tpu.memory_space<hbm>> -> memref<32x2048xf32, #tpu.memory_space<hbm>>
    %dma_wait3A_268 = arith.constant 0 : i32
    %dma_wait3A_269 = arith.constant 480 : i32
    %dma_wait3A_270 = tpu.memref_slice %arg5[%dma_wait3A_268, %dma_wait3A_269] : memref<32x2560xf32, #tpu.memory_space<vmem>> -> memref<32x2048xf32, #tpu.memory_space<vmem>>
    tpu.wait_dma2 semaphore(%arg6 : memref<!tpu.dma_semaphore, #tpu.memory_space<semaphore_mem>>) src(%dma_wait3A_270 : memref<32x2048xf32, #tpu.memory_space<vmem>>) dst(%dma_wait3A_267 : memref<32x2048xf32, #tpu.memory_space<hbm>>)
    %add3A_271 = arith.constant 96 : i32
    %add3A_272 = arith.addi %add3A_22, %add3A_271 : i32
    %dma_start3A_273 = arith.constant 0 : i32
    %dma_start3A_274 = arith.constant 408 : i32
    %dma_start3A_275 = tpu.memref_slice %arg5[%dma_start3A_273, %dma_start3A_274] : memref<32x2560xf32, #tpu.memory_space<vmem>> -> memref<32x2048xf32, #tpu.memory_space<vmem>>
    %dma_start3A_276 = arith.constant 0 : i32
    %dma_start3A_277 = arith.constant 0 : i32
    %dma_start3A_278 = tpu.memref_slice %arg3[%add3A_272, %dma_start3A_276, %dma_start3A_277] : memref<2048x32x2048xf32, #tpu.memory_space<hbm>> -> memref<1x32x2048xf32, #tpu.memory_space<hbm>>
    %dma_start3A_279 = tpu.memref_squeeze %dma_start3A_278 : memref<1x32x2048xf32, #tpu.memory_space<hbm>> -> memref<32x2048xf32, #tpu.memory_space<hbm>>
    %dma_start3A_280 = arith.constant 0 : i32
    %dma_start3A_281 = arith.constant 0 : i32
    %dma_start3A_282 = tpu.memref_slice %arg3[%add3A_272, %dma_start3A_280, %dma_start3A_281] : memref<2048x32x2048xf32, #tpu.memory_space<hbm>> -> memref<1x32x2048xf32, #tpu.memory_space<hbm>>
    %dma_start3A_283 = tpu.memref_squeeze %dma_start3A_282 : memref<1x32x2048xf32, #tpu.memory_space<hbm>> -> memref<32x2048xf32, #tpu.memory_space<hbm>>
    %dma_start3A_284 = arith.constant 0 : i32
    %dma_start3A_285 = arith.constant 408 : i32
    %dma_start3A_286 = tpu.memref_slice %arg5[%dma_start3A_284, %dma_start3A_285] : memref<32x2560xf32, #tpu.memory_space<vmem>> -> memref<32x2048xf32, #tpu.memory_space<vmem>>
    tpu.enqueue_dma source(%dma_start3A_286 : memref<32x2048xf32, #tpu.memory_space<vmem>>) target(%dma_start3A_283 : memref<32x2048xf32, #tpu.memory_space<hbm>>) target_semaphore(%arg6 : memref<!tpu.dma_semaphore, #tpu.memory_space<semaphore_mem>>)
    %dma_wait3A_287 = arith.constant 0 : i32
    %dma_wait3A_288 = arith.constant 472 : i32
    %dma_wait3A_289 = tpu.memref_slice %arg5[%dma_wait3A_287, %dma_wait3A_288] : memref<32x2560xf32, #tpu.memory_space<vmem>> -> memref<32x2048xf32, #tpu.memory_space<vmem>>
    %dma_wait3A_290 = arith.constant 0 : i32
    %dma_wait3A_291 = arith.constant 0 : i32
    %dma_wait3A_292 = tpu.memref_slice %arg3[%add3A_89, %dma_wait3A_290, %dma_wait3A_291] : memref<2048x32x2048xf32, #tpu.memory_space<hbm>> -> memref<1x32x2048xf32, #tpu.memory_space<hbm>>
    %dma_wait3A_293 = tpu.memref_squeeze %dma_wait3A_292 : memref<1x32x2048xf32, #tpu.memory_space<hbm>> -> memref<32x2048xf32, #tpu.memory_space<hbm>>
    %dma_wait3A_294 = arith.constant 0 : i32
    %dma_wait3A_295 = arith.constant 0 : i32
    %dma_wait3A_296 = tpu.memref_slice %arg3[%add3A_89, %dma_wait3A_294, %dma_wait3A_295] : memref<2048x32x2048xf32, #tpu.memory_space<hbm>> -> memref<1x32x2048xf32, #tpu.memory_space<hbm>>
    %dma_wait3A_297 = tpu.memref_squeeze %dma_wait3A_296 : memref<1x32x2048xf32, #tpu.memory_space<hbm>> -> memref<32x2048xf32, #tpu.memory_space<hbm>>
    %dma_wait3A_298 = arith.constant 0 : i32
    %dma_wait3A_299 = arith.constant 472 : i32
    %dma_wait3A_300 = tpu.memref_slice %arg5[%dma_wait3A_298, %dma_wait3A_299] : memref<32x2560xf32, #tpu.memory_space<vmem>> -> memref<32x2048xf32, #tpu.memory_space<vmem>>
    tpu.wait_dma2 semaphore(%arg6 : memref<!tpu.dma_semaphore, #tpu.memory_space<semaphore_mem>>) src(%dma_wait3A_300 : memref<32x2048xf32, #tpu.memory_space<vmem>>) dst(%dma_wait3A_297 : memref<32x2048xf32, #tpu.memory_space<hbm>>)
    %add3A_301 = arith.constant 104 : i32
    %add3A_302 = arith.addi %add3A_22, %add3A_301 : i32
    %dma_start3A_303 = arith.constant 0 : i32
    %dma_start3A_304 = arith.constant 400 : i32
    %dma_start3A_305 = tpu.memref_slice %arg5[%dma_start3A_303, %dma_start3A_304] : memref<32x2560xf32, #tpu.memory_space<vmem>> -> memref<32x2048xf32, #tpu.memory_space<vmem>>
    %dma_start3A_306 = arith.constant 0 : i32
    %dma_start3A_307 = arith.constant 0 : i32
    %dma_start3A_308 = tpu.memref_slice %arg3[%add3A_302, %dma_start3A_306, %dma_start3A_307] : memref<2048x32x2048xf32, #tpu.memory_space<hbm>> -> memref<1x32x2048xf32, #tpu.memory_space<hbm>>
    %dma_start3A_309 = tpu.memref_squeeze %dma_start3A_308 : memref<1x32x2048xf32, #tpu.memory_space<hbm>> -> memref<32x2048xf32, #tpu.memory_space<hbm>>
    %dma_start3A_310 = arith.constant 0 : i32
    %dma_start3A_311 = arith.constant 0 : i32
    %dma_start3A_312 = tpu.memref_slice %arg3[%add3A_302, %dma_start3A_310, %dma_start3A_311] : memref<2048x32x2048xf32, #tpu.memory_space<hbm>> -> memref<1x32x2048xf32, #tpu.memory_space<hbm>>
    %dma_start3A_313 = tpu.memref_squeeze %dma_start3A_312 : memref<1x32x2048xf32, #tpu.memory_space<hbm>> -> memref<32x2048xf32, #tpu.memory_space<hbm>>
    %dma_start3A_314 = arith.constant 0 : i32
    %dma_start3A_315 = arith.constant 400 : i32
    %dma_start3A_316 = tpu.memref_slice %arg5[%dma_start3A_314, %dma_start3A_315] : memref<32x2560xf32, #tpu.memory_space<vmem>> -> memref<32x2048xf32, #tpu.memory_space<vmem>>
    tpu.enqueue_dma source(%dma_start3A_316 : memref<32x2048xf32, #tpu.memory_space<vmem>>) target(%dma_start3A_313 : memref<32x2048xf32, #tpu.memory_space<hbm>>) target_semaphore(%arg6 : memref<!tpu.dma_semaphore, #tpu.memory_space<semaphore_mem>>)
    %dma_wait3A_317 = arith.constant 0 : i32
    %dma_wait3A_318 = arith.constant 464 : i32
    %dma_wait3A_319 = tpu.memref_slice %arg5[%dma_wait3A_317, %dma_wait3A_318] : memref<32x2560xf32, #tpu.memory_space<vmem>> -> memref<32x2048xf32, #tpu.memory_space<vmem>>
    %dma_wait3A_320 = arith.constant 0 : i32
    %dma_wait3A_321 = arith.constant 0 : i32
    %dma_wait3A_322 = tpu.memref_slice %arg3[%add3A_105, %dma_wait3A_320, %dma_wait3A_321] : memref<2048x32x2048xf32, #tpu.memory_space<hbm>> -> memref<1x32x2048xf32, #tpu.memory_space<hbm>>
    %dma_wait3A_323 = tpu.memref_squeeze %dma_wait3A_322 : memref<1x32x2048xf32, #tpu.memory_space<hbm>> -> memref<32x2048xf32, #tpu.memory_space<hbm>>
    %dma_wait3A_324 = arith.constant 0 : i32
    %dma_wait3A_325 = arith.constant 0 : i32
    %dma_wait3A_326 = tpu.memref_slice %arg3[%add3A_105, %dma_wait3A_324, %dma_wait3A_325] : memref<2048x32x2048xf32, #tpu.memory_space<hbm>> -> memref<1x32x2048xf32, #tpu.memory_space<hbm>>
    %dma_wait3A_327 = tpu.memref_squeeze %dma_wait3A_326 : memref<1x32x2048xf32, #tpu.memory_space<hbm>> -> memref<32x2048xf32, #tpu.memory_space<hbm>>
    %dma_wait3A_328 = arith.constant 0 : i32
    %dma_wait3A_329 = arith.constant 464 : i32
    %dma_wait3A_330 = tpu.memref_slice %arg5[%dma_wait3A_328, %dma_wait3A_329] : memref<32x2560xf32, #tpu.memory_space<vmem>> -> memref<32x2048xf32, #tpu.memory_space<vmem>>
    tpu.wait_dma2 semaphore(%arg6 : memref<!tpu.dma_semaphore, #tpu.memory_space<semaphore_mem>>) src(%dma_wait3A_330 : memref<32x2048xf32, #tpu.memory_space<vmem>>) dst(%dma_wait3A_327 : memref<32x2048xf32, #tpu.memory_space<hbm>>)
    %add3A_331 = arith.constant 112 : i32
    %add3A_332 = arith.addi %add3A_22, %add3A_331 : i32
    %dma_start3A_333 = arith.constant 0 : i32
    %dma_start3A_334 = arith.constant 392 : i32
    %dma_start3A_335 = tpu.memref_slice %arg5[%dma_start3A_333, %dma_start3A_334] : memref<32x2560xf32, #tpu.memory_space<vmem>> -> memref<32x2048xf32, #tpu.memory_space<vmem>>
    %dma_start3A_336 = arith.constant 0 : i32
    %dma_start3A_337 = arith.constant 0 : i32
    %dma_start3A_338 = tpu.memref_slice %arg3[%add3A_332, %dma_start3A_336, %dma_start3A_337] : memref<2048x32x2048xf32, #tpu.memory_space<hbm>> -> memref<1x32x2048xf32, #tpu.memory_space<hbm>>
    %dma_start3A_339 = tpu.memref_squeeze %dma_start3A_338 : memref<1x32x2048xf32, #tpu.memory_space<hbm>> -> memref<32x2048xf32, #tpu.memory_space<hbm>>
    %dma_start3A_340 = arith.constant 0 : i32
    %dma_start3A_341 = arith.constant 0 : i32
    %dma_start3A_342 = tpu.memref_slice %arg3[%add3A_332, %dma_start3A_340, %dma_start3A_341] : memref<2048x32x2048xf32, #tpu.memory_space<hbm>> -> memref<1x32x2048xf32, #tpu.memory_space<hbm>>
    %dma_start3A_343 = tpu.memref_squeeze %dma_start3A_342 : memref<1x32x2048xf32, #tpu.memory_space<hbm>> -> memref<32x2048xf32, #tpu.memory_space<hbm>>
    %dma_start3A_344 = arith.constant 0 : i32
    %dma_start3A_345 = arith.constant 392 : i32
    %dma_start3A_346 = tpu.memref_slice %arg5[%dma_start3A_344, %dma_start3A_345] : memref<32x2560xf32, #tpu.memory_space<vmem>> -> memref<32x2048xf32, #tpu.memory_space<vmem>>
    tpu.enqueue_dma source(%dma_start3A_346 : memref<32x2048xf32, #tpu.memory_space<vmem>>) target(%dma_start3A_343 : memref<32x2048xf32, #tpu.memory_space<hbm>>) target_semaphore(%arg6 : memref<!tpu.dma_semaphore, #tpu.memory_space<semaphore_mem>>)
    %dma_wait3A_347 = arith.constant 0 : i32
    %dma_wait3A_348 = arith.constant 456 : i32
    %dma_wait3A_349 = tpu.memref_slice %arg5[%dma_wait3A_347, %dma_wait3A_348] : memref<32x2560xf32, #tpu.memory_space<vmem>> -> memref<32x2048xf32, #tpu.memory_space<vmem>>
    %dma_wait3A_350 = arith.constant 0 : i32
    %dma_wait3A_351 = arith.constant 0 : i32
    %dma_wait3A_352 = tpu.memref_slice %arg3[%add3A_121, %dma_wait3A_350, %dma_wait3A_351] : memref<2048x32x2048xf32, #tpu.memory_space<hbm>> -> memref<1x32x2048xf32, #tpu.memory_space<hbm>>
    %dma_wait3A_353 = tpu.memref_squeeze %dma_wait3A_352 : memref<1x32x2048xf32, #tpu.memory_space<hbm>> -> memref<32x2048xf32, #tpu.memory_space<hbm>>
    %dma_wait3A_354 = arith.constant 0 : i32
    %dma_wait3A_355 = arith.constant 0 : i32
    %dma_wait3A_356 = tpu.memref_slice %arg3[%add3A_121, %dma_wait3A_354, %dma_wait3A_355] : memref<2048x32x2048xf32, #tpu.memory_space<hbm>> -> memref<1x32x2048xf32, #tpu.memory_space<hbm>>
    %dma_wait3A_357 = tpu.memref_squeeze %dma_wait3A_356 : memref<1x32x2048xf32, #tpu.memory_space<hbm>> -> memref<32x2048xf32, #tpu.memory_space<hbm>>
    %dma_wait3A_358 = arith.constant 0 : i32
    %dma_wait3A_359 = arith.constant 456 : i32
    %dma_wait3A_360 = tpu.memref_slice %arg5[%dma_wait3A_358, %dma_wait3A_359] : memref<32x2560xf32, #tpu.memory_space<vmem>> -> memref<32x2048xf32, #tpu.memory_space<vmem>>
    tpu.wait_dma2 semaphore(%arg6 : memref<!tpu.dma_semaphore, #tpu.memory_space<semaphore_mem>>) src(%dma_wait3A_360 : memref<32x2048xf32, #tpu.memory_space<vmem>>) dst(%dma_wait3A_357 : memref<32x2048xf32, #tpu.memory_space<hbm>>)
    %add3A_361 = arith.constant 120 : i32
    %add3A_362 = arith.addi %add3A_22, %add3A_361 : i32
    %dma_start3A_363 = arith.constant 0 : i32
    %dma_start3A_364 = arith.constant 384 : i32
    %dma_start3A_365 = tpu.memref_slice %arg5[%dma_start3A_363, %dma_start3A_364] : memref<32x2560xf32, #tpu.memory_space<vmem>> -> memref<32x2048xf32, #tpu.memory_space<vmem>>
    %dma_start3A_366 = arith.constant 0 : i32
    %dma_start3A_367 = arith.constant 0 : i32
    %dma_start3A_368 = tpu.memref_slice %arg3[%add3A_362, %dma_start3A_366, %dma_start3A_367] : memref<2048x32x2048xf32, #tpu.memory_space<hbm>> -> memref<1x32x2048xf32, #tpu.memory_space<hbm>>
    %dma_start3A_369 = tpu.memref_squeeze %dma_start3A_368 : memref<1x32x2048xf32, #tpu.memory_space<hbm>> -> memref<32x2048xf32, #tpu.memory_space<hbm>>
    %dma_start3A_370 = arith.constant 0 : i32
    %dma_start3A_371 = arith.constant 0 : i32
    %dma_start3A_372 = tpu.memref_slice %arg3[%add3A_362, %dma_start3A_370, %dma_start3A_371] : memref<2048x32x2048xf32, #tpu.memory_space<hbm>> -> memref<1x32x2048xf32, #tpu.memory_space<hbm>>
    %dma_start3A_373 = tpu.memref_squeeze %dma_start3A_372 : memref<1x32x2048xf32, #tpu.memory_space<hbm>> -> memref<32x2048xf32, #tpu.memory_space<hbm>>
    %dma_start3A_374 = arith.constant 0 : i32
    %dma_start3A_375 = arith.constant 384 : i32
    %dma_start3A_376 = tpu.memref_slice %arg5[%dma_start3A_374, %dma_start3A_375] : memref<32x2560xf32, #tpu.memory_space<vmem>> -> memref<32x2048xf32, #tpu.memory_space<vmem>>
    tpu.enqueue_dma source(%dma_start3A_376 : memref<32x2048xf32, #tpu.memory_space<vmem>>) target(%dma_start3A_373 : memref<32x2048xf32, #tpu.memory_space<hbm>>) target_semaphore(%arg6 : memref<!tpu.dma_semaphore, #tpu.memory_space<semaphore_mem>>)
    %dma_wait3A_377 = arith.constant 0 : i32
    %dma_wait3A_378 = arith.constant 448 : i32
    %dma_wait3A_379 = tpu.memref_slice %arg5[%dma_wait3A_377, %dma_wait3A_378] : memref<32x2560xf32, #tpu.memory_space<vmem>> -> memref<32x2048xf32, #tpu.memory_space<vmem>>
    %dma_wait3A_380 = arith.constant 0 : i32
    %dma_wait3A_381 = arith.constant 0 : i32
    %dma_wait3A_382 = tpu.memref_slice %arg3[%add3A_137, %dma_wait3A_380, %dma_wait3A_381] : memref<2048x32x2048xf32, #tpu.memory_space<hbm>> -> memref<1x32x2048xf32, #tpu.memory_space<hbm>>
    %dma_wait3A_383 = tpu.memref_squeeze %dma_wait3A_382 : memref<1x32x2048xf32, #tpu.memory_space<hbm>> -> memref<32x2048xf32, #tpu.memory_space<hbm>>
    %dma_wait3A_384 = arith.constant 0 : i32
    %dma_wait3A_385 = arith.constant 0 : i32
    %dma_wait3A_386 = tpu.memref_slice %arg3[%add3A_137, %dma_wait3A_384, %dma_wait3A_385] : memref<2048x32x2048xf32, #tpu.memory_space<hbm>> -> memref<1x32x2048xf32, #tpu.memory_space<hbm>>
    %dma_wait3A_387 = tpu.memref_squeeze %dma_wait3A_386 : memref<1x32x2048xf32, #tpu.memory_space<hbm>> -> memref<32x2048xf32, #tpu.memory_space<hbm>>
    %dma_wait3A_388 = arith.constant 0 : i32
    %dma_wait3A_389 = arith.constant 448 : i32
    %dma_wait3A_390 = tpu.memref_slice %arg5[%dma_wait3A_388, %dma_wait3A_389] : memref<32x2560xf32, #tpu.memory_space<vmem>> -> memref<32x2048xf32, #tpu.memory_space<vmem>>
    tpu.wait_dma2 semaphore(%arg6 : memref<!tpu.dma_semaphore, #tpu.memory_space<semaphore_mem>>) src(%dma_wait3A_390 : memref<32x2048xf32, #tpu.memory_space<vmem>>) dst(%dma_wait3A_387 : memref<32x2048xf32, #tpu.memory_space<hbm>>)
    %add3A_391 = arith.constant 128 : i32
    %add3A_392 = arith.addi %add3A_22, %add3A_391 : i32
    %dma_start3A_393 = arith.constant 0 : i32
    %dma_start3A_394 = arith.constant 376 : i32
    %dma_start3A_395 = tpu.memref_slice %arg5[%dma_start3A_393, %dma_start3A_394] : memref<32x2560xf32, #tpu.memory_space<vmem>> -> memref<32x2048xf32, #tpu.memory_space<vmem>>
    %dma_start3A_396 = arith.constant 0 : i32
    %dma_start3A_397 = arith.constant 0 : i32
    %dma_start3A_398 = tpu.memref_slice %arg3[%add3A_392, %dma_start3A_396, %dma_start3A_397] : memref<2048x32x2048xf32, #tpu.memory_space<hbm>> -> memref<1x32x2048xf32, #tpu.memory_space<hbm>>
    %dma_start3A_399 = tpu.memref_squeeze %dma_start3A_398 : memref<1x32x2048xf32, #tpu.memory_space<hbm>> -> memref<32x2048xf32, #tpu.memory_space<hbm>>
    %dma_start3A_400 = arith.constant 0 : i32
    %dma_start3A_401 = arith.constant 0 : i32
    %dma_start3A_402 = tpu.memref_slice %arg3[%add3A_392, %dma_start3A_400, %dma_start3A_401] : memref<2048x32x2048xf32, #tpu.memory_space<hbm>> -> memref<1x32x2048xf32, #tpu.memory_space<hbm>>
    %dma_start3A_403 = tpu.memref_squeeze %dma_start3A_402 : memref<1x32x2048xf32, #tpu.memory_space<hbm>> -> memref<32x2048xf32, #tpu.memory_space<hbm>>
    %dma_start3A_404 = arith.constant 0 : i32
    %dma_start3A_405 = arith.constant 376 : i32
    %dma_start3A_406 = tpu.memref_slice %arg5[%dma_start3A_404, %dma_start3A_405] : memref<32x2560xf32, #tpu.memory_space<vmem>> -> memref<32x2048xf32, #tpu.memory_space<vmem>>
    tpu.enqueue_dma source(%dma_start3A_406 : memref<32x2048xf32, #tpu.memory_space<vmem>>) target(%dma_start3A_403 : memref<32x2048xf32, #tpu.memory_space<hbm>>) target_semaphore(%arg6 : memref<!tpu.dma_semaphore, #tpu.memory_space<semaphore_mem>>)
    %dma_wait3A_407 = arith.constant 0 : i32
    %dma_wait3A_408 = arith.constant 440 : i32
    %dma_wait3A_409 = tpu.memref_slice %arg5[%dma_wait3A_407, %dma_wait3A_408] : memref<32x2560xf32, #tpu.memory_space<vmem>> -> memref<32x2048xf32, #tpu.memory_space<vmem>>
    %dma_wait3A_410 = arith.constant 0 : i32
    %dma_wait3A_411 = arith.constant 0 : i32
    %dma_wait3A_412 = tpu.memref_slice %arg3[%add3A_153, %dma_wait3A_410, %dma_wait3A_411] : memref<2048x32x2048xf32, #tpu.memory_space<hbm>> -> memref<1x32x2048xf32, #tpu.memory_space<hbm>>
    %dma_wait3A_413 = tpu.memref_squeeze %dma_wait3A_412 : memref<1x32x2048xf32, #tpu.memory_space<hbm>> -> memref<32x2048xf32, #tpu.memory_space<hbm>>
    %dma_wait3A_414 = arith.constant 0 : i32
    %dma_wait3A_415 = arith.constant 0 : i32
    %dma_wait3A_416 = tpu.memref_slice %arg3[%add3A_153, %dma_wait3A_414, %dma_wait3A_415] : memref<2048x32x2048xf32, #tpu.memory_space<hbm>> -> memref<1x32x2048xf32, #tpu.memory_space<hbm>>
    %dma_wait3A_417 = tpu.memref_squeeze %dma_wait3A_416 : memref<1x32x2048xf32, #tpu.memory_space<hbm>> -> memref<32x2048xf32, #tpu.memory_space<hbm>>
    %dma_wait3A_418 = arith.constant 0 : i32
    %dma_wait3A_419 = arith.constant 440 : i32
    %dma_wait3A_420 = tpu.memref_slice %arg5[%dma_wait3A_418, %dma_wait3A_419] : memref<32x2560xf32, #tpu.memory_space<vmem>> -> memref<32x2048xf32, #tpu.memory_space<vmem>>
    tpu.wait_dma2 semaphore(%arg6 : memref<!tpu.dma_semaphore, #tpu.memory_space<semaphore_mem>>) src(%dma_wait3A_420 : memref<32x2048xf32, #tpu.memory_space<vmem>>) dst(%dma_wait3A_417 : memref<32x2048xf32, #tpu.memory_space<hbm>>)
    %add3A_421 = arith.constant 136 : i32
    %add3A_422 = arith.addi %add3A_22, %add3A_421 : i32
    %dma_start3A_423 = arith.constant 0 : i32
    %dma_start3A_424 = arith.constant 368 : i32
    %dma_start3A_425 = tpu.memref_slice %arg5[%dma_start3A_423, %dma_start3A_424] : memref<32x2560xf32, #tpu.memory_space<vmem>> -> memref<32x2048xf32, #tpu.memory_space<vmem>>
    %dma_start3A_426 = arith.constant 0 : i32
    %dma_start3A_427 = arith.constant 0 : i32
    %dma_start3A_428 = tpu.memref_slice %arg3[%add3A_422, %dma_start3A_426, %dma_start3A_427] : memref<2048x32x2048xf32, #tpu.memory_space<hbm>> -> memref<1x32x2048xf32, #tpu.memory_space<hbm>>
    %dma_start3A_429 = tpu.memref_squeeze %dma_start3A_428 : memref<1x32x2048xf32, #tpu.memory_space<hbm>> -> memref<32x2048xf32, #tpu.memory_space<hbm>>
    %dma_start3A_430 = arith.constant 0 : i32
    %dma_start3A_431 = arith.constant 0 : i32
    %dma_start3A_432 = tpu.memref_slice %arg3[%add3A_422, %dma_start3A_430, %dma_start3A_431] : memref<2048x32x2048xf32, #tpu.memory_space<hbm>> -> memref<1x32x2048xf32, #tpu.memory_space<hbm>>
    %dma_start3A_433 = tpu.memref_squeeze %dma_start3A_432 : memref<1x32x2048xf32, #tpu.memory_space<hbm>> -> memref<32x2048xf32, #tpu.memory_space<hbm>>
    %dma_start3A_434 = arith.constant 0 : i32
    %dma_start3A_435 = arith.constant 368 : i32
    %dma_start3A_436 = tpu.memref_slice %arg5[%dma_start3A_434, %dma_start3A_435] : memref<32x2560xf32, #tpu.memory_space<vmem>> -> memref<32x2048xf32, #tpu.memory_space<vmem>>
    tpu.enqueue_dma source(%dma_start3A_436 : memref<32x2048xf32, #tpu.memory_space<vmem>>) target(%dma_start3A_433 : memref<32x2048xf32, #tpu.memory_space<hbm>>) target_semaphore(%arg6 : memref<!tpu.dma_semaphore, #tpu.memory_space<semaphore_mem>>)
    %dma_wait3A_437 = arith.constant 0 : i32
    %dma_wait3A_438 = arith.constant 432 : i32
    %dma_wait3A_439 = tpu.memref_slice %arg5[%dma_wait3A_437, %dma_wait3A_438] : memref<32x2560xf32, #tpu.memory_space<vmem>> -> memref<32x2048xf32, #tpu.memory_space<vmem>>
    %dma_wait3A_440 = arith.constant 0 : i32
    %dma_wait3A_441 = arith.constant 0 : i32
    %dma_wait3A_442 = tpu.memref_slice %arg3[%add3A_182, %dma_wait3A_440, %dma_wait3A_441] : memref<2048x32x2048xf32, #tpu.memory_space<hbm>> -> memref<1x32x2048xf32, #tpu.memory_space<hbm>>
    %dma_wait3A_443 = tpu.memref_squeeze %dma_wait3A_442 : memref<1x32x2048xf32, #tpu.memory_space<hbm>> -> memref<32x2048xf32, #tpu.memory_space<hbm>>
    %dma_wait3A_444 = arith.constant 0 : i32
    %dma_wait3A_445 = arith.constant 0 : i32
    %dma_wait3A_446 = tpu.memref_slice %arg3[%add3A_182, %dma_wait3A_444, %dma_wait3A_445] : memref<2048x32x2048xf32, #tpu.memory_space<hbm>> -> memref<1x32x2048xf32, #tpu.memory_space<hbm>>
    %dma_wait3A_447 = tpu.memref_squeeze %dma_wait3A_446 : memref<1x32x2048xf32, #tpu.memory_space<hbm>> -> memref<32x2048xf32, #tpu.memory_space<hbm>>
    %dma_wait3A_448 = arith.constant 0 : i32
    %dma_wait3A_449 = arith.constant 432 : i32
    %dma_wait3A_450 = tpu.memref_slice %arg5[%dma_wait3A_448, %dma_wait3A_449] : memref<32x2560xf32, #tpu.memory_space<vmem>> -> memref<32x2048xf32, #tpu.memory_space<vmem>>
    tpu.wait_dma2 semaphore(%arg6 : memref<!tpu.dma_semaphore, #tpu.memory_space<semaphore_mem>>) src(%dma_wait3A_450 : memref<32x2048xf32, #tpu.memory_space<vmem>>) dst(%dma_wait3A_447 : memref<32x2048xf32, #tpu.memory_space<hbm>>)
    %add3A_451 = arith.constant 144 : i32
    %add3A_452 = arith.addi %add3A_22, %add3A_451 : i32
    %dma_start3A_453 = arith.constant 0 : i32
    %dma_start3A_454 = arith.constant 360 : i32
    %dma_start3A_455 = tpu.memref_slice %arg5[%dma_start3A_453, %dma_start3A_454] : memref<32x2560xf32, #tpu.memory_space<vmem>> -> memref<32x2048xf32, #tpu.memory_space<vmem>>
    %dma_start3A_456 = arith.constant 0 : i32
    %dma_start3A_457 = arith.constant 0 : i32
    %dma_start3A_458 = tpu.memref_slice %arg3[%add3A_452, %dma_start3A_456, %dma_start3A_457] : memref<2048x32x2048xf32, #tpu.memory_space<hbm>> -> memref<1x32x2048xf32, #tpu.memory_space<hbm>>
    %dma_start3A_459 = tpu.memref_squeeze %dma_start3A_458 : memref<1x32x2048xf32, #tpu.memory_space<hbm>> -> memref<32x2048xf32, #tpu.memory_space<hbm>>
    %dma_start3A_460 = arith.constant 0 : i32
    %dma_start3A_461 = arith.constant 0 : i32
    %dma_start3A_462 = tpu.memref_slice %arg3[%add3A_452, %dma_start3A_460, %dma_start3A_461] : memref<2048x32x2048xf32, #tpu.memory_space<hbm>> -> memref<1x32x2048xf32, #tpu.memory_space<hbm>>
    %dma_start3A_463 = tpu.memref_squeeze %dma_start3A_462 : memref<1x32x2048xf32, #tpu.memory_space<hbm>> -> memref<32x2048xf32, #tpu.memory_space<hbm>>
    %dma_start3A_464 = arith.constant 0 : i32
    %dma_start3A_465 = arith.constant 360 : i32
    %dma_start3A_466 = tpu.memref_slice %arg5[%dma_start3A_464, %dma_start3A_465] : memref<32x2560xf32, #tpu.memory_space<vmem>> -> memref<32x2048xf32, #tpu.memory_space<vmem>>
    tpu.enqueue_dma source(%dma_start3A_466 : memref<32x2048xf32, #tpu.memory_space<vmem>>) target(%dma_start3A_463 : memref<32x2048xf32, #tpu.memory_space<hbm>>) target_semaphore(%arg6 : memref<!tpu.dma_semaphore, #tpu.memory_space<semaphore_mem>>)
    %dma_wait3A_467 = arith.constant 0 : i32
    %dma_wait3A_468 = arith.constant 424 : i32
    %dma_wait3A_469 = tpu.memref_slice %arg5[%dma_wait3A_467, %dma_wait3A_468] : memref<32x2560xf32, #tpu.memory_space<vmem>> -> memref<32x2048xf32, #tpu.memory_space<vmem>>
    %dma_wait3A_470 = arith.constant 0 : i32
    %dma_wait3A_471 = arith.constant 0 : i32
    %dma_wait3A_472 = tpu.memref_slice %arg3[%add3A_212, %dma_wait3A_470, %dma_wait3A_471] : memref<2048x32x2048xf32, #tpu.memory_space<hbm>> -> memref<1x32x2048xf32, #tpu.memory_space<hbm>>
    %dma_wait3A_473 = tpu.memref_squeeze %dma_wait3A_472 : memref<1x32x2048xf32, #tpu.memory_space<hbm>> -> memref<32x2048xf32, #tpu.memory_space<hbm>>
    %dma_wait3A_474 = arith.constant 0 : i32
    %dma_wait3A_475 = arith.constant 0 : i32
    %dma_wait3A_476 = tpu.memref_slice %arg3[%add3A_212, %dma_wait3A_474, %dma_wait3A_475] : memref<2048x32x2048xf32, #tpu.memory_space<hbm>> -> memref<1x32x2048xf32, #tpu.memory_space<hbm>>
    %dma_wait3A_477 = tpu.memref_squeeze %dma_wait3A_476 : memref<1x32x2048xf32, #tpu.memory_space<hbm>> -> memref<32x2048xf32, #tpu.memory_space<hbm>>
    %dma_wait3A_478 = arith.constant 0 : i32
    %dma_wait3A_479 = arith.constant 424 : i32
    %dma_wait3A_480 = tpu.memref_slice %arg5[%dma_wait3A_478, %dma_wait3A_479] : memref<32x2560xf32, #tpu.memory_space<vmem>> -> memref<32x2048xf32, #tpu.memory_space<vmem>>
    tpu.wait_dma2 semaphore(%arg6 : memref<!tpu.dma_semaphore, #tpu.memory_space<semaphore_mem>>) src(%dma_wait3A_480 : memref<32x2048xf32, #tpu.memory_space<vmem>>) dst(%dma_wait3A_477 : memref<32x2048xf32, #tpu.memory_space<hbm>>)
    %add3A_481 = arith.constant 152 : i32
    %add3A_482 = arith.addi %add3A_22, %add3A_481 : i32
    %dma_start3A_483 = arith.constant 0 : i32
    %dma_start3A_484 = arith.constant 352 : i32
    %dma_start3A_485 = tpu.memref_slice %arg5[%dma_start3A_483, %dma_start3A_484] : memref<32x2560xf32, #tpu.memory_space<vmem>> -> memref<32x2048xf32, #tpu.memory_space<vmem>>
    %dma_start3A_486 = arith.constant 0 : i32
    %dma_start3A_487 = arith.constant 0 : i32
    %dma_start3A_488 = tpu.memref_slice %arg3[%add3A_482, %dma_start3A_486, %dma_start3A_487] : memref<2048x32x2048xf32, #tpu.memory_space<hbm>> -> memref<1x32x2048xf32, #tpu.memory_space<hbm>>
    %dma_start3A_489 = tpu.memref_squeeze %dma_start3A_488 : memref<1x32x2048xf32, #tpu.memory_space<hbm>> -> memref<32x2048xf32, #tpu.memory_space<hbm>>
    %dma_start3A_490 = arith.constant 0 : i32
    %dma_start3A_491 = arith.constant 0 : i32
    %dma_start3A_492 = tpu.memref_slice %arg3[%add3A_482, %dma_start3A_490, %dma_start3A_491] : memref<2048x32x2048xf32, #tpu.memory_space<hbm>> -> memref<1x32x2048xf32, #tpu.memory_space<hbm>>
    %dma_start3A_493 = tpu.memref_squeeze %dma_start3A_492 : memref<1x32x2048xf32, #tpu.memory_space<hbm>> -> memref<32x2048xf32, #tpu.memory_space<hbm>>
    %dma_start3A_494 = arith.constant 0 : i32
    %dma_start3A_495 = arith.constant 352 : i32
    %dma_start3A_496 = tpu.memref_slice %arg5[%dma_start3A_494, %dma_start3A_495] : memref<32x2560xf32, #tpu.memory_space<vmem>> -> memref<32x2048xf32, #tpu.memory_space<vmem>>
    tpu.enqueue_dma source(%dma_start3A_496 : memref<32x2048xf32, #tpu.memory_space<vmem>>) target(%dma_start3A_493 : memref<32x2048xf32, #tpu.memory_space<hbm>>) target_semaphore(%arg6 : memref<!tpu.dma_semaphore, #tpu.memory_space<semaphore_mem>>)
    %dma_wait3A_497 = arith.constant 0 : i32
    %dma_wait3A_498 = arith.constant 416 : i32
    %dma_wait3A_499 = tpu.memref_slice %arg5[%dma_wait3A_497, %dma_wait3A_498] : memref<32x2560xf32, #tpu.memory_space<vmem>> -> memref<32x2048xf32, #tpu.memory_space<vmem>>
    %dma_wait3A_500 = arith.constant 0 : i32
    %dma_wait3A_501 = arith.constant 0 : i32
    %dma_wait3A_502 = tpu.memref_slice %arg3[%add3A_242, %dma_wait3A_500, %dma_wait3A_501] : memref<2048x32x2048xf32, #tpu.memory_space<hbm>> -> memref<1x32x2048xf32, #tpu.memory_space<hbm>>
    %dma_wait3A_503 = tpu.memref_squeeze %dma_wait3A_502 : memref<1x32x2048xf32, #tpu.memory_space<hbm>> -> memref<32x2048xf32, #tpu.memory_space<hbm>>
    %dma_wait3A_504 = arith.constant 0 : i32
    %dma_wait3A_505 = arith.constant 0 : i32
    %dma_wait3A_506 = tpu.memref_slice %arg3[%add3A_242, %dma_wait3A_504, %dma_wait3A_505] : memref<2048x32x2048xf32, #tpu.memory_space<hbm>> -> memref<1x32x2048xf32, #tpu.memory_space<hbm>>
    %dma_wait3A_507 = tpu.memref_squeeze %dma_wait3A_506 : memref<1x32x2048xf32, #tpu.memory_space<hbm>> -> memref<32x2048xf32, #tpu.memory_space<hbm>>
    %dma_wait3A_508 = arith.constant 0 : i32
    %dma_wait3A_509 = arith.constant 416 : i32
    %dma_wait3A_510 = tpu.memref_slice %arg5[%dma_wait3A_508, %dma_wait3A_509] : memref<32x2560xf32, #tpu.memory_space<vmem>> -> memref<32x2048xf32, #tpu.memory_space<vmem>>
    tpu.wait_dma2 semaphore(%arg6 : memref<!tpu.dma_semaphore, #tpu.memory_space<semaphore_mem>>) src(%dma_wait3A_510 : memref<32x2048xf32, #tpu.memory_space<vmem>>) dst(%dma_wait3A_507 : memref<32x2048xf32, #tpu.memory_space<hbm>>)
    %add3A_511 = arith.constant 160 : i32
    %add3A_512 = arith.addi %add3A_22, %add3A_511 : i32
    %dma_start3A_513 = arith.constant 0 : i32
    %dma_start3A_514 = arith.constant 344 : i32
    %dma_start3A_515 = tpu.memref_slice %arg5[%dma_start3A_513, %dma_start3A_514] : memref<32x2560xf32, #tpu.memory_space<vmem>> -> memref<32x2048xf32, #tpu.memory_space<vmem>>
    %dma_start3A_516 = arith.constant 0 : i32
    %dma_start3A_517 = arith.constant 0 : i32
    %dma_start3A_518 = tpu.memref_slice %arg3[%add3A_512, %dma_start3A_516, %dma_start3A_517] : memref<2048x32x2048xf32, #tpu.memory_space<hbm>> -> memref<1x32x2048xf32, #tpu.memory_space<hbm>>
    %dma_start3A_519 = tpu.memref_squeeze %dma_start3A_518 : memref<1x32x2048xf32, #tpu.memory_space<hbm>> -> memref<32x2048xf32, #tpu.memory_space<hbm>>
    %dma_start3A_520 = arith.constant 0 : i32
    %dma_start3A_521 = arith.constant 0 : i32
    %dma_start3A_522 = tpu.memref_slice %arg3[%add3A_512, %dma_start3A_520, %dma_start3A_521] : memref<2048x32x2048xf32, #tpu.memory_space<hbm>> -> memref<1x32x2048xf32, #tpu.memory_space<hbm>>
    %dma_start3A_523 = tpu.memref_squeeze %dma_start3A_522 : memref<1x32x2048xf32, #tpu.memory_space<hbm>> -> memref<32x2048xf32, #tpu.memory_space<hbm>>
    %dma_start3A_524 = arith.constant 0 : i32
    %dma_start3A_525 = arith.constant 344 : i32
    %dma_start3A_526 = tpu.memref_slice %arg5[%dma_start3A_524, %dma_start3A_525] : memref<32x2560xf32, #tpu.memory_space<vmem>> -> memref<32x2048xf32, #tpu.memory_space<vmem>>
    tpu.enqueue_dma source(%dma_start3A_526 : memref<32x2048xf32, #tpu.memory_space<vmem>>) target(%dma_start3A_523 : memref<32x2048xf32, #tpu.memory_space<hbm>>) target_semaphore(%arg6 : memref<!tpu.dma_semaphore, #tpu.memory_space<semaphore_mem>>)
    %dma_wait3A_527 = arith.constant 0 : i32
    %dma_wait3A_528 = arith.constant 408 : i32
    %dma_wait3A_529 = tpu.memref_slice %arg5[%dma_wait3A_527, %dma_wait3A_528] : memref<32x2560xf32, #tpu.memory_space<vmem>> -> memref<32x2048xf32, #tpu.memory_space<vmem>>
    %dma_wait3A_530 = arith.constant 0 : i32
    %dma_wait3A_531 = arith.constant 0 : i32
    %dma_wait3A_532 = tpu.memref_slice %arg3[%add3A_272, %dma_wait3A_530, %dma_wait3A_531] : memref<2048x32x2048xf32, #tpu.memory_space<hbm>> -> memref<1x32x2048xf32, #tpu.memory_space<hbm>>
    %dma_wait3A_533 = tpu.memref_squeeze %dma_wait3A_532 : memref<1x32x2048xf32, #tpu.memory_space<hbm>> -> memref<32x2048xf32, #tpu.memory_space<hbm>>
    %dma_wait3A_534 = arith.constant 0 : i32
    %dma_wait3A_535 = arith.constant 0 : i32
    %dma_wait3A_536 = tpu.memref_slice %arg3[%add3A_272, %dma_wait3A_534, %dma_wait3A_535] : memref<2048x32x2048xf32, #tpu.memory_space<hbm>> -> memref<1x32x2048xf32, #tpu.memory_space<hbm>>
    %dma_wait3A_537 = tpu.memref_squeeze %dma_wait3A_536 : memref<1x32x2048xf32, #tpu.memory_space<hbm>> -> memref<32x2048xf32, #tpu.memory_space<hbm>>
    %dma_wait3A_538 = arith.constant 0 : i32
    %dma_wait3A_539 = arith.constant 408 : i32
    %dma_wait3A_540 = tpu.memref_slice %arg5[%dma_wait3A_538, %dma_wait3A_539] : memref<32x2560xf32, #tpu.memory_space<vmem>> -> memref<32x2048xf32, #tpu.memory_space<vmem>>
    tpu.wait_dma2 semaphore(%arg6 : memref<!tpu.dma_semaphore, #tpu.memory_space<semaphore_mem>>) src(%dma_wait3A_540 : memref<32x2048xf32, #tpu.memory_space<vmem>>) dst(%dma_wait3A_537 : memref<32x2048xf32, #tpu.memory_space<hbm>>)
    %add3A_541 = arith.constant 168 : i32
    %add3A_542 = arith.addi %add3A_22, %add3A_541 : i32
    %dma_start3A_543 = arith.constant 0 : i32
    %dma_start3A_544 = arith.constant 336 : i32
    %dma_start3A_545 = tpu.memref_slice %arg5[%dma_start3A_543, %dma_start3A_544] : memref<32x2560xf32, #tpu.memory_space<vmem>> -> memref<32x2048xf32, #tpu.memory_space<vmem>>
    %dma_start3A_546 = arith.constant 0 : i32
    %dma_start3A_547 = arith.constant 0 : i32
    %dma_start3A_548 = tpu.memref_slice %arg3[%add3A_542, %dma_start3A_546, %dma_start3A_547] : memref<2048x32x2048xf32, #tpu.memory_space<hbm>> -> memref<1x32x2048xf32, #tpu.memory_space<hbm>>
    %dma_start3A_549 = tpu.memref_squeeze %dma_start3A_548 : memref<1x32x2048xf32, #tpu.memory_space<hbm>> -> memref<32x2048xf32, #tpu.memory_space<hbm>>
    %dma_start3A_550 = arith.constant 0 : i32
    %dma_start3A_551 = arith.constant 0 : i32
    %dma_start3A_552 = tpu.memref_slice %arg3[%add3A_542, %dma_start3A_550, %dma_start3A_551] : memref<2048x32x2048xf32, #tpu.memory_space<hbm>> -> memref<1x32x2048xf32, #tpu.memory_space<hbm>>
    %dma_start3A_553 = tpu.memref_squeeze %dma_start3A_552 : memref<1x32x2048xf32, #tpu.memory_space<hbm>> -> memref<32x2048xf32, #tpu.memory_space<hbm>>
    %dma_start3A_554 = arith.constant 0 : i32
    %dma_start3A_555 = arith.constant 336 : i32
    %dma_start3A_556 = tpu.memref_slice %arg5[%dma_start3A_554, %dma_start3A_555] : memref<32x2560xf32, #tpu.memory_space<vmem>> -> memref<32x2048xf32, #tpu.memory_space<vmem>>
    tpu.enqueue_dma source(%dma_start3A_556 : memref<32x2048xf32, #tpu.memory_space<vmem>>) target(%dma_start3A_553 : memref<32x2048xf32, #tpu.memory_space<hbm>>) target_semaphore(%arg6 : memref<!tpu.dma_semaphore, #tpu.memory_space<semaphore_mem>>)
    %dma_wait3A_557 = arith.constant 0 : i32
    %dma_wait3A_558 = arith.constant 400 : i32
    %dma_wait3A_559 = tpu.memref_slice %arg5[%dma_wait3A_557, %dma_wait3A_558] : memref<32x2560xf32, #tpu.memory_space<vmem>> -> memref<32x2048xf32, #tpu.memory_space<vmem>>
    %dma_wait3A_560 = arith.constant 0 : i32
    %dma_wait3A_561 = arith.constant 0 : i32
    %dma_wait3A_562 = tpu.memref_slice %arg3[%add3A_302, %dma_wait3A_560, %dma_wait3A_561] : memref<2048x32x2048xf32, #tpu.memory_space<hbm>> -> memref<1x32x2048xf32, #tpu.memory_space<hbm>>
    %dma_wait3A_563 = tpu.memref_squeeze %dma_wait3A_562 : memref<1x32x2048xf32, #tpu.memory_space<hbm>> -> memref<32x2048xf32, #tpu.memory_space<hbm>>
    %dma_wait3A_564 = arith.constant 0 : i32
    %dma_wait3A_565 = arith.constant 0 : i32
    %dma_wait3A_566 = tpu.memref_slice %arg3[%add3A_302, %dma_wait3A_564, %dma_wait3A_565] : memref<2048x32x2048xf32, #tpu.memory_space<hbm>> -> memref<1x32x2048xf32, #tpu.memory_space<hbm>>
    %dma_wait3A_567 = tpu.memref_squeeze %dma_wait3A_566 : memref<1x32x2048xf32, #tpu.memory_space<hbm>> -> memref<32x2048xf32, #tpu.memory_space<hbm>>
    %dma_wait3A_568 = arith.constant 0 : i32
    %dma_wait3A_569 = arith.constant 400 : i32
    %dma_wait3A_570 = tpu.memref_slice %arg5[%dma_wait3A_568, %dma_wait3A_569] : memref<32x2560xf32, #tpu.memory_space<vmem>> -> memref<32x2048xf32, #tpu.memory_space<vmem>>
    tpu.wait_dma2 semaphore(%arg6 : memref<!tpu.dma_semaphore, #tpu.memory_space<semaphore_mem>>) src(%dma_wait3A_570 : memref<32x2048xf32, #tpu.memory_space<vmem>>) dst(%dma_wait3A_567 : memref<32x2048xf32, #tpu.memory_space<hbm>>)
    %add3A_571 = arith.constant 176 : i32
    %add3A_572 = arith.addi %add3A_22, %add3A_571 : i32
    %dma_start3A_573 = arith.constant 0 : i32
    %dma_start3A_574 = arith.constant 328 : i32
    %dma_start3A_575 = tpu.memref_slice %arg5[%dma_start3A_573, %dma_start3A_574] : memref<32x2560xf32, #tpu.memory_space<vmem>> -> memref<32x2048xf32, #tpu.memory_space<vmem>>
    %dma_start3A_576 = arith.constant 0 : i32
    %dma_start3A_577 = arith.constant 0 : i32
    %dma_start3A_578 = tpu.memref_slice %arg3[%add3A_572, %dma_start3A_576, %dma_start3A_577] : memref<2048x32x2048xf32, #tpu.memory_space<hbm>> -> memref<1x32x2048xf32, #tpu.memory_space<hbm>>
    %dma_start3A_579 = tpu.memref_squeeze %dma_start3A_578 : memref<1x32x2048xf32, #tpu.memory_space<hbm>> -> memref<32x2048xf32, #tpu.memory_space<hbm>>
    %dma_start3A_580 = arith.constant 0 : i32
    %dma_start3A_581 = arith.constant 0 : i32
    %dma_start3A_582 = tpu.memref_slice %arg3[%add3A_572, %dma_start3A_580, %dma_start3A_581] : memref<2048x32x2048xf32, #tpu.memory_space<hbm>> -> memref<1x32x2048xf32, #tpu.memory_space<hbm>>
    %dma_start3A_583 = tpu.memref_squeeze %dma_start3A_582 : memref<1x32x2048xf32, #tpu.memory_space<hbm>> -> memref<32x2048xf32, #tpu.memory_space<hbm>>
    %dma_start3A_584 = arith.constant 0 : i32
    %dma_start3A_585 = arith.constant 328 : i32
    %dma_start3A_586 = tpu.memref_slice %arg5[%dma_start3A_584, %dma_start3A_585] : memref<32x2560xf32, #tpu.memory_space<vmem>> -> memref<32x2048xf32, #tpu.memory_space<vmem>>
    tpu.enqueue_dma source(%dma_start3A_586 : memref<32x2048xf32, #tpu.memory_space<vmem>>) target(%dma_start3A_583 : memref<32x2048xf32, #tpu.memory_space<hbm>>) target_semaphore(%arg6 : memref<!tpu.dma_semaphore, #tpu.memory_space<semaphore_mem>>)
    %dma_wait3A_587 = arith.constant 0 : i32
    %dma_wait3A_588 = arith.constant 392 : i32
    %dma_wait3A_589 = tpu.memref_slice %arg5[%dma_wait3A_587, %dma_wait3A_588] : memref<32x2560xf32, #tpu.memory_space<vmem>> -> memref<32x2048xf32, #tpu.memory_space<vmem>>
    %dma_wait3A_590 = arith.constant 0 : i32
    %dma_wait3A_591 = arith.constant 0 : i32
    %dma_wait3A_592 = tpu.memref_slice %arg3[%add3A_332, %dma_wait3A_590, %dma_wait3A_591] : memref<2048x32x2048xf32, #tpu.memory_space<hbm>> -> memref<1x32x2048xf32, #tpu.memory_space<hbm>>
    %dma_wait3A_593 = tpu.memref_squeeze %dma_wait3A_592 : memref<1x32x2048xf32, #tpu.memory_space<hbm>> -> memref<32x2048xf32, #tpu.memory_space<hbm>>
    %dma_wait3A_594 = arith.constant 0 : i32
    %dma_wait3A_595 = arith.constant 0 : i32
    %dma_wait3A_596 = tpu.memref_slice %arg3[%add3A_332, %dma_wait3A_594, %dma_wait3A_595] : memref<2048x32x2048xf32, #tpu.memory_space<hbm>> -> memref<1x32x2048xf32, #tpu.memory_space<hbm>>
    %dma_wait3A_597 = tpu.memref_squeeze %dma_wait3A_596 : memref<1x32x2048xf32, #tpu.memory_space<hbm>> -> memref<32x2048xf32, #tpu.memory_space<hbm>>
    %dma_wait3A_598 = arith.constant 0 : i32
    %dma_wait3A_599 = arith.constant 392 : i32
    %dma_wait3A_600 = tpu.memref_slice %arg5[%dma_wait3A_598, %dma_wait3A_599] : memref<32x2560xf32, #tpu.memory_space<vmem>> -> memref<32x2048xf32, #tpu.memory_space<vmem>>
    tpu.wait_dma2 semaphore(%arg6 : memref<!tpu.dma_semaphore, #tpu.memory_space<semaphore_mem>>) src(%dma_wait3A_600 : memref<32x2048xf32, #tpu.memory_space<vmem>>) dst(%dma_wait3A_597 : memref<32x2048xf32, #tpu.memory_space<hbm>>)
    %add3A_601 = arith.constant 184 : i32
    %add3A_602 = arith.addi %add3A_22, %add3A_601 : i32
    %dma_start3A_603 = arith.constant 0 : i32
    %dma_start3A_604 = arith.constant 320 : i32
    %dma_start3A_605 = tpu.memref_slice %arg5[%dma_start3A_603, %dma_start3A_604] : memref<32x2560xf32, #tpu.memory_space<vmem>> -> memref<32x2048xf32, #tpu.memory_space<vmem>>
    %dma_start3A_606 = arith.constant 0 : i32
    %dma_start3A_607 = arith.constant 0 : i32
    %dma_start3A_608 = tpu.memref_slice %arg3[%add3A_602, %dma_start3A_606, %dma_start3A_607] : memref<2048x32x2048xf32, #tpu.memory_space<hbm>> -> memref<1x32x2048xf32, #tpu.memory_space<hbm>>
    %dma_start3A_609 = tpu.memref_squeeze %dma_start3A_608 : memref<1x32x2048xf32, #tpu.memory_space<hbm>> -> memref<32x2048xf32, #tpu.memory_space<hbm>>
    %dma_start3A_610 = arith.constant 0 : i32
    %dma_start3A_611 = arith.constant 0 : i32
    %dma_start3A_612 = tpu.memref_slice %arg3[%add3A_602, %dma_start3A_610, %dma_start3A_611] : memref<2048x32x2048xf32, #tpu.memory_space<hbm>> -> memref<1x32x2048xf32, #tpu.memory_space<hbm>>
    %dma_start3A_613 = tpu.memref_squeeze %dma_start3A_612 : memref<1x32x2048xf32, #tpu.memory_space<hbm>> -> memref<32x2048xf32, #tpu.memory_space<hbm>>
    %dma_start3A_614 = arith.constant 0 : i32
    %dma_start3A_615 = arith.constant 320 : i32
    %dma_start3A_616 = tpu.memref_slice %arg5[%dma_start3A_614, %dma_start3A_615] : memref<32x2560xf32, #tpu.memory_space<vmem>> -> memref<32x2048xf32, #tpu.memory_space<vmem>>
    tpu.enqueue_dma source(%dma_start3A_616 : memref<32x2048xf32, #tpu.memory_space<vmem>>) target(%dma_start3A_613 : memref<32x2048xf32, #tpu.memory_space<hbm>>) target_semaphore(%arg6 : memref<!tpu.dma_semaphore, #tpu.memory_space<semaphore_mem>>)
    %dma_wait3A_617 = arith.constant 0 : i32
    %dma_wait3A_618 = arith.constant 384 : i32
    %dma_wait3A_619 = tpu.memref_slice %arg5[%dma_wait3A_617, %dma_wait3A_618] : memref<32x2560xf32, #tpu.memory_space<vmem>> -> memref<32x2048xf32, #tpu.memory_space<vmem>>
    %dma_wait3A_620 = arith.constant 0 : i32
    %dma_wait3A_621 = arith.constant 0 : i32
    %dma_wait3A_622 = tpu.memref_slice %arg3[%add3A_362, %dma_wait3A_620, %dma_wait3A_621] : memref<2048x32x2048xf32, #tpu.memory_space<hbm>> -> memref<1x32x2048xf32, #tpu.memory_space<hbm>>
    %dma_wait3A_623 = tpu.memref_squeeze %dma_wait3A_622 : memref<1x32x2048xf32, #tpu.memory_space<hbm>> -> memref<32x2048xf32, #tpu.memory_space<hbm>>
    %dma_wait3A_624 = arith.constant 0 : i32
    %dma_wait3A_625 = arith.constant 0 : i32
    %dma_wait3A_626 = tpu.memref_slice %arg3[%add3A_362, %dma_wait3A_624, %dma_wait3A_625] : memref<2048x32x2048xf32, #tpu.memory_space<hbm>> -> memref<1x32x2048xf32, #tpu.memory_space<hbm>>
    %dma_wait3A_627 = tpu.memref_squeeze %dma_wait3A_626 : memref<1x32x2048xf32, #tpu.memory_space<hbm>> -> memref<32x2048xf32, #tpu.memory_space<hbm>>
    %dma_wait3A_628 = arith.constant 0 : i32
    %dma_wait3A_629 = arith.constant 384 : i32
    %dma_wait3A_630 = tpu.memref_slice %arg5[%dma_wait3A_628, %dma_wait3A_629] : memref<32x2560xf32, #tpu.memory_space<vmem>> -> memref<32x2048xf32, #tpu.memory_space<vmem>>
    tpu.wait_dma2 semaphore(%arg6 : memref<!tpu.dma_semaphore, #tpu.memory_space<semaphore_mem>>) src(%dma_wait3A_630 : memref<32x2048xf32, #tpu.memory_space<vmem>>) dst(%dma_wait3A_627 : memref<32x2048xf32, #tpu.memory_space<hbm>>)
    %add3A_631 = arith.constant 192 : i32
    %add3A_632 = arith.addi %add3A_22, %add3A_631 : i32
    %dma_start3A_633 = arith.constant 0 : i32
    %dma_start3A_634 = arith.constant 312 : i32
    %dma_start3A_635 = tpu.memref_slice %arg5[%dma_start3A_633, %dma_start3A_634] : memref<32x2560xf32, #tpu.memory_space<vmem>> -> memref<32x2048xf32, #tpu.memory_space<vmem>>
    %dma_start3A_636 = arith.constant 0 : i32
    %dma_start3A_637 = arith.constant 0 : i32
    %dma_start3A_638 = tpu.memref_slice %arg3[%add3A_632, %dma_start3A_636, %dma_start3A_637] : memref<2048x32x2048xf32, #tpu.memory_space<hbm>> -> memref<1x32x2048xf32, #tpu.memory_space<hbm>>
    %dma_start3A_639 = tpu.memref_squeeze %dma_start3A_638 : memref<1x32x2048xf32, #tpu.memory_space<hbm>> -> memref<32x2048xf32, #tpu.memory_space<hbm>>
    %dma_start3A_640 = arith.constant 0 : i32
    %dma_start3A_641 = arith.constant 0 : i32
    %dma_start3A_642 = tpu.memref_slice %arg3[%add3A_632, %dma_start3A_640, %dma_start3A_641] : memref<2048x32x2048xf32, #tpu.memory_space<hbm>> -> memref<1x32x2048xf32, #tpu.memory_space<hbm>>
    %dma_start3A_643 = tpu.memref_squeeze %dma_start3A_642 : memref<1x32x2048xf32, #tpu.memory_space<hbm>> -> memref<32x2048xf32, #tpu.memory_space<hbm>>
    %dma_start3A_644 = arith.constant 0 : i32
    %dma_start3A_645 = arith.constant 312 : i32
    %dma_start3A_646 = tpu.memref_slice %arg5[%dma_start3A_644, %dma_start3A_645] : memref<32x2560xf32, #tpu.memory_space<vmem>> -> memref<32x2048xf32, #tpu.memory_space<vmem>>
    tpu.enqueue_dma source(%dma_start3A_646 : memref<32x2048xf32, #tpu.memory_space<vmem>>) target(%dma_start3A_643 : memref<32x2048xf32, #tpu.memory_space<hbm>>) target_semaphore(%arg6 : memref<!tpu.dma_semaphore, #tpu.memory_space<semaphore_mem>>)
    %dma_wait3A_647 = arith.constant 0 : i32
    %dma_wait3A_648 = arith.constant 376 : i32
    %dma_wait3A_649 = tpu.memref_slice %arg5[%dma_wait3A_647, %dma_wait3A_648] : memref<32x2560xf32, #tpu.memory_space<vmem>> -> memref<32x2048xf32, #tpu.memory_space<vmem>>
    %dma_wait3A_650 = arith.constant 0 : i32
    %dma_wait3A_651 = arith.constant 0 : i32
    %dma_wait3A_652 = tpu.memref_slice %arg3[%add3A_392, %dma_wait3A_650, %dma_wait3A_651] : memref<2048x32x2048xf32, #tpu.memory_space<hbm>> -> memref<1x32x2048xf32, #tpu.memory_space<hbm>>
    %dma_wait3A_653 = tpu.memref_squeeze %dma_wait3A_652 : memref<1x32x2048xf32, #tpu.memory_space<hbm>> -> memref<32x2048xf32, #tpu.memory_space<hbm>>
    %dma_wait3A_654 = arith.constant 0 : i32
    %dma_wait3A_655 = arith.constant 0 : i32
    %dma_wait3A_656 = tpu.memref_slice %arg3[%add3A_392, %dma_wait3A_654, %dma_wait3A_655] : memref<2048x32x2048xf32, #tpu.memory_space<hbm>> -> memref<1x32x2048xf32, #tpu.memory_space<hbm>>
    %dma_wait3A_657 = tpu.memref_squeeze %dma_wait3A_656 : memref<1x32x2048xf32, #tpu.memory_space<hbm>> -> memref<32x2048xf32, #tpu.memory_space<hbm>>
    %dma_wait3A_658 = arith.constant 0 : i32
    %dma_wait3A_659 = arith.constant 376 : i32
    %dma_wait3A_660 = tpu.memref_slice %arg5[%dma_wait3A_658, %dma_wait3A_659] : memref<32x2560xf32, #tpu.memory_space<vmem>> -> memref<32x2048xf32, #tpu.memory_space<vmem>>
    tpu.wait_dma2 semaphore(%arg6 : memref<!tpu.dma_semaphore, #tpu.memory_space<semaphore_mem>>) src(%dma_wait3A_660 : memref<32x2048xf32, #tpu.memory_space<vmem>>) dst(%dma_wait3A_657 : memref<32x2048xf32, #tpu.memory_space<hbm>>)
    %add3A_661 = arith.constant 200 : i32
    %add3A_662 = arith.addi %add3A_22, %add3A_661 : i32
    %dma_start3A_663 = arith.constant 0 : i32
    %dma_start3A_664 = arith.constant 304 : i32
    %dma_start3A_665 = tpu.memref_slice %arg5[%dma_start3A_663, %dma_start3A_664] : memref<32x2560xf32, #tpu.memory_space<vmem>> -> memref<32x2048xf32, #tpu.memory_space<vmem>>
    %dma_start3A_666 = arith.constant 0 : i32
    %dma_start3A_667 = arith.constant 0 : i32
    %dma_start3A_668 = tpu.memref_slice %arg3[%add3A_662, %dma_start3A_666, %dma_start3A_667] : memref<2048x32x2048xf32, #tpu.memory_space<hbm>> -> memref<1x32x2048xf32, #tpu.memory_space<hbm>>
    %dma_start3A_669 = tpu.memref_squeeze %dma_start3A_668 : memref<1x32x2048xf32, #tpu.memory_space<hbm>> -> memref<32x2048xf32, #tpu.memory_space<hbm>>
    %dma_start3A_670 = arith.constant 0 : i32
    %dma_start3A_671 = arith.constant 0 : i32
    %dma_start3A_672 = tpu.memref_slice %arg3[%add3A_662, %dma_start3A_670, %dma_start3A_671] : memref<2048x32x2048xf32, #tpu.memory_space<hbm>> -> memref<1x32x2048xf32, #tpu.memory_space<hbm>>
    %dma_start3A_673 = tpu.memref_squeeze %dma_start3A_672 : memref<1x32x2048xf32, #tpu.memory_space<hbm>> -> memref<32x2048xf32, #tpu.memory_space<hbm>>
    %dma_start3A_674 = arith.constant 0 : i32
    %dma_start3A_675 = arith.constant 304 : i32
    %dma_start3A_676 = tpu.memref_slice %arg5[%dma_start3A_674, %dma_start3A_675] : memref<32x2560xf32, #tpu.memory_space<vmem>> -> memref<32x2048xf32, #tpu.memory_space<vmem>>
    tpu.enqueue_dma source(%dma_start3A_676 : memref<32x2048xf32, #tpu.memory_space<vmem>>) target(%dma_start3A_673 : memref<32x2048xf32, #tpu.memory_space<hbm>>) target_semaphore(%arg6 : memref<!tpu.dma_semaphore, #tpu.memory_space<semaphore_mem>>)
    %dma_wait3A_677 = arith.constant 0 : i32
    %dma_wait3A_678 = arith.constant 368 : i32
    %dma_wait3A_679 = tpu.memref_slice %arg5[%dma_wait3A_677, %dma_wait3A_678] : memref<32x2560xf32, #tpu.memory_space<vmem>> -> memref<32x2048xf32, #tpu.memory_space<vmem>>
    %dma_wait3A_680 = arith.constant 0 : i32
    %dma_wait3A_681 = arith.constant 0 : i32
    %dma_wait3A_682 = tpu.memref_slice %arg3[%add3A_422, %dma_wait3A_680, %dma_wait3A_681] : memref<2048x32x2048xf32, #tpu.memory_space<hbm>> -> memref<1x32x2048xf32, #tpu.memory_space<hbm>>
    %dma_wait3A_683 = tpu.memref_squeeze %dma_wait3A_682 : memref<1x32x2048xf32, #tpu.memory_space<hbm>> -> memref<32x2048xf32, #tpu.memory_space<hbm>>
    %dma_wait3A_684 = arith.constant 0 : i32
    %dma_wait3A_685 = arith.constant 0 : i32
    %dma_wait3A_686 = tpu.memref_slice %arg3[%add3A_422, %dma_wait3A_684, %dma_wait3A_685] : memref<2048x32x2048xf32, #tpu.memory_space<hbm>> -> memref<1x32x2048xf32, #tpu.memory_space<hbm>>
    %dma_wait3A_687 = tpu.memref_squeeze %dma_wait3A_686 : memref<1x32x2048xf32, #tpu.memory_space<hbm>> -> memref<32x2048xf32, #tpu.memory_space<hbm>>
    %dma_wait3A_688 = arith.constant 0 : i32
    %dma_wait3A_689 = arith.constant 368 : i32
    %dma_wait3A_690 = tpu.memref_slice %arg5[%dma_wait3A_688, %dma_wait3A_689] : memref<32x2560xf32, #tpu.memory_space<vmem>> -> memref<32x2048xf32, #tpu.memory_space<vmem>>
    tpu.wait_dma2 semaphore(%arg6 : memref<!tpu.dma_semaphore, #tpu.memory_space<semaphore_mem>>) src(%dma_wait3A_690 : memref<32x2048xf32, #tpu.memory_space<vmem>>) dst(%dma_wait3A_687 : memref<32x2048xf32, #tpu.memory_space<hbm>>)
    %add3A_691 = arith.constant 208 : i32
    %add3A_692 = arith.addi %add3A_22, %add3A_691 : i32
    %dma_start3A_693 = arith.constant 0 : i32
    %dma_start3A_694 = arith.constant 296 : i32
    %dma_start3A_695 = tpu.memref_slice %arg5[%dma_start3A_693, %dma_start3A_694] : memref<32x2560xf32, #tpu.memory_space<vmem>> -> memref<32x2048xf32, #tpu.memory_space<vmem>>
    %dma_start3A_696 = arith.constant 0 : i32
    %dma_start3A_697 = arith.constant 0 : i32
    %dma_start3A_698 = tpu.memref_slice %arg3[%add3A_692, %dma_start3A_696, %dma_start3A_697] : memref<2048x32x2048xf32, #tpu.memory_space<hbm>> -> memref<1x32x2048xf32, #tpu.memory_space<hbm>>
    %dma_start3A_699 = tpu.memref_squeeze %dma_start3A_698 : memref<1x32x2048xf32, #tpu.memory_space<hbm>> -> memref<32x2048xf32, #tpu.memory_space<hbm>>
    %dma_start3A_700 = arith.constant 0 : i32
    %dma_start3A_701 = arith.constant 0 : i32
    %dma_start3A_702 = tpu.memref_slice %arg3[%add3A_692, %dma_start3A_700, %dma_start3A_701] : memref<2048x32x2048xf32, #tpu.memory_space<hbm>> -> memref<1x32x2048xf32, #tpu.memory_space<hbm>>
    %dma_start3A_703 = tpu.memref_squeeze %dma_start3A_702 : memref<1x32x2048xf32, #tpu.memory_space<hbm>> -> memref<32x2048xf32, #tpu.memory_space<hbm>>
    %dma_start3A_704 = arith.constant 0 : i32
    %dma_start3A_705 = arith.constant 296 : i32
    %dma_start3A_706 = tpu.memref_slice %arg5[%dma_start3A_704, %dma_start3A_705] : memref<32x2560xf32, #tpu.memory_space<vmem>> -> memref<32x2048xf32, #tpu.memory_space<vmem>>
    tpu.enqueue_dma source(%dma_start3A_706 : memref<32x2048xf32, #tpu.memory_space<vmem>>) target(%dma_start3A_703 : memref<32x2048xf32, #tpu.memory_space<hbm>>) target_semaphore(%arg6 : memref<!tpu.dma_semaphore, #tpu.memory_space<semaphore_mem>>)
    %dma_wait3A_707 = arith.constant 0 : i32
    %dma_wait3A_708 = arith.constant 360 : i32
    %dma_wait3A_709 = tpu.memref_slice %arg5[%dma_wait3A_707, %dma_wait3A_708] : memref<32x2560xf32, #tpu.memory_space<vmem>> -> memref<32x2048xf32, #tpu.memory_space<vmem>>
    %dma_wait3A_710 = arith.constant 0 : i32
    %dma_wait3A_711 = arith.constant 0 : i32
    %dma_wait3A_712 = tpu.memref_slice %arg3[%add3A_452, %dma_wait3A_710, %dma_wait3A_711] : memref<2048x32x2048xf32, #tpu.memory_space<hbm>> -> memref<1x32x2048xf32, #tpu.memory_space<hbm>>
    %dma_wait3A_713 = tpu.memref_squeeze %dma_wait3A_712 : memref<1x32x2048xf32, #tpu.memory_space<hbm>> -> memref<32x2048xf32, #tpu.memory_space<hbm>>
    %dma_wait3A_714 = arith.constant 0 : i32
    %dma_wait3A_715 = arith.constant 0 : i32
    %dma_wait3A_716 = tpu.memref_slice %arg3[%add3A_452, %dma_wait3A_714, %dma_wait3A_715] : memref<2048x32x2048xf32, #tpu.memory_space<hbm>> -> memref<1x32x2048xf32, #tpu.memory_space<hbm>>
    %dma_wait3A_717 = tpu.memref_squeeze %dma_wait3A_716 : memref<1x32x2048xf32, #tpu.memory_space<hbm>> -> memref<32x2048xf32, #tpu.memory_space<hbm>>
    %dma_wait3A_718 = arith.constant 0 : i32
    %dma_wait3A_719 = arith.constant 360 : i32
    %dma_wait3A_720 = tpu.memref_slice %arg5[%dma_wait3A_718, %dma_wait3A_719] : memref<32x2560xf32, #tpu.memory_space<vmem>> -> memref<32x2048xf32, #tpu.memory_space<vmem>>
    tpu.wait_dma2 semaphore(%arg6 : memref<!tpu.dma_semaphore, #tpu.memory_space<semaphore_mem>>) src(%dma_wait3A_720 : memref<32x2048xf32, #tpu.memory_space<vmem>>) dst(%dma_wait3A_717 : memref<32x2048xf32, #tpu.memory_space<hbm>>)
    %add3A_721 = arith.constant 216 : i32
    %add3A_722 = arith.addi %add3A_22, %add3A_721 : i32
    %dma_start3A_723 = arith.constant 0 : i32
    %dma_start3A_724 = arith.constant 288 : i32
    %dma_start3A_725 = tpu.memref_slice %arg5[%dma_start3A_723, %dma_start3A_724] : memref<32x2560xf32, #tpu.memory_space<vmem>> -> memref<32x2048xf32, #tpu.memory_space<vmem>>
    %dma_start3A_726 = arith.constant 0 : i32
    %dma_start3A_727 = arith.constant 0 : i32
    %dma_start3A_728 = tpu.memref_slice %arg3[%add3A_722, %dma_start3A_726, %dma_start3A_727] : memref<2048x32x2048xf32, #tpu.memory_space<hbm>> -> memref<1x32x2048xf32, #tpu.memory_space<hbm>>
    %dma_start3A_729 = tpu.memref_squeeze %dma_start3A_728 : memref<1x32x2048xf32, #tpu.memory_space<hbm>> -> memref<32x2048xf32, #tpu.memory_space<hbm>>
    %dma_start3A_730 = arith.constant 0 : i32
    %dma_start3A_731 = arith.constant 0 : i32
    %dma_start3A_732 = tpu.memref_slice %arg3[%add3A_722, %dma_start3A_730, %dma_start3A_731] : memref<2048x32x2048xf32, #tpu.memory_space<hbm>> -> memref<1x32x2048xf32, #tpu.memory_space<hbm>>
    %dma_start3A_733 = tpu.memref_squeeze %dma_start3A_732 : memref<1x32x2048xf32, #tpu.memory_space<hbm>> -> memref<32x2048xf32, #tpu.memory_space<hbm>>
    %dma_start3A_734 = arith.constant 0 : i32
    %dma_start3A_735 = arith.constant 288 : i32
    %dma_start3A_736 = tpu.memref_slice %arg5[%dma_start3A_734, %dma_start3A_735] : memref<32x2560xf32, #tpu.memory_space<vmem>> -> memref<32x2048xf32, #tpu.memory_space<vmem>>
    tpu.enqueue_dma source(%dma_start3A_736 : memref<32x2048xf32, #tpu.memory_space<vmem>>) target(%dma_start3A_733 : memref<32x2048xf32, #tpu.memory_space<hbm>>) target_semaphore(%arg6 : memref<!tpu.dma_semaphore, #tpu.memory_space<semaphore_mem>>)
    %dma_wait3A_737 = arith.constant 0 : i32
    %dma_wait3A_738 = arith.constant 352 : i32
    %dma_wait3A_739 = tpu.memref_slice %arg5[%dma_wait3A_737, %dma_wait3A_738] : memref<32x2560xf32, #tpu.memory_space<vmem>> -> memref<32x2048xf32, #tpu.memory_space<vmem>>
    %dma_wait3A_740 = arith.constant 0 : i32
    %dma_wait3A_741 = arith.constant 0 : i32
    %dma_wait3A_742 = tpu.memref_slice %arg3[%add3A_482, %dma_wait3A_740, %dma_wait3A_741] : memref<2048x32x2048xf32, #tpu.memory_space<hbm>> -> memref<1x32x2048xf32, #tpu.memory_space<hbm>>
    %dma_wait3A_743 = tpu.memref_squeeze %dma_wait3A_742 : memref<1x32x2048xf32, #tpu.memory_space<hbm>> -> memref<32x2048xf32, #tpu.memory_space<hbm>>
    %dma_wait3A_744 = arith.constant 0 : i32
    %dma_wait3A_745 = arith.constant 0 : i32
    %dma_wait3A_746 = tpu.memref_slice %arg3[%add3A_482, %dma_wait3A_744, %dma_wait3A_745] : memref<2048x32x2048xf32, #tpu.memory_space<hbm>> -> memref<1x32x2048xf32, #tpu.memory_space<hbm>>
    %dma_wait3A_747 = tpu.memref_squeeze %dma_wait3A_746 : memref<1x32x2048xf32, #tpu.memory_space<hbm>> -> memref<32x2048xf32, #tpu.memory_space<hbm>>
    %dma_wait3A_748 = arith.constant 0 : i32
    %dma_wait3A_749 = arith.constant 352 : i32
    %dma_wait3A_750 = tpu.memref_slice %arg5[%dma_wait3A_748, %dma_wait3A_749] : memref<32x2560xf32, #tpu.memory_space<vmem>> -> memref<32x2048xf32, #tpu.memory_space<vmem>>
    tpu.wait_dma2 semaphore(%arg6 : memref<!tpu.dma_semaphore, #tpu.memory_space<semaphore_mem>>) src(%dma_wait3A_750 : memref<32x2048xf32, #tpu.memory_space<vmem>>) dst(%dma_wait3A_747 : memref<32x2048xf32, #tpu.memory_space<hbm>>)
    %add3A_751 = arith.constant 224 : i32
    %add3A_752 = arith.addi %add3A_22, %add3A_751 : i32
    %dma_start3A_753 = arith.constant 0 : i32
    %dma_start3A_754 = arith.constant 280 : i32
    %dma_start3A_755 = tpu.memref_slice %arg5[%dma_start3A_753, %dma_start3A_754] : memref<32x2560xf32, #tpu.memory_space<vmem>> -> memref<32x2048xf32, #tpu.memory_space<vmem>>
    %dma_start3A_756 = arith.constant 0 : i32
    %dma_start3A_757 = arith.constant 0 : i32
    %dma_start3A_758 = tpu.memref_slice %arg3[%add3A_752, %dma_start3A_756, %dma_start3A_757] : memref<2048x32x2048xf32, #tpu.memory_space<hbm>> -> memref<1x32x2048xf32, #tpu.memory_space<hbm>>
    %dma_start3A_759 = tpu.memref_squeeze %dma_start3A_758 : memref<1x32x2048xf32, #tpu.memory_space<hbm>> -> memref<32x2048xf32, #tpu.memory_space<hbm>>
    %dma_start3A_760 = arith.constant 0 : i32
    %dma_start3A_761 = arith.constant 0 : i32
    %dma_start3A_762 = tpu.memref_slice %arg3[%add3A_752, %dma_start3A_760, %dma_start3A_761] : memref<2048x32x2048xf32, #tpu.memory_space<hbm>> -> memref<1x32x2048xf32, #tpu.memory_space<hbm>>
    %dma_start3A_763 = tpu.memref_squeeze %dma_start3A_762 : memref<1x32x2048xf32, #tpu.memory_space<hbm>> -> memref<32x2048xf32, #tpu.memory_space<hbm>>
    %dma_start3A_764 = arith.constant 0 : i32
    %dma_start3A_765 = arith.constant 280 : i32
    %dma_start3A_766 = tpu.memref_slice %arg5[%dma_start3A_764, %dma_start3A_765] : memref<32x2560xf32, #tpu.memory_space<vmem>> -> memref<32x2048xf32, #tpu.memory_space<vmem>>
    tpu.enqueue_dma source(%dma_start3A_766 : memref<32x2048xf32, #tpu.memory_space<vmem>>) target(%dma_start3A_763 : memref<32x2048xf32, #tpu.memory_space<hbm>>) target_semaphore(%arg6 : memref<!tpu.dma_semaphore, #tpu.memory_space<semaphore_mem>>)
    %dma_wait3A_767 = arith.constant 0 : i32
    %dma_wait3A_768 = arith.constant 344 : i32
    %dma_wait3A_769 = tpu.memref_slice %arg5[%dma_wait3A_767, %dma_wait3A_768] : memref<32x2560xf32, #tpu.memory_space<vmem>> -> memref<32x2048xf32, #tpu.memory_space<vmem>>
    %dma_wait3A_770 = arith.constant 0 : i32
    %dma_wait3A_771 = arith.constant 0 : i32
    %dma_wait3A_772 = tpu.memref_slice %arg3[%add3A_512, %dma_wait3A_770, %dma_wait3A_771] : memref<2048x32x2048xf32, #tpu.memory_space<hbm>> -> memref<1x32x2048xf32, #tpu.memory_space<hbm>>
    %dma_wait3A_773 = tpu.memref_squeeze %dma_wait3A_772 : memref<1x32x2048xf32, #tpu.memory_space<hbm>> -> memref<32x2048xf32, #tpu.memory_space<hbm>>
    %dma_wait3A_774 = arith.constant 0 : i32
    %dma_wait3A_775 = arith.constant 0 : i32
    %dma_wait3A_776 = tpu.memref_slice %arg3[%add3A_512, %dma_wait3A_774, %dma_wait3A_775] : memref<2048x32x2048xf32, #tpu.memory_space<hbm>> -> memref<1x32x2048xf32, #tpu.memory_space<hbm>>
    %dma_wait3A_777 = tpu.memref_squeeze %dma_wait3A_776 : memref<1x32x2048xf32, #tpu.memory_space<hbm>> -> memref<32x2048xf32, #tpu.memory_space<hbm>>
    %dma_wait3A_778 = arith.constant 0 : i32
    %dma_wait3A_779 = arith.constant 344 : i32
    %dma_wait3A_780 = tpu.memref_slice %arg5[%dma_wait3A_778, %dma_wait3A_779] : memref<32x2560xf32, #tpu.memory_space<vmem>> -> memref<32x2048xf32, #tpu.memory_space<vmem>>
    tpu.wait_dma2 semaphore(%arg6 : memref<!tpu.dma_semaphore, #tpu.memory_space<semaphore_mem>>) src(%dma_wait3A_780 : memref<32x2048xf32, #tpu.memory_space<vmem>>) dst(%dma_wait3A_777 : memref<32x2048xf32, #tpu.memory_space<hbm>>)
    %add3A_781 = arith.constant 232 : i32
    %add3A_782 = arith.addi %add3A_22, %add3A_781 : i32
    %dma_start3A_783 = arith.constant 0 : i32
    %dma_start3A_784 = arith.constant 272 : i32
    %dma_start3A_785 = tpu.memref_slice %arg5[%dma_start3A_783, %dma_start3A_784] : memref<32x2560xf32, #tpu.memory_space<vmem>> -> memref<32x2048xf32, #tpu.memory_space<vmem>>
    %dma_start3A_786 = arith.constant 0 : i32
    %dma_start3A_787 = arith.constant 0 : i32
    %dma_start3A_788 = tpu.memref_slice %arg3[%add3A_782, %dma_start3A_786, %dma_start3A_787] : memref<2048x32x2048xf32, #tpu.memory_space<hbm>> -> memref<1x32x2048xf32, #tpu.memory_space<hbm>>
    %dma_start3A_789 = tpu.memref_squeeze %dma_start3A_788 : memref<1x32x2048xf32, #tpu.memory_space<hbm>> -> memref<32x2048xf32, #tpu.memory_space<hbm>>
    %dma_start3A_790 = arith.constant 0 : i32
    %dma_start3A_791 = arith.constant 0 : i32
    %dma_start3A_792 = tpu.memref_slice %arg3[%add3A_782, %dma_start3A_790, %dma_start3A_791] : memref<2048x32x2048xf32, #tpu.memory_space<hbm>> -> memref<1x32x2048xf32, #tpu.memory_space<hbm>>
    %dma_start3A_793 = tpu.memref_squeeze %dma_start3A_792 : memref<1x32x2048xf32, #tpu.memory_space<hbm>> -> memref<32x2048xf32, #tpu.memory_space<hbm>>
    %dma_start3A_794 = arith.constant 0 : i32
    %dma_start3A_795 = arith.constant 272 : i32
    %dma_start3A_796 = tpu.memref_slice %arg5[%dma_start3A_794, %dma_start3A_795] : memref<32x2560xf32, #tpu.memory_space<vmem>> -> memref<32x2048xf32, #tpu.memory_space<vmem>>
    tpu.enqueue_dma source(%dma_start3A_796 : memref<32x2048xf32, #tpu.memory_space<vmem>>) target(%dma_start3A_793 : memref<32x2048xf32, #tpu.memory_space<hbm>>) target_semaphore(%arg6 : memref<!tpu.dma_semaphore, #tpu.memory_space<semaphore_mem>>)
    %dma_wait3A_797 = arith.constant 0 : i32
    %dma_wait3A_798 = arith.constant 336 : i32
    %dma_wait3A_799 = tpu.memref_slice %arg5[%dma_wait3A_797, %dma_wait3A_798] : memref<32x2560xf32, #tpu.memory_space<vmem>> -> memref<32x2048xf32, #tpu.memory_space<vmem>>
    %dma_wait3A_800 = arith.constant 0 : i32
    %dma_wait3A_801 = arith.constant 0 : i32
    %dma_wait3A_802 = tpu.memref_slice %arg3[%add3A_542, %dma_wait3A_800, %dma_wait3A_801] : memref<2048x32x2048xf32, #tpu.memory_space<hbm>> -> memref<1x32x2048xf32, #tpu.memory_space<hbm>>
    %dma_wait3A_803 = tpu.memref_squeeze %dma_wait3A_802 : memref<1x32x2048xf32, #tpu.memory_space<hbm>> -> memref<32x2048xf32, #tpu.memory_space<hbm>>
    %dma_wait3A_804 = arith.constant 0 : i32
    %dma_wait3A_805 = arith.constant 0 : i32
    %dma_wait3A_806 = tpu.memref_slice %arg3[%add3A_542, %dma_wait3A_804, %dma_wait3A_805] : memref<2048x32x2048xf32, #tpu.memory_space<hbm>> -> memref<1x32x2048xf32, #tpu.memory_space<hbm>>
    %dma_wait3A_807 = tpu.memref_squeeze %dma_wait3A_806 : memref<1x32x2048xf32, #tpu.memory_space<hbm>> -> memref<32x2048xf32, #tpu.memory_space<hbm>>
    %dma_wait3A_808 = arith.constant 0 : i32
    %dma_wait3A_809 = arith.constant 336 : i32
    %dma_wait3A_810 = tpu.memref_slice %arg5[%dma_wait3A_808, %dma_wait3A_809] : memref<32x2560xf32, #tpu.memory_space<vmem>> -> memref<32x2048xf32, #tpu.memory_space<vmem>>
    tpu.wait_dma2 semaphore(%arg6 : memref<!tpu.dma_semaphore, #tpu.memory_space<semaphore_mem>>) src(%dma_wait3A_810 : memref<32x2048xf32, #tpu.memory_space<vmem>>) dst(%dma_wait3A_807 : memref<32x2048xf32, #tpu.memory_space<hbm>>)
    %add3A_811 = arith.constant 240 : i32
    %add3A_812 = arith.addi %add3A_22, %add3A_811 : i32
    %dma_start3A_813 = arith.constant 0 : i32
    %dma_start3A_814 = arith.constant 264 : i32
    %dma_start3A_815 = tpu.memref_slice %arg5[%dma_start3A_813, %dma_start3A_814] : memref<32x2560xf32, #tpu.memory_space<vmem>> -> memref<32x2048xf32, #tpu.memory_space<vmem>>
    %dma_start3A_816 = arith.constant 0 : i32
    %dma_start3A_817 = arith.constant 0 : i32
    %dma_start3A_818 = tpu.memref_slice %arg3[%add3A_812, %dma_start3A_816, %dma_start3A_817] : memref<2048x32x2048xf32, #tpu.memory_space<hbm>> -> memref<1x32x2048xf32, #tpu.memory_space<hbm>>
    %dma_start3A_819 = tpu.memref_squeeze %dma_start3A_818 : memref<1x32x2048xf32, #tpu.memory_space<hbm>> -> memref<32x2048xf32, #tpu.memory_space<hbm>>
    %dma_start3A_820 = arith.constant 0 : i32
    %dma_start3A_821 = arith.constant 0 : i32
    %dma_start3A_822 = tpu.memref_slice %arg3[%add3A_812, %dma_start3A_820, %dma_start3A_821] : memref<2048x32x2048xf32, #tpu.memory_space<hbm>> -> memref<1x32x2048xf32, #tpu.memory_space<hbm>>
    %dma_start3A_823 = tpu.memref_squeeze %dma_start3A_822 : memref<1x32x2048xf32, #tpu.memory_space<hbm>> -> memref<32x2048xf32, #tpu.memory_space<hbm>>
    %dma_start3A_824 = arith.constant 0 : i32
    %dma_start3A_825 = arith.constant 264 : i32
    %dma_start3A_826 = tpu.memref_slice %arg5[%dma_start3A_824, %dma_start3A_825] : memref<32x2560xf32, #tpu.memory_space<vmem>> -> memref<32x2048xf32, #tpu.memory_space<vmem>>
    tpu.enqueue_dma source(%dma_start3A_826 : memref<32x2048xf32, #tpu.memory_space<vmem>>) target(%dma_start3A_823 : memref<32x2048xf32, #tpu.memory_space<hbm>>) target_semaphore(%arg6 : memref<!tpu.dma_semaphore, #tpu.memory_space<semaphore_mem>>)
    %dma_wait3A_827 = arith.constant 0 : i32
    %dma_wait3A_828 = arith.constant 328 : i32
    %dma_wait3A_829 = tpu.memref_slice %arg5[%dma_wait3A_827, %dma_wait3A_828] : memref<32x2560xf32, #tpu.memory_space<vmem>> -> memref<32x2048xf32, #tpu.memory_space<vmem>>
    %dma_wait3A_830 = arith.constant 0 : i32
    %dma_wait3A_831 = arith.constant 0 : i32
    %dma_wait3A_832 = tpu.memref_slice %arg3[%add3A_572, %dma_wait3A_830, %dma_wait3A_831] : memref<2048x32x2048xf32, #tpu.memory_space<hbm>> -> memref<1x32x2048xf32, #tpu.memory_space<hbm>>
    %dma_wait3A_833 = tpu.memref_squeeze %dma_wait3A_832 : memref<1x32x2048xf32, #tpu.memory_space<hbm>> -> memref<32x2048xf32, #tpu.memory_space<hbm>>
    %dma_wait3A_834 = arith.constant 0 : i32
    %dma_wait3A_835 = arith.constant 0 : i32
    %dma_wait3A_836 = tpu.memref_slice %arg3[%add3A_572, %dma_wait3A_834, %dma_wait3A_835] : memref<2048x32x2048xf32, #tpu.memory_space<hbm>> -> memref<1x32x2048xf32, #tpu.memory_space<hbm>>
    %dma_wait3A_837 = tpu.memref_squeeze %dma_wait3A_836 : memref<1x32x2048xf32, #tpu.memory_space<hbm>> -> memref<32x2048xf32, #tpu.memory_space<hbm>>
    %dma_wait3A_838 = arith.constant 0 : i32
    %dma_wait3A_839 = arith.constant 328 : i32
    %dma_wait3A_840 = tpu.memref_slice %arg5[%dma_wait3A_838, %dma_wait3A_839] : memref<32x2560xf32, #tpu.memory_space<vmem>> -> memref<32x2048xf32, #tpu.memory_space<vmem>>
    tpu.wait_dma2 semaphore(%arg6 : memref<!tpu.dma_semaphore, #tpu.memory_space<semaphore_mem>>) src(%dma_wait3A_840 : memref<32x2048xf32, #tpu.memory_space<vmem>>) dst(%dma_wait3A_837 : memref<32x2048xf32, #tpu.memory_space<hbm>>)
    %add3A_841 = arith.constant 248 : i32
    %add3A_842 = arith.addi %add3A_22, %add3A_841 : i32
    %dma_start3A_843 = arith.constant 0 : i32
    %dma_start3A_844 = arith.constant 256 : i32
    %dma_start3A_845 = tpu.memref_slice %arg5[%dma_start3A_843, %dma_start3A_844] : memref<32x2560xf32, #tpu.memory_space<vmem>> -> memref<32x2048xf32, #tpu.memory_space<vmem>>
    %dma_start3A_846 = arith.constant 0 : i32
    %dma_start3A_847 = arith.constant 0 : i32
    %dma_start3A_848 = tpu.memref_slice %arg3[%add3A_842, %dma_start3A_846, %dma_start3A_847] : memref<2048x32x2048xf32, #tpu.memory_space<hbm>> -> memref<1x32x2048xf32, #tpu.memory_space<hbm>>
    %dma_start3A_849 = tpu.memref_squeeze %dma_start3A_848 : memref<1x32x2048xf32, #tpu.memory_space<hbm>> -> memref<32x2048xf32, #tpu.memory_space<hbm>>
    %dma_start3A_850 = arith.constant 0 : i32
    %dma_start3A_851 = arith.constant 0 : i32
    %dma_start3A_852 = tpu.memref_slice %arg3[%add3A_842, %dma_start3A_850, %dma_start3A_851] : memref<2048x32x2048xf32, #tpu.memory_space<hbm>> -> memref<1x32x2048xf32, #tpu.memory_space<hbm>>
    %dma_start3A_853 = tpu.memref_squeeze %dma_start3A_852 : memref<1x32x2048xf32, #tpu.memory_space<hbm>> -> memref<32x2048xf32, #tpu.memory_space<hbm>>
    %dma_start3A_854 = arith.constant 0 : i32
    %dma_start3A_855 = arith.constant 256 : i32
    %dma_start3A_856 = tpu.memref_slice %arg5[%dma_start3A_854, %dma_start3A_855] : memref<32x2560xf32, #tpu.memory_space<vmem>> -> memref<32x2048xf32, #tpu.memory_space<vmem>>
    tpu.enqueue_dma source(%dma_start3A_856 : memref<32x2048xf32, #tpu.memory_space<vmem>>) target(%dma_start3A_853 : memref<32x2048xf32, #tpu.memory_space<hbm>>) target_semaphore(%arg6 : memref<!tpu.dma_semaphore, #tpu.memory_space<semaphore_mem>>)
    %dma_wait3A_857 = arith.constant 0 : i32
    %dma_wait3A_858 = arith.constant 320 : i32
    %dma_wait3A_859 = tpu.memref_slice %arg5[%dma_wait3A_857, %dma_wait3A_858] : memref<32x2560xf32, #tpu.memory_space<vmem>> -> memref<32x2048xf32, #tpu.memory_space<vmem>>
    %dma_wait3A_860 = arith.constant 0 : i32
    %dma_wait3A_861 = arith.constant 0 : i32
    %dma_wait3A_862 = tpu.memref_slice %arg3[%add3A_602, %dma_wait3A_860, %dma_wait3A_861] : memref<2048x32x2048xf32, #tpu.memory_space<hbm>> -> memref<1x32x2048xf32, #tpu.memory_space<hbm>>
    %dma_wait3A_863 = tpu.memref_squeeze %dma_wait3A_862 : memref<1x32x2048xf32, #tpu.memory_space<hbm>> -> memref<32x2048xf32, #tpu.memory_space<hbm>>
    %dma_wait3A_864 = arith.constant 0 : i32
    %dma_wait3A_865 = arith.constant 0 : i32
    %dma_wait3A_866 = tpu.memref_slice %arg3[%add3A_602, %dma_wait3A_864, %dma_wait3A_865] : memref<2048x32x2048xf32, #tpu.memory_space<hbm>> -> memref<1x32x2048xf32, #tpu.memory_space<hbm>>
    %dma_wait3A_867 = tpu.memref_squeeze %dma_wait3A_866 : memref<1x32x2048xf32, #tpu.memory_space<hbm>> -> memref<32x2048xf32, #tpu.memory_space<hbm>>
    %dma_wait3A_868 = arith.constant 0 : i32
    %dma_wait3A_869 = arith.constant 320 : i32
    %dma_wait3A_870 = tpu.memref_slice %arg5[%dma_wait3A_868, %dma_wait3A_869] : memref<32x2560xf32, #tpu.memory_space<vmem>> -> memref<32x2048xf32, #tpu.memory_space<vmem>>
    tpu.wait_dma2 semaphore(%arg6 : memref<!tpu.dma_semaphore, #tpu.memory_space<semaphore_mem>>) src(%dma_wait3A_870 : memref<32x2048xf32, #tpu.memory_space<vmem>>) dst(%dma_wait3A_867 : memref<32x2048xf32, #tpu.memory_space<hbm>>)
    %add3A_871 = arith.constant 256 : i32
    %add3A_872 = arith.addi %add3A_22, %add3A_871 : i32
    %dma_start3A_873 = arith.constant 0 : i32
    %dma_start3A_874 = arith.constant 248 : i32
    %dma_start3A_875 = tpu.memref_slice %arg5[%dma_start3A_873, %dma_start3A_874] : memref<32x2560xf32, #tpu.memory_space<vmem>> -> memref<32x2048xf32, #tpu.memory_space<vmem>>
    %dma_start3A_876 = arith.constant 0 : i32
    %dma_start3A_877 = arith.constant 0 : i32
    %dma_start3A_878 = tpu.memref_slice %arg3[%add3A_872, %dma_start3A_876, %dma_start3A_877] : memref<2048x32x2048xf32, #tpu.memory_space<hbm>> -> memref<1x32x2048xf32, #tpu.memory_space<hbm>>
    %dma_start3A_879 = tpu.memref_squeeze %dma_start3A_878 : memref<1x32x2048xf32, #tpu.memory_space<hbm>> -> memref<32x2048xf32, #tpu.memory_space<hbm>>
    %dma_start3A_880 = arith.constant 0 : i32
    %dma_start3A_881 = arith.constant 0 : i32
    %dma_start3A_882 = tpu.memref_slice %arg3[%add3A_872, %dma_start3A_880, %dma_start3A_881] : memref<2048x32x2048xf32, #tpu.memory_space<hbm>> -> memref<1x32x2048xf32, #tpu.memory_space<hbm>>
    %dma_start3A_883 = tpu.memref_squeeze %dma_start3A_882 : memref<1x32x2048xf32, #tpu.memory_space<hbm>> -> memref<32x2048xf32, #tpu.memory_space<hbm>>
    %dma_start3A_884 = arith.constant 0 : i32
    %dma_start3A_885 = arith.constant 248 : i32
    %dma_start3A_886 = tpu.memref_slice %arg5[%dma_start3A_884, %dma_start3A_885] : memref<32x2560xf32, #tpu.memory_space<vmem>> -> memref<32x2048xf32, #tpu.memory_space<vmem>>
    tpu.enqueue_dma source(%dma_start3A_886 : memref<32x2048xf32, #tpu.memory_space<vmem>>) target(%dma_start3A_883 : memref<32x2048xf32, #tpu.memory_space<hbm>>) target_semaphore(%arg6 : memref<!tpu.dma_semaphore, #tpu.memory_space<semaphore_mem>>)
    %dma_wait3A_887 = arith.constant 0 : i32
    %dma_wait3A_888 = arith.constant 312 : i32
    %dma_wait3A_889 = tpu.memref_slice %arg5[%dma_wait3A_887, %dma_wait3A_888] : memref<32x2560xf32, #tpu.memory_space<vmem>> -> memref<32x2048xf32, #tpu.memory_space<vmem>>
    %dma_wait3A_890 = arith.constant 0 : i32
    %dma_wait3A_891 = arith.constant 0 : i32
    %dma_wait3A_892 = tpu.memref_slice %arg3[%add3A_632, %dma_wait3A_890, %dma_wait3A_891] : memref<2048x32x2048xf32, #tpu.memory_space<hbm>> -> memref<1x32x2048xf32, #tpu.memory_space<hbm>>
    %dma_wait3A_893 = tpu.memref_squeeze %dma_wait3A_892 : memref<1x32x2048xf32, #tpu.memory_space<hbm>> -> memref<32x2048xf32, #tpu.memory_space<hbm>>
    %dma_wait3A_894 = arith.constant 0 : i32
    %dma_wait3A_895 = arith.constant 0 : i32
    %dma_wait3A_896 = tpu.memref_slice %arg3[%add3A_632, %dma_wait3A_894, %dma_wait3A_895] : memref<2048x32x2048xf32, #tpu.memory_space<hbm>> -> memref<1x32x2048xf32, #tpu.memory_space<hbm>>
    %dma_wait3A_897 = tpu.memref_squeeze %dma_wait3A_896 : memref<1x32x2048xf32, #tpu.memory_space<hbm>> -> memref<32x2048xf32, #tpu.memory_space<hbm>>
    %dma_wait3A_898 = arith.constant 0 : i32
    %dma_wait3A_899 = arith.constant 312 : i32
    %dma_wait3A_900 = tpu.memref_slice %arg5[%dma_wait3A_898, %dma_wait3A_899] : memref<32x2560xf32, #tpu.memory_space<vmem>> -> memref<32x2048xf32, #tpu.memory_space<vmem>>
    tpu.wait_dma2 semaphore(%arg6 : memref<!tpu.dma_semaphore, #tpu.memory_space<semaphore_mem>>) src(%dma_wait3A_900 : memref<32x2048xf32, #tpu.memory_space<vmem>>) dst(%dma_wait3A_897 : memref<32x2048xf32, #tpu.memory_space<hbm>>)
    %add3A_901 = arith.constant 264 : i32
    %add3A_902 = arith.addi %add3A_22, %add3A_901 : i32
    %dma_start3A_903 = arith.constant 0 : i32
    %dma_start3A_904 = arith.constant 240 : i32
    %dma_start3A_905 = tpu.memref_slice %arg5[%dma_start3A_903, %dma_start3A_904] : memref<32x2560xf32, #tpu.memory_space<vmem>> -> memref<32x2048xf32, #tpu.memory_space<vmem>>
    %dma_start3A_906 = arith.constant 0 : i32
    %dma_start3A_907 = arith.constant 0 : i32
    %dma_start3A_908 = tpu.memref_slice %arg3[%add3A_902, %dma_start3A_906, %dma_start3A_907] : memref<2048x32x2048xf32, #tpu.memory_space<hbm>> -> memref<1x32x2048xf32, #tpu.memory_space<hbm>>
    %dma_start3A_909 = tpu.memref_squeeze %dma_start3A_908 : memref<1x32x2048xf32, #tpu.memory_space<hbm>> -> memref<32x2048xf32, #tpu.memory_space<hbm>>
    %dma_start3A_910 = arith.constant 0 : i32
    %dma_start3A_911 = arith.constant 0 : i32
    %dma_start3A_912 = tpu.memref_slice %arg3[%add3A_902, %dma_start3A_910, %dma_start3A_911] : memref<2048x32x2048xf32, #tpu.memory_space<hbm>> -> memref<1x32x2048xf32, #tpu.memory_space<hbm>>
    %dma_start3A_913 = tpu.memref_squeeze %dma_start3A_912 : memref<1x32x2048xf32, #tpu.memory_space<hbm>> -> memref<32x2048xf32, #tpu.memory_space<hbm>>
    %dma_start3A_914 = arith.constant 0 : i32
    %dma_start3A_915 = arith.constant 240 : i32
    %dma_start3A_916 = tpu.memref_slice %arg5[%dma_start3A_914, %dma_start3A_915] : memref<32x2560xf32, #tpu.memory_space<vmem>> -> memref<32x2048xf32, #tpu.memory_space<vmem>>
    tpu.enqueue_dma source(%dma_start3A_916 : memref<32x2048xf32, #tpu.memory_space<vmem>>) target(%dma_start3A_913 : memref<32x2048xf32, #tpu.memory_space<hbm>>) target_semaphore(%arg6 : memref<!tpu.dma_semaphore, #tpu.memory_space<semaphore_mem>>)
    %dma_wait3A_917 = arith.constant 0 : i32
    %dma_wait3A_918 = arith.constant 304 : i32
    %dma_wait3A_919 = tpu.memref_slice %arg5[%dma_wait3A_917, %dma_wait3A_918] : memref<32x2560xf32, #tpu.memory_space<vmem>> -> memref<32x2048xf32, #tpu.memory_space<vmem>>
    %dma_wait3A_920 = arith.constant 0 : i32
    %dma_wait3A_921 = arith.constant 0 : i32
    %dma_wait3A_922 = tpu.memref_slice %arg3[%add3A_662, %dma_wait3A_920, %dma_wait3A_921] : memref<2048x32x2048xf32, #tpu.memory_space<hbm>> -> memref<1x32x2048xf32, #tpu.memory_space<hbm>>
    %dma_wait3A_923 = tpu.memref_squeeze %dma_wait3A_922 : memref<1x32x2048xf32, #tpu.memory_space<hbm>> -> memref<32x2048xf32, #tpu.memory_space<hbm>>
    %dma_wait3A_924 = arith.constant 0 : i32
    %dma_wait3A_925 = arith.constant 0 : i32
    %dma_wait3A_926 = tpu.memref_slice %arg3[%add3A_662, %dma_wait3A_924, %dma_wait3A_925] : memref<2048x32x2048xf32, #tpu.memory_space<hbm>> -> memref<1x32x2048xf32, #tpu.memory_space<hbm>>
    %dma_wait3A_927 = tpu.memref_squeeze %dma_wait3A_926 : memref<1x32x2048xf32, #tpu.memory_space<hbm>> -> memref<32x2048xf32, #tpu.memory_space<hbm>>
    %dma_wait3A_928 = arith.constant 0 : i32
    %dma_wait3A_929 = arith.constant 304 : i32
    %dma_wait3A_930 = tpu.memref_slice %arg5[%dma_wait3A_928, %dma_wait3A_929] : memref<32x2560xf32, #tpu.memory_space<vmem>> -> memref<32x2048xf32, #tpu.memory_space<vmem>>
    tpu.wait_dma2 semaphore(%arg6 : memref<!tpu.dma_semaphore, #tpu.memory_space<semaphore_mem>>) src(%dma_wait3A_930 : memref<32x2048xf32, #tpu.memory_space<vmem>>) dst(%dma_wait3A_927 : memref<32x2048xf32, #tpu.memory_space<hbm>>)
    %add3A_931 = arith.constant 272 : i32
    %add3A_932 = arith.addi %add3A_22, %add3A_931 : i32
    %dma_start3A_933 = arith.constant 0 : i32
    %dma_start3A_934 = arith.constant 232 : i32
    %dma_start3A_935 = tpu.memref_slice %arg5[%dma_start3A_933, %dma_start3A_934] : memref<32x2560xf32, #tpu.memory_space<vmem>> -> memref<32x2048xf32, #tpu.memory_space<vmem>>
    %dma_start3A_936 = arith.constant 0 : i32
    %dma_start3A_937 = arith.constant 0 : i32
    %dma_start3A_938 = tpu.memref_slice %arg3[%add3A_932, %dma_start3A_936, %dma_start3A_937] : memref<2048x32x2048xf32, #tpu.memory_space<hbm>> -> memref<1x32x2048xf32, #tpu.memory_space<hbm>>
    %dma_start3A_939 = tpu.memref_squeeze %dma_start3A_938 : memref<1x32x2048xf32, #tpu.memory_space<hbm>> -> memref<32x2048xf32, #tpu.memory_space<hbm>>
    %dma_start3A_940 = arith.constant 0 : i32
    %dma_start3A_941 = arith.constant 0 : i32
    %dma_start3A_942 = tpu.memref_slice %arg3[%add3A_932, %dma_start3A_940, %dma_start3A_941] : memref<2048x32x2048xf32, #tpu.memory_space<hbm>> -> memref<1x32x2048xf32, #tpu.memory_space<hbm>>
    %dma_start3A_943 = tpu.memref_squeeze %dma_start3A_942 : memref<1x32x2048xf32, #tpu.memory_space<hbm>> -> memref<32x2048xf32, #tpu.memory_space<hbm>>
    %dma_start3A_944 = arith.constant 0 : i32
    %dma_start3A_945 = arith.constant 232 : i32
    %dma_start3A_946 = tpu.memref_slice %arg5[%dma_start3A_944, %dma_start3A_945] : memref<32x2560xf32, #tpu.memory_space<vmem>> -> memref<32x2048xf32, #tpu.memory_space<vmem>>
    tpu.enqueue_dma source(%dma_start3A_946 : memref<32x2048xf32, #tpu.memory_space<vmem>>) target(%dma_start3A_943 : memref<32x2048xf32, #tpu.memory_space<hbm>>) target_semaphore(%arg6 : memref<!tpu.dma_semaphore, #tpu.memory_space<semaphore_mem>>)
    %dma_wait3A_947 = arith.constant 0 : i32
    %dma_wait3A_948 = arith.constant 296 : i32
    %dma_wait3A_949 = tpu.memref_slice %arg5[%dma_wait3A_947, %dma_wait3A_948] : memref<32x2560xf32, #tpu.memory_space<vmem>> -> memref<32x2048xf32, #tpu.memory_space<vmem>>
    %dma_wait3A_950 = arith.constant 0 : i32
    %dma_wait3A_951 = arith.constant 0 : i32
    %dma_wait3A_952 = tpu.memref_slice %arg3[%add3A_692, %dma_wait3A_950, %dma_wait3A_951] : memref<2048x32x2048xf32, #tpu.memory_space<hbm>> -> memref<1x32x2048xf32, #tpu.memory_space<hbm>>
    %dma_wait3A_953 = tpu.memref_squeeze %dma_wait3A_952 : memref<1x32x2048xf32, #tpu.memory_space<hbm>> -> memref<32x2048xf32, #tpu.memory_space<hbm>>
    %dma_wait3A_954 = arith.constant 0 : i32
    %dma_wait3A_955 = arith.constant 0 : i32
    %dma_wait3A_956 = tpu.memref_slice %arg3[%add3A_692, %dma_wait3A_954, %dma_wait3A_955] : memref<2048x32x2048xf32, #tpu.memory_space<hbm>> -> memref<1x32x2048xf32, #tpu.memory_space<hbm>>
    %dma_wait3A_957 = tpu.memref_squeeze %dma_wait3A_956 : memref<1x32x2048xf32, #tpu.memory_space<hbm>> -> memref<32x2048xf32, #tpu.memory_space<hbm>>
    %dma_wait3A_958 = arith.constant 0 : i32
    %dma_wait3A_959 = arith.constant 296 : i32
    %dma_wait3A_960 = tpu.memref_slice %arg5[%dma_wait3A_958, %dma_wait3A_959] : memref<32x2560xf32, #tpu.memory_space<vmem>> -> memref<32x2048xf32, #tpu.memory_space<vmem>>
    tpu.wait_dma2 semaphore(%arg6 : memref<!tpu.dma_semaphore, #tpu.memory_space<semaphore_mem>>) src(%dma_wait3A_960 : memref<32x2048xf32, #tpu.memory_space<vmem>>) dst(%dma_wait3A_957 : memref<32x2048xf32, #tpu.memory_space<hbm>>)
    %add3A_961 = arith.constant 280 : i32
    %add3A_962 = arith.addi %add3A_22, %add3A_961 : i32
    %dma_start3A_963 = arith.constant 0 : i32
    %dma_start3A_964 = arith.constant 224 : i32
    %dma_start3A_965 = tpu.memref_slice %arg5[%dma_start3A_963, %dma_start3A_964] : memref<32x2560xf32, #tpu.memory_space<vmem>> -> memref<32x2048xf32, #tpu.memory_space<vmem>>
    %dma_start3A_966 = arith.constant 0 : i32
    %dma_start3A_967 = arith.constant 0 : i32
    %dma_start3A_968 = tpu.memref_slice %arg3[%add3A_962, %dma_start3A_966, %dma_start3A_967] : memref<2048x32x2048xf32, #tpu.memory_space<hbm>> -> memref<1x32x2048xf32, #tpu.memory_space<hbm>>
    %dma_start3A_969 = tpu.memref_squeeze %dma_start3A_968 : memref<1x32x2048xf32, #tpu.memory_space<hbm>> -> memref<32x2048xf32, #tpu.memory_space<hbm>>
    %dma_start3A_970 = arith.constant 0 : i32
    %dma_start3A_971 = arith.constant 0 : i32
    %dma_start3A_972 = tpu.memref_slice %arg3[%add3A_962, %dma_start3A_970, %dma_start3A_971] : memref<2048x32x2048xf32, #tpu.memory_space<hbm>> -> memref<1x32x2048xf32, #tpu.memory_space<hbm>>
    %dma_start3A_973 = tpu.memref_squeeze %dma_start3A_972 : memref<1x32x2048xf32, #tpu.memory_space<hbm>> -> memref<32x2048xf32, #tpu.memory_space<hbm>>
    %dma_start3A_974 = arith.constant 0 : i32
    %dma_start3A_975 = arith.constant 224 : i32
    %dma_start3A_976 = tpu.memref_slice %arg5[%dma_start3A_974, %dma_start3A_975] : memref<32x2560xf32, #tpu.memory_space<vmem>> -> memref<32x2048xf32, #tpu.memory_space<vmem>>
    tpu.enqueue_dma source(%dma_start3A_976 : memref<32x2048xf32, #tpu.memory_space<vmem>>) target(%dma_start3A_973 : memref<32x2048xf32, #tpu.memory_space<hbm>>) target_semaphore(%arg6 : memref<!tpu.dma_semaphore, #tpu.memory_space<semaphore_mem>>)
    %dma_wait3A_977 = arith.constant 0 : i32
    %dma_wait3A_978 = arith.constant 288 : i32
    %dma_wait3A_979 = tpu.memref_slice %arg5[%dma_wait3A_977, %dma_wait3A_978] : memref<32x2560xf32, #tpu.memory_space<vmem>> -> memref<32x2048xf32, #tpu.memory_space<vmem>>
    %dma_wait3A_980 = arith.constant 0 : i32
    %dma_wait3A_981 = arith.constant 0 : i32
    %dma_wait3A_982 = tpu.memref_slice %arg3[%add3A_722, %dma_wait3A_980, %dma_wait3A_981] : memref<2048x32x2048xf32, #tpu.memory_space<hbm>> -> memref<1x32x2048xf32, #tpu.memory_space<hbm>>
    %dma_wait3A_983 = tpu.memref_squeeze %dma_wait3A_982 : memref<1x32x2048xf32, #tpu.memory_space<hbm>> -> memref<32x2048xf32, #tpu.memory_space<hbm>>
    %dma_wait3A_984 = arith.constant 0 : i32
    %dma_wait3A_985 = arith.constant 0 : i32
    %dma_wait3A_986 = tpu.memref_slice %arg3[%add3A_722, %dma_wait3A_984, %dma_wait3A_985] : memref<2048x32x2048xf32, #tpu.memory_space<hbm>> -> memref<1x32x2048xf32, #tpu.memory_space<hbm>>
    %dma_wait3A_987 = tpu.memref_squeeze %dma_wait3A_986 : memref<1x32x2048xf32, #tpu.memory_space<hbm>> -> memref<32x2048xf32, #tpu.memory_space<hbm>>
    %dma_wait3A_988 = arith.constant 0 : i32
    %dma_wait3A_989 = arith.constant 288 : i32
    %dma_wait3A_990 = tpu.memref_slice %arg5[%dma_wait3A_988, %dma_wait3A_989] : memref<32x2560xf32, #tpu.memory_space<vmem>> -> memref<32x2048xf32, #tpu.memory_space<vmem>>
    tpu.wait_dma2 semaphore(%arg6 : memref<!tpu.dma_semaphore, #tpu.memory_space<semaphore_mem>>) src(%dma_wait3A_990 : memref<32x2048xf32, #tpu.memory_space<vmem>>) dst(%dma_wait3A_987 : memref<32x2048xf32, #tpu.memory_space<hbm>>)
    %add3A_991 = arith.constant 288 : i32
    %add3A_992 = arith.addi %add3A_22, %add3A_991 : i32
    %dma_start3A_993 = arith.constant 0 : i32
    %dma_start3A_994 = arith.constant 216 : i32
    %dma_start3A_995 = tpu.memref_slice %arg5[%dma_start3A_993, %dma_start3A_994] : memref<32x2560xf32, #tpu.memory_space<vmem>> -> memref<32x2048xf32, #tpu.memory_space<vmem>>
    %dma_start3A_996 = arith.constant 0 : i32
    %dma_start3A_997 = arith.constant 0 : i32
    %dma_start3A_998 = tpu.memref_slice %arg3[%add3A_992, %dma_start3A_996, %dma_start3A_997] : memref<2048x32x2048xf32, #tpu.memory_space<hbm>> -> memref<1x32x2048xf32, #tpu.memory_space<hbm>>
    %dma_start3A_999 = tpu.memref_squeeze %dma_start3A_998 : memref<1x32x2048xf32, #tpu.memory_space<hbm>> -> memref<32x2048xf32, #tpu.memory_space<hbm>>
    %dma_start3A_1000 = arith.constant 0 : i32
    %dma_start3A_1001 = arith.constant 0 : i32
    %dma_start3A_1002 = tpu.memref_slice %arg3[%add3A_992, %dma_start3A_1000, %dma_start3A_1001] : memref<2048x32x2048xf32, #tpu.memory_space<hbm>> -> memref<1x32x2048xf32, #tpu.memory_space<hbm>>
    %dma_start3A_1003 = tpu.memref_squeeze %dma_start3A_1002 : memref<1x32x2048xf32, #tpu.memory_space<hbm>> -> memref<32x2048xf32, #tpu.memory_space<hbm>>
    %dma_start3A_1004 = arith.constant 0 : i32
    %dma_start3A_1005 = arith.constant 216 : i32
    %dma_start3A_1006 = tpu.memref_slice %arg5[%dma_start3A_1004, %dma_start3A_1005] : memref<32x2560xf32, #tpu.memory_space<vmem>> -> memref<32x2048xf32, #tpu.memory_space<vmem>>
    tpu.enqueue_dma source(%dma_start3A_1006 : memref<32x2048xf32, #tpu.memory_space<vmem>>) target(%dma_start3A_1003 : memref<32x2048xf32, #tpu.memory_space<hbm>>) target_semaphore(%arg6 : memref<!tpu.dma_semaphore, #tpu.memory_space<semaphore_mem>>)
    %dma_wait3A_1007 = arith.constant 0 : i32
    %dma_wait3A_1008 = arith.constant 280 : i32
    %dma_wait3A_1009 = tpu.memref_slice %arg5[%dma_wait3A_1007, %dma_wait3A_1008] : memref<32x2560xf32, #tpu.memory_space<vmem>> -> memref<32x2048xf32, #tpu.memory_space<vmem>>
    %dma_wait3A_1010 = arith.constant 0 : i32
    %dma_wait3A_1011 = arith.constant 0 : i32
    %dma_wait3A_1012 = tpu.memref_slice %arg3[%add3A_752, %dma_wait3A_1010, %dma_wait3A_1011] : memref<2048x32x2048xf32, #tpu.memory_space<hbm>> -> memref<1x32x2048xf32, #tpu.memory_space<hbm>>
    %dma_wait3A_1013 = tpu.memref_squeeze %dma_wait3A_1012 : memref<1x32x2048xf32, #tpu.memory_space<hbm>> -> memref<32x2048xf32, #tpu.memory_space<hbm>>
    %dma_wait3A_1014 = arith.constant 0 : i32
    %dma_wait3A_1015 = arith.constant 0 : i32
    %dma_wait3A_1016 = tpu.memref_slice %arg3[%add3A_752, %dma_wait3A_1014, %dma_wait3A_1015] : memref<2048x32x2048xf32, #tpu.memory_space<hbm>> -> memref<1x32x2048xf32, #tpu.memory_space<hbm>>
    %dma_wait3A_1017 = tpu.memref_squeeze %dma_wait3A_1016 : memref<1x32x2048xf32, #tpu.memory_space<hbm>> -> memref<32x2048xf32, #tpu.memory_space<hbm>>
    %dma_wait3A_1018 = arith.constant 0 : i32
    %dma_wait3A_1019 = arith.constant 280 : i32
    %dma_wait3A_1020 = tpu.memref_slice %arg5[%dma_wait3A_1018, %dma_wait3A_1019] : memref<32x2560xf32, #tpu.memory_space<vmem>> -> memref<32x2048xf32, #tpu.memory_space<vmem>>
    tpu.wait_dma2 semaphore(%arg6 : memref<!tpu.dma_semaphore, #tpu.memory_space<semaphore_mem>>) src(%dma_wait3A_1020 : memref<32x2048xf32, #tpu.memory_space<vmem>>) dst(%dma_wait3A_1017 : memref<32x2048xf32, #tpu.memory_space<hbm>>)
    %add3A_1021 = arith.constant 296 : i32
    %add3A_1022 = arith.addi %add3A_22, %add3A_1021 : i32
    %dma_start3A_1023 = arith.constant 0 : i32
    %dma_start3A_1024 = arith.constant 208 : i32
    %dma_start3A_1025 = tpu.memref_slice %arg5[%dma_start3A_1023, %dma_start3A_1024] : memref<32x2560xf32, #tpu.memory_space<vmem>> -> memref<32x2048xf32, #tpu.memory_space<vmem>>
    %dma_start3A_1026 = arith.constant 0 : i32
    %dma_start3A_1027 = arith.constant 0 : i32
    %dma_start3A_1028 = tpu.memref_slice %arg3[%add3A_1022, %dma_start3A_1026, %dma_start3A_1027] : memref<2048x32x2048xf32, #tpu.memory_space<hbm>> -> memref<1x32x2048xf32, #tpu.memory_space<hbm>>
    %dma_start3A_1029 = tpu.memref_squeeze %dma_start3A_1028 : memref<1x32x2048xf32, #tpu.memory_space<hbm>> -> memref<32x2048xf32, #tpu.memory_space<hbm>>
    %dma_start3A_1030 = arith.constant 0 : i32
    %dma_start3A_1031 = arith.constant 0 : i32
    %dma_start3A_1032 = tpu.memref_slice %arg3[%add3A_1022, %dma_start3A_1030, %dma_start3A_1031] : memref<2048x32x2048xf32, #tpu.memory_space<hbm>> -> memref<1x32x2048xf32, #tpu.memory_space<hbm>>
    %dma_start3A_1033 = tpu.memref_squeeze %dma_start3A_1032 : memref<1x32x2048xf32, #tpu.memory_space<hbm>> -> memref<32x2048xf32, #tpu.memory_space<hbm>>
    %dma_start3A_1034 = arith.constant 0 : i32
    %dma_start3A_1035 = arith.constant 208 : i32
    %dma_start3A_1036 = tpu.memref_slice %arg5[%dma_start3A_1034, %dma_start3A_1035] : memref<32x2560xf32, #tpu.memory_space<vmem>> -> memref<32x2048xf32, #tpu.memory_space<vmem>>
    tpu.enqueue_dma source(%dma_start3A_1036 : memref<32x2048xf32, #tpu.memory_space<vmem>>) target(%dma_start3A_1033 : memref<32x2048xf32, #tpu.memory_space<hbm>>) target_semaphore(%arg6 : memref<!tpu.dma_semaphore, #tpu.memory_space<semaphore_mem>>)
    %dma_wait3A_1037 = arith.constant 0 : i32
    %dma_wait3A_1038 = arith.constant 272 : i32
    %dma_wait3A_1039 = tpu.memref_slice %arg5[%dma_wait3A_1037, %dma_wait3A_1038] : memref<32x2560xf32, #tpu.memory_space<vmem>> -> memref<32x2048xf32, #tpu.memory_space<vmem>>
    %dma_wait3A_1040 = arith.constant 0 : i32
    %dma_wait3A_1041 = arith.constant 0 : i32
    %dma_wait3A_1042 = tpu.memref_slice %arg3[%add3A_782, %dma_wait3A_1040, %dma_wait3A_1041] : memref<2048x32x2048xf32, #tpu.memory_space<hbm>> -> memref<1x32x2048xf32, #tpu.memory_space<hbm>>
    %dma_wait3A_1043 = tpu.memref_squeeze %dma_wait3A_1042 : memref<1x32x2048xf32, #tpu.memory_space<hbm>> -> memref<32x2048xf32, #tpu.memory_space<hbm>>
    %dma_wait3A_1044 = arith.constant 0 : i32
    %dma_wait3A_1045 = arith.constant 0 : i32
    %dma_wait3A_1046 = tpu.memref_slice %arg3[%add3A_782, %dma_wait3A_1044, %dma_wait3A_1045] : memref<2048x32x2048xf32, #tpu.memory_space<hbm>> -> memref<1x32x2048xf32, #tpu.memory_space<hbm>>
    %dma_wait3A_1047 = tpu.memref_squeeze %dma_wait3A_1046 : memref<1x32x2048xf32, #tpu.memory_space<hbm>> -> memref<32x2048xf32, #tpu.memory_space<hbm>>
    %dma_wait3A_1048 = arith.constant 0 : i32
    %dma_wait3A_1049 = arith.constant 272 : i32
    %dma_wait3A_1050 = tpu.memref_slice %arg5[%dma_wait3A_1048, %dma_wait3A_1049] : memref<32x2560xf32, #tpu.memory_space<vmem>> -> memref<32x2048xf32, #tpu.memory_space<vmem>>
    tpu.wait_dma2 semaphore(%arg6 : memref<!tpu.dma_semaphore, #tpu.memory_space<semaphore_mem>>) src(%dma_wait3A_1050 : memref<32x2048xf32, #tpu.memory_space<vmem>>) dst(%dma_wait3A_1047 : memref<32x2048xf32, #tpu.memory_space<hbm>>)
    %add3A_1051 = arith.constant 304 : i32
    %add3A_1052 = arith.addi %add3A_22, %add3A_1051 : i32
    %dma_start3A_1053 = arith.constant 0 : i32
    %dma_start3A_1054 = arith.constant 200 : i32
    %dma_start3A_1055 = tpu.memref_slice %arg5[%dma_start3A_1053, %dma_start3A_1054] : memref<32x2560xf32, #tpu.memory_space<vmem>> -> memref<32x2048xf32, #tpu.memory_space<vmem>>
    %dma_start3A_1056 = arith.constant 0 : i32
    %dma_start3A_1057 = arith.constant 0 : i32
    %dma_start3A_1058 = tpu.memref_slice %arg3[%add3A_1052, %dma_start3A_1056, %dma_start3A_1057] : memref<2048x32x2048xf32, #tpu.memory_space<hbm>> -> memref<1x32x2048xf32, #tpu.memory_space<hbm>>
    %dma_start3A_1059 = tpu.memref_squeeze %dma_start3A_1058 : memref<1x32x2048xf32, #tpu.memory_space<hbm>> -> memref<32x2048xf32, #tpu.memory_space<hbm>>
    %dma_start3A_1060 = arith.constant 0 : i32
    %dma_start3A_1061 = arith.constant 0 : i32
    %dma_start3A_1062 = tpu.memref_slice %arg3[%add3A_1052, %dma_start3A_1060, %dma_start3A_1061] : memref<2048x32x2048xf32, #tpu.memory_space<hbm>> -> memref<1x32x2048xf32, #tpu.memory_space<hbm>>
    %dma_start3A_1063 = tpu.memref_squeeze %dma_start3A_1062 : memref<1x32x2048xf32, #tpu.memory_space<hbm>> -> memref<32x2048xf32, #tpu.memory_space<hbm>>
    %dma_start3A_1064 = arith.constant 0 : i32
    %dma_start3A_1065 = arith.constant 200 : i32
    %dma_start3A_1066 = tpu.memref_slice %arg5[%dma_start3A_1064, %dma_start3A_1065] : memref<32x2560xf32, #tpu.memory_space<vmem>> -> memref<32x2048xf32, #tpu.memory_space<vmem>>
    tpu.enqueue_dma source(%dma_start3A_1066 : memref<32x2048xf32, #tpu.memory_space<vmem>>) target(%dma_start3A_1063 : memref<32x2048xf32, #tpu.memory_space<hbm>>) target_semaphore(%arg6 : memref<!tpu.dma_semaphore, #tpu.memory_space<semaphore_mem>>)
    %dma_wait3A_1067 = arith.constant 0 : i32
    %dma_wait3A_1068 = arith.constant 264 : i32
    %dma_wait3A_1069 = tpu.memref_slice %arg5[%dma_wait3A_1067, %dma_wait3A_1068] : memref<32x2560xf32, #tpu.memory_space<vmem>> -> memref<32x2048xf32, #tpu.memory_space<vmem>>
    %dma_wait3A_1070 = arith.constant 0 : i32
    %dma_wait3A_1071 = arith.constant 0 : i32
    %dma_wait3A_1072 = tpu.memref_slice %arg3[%add3A_812, %dma_wait3A_1070, %dma_wait3A_1071] : memref<2048x32x2048xf32, #tpu.memory_space<hbm>> -> memref<1x32x2048xf32, #tpu.memory_space<hbm>>
    %dma_wait3A_1073 = tpu.memref_squeeze %dma_wait3A_1072 : memref<1x32x2048xf32, #tpu.memory_space<hbm>> -> memref<32x2048xf32, #tpu.memory_space<hbm>>
    %dma_wait3A_1074 = arith.constant 0 : i32
    %dma_wait3A_1075 = arith.constant 0 : i32
    %dma_wait3A_1076 = tpu.memref_slice %arg3[%add3A_812, %dma_wait3A_1074, %dma_wait3A_1075] : memref<2048x32x2048xf32, #tpu.memory_space<hbm>> -> memref<1x32x2048xf32, #tpu.memory_space<hbm>>
    %dma_wait3A_1077 = tpu.memref_squeeze %dma_wait3A_1076 : memref<1x32x2048xf32, #tpu.memory_space<hbm>> -> memref<32x2048xf32, #tpu.memory_space<hbm>>
    %dma_wait3A_1078 = arith.constant 0 : i32
    %dma_wait3A_1079 = arith.constant 264 : i32
    %dma_wait3A_1080 = tpu.memref_slice %arg5[%dma_wait3A_1078, %dma_wait3A_1079] : memref<32x2560xf32, #tpu.memory_space<vmem>> -> memref<32x2048xf32, #tpu.memory_space<vmem>>
    tpu.wait_dma2 semaphore(%arg6 : memref<!tpu.dma_semaphore, #tpu.memory_space<semaphore_mem>>) src(%dma_wait3A_1080 : memref<32x2048xf32, #tpu.memory_space<vmem>>) dst(%dma_wait3A_1077 : memref<32x2048xf32, #tpu.memory_space<hbm>>)
    %add3A_1081 = arith.constant 312 : i32
    %add3A_1082 = arith.addi %add3A_22, %add3A_1081 : i32
    %dma_start3A_1083 = arith.constant 0 : i32
    %dma_start3A_1084 = arith.constant 192 : i32
    %dma_start3A_1085 = tpu.memref_slice %arg5[%dma_start3A_1083, %dma_start3A_1084] : memref<32x2560xf32, #tpu.memory_space<vmem>> -> memref<32x2048xf32, #tpu.memory_space<vmem>>
    %dma_start3A_1086 = arith.constant 0 : i32
    %dma_start3A_1087 = arith.constant 0 : i32
    %dma_start3A_1088 = tpu.memref_slice %arg3[%add3A_1082, %dma_start3A_1086, %dma_start3A_1087] : memref<2048x32x2048xf32, #tpu.memory_space<hbm>> -> memref<1x32x2048xf32, #tpu.memory_space<hbm>>
    %dma_start3A_1089 = tpu.memref_squeeze %dma_start3A_1088 : memref<1x32x2048xf32, #tpu.memory_space<hbm>> -> memref<32x2048xf32, #tpu.memory_space<hbm>>
    %dma_start3A_1090 = arith.constant 0 : i32
    %dma_start3A_1091 = arith.constant 0 : i32
    %dma_start3A_1092 = tpu.memref_slice %arg3[%add3A_1082, %dma_start3A_1090, %dma_start3A_1091] : memref<2048x32x2048xf32, #tpu.memory_space<hbm>> -> memref<1x32x2048xf32, #tpu.memory_space<hbm>>
    %dma_start3A_1093 = tpu.memref_squeeze %dma_start3A_1092 : memref<1x32x2048xf32, #tpu.memory_space<hbm>> -> memref<32x2048xf32, #tpu.memory_space<hbm>>
    %dma_start3A_1094 = arith.constant 0 : i32
    %dma_start3A_1095 = arith.constant 192 : i32
    %dma_start3A_1096 = tpu.memref_slice %arg5[%dma_start3A_1094, %dma_start3A_1095] : memref<32x2560xf32, #tpu.memory_space<vmem>> -> memref<32x2048xf32, #tpu.memory_space<vmem>>
    tpu.enqueue_dma source(%dma_start3A_1096 : memref<32x2048xf32, #tpu.memory_space<vmem>>) target(%dma_start3A_1093 : memref<32x2048xf32, #tpu.memory_space<hbm>>) target_semaphore(%arg6 : memref<!tpu.dma_semaphore, #tpu.memory_space<semaphore_mem>>)
    %dma_wait3A_1097 = arith.constant 0 : i32
    %dma_wait3A_1098 = arith.constant 256 : i32
    %dma_wait3A_1099 = tpu.memref_slice %arg5[%dma_wait3A_1097, %dma_wait3A_1098] : memref<32x2560xf32, #tpu.memory_space<vmem>> -> memref<32x2048xf32, #tpu.memory_space<vmem>>
    %dma_wait3A_1100 = arith.constant 0 : i32
    %dma_wait3A_1101 = arith.constant 0 : i32
    %dma_wait3A_1102 = tpu.memref_slice %arg3[%add3A_842, %dma_wait3A_1100, %dma_wait3A_1101] : memref<2048x32x2048xf32, #tpu.memory_space<hbm>> -> memref<1x32x2048xf32, #tpu.memory_space<hbm>>
    %dma_wait3A_1103 = tpu.memref_squeeze %dma_wait3A_1102 : memref<1x32x2048xf32, #tpu.memory_space<hbm>> -> memref<32x2048xf32, #tpu.memory_space<hbm>>
    %dma_wait3A_1104 = arith.constant 0 : i32
    %dma_wait3A_1105 = arith.constant 0 : i32
    %dma_wait3A_1106 = tpu.memref_slice %arg3[%add3A_842, %dma_wait3A_1104, %dma_wait3A_1105] : memref<2048x32x2048xf32, #tpu.memory_space<hbm>> -> memref<1x32x2048xf32, #tpu.memory_space<hbm>>
    %dma_wait3A_1107 = tpu.memref_squeeze %dma_wait3A_1106 : memref<1x32x2048xf32, #tpu.memory_space<hbm>> -> memref<32x2048xf32, #tpu.memory_space<hbm>>
    %dma_wait3A_1108 = arith.constant 0 : i32
    %dma_wait3A_1109 = arith.constant 256 : i32
    %dma_wait3A_1110 = tpu.memref_slice %arg5[%dma_wait3A_1108, %dma_wait3A_1109] : memref<32x2560xf32, #tpu.memory_space<vmem>> -> memref<32x2048xf32, #tpu.memory_space<vmem>>
    tpu.wait_dma2 semaphore(%arg6 : memref<!tpu.dma_semaphore, #tpu.memory_space<semaphore_mem>>) src(%dma_wait3A_1110 : memref<32x2048xf32, #tpu.memory_space<vmem>>) dst(%dma_wait3A_1107 : memref<32x2048xf32, #tpu.memory_space<hbm>>)
    %add3A_1111 = arith.constant 320 : i32
    %add3A_1112 = arith.addi %add3A_22, %add3A_1111 : i32
    %dma_start3A_1113 = arith.constant 0 : i32
    %dma_start3A_1114 = arith.constant 184 : i32
    %dma_start3A_1115 = tpu.memref_slice %arg5[%dma_start3A_1113, %dma_start3A_1114] : memref<32x2560xf32, #tpu.memory_space<vmem>> -> memref<32x2048xf32, #tpu.memory_space<vmem>>
    %dma_start3A_1116 = arith.constant 0 : i32
    %dma_start3A_1117 = arith.constant 0 : i32
    %dma_start3A_1118 = tpu.memref_slice %arg3[%add3A_1112, %dma_start3A_1116, %dma_start3A_1117] : memref<2048x32x2048xf32, #tpu.memory_space<hbm>> -> memref<1x32x2048xf32, #tpu.memory_space<hbm>>
    %dma_start3A_1119 = tpu.memref_squeeze %dma_start3A_1118 : memref<1x32x2048xf32, #tpu.memory_space<hbm>> -> memref<32x2048xf32, #tpu.memory_space<hbm>>
    %dma_start3A_1120 = arith.constant 0 : i32
    %dma_start3A_1121 = arith.constant 0 : i32
    %dma_start3A_1122 = tpu.memref_slice %arg3[%add3A_1112, %dma_start3A_1120, %dma_start3A_1121] : memref<2048x32x2048xf32, #tpu.memory_space<hbm>> -> memref<1x32x2048xf32, #tpu.memory_space<hbm>>
    %dma_start3A_1123 = tpu.memref_squeeze %dma_start3A_1122 : memref<1x32x2048xf32, #tpu.memory_space<hbm>> -> memref<32x2048xf32, #tpu.memory_space<hbm>>
    %dma_start3A_1124 = arith.constant 0 : i32
    %dma_start3A_1125 = arith.constant 184 : i32
    %dma_start3A_1126 = tpu.memref_slice %arg5[%dma_start3A_1124, %dma_start3A_1125] : memref<32x2560xf32, #tpu.memory_space<vmem>> -> memref<32x2048xf32, #tpu.memory_space<vmem>>
    tpu.enqueue_dma source(%dma_start3A_1126 : memref<32x2048xf32, #tpu.memory_space<vmem>>) target(%dma_start3A_1123 : memref<32x2048xf32, #tpu.memory_space<hbm>>) target_semaphore(%arg6 : memref<!tpu.dma_semaphore, #tpu.memory_space<semaphore_mem>>)
    %dma_wait3A_1127 = arith.constant 0 : i32
    %dma_wait3A_1128 = arith.constant 248 : i32
    %dma_wait3A_1129 = tpu.memref_slice %arg5[%dma_wait3A_1127, %dma_wait3A_1128] : memref<32x2560xf32, #tpu.memory_space<vmem>> -> memref<32x2048xf32, #tpu.memory_space<vmem>>
    %dma_wait3A_1130 = arith.constant 0 : i32
    %dma_wait3A_1131 = arith.constant 0 : i32
    %dma_wait3A_1132 = tpu.memref_slice %arg3[%add3A_872, %dma_wait3A_1130, %dma_wait3A_1131] : memref<2048x32x2048xf32, #tpu.memory_space<hbm>> -> memref<1x32x2048xf32, #tpu.memory_space<hbm>>
    %dma_wait3A_1133 = tpu.memref_squeeze %dma_wait3A_1132 : memref<1x32x2048xf32, #tpu.memory_space<hbm>> -> memref<32x2048xf32, #tpu.memory_space<hbm>>
    %dma_wait3A_1134 = arith.constant 0 : i32
    %dma_wait3A_1135 = arith.constant 0 : i32
    %dma_wait3A_1136 = tpu.memref_slice %arg3[%add3A_872, %dma_wait3A_1134, %dma_wait3A_1135] : memref<2048x32x2048xf32, #tpu.memory_space<hbm>> -> memref<1x32x2048xf32, #tpu.memory_space<hbm>>
    %dma_wait3A_1137 = tpu.memref_squeeze %dma_wait3A_1136 : memref<1x32x2048xf32, #tpu.memory_space<hbm>> -> memref<32x2048xf32, #tpu.memory_space<hbm>>
    %dma_wait3A_1138 = arith.constant 0 : i32
    %dma_wait3A_1139 = arith.constant 248 : i32
    %dma_wait3A_1140 = tpu.memref_slice %arg5[%dma_wait3A_1138, %dma_wait3A_1139] : memref<32x2560xf32, #tpu.memory_space<vmem>> -> memref<32x2048xf32, #tpu.memory_space<vmem>>
    tpu.wait_dma2 semaphore(%arg6 : memref<!tpu.dma_semaphore, #tpu.memory_space<semaphore_mem>>) src(%dma_wait3A_1140 : memref<32x2048xf32, #tpu.memory_space<vmem>>) dst(%dma_wait3A_1137 : memref<32x2048xf32, #tpu.memory_space<hbm>>)
    %add3A_1141 = arith.constant 328 : i32
    %add3A_1142 = arith.addi %add3A_22, %add3A_1141 : i32
    %dma_start3A_1143 = arith.constant 0 : i32
    %dma_start3A_1144 = arith.constant 176 : i32
    %dma_start3A_1145 = tpu.memref_slice %arg5[%dma_start3A_1143, %dma_start3A_1144] : memref<32x2560xf32, #tpu.memory_space<vmem>> -> memref<32x2048xf32, #tpu.memory_space<vmem>>
    %dma_start3A_1146 = arith.constant 0 : i32
    %dma_start3A_1147 = arith.constant 0 : i32
    %dma_start3A_1148 = tpu.memref_slice %arg3[%add3A_1142, %dma_start3A_1146, %dma_start3A_1147] : memref<2048x32x2048xf32, #tpu.memory_space<hbm>> -> memref<1x32x2048xf32, #tpu.memory_space<hbm>>
    %dma_start3A_1149 = tpu.memref_squeeze %dma_start3A_1148 : memref<1x32x2048xf32, #tpu.memory_space<hbm>> -> memref<32x2048xf32, #tpu.memory_space<hbm>>
    %dma_start3A_1150 = arith.constant 0 : i32
    %dma_start3A_1151 = arith.constant 0 : i32
    %dma_start3A_1152 = tpu.memref_slice %arg3[%add3A_1142, %dma_start3A_1150, %dma_start3A_1151] : memref<2048x32x2048xf32, #tpu.memory_space<hbm>> -> memref<1x32x2048xf32, #tpu.memory_space<hbm>>
    %dma_start3A_1153 = tpu.memref_squeeze %dma_start3A_1152 : memref<1x32x2048xf32, #tpu.memory_space<hbm>> -> memref<32x2048xf32, #tpu.memory_space<hbm>>
    %dma_start3A_1154 = arith.constant 0 : i32
    %dma_start3A_1155 = arith.constant 176 : i32
    %dma_start3A_1156 = tpu.memref_slice %arg5[%dma_start3A_1154, %dma_start3A_1155] : memref<32x2560xf32, #tpu.memory_space<vmem>> -> memref<32x2048xf32, #tpu.memory_space<vmem>>
    tpu.enqueue_dma source(%dma_start3A_1156 : memref<32x2048xf32, #tpu.memory_space<vmem>>) target(%dma_start3A_1153 : memref<32x2048xf32, #tpu.memory_space<hbm>>) target_semaphore(%arg6 : memref<!tpu.dma_semaphore, #tpu.memory_space<semaphore_mem>>)
    %dma_wait3A_1157 = arith.constant 0 : i32
    %dma_wait3A_1158 = arith.constant 240 : i32
    %dma_wait3A_1159 = tpu.memref_slice %arg5[%dma_wait3A_1157, %dma_wait3A_1158] : memref<32x2560xf32, #tpu.memory_space<vmem>> -> memref<32x2048xf32, #tpu.memory_space<vmem>>
    %dma_wait3A_1160 = arith.constant 0 : i32
    %dma_wait3A_1161 = arith.constant 0 : i32
    %dma_wait3A_1162 = tpu.memref_slice %arg3[%add3A_902, %dma_wait3A_1160, %dma_wait3A_1161] : memref<2048x32x2048xf32, #tpu.memory_space<hbm>> -> memref<1x32x2048xf32, #tpu.memory_space<hbm>>
    %dma_wait3A_1163 = tpu.memref_squeeze %dma_wait3A_1162 : memref<1x32x2048xf32, #tpu.memory_space<hbm>> -> memref<32x2048xf32, #tpu.memory_space<hbm>>
    %dma_wait3A_1164 = arith.constant 0 : i32
    %dma_wait3A_1165 = arith.constant 0 : i32
    %dma_wait3A_1166 = tpu.memref_slice %arg3[%add3A_902, %dma_wait3A_1164, %dma_wait3A_1165] : memref<2048x32x2048xf32, #tpu.memory_space<hbm>> -> memref<1x32x2048xf32, #tpu.memory_space<hbm>>
    %dma_wait3A_1167 = tpu.memref_squeeze %dma_wait3A_1166 : memref<1x32x2048xf32, #tpu.memory_space<hbm>> -> memref<32x2048xf32, #tpu.memory_space<hbm>>
    %dma_wait3A_1168 = arith.constant 0 : i32
    %dma_wait3A_1169 = arith.constant 240 : i32
    %dma_wait3A_1170 = tpu.memref_slice %arg5[%dma_wait3A_1168, %dma_wait3A_1169] : memref<32x2560xf32, #tpu.memory_space<vmem>> -> memref<32x2048xf32, #tpu.memory_space<vmem>>
    tpu.wait_dma2 semaphore(%arg6 : memref<!tpu.dma_semaphore, #tpu.memory_space<semaphore_mem>>) src(%dma_wait3A_1170 : memref<32x2048xf32, #tpu.memory_space<vmem>>) dst(%dma_wait3A_1167 : memref<32x2048xf32, #tpu.memory_space<hbm>>)
    %add3A_1171 = arith.constant 336 : i32
    %add3A_1172 = arith.addi %add3A_22, %add3A_1171 : i32
    %dma_start3A_1173 = arith.constant 0 : i32
    %dma_start3A_1174 = arith.constant 168 : i32
    %dma_start3A_1175 = tpu.memref_slice %arg5[%dma_start3A_1173, %dma_start3A_1174] : memref<32x2560xf32, #tpu.memory_space<vmem>> -> memref<32x2048xf32, #tpu.memory_space<vmem>>
    %dma_start3A_1176 = arith.constant 0 : i32
    %dma_start3A_1177 = arith.constant 0 : i32
    %dma_start3A_1178 = tpu.memref_slice %arg3[%add3A_1172, %dma_start3A_1176, %dma_start3A_1177] : memref<2048x32x2048xf32, #tpu.memory_space<hbm>> -> memref<1x32x2048xf32, #tpu.memory_space<hbm>>
    %dma_start3A_1179 = tpu.memref_squeeze %dma_start3A_1178 : memref<1x32x2048xf32, #tpu.memory_space<hbm>> -> memref<32x2048xf32, #tpu.memory_space<hbm>>
    %dma_start3A_1180 = arith.constant 0 : i32
    %dma_start3A_1181 = arith.constant 0 : i32
    %dma_start3A_1182 = tpu.memref_slice %arg3[%add3A_1172, %dma_start3A_1180, %dma_start3A_1181] : memref<2048x32x2048xf32, #tpu.memory_space<hbm>> -> memref<1x32x2048xf32, #tpu.memory_space<hbm>>
    %dma_start3A_1183 = tpu.memref_squeeze %dma_start3A_1182 : memref<1x32x2048xf32, #tpu.memory_space<hbm>> -> memref<32x2048xf32, #tpu.memory_space<hbm>>
    %dma_start3A_1184 = arith.constant 0 : i32
    %dma_start3A_1185 = arith.constant 168 : i32
    %dma_start3A_1186 = tpu.memref_slice %arg5[%dma_start3A_1184, %dma_start3A_1185] : memref<32x2560xf32, #tpu.memory_space<vmem>> -> memref<32x2048xf32, #tpu.memory_space<vmem>>
    tpu.enqueue_dma source(%dma_start3A_1186 : memref<32x2048xf32, #tpu.memory_space<vmem>>) target(%dma_start3A_1183 : memref<32x2048xf32, #tpu.memory_space<hbm>>) target_semaphore(%arg6 : memref<!tpu.dma_semaphore, #tpu.memory_space<semaphore_mem>>)
    %dma_wait3A_1187 = arith.constant 0 : i32
    %dma_wait3A_1188 = arith.constant 232 : i32
    %dma_wait3A_1189 = tpu.memref_slice %arg5[%dma_wait3A_1187, %dma_wait3A_1188] : memref<32x2560xf32, #tpu.memory_space<vmem>> -> memref<32x2048xf32, #tpu.memory_space<vmem>>
    %dma_wait3A_1190 = arith.constant 0 : i32
    %dma_wait3A_1191 = arith.constant 0 : i32
    %dma_wait3A_1192 = tpu.memref_slice %arg3[%add3A_932, %dma_wait3A_1190, %dma_wait3A_1191] : memref<2048x32x2048xf32, #tpu.memory_space<hbm>> -> memref<1x32x2048xf32, #tpu.memory_space<hbm>>
    %dma_wait3A_1193 = tpu.memref_squeeze %dma_wait3A_1192 : memref<1x32x2048xf32, #tpu.memory_space<hbm>> -> memref<32x2048xf32, #tpu.memory_space<hbm>>
    %dma_wait3A_1194 = arith.constant 0 : i32
    %dma_wait3A_1195 = arith.constant 0 : i32
    %dma_wait3A_1196 = tpu.memref_slice %arg3[%add3A_932, %dma_wait3A_1194, %dma_wait3A_1195] : memref<2048x32x2048xf32, #tpu.memory_space<hbm>> -> memref<1x32x2048xf32, #tpu.memory_space<hbm>>
    %dma_wait3A_1197 = tpu.memref_squeeze %dma_wait3A_1196 : memref<1x32x2048xf32, #tpu.memory_space<hbm>> -> memref<32x2048xf32, #tpu.memory_space<hbm>>
    %dma_wait3A_1198 = arith.constant 0 : i32
    %dma_wait3A_1199 = arith.constant 232 : i32
    %dma_wait3A_1200 = tpu.memref_slice %arg5[%dma_wait3A_1198, %dma_wait3A_1199] : memref<32x2560xf32, #tpu.memory_space<vmem>> -> memref<32x2048xf32, #tpu.memory_space<vmem>>
    tpu.wait_dma2 semaphore(%arg6 : memref<!tpu.dma_semaphore, #tpu.memory_space<semaphore_mem>>) src(%dma_wait3A_1200 : memref<32x2048xf32, #tpu.memory_space<vmem>>) dst(%dma_wait3A_1197 : memref<32x2048xf32, #tpu.memory_space<hbm>>)
    %add3A_1201 = arith.constant 344 : i32
    %add3A_1202 = arith.addi %add3A_22, %add3A_1201 : i32
    %dma_start3A_1203 = arith.constant 0 : i32
    %dma_start3A_1204 = arith.constant 160 : i32
    %dma_start3A_1205 = tpu.memref_slice %arg5[%dma_start3A_1203, %dma_start3A_1204] : memref<32x2560xf32, #tpu.memory_space<vmem>> -> memref<32x2048xf32, #tpu.memory_space<vmem>>
    %dma_start3A_1206 = arith.constant 0 : i32
    %dma_start3A_1207 = arith.constant 0 : i32
    %dma_start3A_1208 = tpu.memref_slice %arg3[%add3A_1202, %dma_start3A_1206, %dma_start3A_1207] : memref<2048x32x2048xf32, #tpu.memory_space<hbm>> -> memref<1x32x2048xf32, #tpu.memory_space<hbm>>
    %dma_start3A_1209 = tpu.memref_squeeze %dma_start3A_1208 : memref<1x32x2048xf32, #tpu.memory_space<hbm>> -> memref<32x2048xf32, #tpu.memory_space<hbm>>
    %dma_start3A_1210 = arith.constant 0 : i32
    %dma_start3A_1211 = arith.constant 0 : i32
    %dma_start3A_1212 = tpu.memref_slice %arg3[%add3A_1202, %dma_start3A_1210, %dma_start3A_1211] : memref<2048x32x2048xf32, #tpu.memory_space<hbm>> -> memref<1x32x2048xf32, #tpu.memory_space<hbm>>
    %dma_start3A_1213 = tpu.memref_squeeze %dma_start3A_1212 : memref<1x32x2048xf32, #tpu.memory_space<hbm>> -> memref<32x2048xf32, #tpu.memory_space<hbm>>
    %dma_start3A_1214 = arith.constant 0 : i32
    %dma_start3A_1215 = arith.constant 160 : i32
    %dma_start3A_1216 = tpu.memref_slice %arg5[%dma_start3A_1214, %dma_start3A_1215] : memref<32x2560xf32, #tpu.memory_space<vmem>> -> memref<32x2048xf32, #tpu.memory_space<vmem>>
    tpu.enqueue_dma source(%dma_start3A_1216 : memref<32x2048xf32, #tpu.memory_space<vmem>>) target(%dma_start3A_1213 : memref<32x2048xf32, #tpu.memory_space<hbm>>) target_semaphore(%arg6 : memref<!tpu.dma_semaphore, #tpu.memory_space<semaphore_mem>>)
    %dma_wait3A_1217 = arith.constant 0 : i32
    %dma_wait3A_1218 = arith.constant 224 : i32
    %dma_wait3A_1219 = tpu.memref_slice %arg5[%dma_wait3A_1217, %dma_wait3A_1218] : memref<32x2560xf32, #tpu.memory_space<vmem>> -> memref<32x2048xf32, #tpu.memory_space<vmem>>
    %dma_wait3A_1220 = arith.constant 0 : i32
    %dma_wait3A_1221 = arith.constant 0 : i32
    %dma_wait3A_1222 = tpu.memref_slice %arg3[%add3A_962, %dma_wait3A_1220, %dma_wait3A_1221] : memref<2048x32x2048xf32, #tpu.memory_space<hbm>> -> memref<1x32x2048xf32, #tpu.memory_space<hbm>>
    %dma_wait3A_1223 = tpu.memref_squeeze %dma_wait3A_1222 : memref<1x32x2048xf32, #tpu.memory_space<hbm>> -> memref<32x2048xf32, #tpu.memory_space<hbm>>
    %dma_wait3A_1224 = arith.constant 0 : i32
    %dma_wait3A_1225 = arith.constant 0 : i32
    %dma_wait3A_1226 = tpu.memref_slice %arg3[%add3A_962, %dma_wait3A_1224, %dma_wait3A_1225] : memref<2048x32x2048xf32, #tpu.memory_space<hbm>> -> memref<1x32x2048xf32, #tpu.memory_space<hbm>>
    %dma_wait3A_1227 = tpu.memref_squeeze %dma_wait3A_1226 : memref<1x32x2048xf32, #tpu.memory_space<hbm>> -> memref<32x2048xf32, #tpu.memory_space<hbm>>
    %dma_wait3A_1228 = arith.constant 0 : i32
    %dma_wait3A_1229 = arith.constant 224 : i32
    %dma_wait3A_1230 = tpu.memref_slice %arg5[%dma_wait3A_1228, %dma_wait3A_1229] : memref<32x2560xf32, #tpu.memory_space<vmem>> -> memref<32x2048xf32, #tpu.memory_space<vmem>>
    tpu.wait_dma2 semaphore(%arg6 : memref<!tpu.dma_semaphore, #tpu.memory_space<semaphore_mem>>) src(%dma_wait3A_1230 : memref<32x2048xf32, #tpu.memory_space<vmem>>) dst(%dma_wait3A_1227 : memref<32x2048xf32, #tpu.memory_space<hbm>>)
    %add3A_1231 = arith.constant 352 : i32
    %add3A_1232 = arith.addi %add3A_22, %add3A_1231 : i32
    %dma_start3A_1233 = arith.constant 0 : i32
    %dma_start3A_1234 = arith.constant 152 : i32
    %dma_start3A_1235 = tpu.memref_slice %arg5[%dma_start3A_1233, %dma_start3A_1234] : memref<32x2560xf32, #tpu.memory_space<vmem>> -> memref<32x2048xf32, #tpu.memory_space<vmem>>
    %dma_start3A_1236 = arith.constant 0 : i32
    %dma_start3A_1237 = arith.constant 0 : i32
    %dma_start3A_1238 = tpu.memref_slice %arg3[%add3A_1232, %dma_start3A_1236, %dma_start3A_1237] : memref<2048x32x2048xf32, #tpu.memory_space<hbm>> -> memref<1x32x2048xf32, #tpu.memory_space<hbm>>
    %dma_start3A_1239 = tpu.memref_squeeze %dma_start3A_1238 : memref<1x32x2048xf32, #tpu.memory_space<hbm>> -> memref<32x2048xf32, #tpu.memory_space<hbm>>
    %dma_start3A_1240 = arith.constant 0 : i32
    %dma_start3A_1241 = arith.constant 0 : i32
    %dma_start3A_1242 = tpu.memref_slice %arg3[%add3A_1232, %dma_start3A_1240, %dma_start3A_1241] : memref<2048x32x2048xf32, #tpu.memory_space<hbm>> -> memref<1x32x2048xf32, #tpu.memory_space<hbm>>
    %dma_start3A_1243 = tpu.memref_squeeze %dma_start3A_1242 : memref<1x32x2048xf32, #tpu.memory_space<hbm>> -> memref<32x2048xf32, #tpu.memory_space<hbm>>
    %dma_start3A_1244 = arith.constant 0 : i32
    %dma_start3A_1245 = arith.constant 152 : i32
    %dma_start3A_1246 = tpu.memref_slice %arg5[%dma_start3A_1244, %dma_start3A_1245] : memref<32x2560xf32, #tpu.memory_space<vmem>> -> memref<32x2048xf32, #tpu.memory_space<vmem>>
    tpu.enqueue_dma source(%dma_start3A_1246 : memref<32x2048xf32, #tpu.memory_space<vmem>>) target(%dma_start3A_1243 : memref<32x2048xf32, #tpu.memory_space<hbm>>) target_semaphore(%arg6 : memref<!tpu.dma_semaphore, #tpu.memory_space<semaphore_mem>>)
    %dma_wait3A_1247 = arith.constant 0 : i32
    %dma_wait3A_1248 = arith.constant 216 : i32
    %dma_wait3A_1249 = tpu.memref_slice %arg5[%dma_wait3A_1247, %dma_wait3A_1248] : memref<32x2560xf32, #tpu.memory_space<vmem>> -> memref<32x2048xf32, #tpu.memory_space<vmem>>
    %dma_wait3A_1250 = arith.constant 0 : i32
    %dma_wait3A_1251 = arith.constant 0 : i32
    %dma_wait3A_1252 = tpu.memref_slice %arg3[%add3A_992, %dma_wait3A_1250, %dma_wait3A_1251] : memref<2048x32x2048xf32, #tpu.memory_space<hbm>> -> memref<1x32x2048xf32, #tpu.memory_space<hbm>>
    %dma_wait3A_1253 = tpu.memref_squeeze %dma_wait3A_1252 : memref<1x32x2048xf32, #tpu.memory_space<hbm>> -> memref<32x2048xf32, #tpu.memory_space<hbm>>
    %dma_wait3A_1254 = arith.constant 0 : i32
    %dma_wait3A_1255 = arith.constant 0 : i32
    %dma_wait3A_1256 = tpu.memref_slice %arg3[%add3A_992, %dma_wait3A_1254, %dma_wait3A_1255] : memref<2048x32x2048xf32, #tpu.memory_space<hbm>> -> memref<1x32x2048xf32, #tpu.memory_space<hbm>>
    %dma_wait3A_1257 = tpu.memref_squeeze %dma_wait3A_1256 : memref<1x32x2048xf32, #tpu.memory_space<hbm>> -> memref<32x2048xf32, #tpu.memory_space<hbm>>
    %dma_wait3A_1258 = arith.constant 0 : i32
    %dma_wait3A_1259 = arith.constant 216 : i32
    %dma_wait3A_1260 = tpu.memref_slice %arg5[%dma_wait3A_1258, %dma_wait3A_1259] : memref<32x2560xf32, #tpu.memory_space<vmem>> -> memref<32x2048xf32, #tpu.memory_space<vmem>>
    tpu.wait_dma2 semaphore(%arg6 : memref<!tpu.dma_semaphore, #tpu.memory_space<semaphore_mem>>) src(%dma_wait3A_1260 : memref<32x2048xf32, #tpu.memory_space<vmem>>) dst(%dma_wait3A_1257 : memref<32x2048xf32, #tpu.memory_space<hbm>>)
    %add3A_1261 = arith.constant 360 : i32
    %add3A_1262 = arith.addi %add3A_22, %add3A_1261 : i32
    %dma_start3A_1263 = arith.constant 0 : i32
    %dma_start3A_1264 = arith.constant 144 : i32
    %dma_start3A_1265 = tpu.memref_slice %arg5[%dma_start3A_1263, %dma_start3A_1264] : memref<32x2560xf32, #tpu.memory_space<vmem>> -> memref<32x2048xf32, #tpu.memory_space<vmem>>
    %dma_start3A_1266 = arith.constant 0 : i32
    %dma_start3A_1267 = arith.constant 0 : i32
    %dma_start3A_1268 = tpu.memref_slice %arg3[%add3A_1262, %dma_start3A_1266, %dma_start3A_1267] : memref<2048x32x2048xf32, #tpu.memory_space<hbm>> -> memref<1x32x2048xf32, #tpu.memory_space<hbm>>
    %dma_start3A_1269 = tpu.memref_squeeze %dma_start3A_1268 : memref<1x32x2048xf32, #tpu.memory_space<hbm>> -> memref<32x2048xf32, #tpu.memory_space<hbm>>
    %dma_start3A_1270 = arith.constant 0 : i32
    %dma_start3A_1271 = arith.constant 0 : i32
    %dma_start3A_1272 = tpu.memref_slice %arg3[%add3A_1262, %dma_start3A_1270, %dma_start3A_1271] : memref<2048x32x2048xf32, #tpu.memory_space<hbm>> -> memref<1x32x2048xf32, #tpu.memory_space<hbm>>
    %dma_start3A_1273 = tpu.memref_squeeze %dma_start3A_1272 : memref<1x32x2048xf32, #tpu.memory_space<hbm>> -> memref<32x2048xf32, #tpu.memory_space<hbm>>
    %dma_start3A_1274 = arith.constant 0 : i32
    %dma_start3A_1275 = arith.constant 144 : i32
    %dma_start3A_1276 = tpu.memref_slice %arg5[%dma_start3A_1274, %dma_start3A_1275] : memref<32x2560xf32, #tpu.memory_space<vmem>> -> memref<32x2048xf32, #tpu.memory_space<vmem>>
    tpu.enqueue_dma source(%dma_start3A_1276 : memref<32x2048xf32, #tpu.memory_space<vmem>>) target(%dma_start3A_1273 : memref<32x2048xf32, #tpu.memory_space<hbm>>) target_semaphore(%arg6 : memref<!tpu.dma_semaphore, #tpu.memory_space<semaphore_mem>>)
    %dma_wait3A_1277 = arith.constant 0 : i32
    %dma_wait3A_1278 = arith.constant 208 : i32
    %dma_wait3A_1279 = tpu.memref_slice %arg5[%dma_wait3A_1277, %dma_wait3A_1278] : memref<32x2560xf32, #tpu.memory_space<vmem>> -> memref<32x2048xf32, #tpu.memory_space<vmem>>
    %dma_wait3A_1280 = arith.constant 0 : i32
    %dma_wait3A_1281 = arith.constant 0 : i32
    %dma_wait3A_1282 = tpu.memref_slice %arg3[%add3A_1022, %dma_wait3A_1280, %dma_wait3A_1281] : memref<2048x32x2048xf32, #tpu.memory_space<hbm>> -> memref<1x32x2048xf32, #tpu.memory_space<hbm>>
    %dma_wait3A_1283 = tpu.memref_squeeze %dma_wait3A_1282 : memref<1x32x2048xf32, #tpu.memory_space<hbm>> -> memref<32x2048xf32, #tpu.memory_space<hbm>>
    %dma_wait3A_1284 = arith.constant 0 : i32
    %dma_wait3A_1285 = arith.constant 0 : i32
    %dma_wait3A_1286 = tpu.memref_slice %arg3[%add3A_1022, %dma_wait3A_1284, %dma_wait3A_1285] : memref<2048x32x2048xf32, #tpu.memory_space<hbm>> -> memref<1x32x2048xf32, #tpu.memory_space<hbm>>
    %dma_wait3A_1287 = tpu.memref_squeeze %dma_wait3A_1286 : memref<1x32x2048xf32, #tpu.memory_space<hbm>> -> memref<32x2048xf32, #tpu.memory_space<hbm>>
    %dma_wait3A_1288 = arith.constant 0 : i32
    %dma_wait3A_1289 = arith.constant 208 : i32
    %dma_wait3A_1290 = tpu.memref_slice %arg5[%dma_wait3A_1288, %dma_wait3A_1289] : memref<32x2560xf32, #tpu.memory_space<vmem>> -> memref<32x2048xf32, #tpu.memory_space<vmem>>
    tpu.wait_dma2 semaphore(%arg6 : memref<!tpu.dma_semaphore, #tpu.memory_space<semaphore_mem>>) src(%dma_wait3A_1290 : memref<32x2048xf32, #tpu.memory_space<vmem>>) dst(%dma_wait3A_1287 : memref<32x2048xf32, #tpu.memory_space<hbm>>)
    %add3A_1291 = arith.constant 368 : i32
    %add3A_1292 = arith.addi %add3A_22, %add3A_1291 : i32
    %dma_start3A_1293 = arith.constant 0 : i32
    %dma_start3A_1294 = arith.constant 136 : i32
    %dma_start3A_1295 = tpu.memref_slice %arg5[%dma_start3A_1293, %dma_start3A_1294] : memref<32x2560xf32, #tpu.memory_space<vmem>> -> memref<32x2048xf32, #tpu.memory_space<vmem>>
    %dma_start3A_1296 = arith.constant 0 : i32
    %dma_start3A_1297 = arith.constant 0 : i32
    %dma_start3A_1298 = tpu.memref_slice %arg3[%add3A_1292, %dma_start3A_1296, %dma_start3A_1297] : memref<2048x32x2048xf32, #tpu.memory_space<hbm>> -> memref<1x32x2048xf32, #tpu.memory_space<hbm>>
    %dma_start3A_1299 = tpu.memref_squeeze %dma_start3A_1298 : memref<1x32x2048xf32, #tpu.memory_space<hbm>> -> memref<32x2048xf32, #tpu.memory_space<hbm>>
    %dma_start3A_1300 = arith.constant 0 : i32
    %dma_start3A_1301 = arith.constant 0 : i32
    %dma_start3A_1302 = tpu.memref_slice %arg3[%add3A_1292, %dma_start3A_1300, %dma_start3A_1301] : memref<2048x32x2048xf32, #tpu.memory_space<hbm>> -> memref<1x32x2048xf32, #tpu.memory_space<hbm>>
    %dma_start3A_1303 = tpu.memref_squeeze %dma_start3A_1302 : memref<1x32x2048xf32, #tpu.memory_space<hbm>> -> memref<32x2048xf32, #tpu.memory_space<hbm>>
    %dma_start3A_1304 = arith.constant 0 : i32
    %dma_start3A_1305 = arith.constant 136 : i32
    %dma_start3A_1306 = tpu.memref_slice %arg5[%dma_start3A_1304, %dma_start3A_1305] : memref<32x2560xf32, #tpu.memory_space<vmem>> -> memref<32x2048xf32, #tpu.memory_space<vmem>>
    tpu.enqueue_dma source(%dma_start3A_1306 : memref<32x2048xf32, #tpu.memory_space<vmem>>) target(%dma_start3A_1303 : memref<32x2048xf32, #tpu.memory_space<hbm>>) target_semaphore(%arg6 : memref<!tpu.dma_semaphore, #tpu.memory_space<semaphore_mem>>)
    %dma_wait3A_1307 = arith.constant 0 : i32
    %dma_wait3A_1308 = arith.constant 200 : i32
    %dma_wait3A_1309 = tpu.memref_slice %arg5[%dma_wait3A_1307, %dma_wait3A_1308] : memref<32x2560xf32, #tpu.memory_space<vmem>> -> memref<32x2048xf32, #tpu.memory_space<vmem>>
    %dma_wait3A_1310 = arith.constant 0 : i32
    %dma_wait3A_1311 = arith.constant 0 : i32
    %dma_wait3A_1312 = tpu.memref_slice %arg3[%add3A_1052, %dma_wait3A_1310, %dma_wait3A_1311] : memref<2048x32x2048xf32, #tpu.memory_space<hbm>> -> memref<1x32x2048xf32, #tpu.memory_space<hbm>>
    %dma_wait3A_1313 = tpu.memref_squeeze %dma_wait3A_1312 : memref<1x32x2048xf32, #tpu.memory_space<hbm>> -> memref<32x2048xf32, #tpu.memory_space<hbm>>
    %dma_wait3A_1314 = arith.constant 0 : i32
    %dma_wait3A_1315 = arith.constant 0 : i32
    %dma_wait3A_1316 = tpu.memref_slice %arg3[%add3A_1052, %dma_wait3A_1314, %dma_wait3A_1315] : memref<2048x32x2048xf32, #tpu.memory_space<hbm>> -> memref<1x32x2048xf32, #tpu.memory_space<hbm>>
    %dma_wait3A_1317 = tpu.memref_squeeze %dma_wait3A_1316 : memref<1x32x2048xf32, #tpu.memory_space<hbm>> -> memref<32x2048xf32, #tpu.memory_space<hbm>>
    %dma_wait3A_1318 = arith.constant 0 : i32
    %dma_wait3A_1319 = arith.constant 200 : i32
    %dma_wait3A_1320 = tpu.memref_slice %arg5[%dma_wait3A_1318, %dma_wait3A_1319] : memref<32x2560xf32, #tpu.memory_space<vmem>> -> memref<32x2048xf32, #tpu.memory_space<vmem>>
    tpu.wait_dma2 semaphore(%arg6 : memref<!tpu.dma_semaphore, #tpu.memory_space<semaphore_mem>>) src(%dma_wait3A_1320 : memref<32x2048xf32, #tpu.memory_space<vmem>>) dst(%dma_wait3A_1317 : memref<32x2048xf32, #tpu.memory_space<hbm>>)
    %add3A_1321 = arith.constant 376 : i32
    %add3A_1322 = arith.addi %add3A_22, %add3A_1321 : i32
    %dma_start3A_1323 = arith.constant 0 : i32
    %dma_start3A_1324 = arith.constant 128 : i32
    %dma_start3A_1325 = tpu.memref_slice %arg5[%dma_start3A_1323, %dma_start3A_1324] : memref<32x2560xf32, #tpu.memory_space<vmem>> -> memref<32x2048xf32, #tpu.memory_space<vmem>>
    %dma_start3A_1326 = arith.constant 0 : i32
    %dma_start3A_1327 = arith.constant 0 : i32
    %dma_start3A_1328 = tpu.memref_slice %arg3[%add3A_1322, %dma_start3A_1326, %dma_start3A_1327] : memref<2048x32x2048xf32, #tpu.memory_space<hbm>> -> memref<1x32x2048xf32, #tpu.memory_space<hbm>>
    %dma_start3A_1329 = tpu.memref_squeeze %dma_start3A_1328 : memref<1x32x2048xf32, #tpu.memory_space<hbm>> -> memref<32x2048xf32, #tpu.memory_space<hbm>>
    %dma_start3A_1330 = arith.constant 0 : i32
    %dma_start3A_1331 = arith.constant 0 : i32
    %dma_start3A_1332 = tpu.memref_slice %arg3[%add3A_1322, %dma_start3A_1330, %dma_start3A_1331] : memref<2048x32x2048xf32, #tpu.memory_space<hbm>> -> memref<1x32x2048xf32, #tpu.memory_space<hbm>>
    %dma_start3A_1333 = tpu.memref_squeeze %dma_start3A_1332 : memref<1x32x2048xf32, #tpu.memory_space<hbm>> -> memref<32x2048xf32, #tpu.memory_space<hbm>>
    %dma_start3A_1334 = arith.constant 0 : i32
    %dma_start3A_1335 = arith.constant 128 : i32
    %dma_start3A_1336 = tpu.memref_slice %arg5[%dma_start3A_1334, %dma_start3A_1335] : memref<32x2560xf32, #tpu.memory_space<vmem>> -> memref<32x2048xf32, #tpu.memory_space<vmem>>
    tpu.enqueue_dma source(%dma_start3A_1336 : memref<32x2048xf32, #tpu.memory_space<vmem>>) target(%dma_start3A_1333 : memref<32x2048xf32, #tpu.memory_space<hbm>>) target_semaphore(%arg6 : memref<!tpu.dma_semaphore, #tpu.memory_space<semaphore_mem>>)
    %dma_wait3A_1337 = arith.constant 0 : i32
    %dma_wait3A_1338 = arith.constant 192 : i32
    %dma_wait3A_1339 = tpu.memref_slice %arg5[%dma_wait3A_1337, %dma_wait3A_1338] : memref<32x2560xf32, #tpu.memory_space<vmem>> -> memref<32x2048xf32, #tpu.memory_space<vmem>>
    %dma_wait3A_1340 = arith.constant 0 : i32
    %dma_wait3A_1341 = arith.constant 0 : i32
    %dma_wait3A_1342 = tpu.memref_slice %arg3[%add3A_1082, %dma_wait3A_1340, %dma_wait3A_1341] : memref<2048x32x2048xf32, #tpu.memory_space<hbm>> -> memref<1x32x2048xf32, #tpu.memory_space<hbm>>
    %dma_wait3A_1343 = tpu.memref_squeeze %dma_wait3A_1342 : memref<1x32x2048xf32, #tpu.memory_space<hbm>> -> memref<32x2048xf32, #tpu.memory_space<hbm>>
    %dma_wait3A_1344 = arith.constant 0 : i32
    %dma_wait3A_1345 = arith.constant 0 : i32
    %dma_wait3A_1346 = tpu.memref_slice %arg3[%add3A_1082, %dma_wait3A_1344, %dma_wait3A_1345] : memref<2048x32x2048xf32, #tpu.memory_space<hbm>> -> memref<1x32x2048xf32, #tpu.memory_space<hbm>>
    %dma_wait3A_1347 = tpu.memref_squeeze %dma_wait3A_1346 : memref<1x32x2048xf32, #tpu.memory_space<hbm>> -> memref<32x2048xf32, #tpu.memory_space<hbm>>
    %dma_wait3A_1348 = arith.constant 0 : i32
    %dma_wait3A_1349 = arith.constant 192 : i32
    %dma_wait3A_1350 = tpu.memref_slice %arg5[%dma_wait3A_1348, %dma_wait3A_1349] : memref<32x2560xf32, #tpu.memory_space<vmem>> -> memref<32x2048xf32, #tpu.memory_space<vmem>>
    tpu.wait_dma2 semaphore(%arg6 : memref<!tpu.dma_semaphore, #tpu.memory_space<semaphore_mem>>) src(%dma_wait3A_1350 : memref<32x2048xf32, #tpu.memory_space<vmem>>) dst(%dma_wait3A_1347 : memref<32x2048xf32, #tpu.memory_space<hbm>>)
    %add3A_1351 = arith.constant 384 : i32
    %add3A_1352 = arith.addi %add3A_22, %add3A_1351 : i32
    %dma_start3A_1353 = arith.constant 0 : i32
    %dma_start3A_1354 = arith.constant 120 : i32
    %dma_start3A_1355 = tpu.memref_slice %arg5[%dma_start3A_1353, %dma_start3A_1354] : memref<32x2560xf32, #tpu.memory_space<vmem>> -> memref<32x2048xf32, #tpu.memory_space<vmem>>
    %dma_start3A_1356 = arith.constant 0 : i32
    %dma_start3A_1357 = arith.constant 0 : i32
    %dma_start3A_1358 = tpu.memref_slice %arg3[%add3A_1352, %dma_start3A_1356, %dma_start3A_1357] : memref<2048x32x2048xf32, #tpu.memory_space<hbm>> -> memref<1x32x2048xf32, #tpu.memory_space<hbm>>
    %dma_start3A_1359 = tpu.memref_squeeze %dma_start3A_1358 : memref<1x32x2048xf32, #tpu.memory_space<hbm>> -> memref<32x2048xf32, #tpu.memory_space<hbm>>
    %dma_start3A_1360 = arith.constant 0 : i32
    %dma_start3A_1361 = arith.constant 0 : i32
    %dma_start3A_1362 = tpu.memref_slice %arg3[%add3A_1352, %dma_start3A_1360, %dma_start3A_1361] : memref<2048x32x2048xf32, #tpu.memory_space<hbm>> -> memref<1x32x2048xf32, #tpu.memory_space<hbm>>
    %dma_start3A_1363 = tpu.memref_squeeze %dma_start3A_1362 : memref<1x32x2048xf32, #tpu.memory_space<hbm>> -> memref<32x2048xf32, #tpu.memory_space<hbm>>
    %dma_start3A_1364 = arith.constant 0 : i32
    %dma_start3A_1365 = arith.constant 120 : i32
    %dma_start3A_1366 = tpu.memref_slice %arg5[%dma_start3A_1364, %dma_start3A_1365] : memref<32x2560xf32, #tpu.memory_space<vmem>> -> memref<32x2048xf32, #tpu.memory_space<vmem>>
    tpu.enqueue_dma source(%dma_start3A_1366 : memref<32x2048xf32, #tpu.memory_space<vmem>>) target(%dma_start3A_1363 : memref<32x2048xf32, #tpu.memory_space<hbm>>) target_semaphore(%arg6 : memref<!tpu.dma_semaphore, #tpu.memory_space<semaphore_mem>>)
    %dma_wait3A_1367 = arith.constant 0 : i32
    %dma_wait3A_1368 = arith.constant 184 : i32
    %dma_wait3A_1369 = tpu.memref_slice %arg5[%dma_wait3A_1367, %dma_wait3A_1368] : memref<32x2560xf32, #tpu.memory_space<vmem>> -> memref<32x2048xf32, #tpu.memory_space<vmem>>
    %dma_wait3A_1370 = arith.constant 0 : i32
    %dma_wait3A_1371 = arith.constant 0 : i32
    %dma_wait3A_1372 = tpu.memref_slice %arg3[%add3A_1112, %dma_wait3A_1370, %dma_wait3A_1371] : memref<2048x32x2048xf32, #tpu.memory_space<hbm>> -> memref<1x32x2048xf32, #tpu.memory_space<hbm>>
    %dma_wait3A_1373 = tpu.memref_squeeze %dma_wait3A_1372 : memref<1x32x2048xf32, #tpu.memory_space<hbm>> -> memref<32x2048xf32, #tpu.memory_space<hbm>>
    %dma_wait3A_1374 = arith.constant 0 : i32
    %dma_wait3A_1375 = arith.constant 0 : i32
    %dma_wait3A_1376 = tpu.memref_slice %arg3[%add3A_1112, %dma_wait3A_1374, %dma_wait3A_1375] : memref<2048x32x2048xf32, #tpu.memory_space<hbm>> -> memref<1x32x2048xf32, #tpu.memory_space<hbm>>
    %dma_wait3A_1377 = tpu.memref_squeeze %dma_wait3A_1376 : memref<1x32x2048xf32, #tpu.memory_space<hbm>> -> memref<32x2048xf32, #tpu.memory_space<hbm>>
    %dma_wait3A_1378 = arith.constant 0 : i32
    %dma_wait3A_1379 = arith.constant 184 : i32
    %dma_wait3A_1380 = tpu.memref_slice %arg5[%dma_wait3A_1378, %dma_wait3A_1379] : memref<32x2560xf32, #tpu.memory_space<vmem>> -> memref<32x2048xf32, #tpu.memory_space<vmem>>
    tpu.wait_dma2 semaphore(%arg6 : memref<!tpu.dma_semaphore, #tpu.memory_space<semaphore_mem>>) src(%dma_wait3A_1380 : memref<32x2048xf32, #tpu.memory_space<vmem>>) dst(%dma_wait3A_1377 : memref<32x2048xf32, #tpu.memory_space<hbm>>)
    %add3A_1381 = arith.constant 392 : i32
    %add3A_1382 = arith.addi %add3A_22, %add3A_1381 : i32
    %dma_start3A_1383 = arith.constant 0 : i32
    %dma_start3A_1384 = arith.constant 112 : i32
    %dma_start3A_1385 = tpu.memref_slice %arg5[%dma_start3A_1383, %dma_start3A_1384] : memref<32x2560xf32, #tpu.memory_space<vmem>> -> memref<32x2048xf32, #tpu.memory_space<vmem>>
    %dma_start3A_1386 = arith.constant 0 : i32
    %dma_start3A_1387 = arith.constant 0 : i32
    %dma_start3A_1388 = tpu.memref_slice %arg3[%add3A_1382, %dma_start3A_1386, %dma_start3A_1387] : memref<2048x32x2048xf32, #tpu.memory_space<hbm>> -> memref<1x32x2048xf32, #tpu.memory_space<hbm>>
    %dma_start3A_1389 = tpu.memref_squeeze %dma_start3A_1388 : memref<1x32x2048xf32, #tpu.memory_space<hbm>> -> memref<32x2048xf32, #tpu.memory_space<hbm>>
    %dma_start3A_1390 = arith.constant 0 : i32
    %dma_start3A_1391 = arith.constant 0 : i32
    %dma_start3A_1392 = tpu.memref_slice %arg3[%add3A_1382, %dma_start3A_1390, %dma_start3A_1391] : memref<2048x32x2048xf32, #tpu.memory_space<hbm>> -> memref<1x32x2048xf32, #tpu.memory_space<hbm>>
    %dma_start3A_1393 = tpu.memref_squeeze %dma_start3A_1392 : memref<1x32x2048xf32, #tpu.memory_space<hbm>> -> memref<32x2048xf32, #tpu.memory_space<hbm>>
    %dma_start3A_1394 = arith.constant 0 : i32
    %dma_start3A_1395 = arith.constant 112 : i32
    %dma_start3A_1396 = tpu.memref_slice %arg5[%dma_start3A_1394, %dma_start3A_1395] : memref<32x2560xf32, #tpu.memory_space<vmem>> -> memref<32x2048xf32, #tpu.memory_space<vmem>>
    tpu.enqueue_dma source(%dma_start3A_1396 : memref<32x2048xf32, #tpu.memory_space<vmem>>) target(%dma_start3A_1393 : memref<32x2048xf32, #tpu.memory_space<hbm>>) target_semaphore(%arg6 : memref<!tpu.dma_semaphore, #tpu.memory_space<semaphore_mem>>)
    %dma_wait3A_1397 = arith.constant 0 : i32
    %dma_wait3A_1398 = arith.constant 176 : i32
    %dma_wait3A_1399 = tpu.memref_slice %arg5[%dma_wait3A_1397, %dma_wait3A_1398] : memref<32x2560xf32, #tpu.memory_space<vmem>> -> memref<32x2048xf32, #tpu.memory_space<vmem>>
    %dma_wait3A_1400 = arith.constant 0 : i32
    %dma_wait3A_1401 = arith.constant 0 : i32
    %dma_wait3A_1402 = tpu.memref_slice %arg3[%add3A_1142, %dma_wait3A_1400, %dma_wait3A_1401] : memref<2048x32x2048xf32, #tpu.memory_space<hbm>> -> memref<1x32x2048xf32, #tpu.memory_space<hbm>>
    %dma_wait3A_1403 = tpu.memref_squeeze %dma_wait3A_1402 : memref<1x32x2048xf32, #tpu.memory_space<hbm>> -> memref<32x2048xf32, #tpu.memory_space<hbm>>
    %dma_wait3A_1404 = arith.constant 0 : i32
    %dma_wait3A_1405 = arith.constant 0 : i32
    %dma_wait3A_1406 = tpu.memref_slice %arg3[%add3A_1142, %dma_wait3A_1404, %dma_wait3A_1405] : memref<2048x32x2048xf32, #tpu.memory_space<hbm>> -> memref<1x32x2048xf32, #tpu.memory_space<hbm>>
    %dma_wait3A_1407 = tpu.memref_squeeze %dma_wait3A_1406 : memref<1x32x2048xf32, #tpu.memory_space<hbm>> -> memref<32x2048xf32, #tpu.memory_space<hbm>>
    %dma_wait3A_1408 = arith.constant 0 : i32
    %dma_wait3A_1409 = arith.constant 176 : i32
    %dma_wait3A_1410 = tpu.memref_slice %arg5[%dma_wait3A_1408, %dma_wait3A_1409] : memref<32x2560xf32, #tpu.memory_space<vmem>> -> memref<32x2048xf32, #tpu.memory_space<vmem>>
    tpu.wait_dma2 semaphore(%arg6 : memref<!tpu.dma_semaphore, #tpu.memory_space<semaphore_mem>>) src(%dma_wait3A_1410 : memref<32x2048xf32, #tpu.memory_space<vmem>>) dst(%dma_wait3A_1407 : memref<32x2048xf32, #tpu.memory_space<hbm>>)
    %add3A_1411 = arith.constant 400 : i32
    %add3A_1412 = arith.addi %add3A_22, %add3A_1411 : i32
    %dma_start3A_1413 = arith.constant 0 : i32
    %dma_start3A_1414 = arith.constant 104 : i32
    %dma_start3A_1415 = tpu.memref_slice %arg5[%dma_start3A_1413, %dma_start3A_1414] : memref<32x2560xf32, #tpu.memory_space<vmem>> -> memref<32x2048xf32, #tpu.memory_space<vmem>>
    %dma_start3A_1416 = arith.constant 0 : i32
    %dma_start3A_1417 = arith.constant 0 : i32
    %dma_start3A_1418 = tpu.memref_slice %arg3[%add3A_1412, %dma_start3A_1416, %dma_start3A_1417] : memref<2048x32x2048xf32, #tpu.memory_space<hbm>> -> memref<1x32x2048xf32, #tpu.memory_space<hbm>>
    %dma_start3A_1419 = tpu.memref_squeeze %dma_start3A_1418 : memref<1x32x2048xf32, #tpu.memory_space<hbm>> -> memref<32x2048xf32, #tpu.memory_space<hbm>>
    %dma_start3A_1420 = arith.constant 0 : i32
    %dma_start3A_1421 = arith.constant 0 : i32
    %dma_start3A_1422 = tpu.memref_slice %arg3[%add3A_1412, %dma_start3A_1420, %dma_start3A_1421] : memref<2048x32x2048xf32, #tpu.memory_space<hbm>> -> memref<1x32x2048xf32, #tpu.memory_space<hbm>>
    %dma_start3A_1423 = tpu.memref_squeeze %dma_start3A_1422 : memref<1x32x2048xf32, #tpu.memory_space<hbm>> -> memref<32x2048xf32, #tpu.memory_space<hbm>>
    %dma_start3A_1424 = arith.constant 0 : i32
    %dma_start3A_1425 = arith.constant 104 : i32
    %dma_start3A_1426 = tpu.memref_slice %arg5[%dma_start3A_1424, %dma_start3A_1425] : memref<32x2560xf32, #tpu.memory_space<vmem>> -> memref<32x2048xf32, #tpu.memory_space<vmem>>
    tpu.enqueue_dma source(%dma_start3A_1426 : memref<32x2048xf32, #tpu.memory_space<vmem>>) target(%dma_start3A_1423 : memref<32x2048xf32, #tpu.memory_space<hbm>>) target_semaphore(%arg6 : memref<!tpu.dma_semaphore, #tpu.memory_space<semaphore_mem>>)
    %dma_wait3A_1427 = arith.constant 0 : i32
    %dma_wait3A_1428 = arith.constant 168 : i32
    %dma_wait3A_1429 = tpu.memref_slice %arg5[%dma_wait3A_1427, %dma_wait3A_1428] : memref<32x2560xf32, #tpu.memory_space<vmem>> -> memref<32x2048xf32, #tpu.memory_space<vmem>>
    %dma_wait3A_1430 = arith.constant 0 : i32
    %dma_wait3A_1431 = arith.constant 0 : i32
    %dma_wait3A_1432 = tpu.memref_slice %arg3[%add3A_1172, %dma_wait3A_1430, %dma_wait3A_1431] : memref<2048x32x2048xf32, #tpu.memory_space<hbm>> -> memref<1x32x2048xf32, #tpu.memory_space<hbm>>
    %dma_wait3A_1433 = tpu.memref_squeeze %dma_wait3A_1432 : memref<1x32x2048xf32, #tpu.memory_space<hbm>> -> memref<32x2048xf32, #tpu.memory_space<hbm>>
    %dma_wait3A_1434 = arith.constant 0 : i32
    %dma_wait3A_1435 = arith.constant 0 : i32
    %dma_wait3A_1436 = tpu.memref_slice %arg3[%add3A_1172, %dma_wait3A_1434, %dma_wait3A_1435] : memref<2048x32x2048xf32, #tpu.memory_space<hbm>> -> memref<1x32x2048xf32, #tpu.memory_space<hbm>>
    %dma_wait3A_1437 = tpu.memref_squeeze %dma_wait3A_1436 : memref<1x32x2048xf32, #tpu.memory_space<hbm>> -> memref<32x2048xf32, #tpu.memory_space<hbm>>
    %dma_wait3A_1438 = arith.constant 0 : i32
    %dma_wait3A_1439 = arith.constant 168 : i32
    %dma_wait3A_1440 = tpu.memref_slice %arg5[%dma_wait3A_1438, %dma_wait3A_1439] : memref<32x2560xf32, #tpu.memory_space<vmem>> -> memref<32x2048xf32, #tpu.memory_space<vmem>>
    tpu.wait_dma2 semaphore(%arg6 : memref<!tpu.dma_semaphore, #tpu.memory_space<semaphore_mem>>) src(%dma_wait3A_1440 : memref<32x2048xf32, #tpu.memory_space<vmem>>) dst(%dma_wait3A_1437 : memref<32x2048xf32, #tpu.memory_space<hbm>>)
    %add3A_1441 = arith.constant 408 : i32
    %add3A_1442 = arith.addi %add3A_22, %add3A_1441 : i32
    %dma_start3A_1443 = arith.constant 0 : i32
    %dma_start3A_1444 = arith.constant 96 : i32
    %dma_start3A_1445 = tpu.memref_slice %arg5[%dma_start3A_1443, %dma_start3A_1444] : memref<32x2560xf32, #tpu.memory_space<vmem>> -> memref<32x2048xf32, #tpu.memory_space<vmem>>
    %dma_start3A_1446 = arith.constant 0 : i32
    %dma_start3A_1447 = arith.constant 0 : i32
    %dma_start3A_1448 = tpu.memref_slice %arg3[%add3A_1442, %dma_start3A_1446, %dma_start3A_1447] : memref<2048x32x2048xf32, #tpu.memory_space<hbm>> -> memref<1x32x2048xf32, #tpu.memory_space<hbm>>
    %dma_start3A_1449 = tpu.memref_squeeze %dma_start3A_1448 : memref<1x32x2048xf32, #tpu.memory_space<hbm>> -> memref<32x2048xf32, #tpu.memory_space<hbm>>
    %dma_start3A_1450 = arith.constant 0 : i32
    %dma_start3A_1451 = arith.constant 0 : i32
    %dma_start3A_1452 = tpu.memref_slice %arg3[%add3A_1442, %dma_start3A_1450, %dma_start3A_1451] : memref<2048x32x2048xf32, #tpu.memory_space<hbm>> -> memref<1x32x2048xf32, #tpu.memory_space<hbm>>
    %dma_start3A_1453 = tpu.memref_squeeze %dma_start3A_1452 : memref<1x32x2048xf32, #tpu.memory_space<hbm>> -> memref<32x2048xf32, #tpu.memory_space<hbm>>
    %dma_start3A_1454 = arith.constant 0 : i32
    %dma_start3A_1455 = arith.constant 96 : i32
    %dma_start3A_1456 = tpu.memref_slice %arg5[%dma_start3A_1454, %dma_start3A_1455] : memref<32x2560xf32, #tpu.memory_space<vmem>> -> memref<32x2048xf32, #tpu.memory_space<vmem>>
    tpu.enqueue_dma source(%dma_start3A_1456 : memref<32x2048xf32, #tpu.memory_space<vmem>>) target(%dma_start3A_1453 : memref<32x2048xf32, #tpu.memory_space<hbm>>) target_semaphore(%arg6 : memref<!tpu.dma_semaphore, #tpu.memory_space<semaphore_mem>>)
    %dma_wait3A_1457 = arith.constant 0 : i32
    %dma_wait3A_1458 = arith.constant 160 : i32
    %dma_wait3A_1459 = tpu.memref_slice %arg5[%dma_wait3A_1457, %dma_wait3A_1458] : memref<32x2560xf32, #tpu.memory_space<vmem>> -> memref<32x2048xf32, #tpu.memory_space<vmem>>
    %dma_wait3A_1460 = arith.constant 0 : i32
    %dma_wait3A_1461 = arith.constant 0 : i32
    %dma_wait3A_1462 = tpu.memref_slice %arg3[%add3A_1202, %dma_wait3A_1460, %dma_wait3A_1461] : memref<2048x32x2048xf32, #tpu.memory_space<hbm>> -> memref<1x32x2048xf32, #tpu.memory_space<hbm>>
    %dma_wait3A_1463 = tpu.memref_squeeze %dma_wait3A_1462 : memref<1x32x2048xf32, #tpu.memory_space<hbm>> -> memref<32x2048xf32, #tpu.memory_space<hbm>>
    %dma_wait3A_1464 = arith.constant 0 : i32
    %dma_wait3A_1465 = arith.constant 0 : i32
    %dma_wait3A_1466 = tpu.memref_slice %arg3[%add3A_1202, %dma_wait3A_1464, %dma_wait3A_1465] : memref<2048x32x2048xf32, #tpu.memory_space<hbm>> -> memref<1x32x2048xf32, #tpu.memory_space<hbm>>
    %dma_wait3A_1467 = tpu.memref_squeeze %dma_wait3A_1466 : memref<1x32x2048xf32, #tpu.memory_space<hbm>> -> memref<32x2048xf32, #tpu.memory_space<hbm>>
    %dma_wait3A_1468 = arith.constant 0 : i32
    %dma_wait3A_1469 = arith.constant 160 : i32
    %dma_wait3A_1470 = tpu.memref_slice %arg5[%dma_wait3A_1468, %dma_wait3A_1469] : memref<32x2560xf32, #tpu.memory_space<vmem>> -> memref<32x2048xf32, #tpu.memory_space<vmem>>
    tpu.wait_dma2 semaphore(%arg6 : memref<!tpu.dma_semaphore, #tpu.memory_space<semaphore_mem>>) src(%dma_wait3A_1470 : memref<32x2048xf32, #tpu.memory_space<vmem>>) dst(%dma_wait3A_1467 : memref<32x2048xf32, #tpu.memory_space<hbm>>)
    %add3A_1471 = arith.constant 416 : i32
    %add3A_1472 = arith.addi %add3A_22, %add3A_1471 : i32
    %dma_start3A_1473 = arith.constant 0 : i32
    %dma_start3A_1474 = arith.constant 88 : i32
    %dma_start3A_1475 = tpu.memref_slice %arg5[%dma_start3A_1473, %dma_start3A_1474] : memref<32x2560xf32, #tpu.memory_space<vmem>> -> memref<32x2048xf32, #tpu.memory_space<vmem>>
    %dma_start3A_1476 = arith.constant 0 : i32
    %dma_start3A_1477 = arith.constant 0 : i32
    %dma_start3A_1478 = tpu.memref_slice %arg3[%add3A_1472, %dma_start3A_1476, %dma_start3A_1477] : memref<2048x32x2048xf32, #tpu.memory_space<hbm>> -> memref<1x32x2048xf32, #tpu.memory_space<hbm>>
    %dma_start3A_1479 = tpu.memref_squeeze %dma_start3A_1478 : memref<1x32x2048xf32, #tpu.memory_space<hbm>> -> memref<32x2048xf32, #tpu.memory_space<hbm>>
    %dma_start3A_1480 = arith.constant 0 : i32
    %dma_start3A_1481 = arith.constant 0 : i32
    %dma_start3A_1482 = tpu.memref_slice %arg3[%add3A_1472, %dma_start3A_1480, %dma_start3A_1481] : memref<2048x32x2048xf32, #tpu.memory_space<hbm>> -> memref<1x32x2048xf32, #tpu.memory_space<hbm>>
    %dma_start3A_1483 = tpu.memref_squeeze %dma_start3A_1482 : memref<1x32x2048xf32, #tpu.memory_space<hbm>> -> memref<32x2048xf32, #tpu.memory_space<hbm>>
    %dma_start3A_1484 = arith.constant 0 : i32
    %dma_start3A_1485 = arith.constant 88 : i32
    %dma_start3A_1486 = tpu.memref_slice %arg5[%dma_start3A_1484, %dma_start3A_1485] : memref<32x2560xf32, #tpu.memory_space<vmem>> -> memref<32x2048xf32, #tpu.memory_space<vmem>>
    tpu.enqueue_dma source(%dma_start3A_1486 : memref<32x2048xf32, #tpu.memory_space<vmem>>) target(%dma_start3A_1483 : memref<32x2048xf32, #tpu.memory_space<hbm>>) target_semaphore(%arg6 : memref<!tpu.dma_semaphore, #tpu.memory_space<semaphore_mem>>)
    %dma_wait3A_1487 = arith.constant 0 : i32
    %dma_wait3A_1488 = arith.constant 152 : i32
    %dma_wait3A_1489 = tpu.memref_slice %arg5[%dma_wait3A_1487, %dma_wait3A_1488] : memref<32x2560xf32, #tpu.memory_space<vmem>> -> memref<32x2048xf32, #tpu.memory_space<vmem>>
    %dma_wait3A_1490 = arith.constant 0 : i32
    %dma_wait3A_1491 = arith.constant 0 : i32
    %dma_wait3A_1492 = tpu.memref_slice %arg3[%add3A_1232, %dma_wait3A_1490, %dma_wait3A_1491] : memref<2048x32x2048xf32, #tpu.memory_space<hbm>> -> memref<1x32x2048xf32, #tpu.memory_space<hbm>>
    %dma_wait3A_1493 = tpu.memref_squeeze %dma_wait3A_1492 : memref<1x32x2048xf32, #tpu.memory_space<hbm>> -> memref<32x2048xf32, #tpu.memory_space<hbm>>
    %dma_wait3A_1494 = arith.constant 0 : i32
    %dma_wait3A_1495 = arith.constant 0 : i32
    %dma_wait3A_1496 = tpu.memref_slice %arg3[%add3A_1232, %dma_wait3A_1494, %dma_wait3A_1495] : memref<2048x32x2048xf32, #tpu.memory_space<hbm>> -> memref<1x32x2048xf32, #tpu.memory_space<hbm>>
    %dma_wait3A_1497 = tpu.memref_squeeze %dma_wait3A_1496 : memref<1x32x2048xf32, #tpu.memory_space<hbm>> -> memref<32x2048xf32, #tpu.memory_space<hbm>>
    %dma_wait3A_1498 = arith.constant 0 : i32
    %dma_wait3A_1499 = arith.constant 152 : i32
    %dma_wait3A_1500 = tpu.memref_slice %arg5[%dma_wait3A_1498, %dma_wait3A_1499] : memref<32x2560xf32, #tpu.memory_space<vmem>> -> memref<32x2048xf32, #tpu.memory_space<vmem>>
    tpu.wait_dma2 semaphore(%arg6 : memref<!tpu.dma_semaphore, #tpu.memory_space<semaphore_mem>>) src(%dma_wait3A_1500 : memref<32x2048xf32, #tpu.memory_space<vmem>>) dst(%dma_wait3A_1497 : memref<32x2048xf32, #tpu.memory_space<hbm>>)
    %add3A_1501 = arith.constant 424 : i32
    %add3A_1502 = arith.addi %add3A_22, %add3A_1501 : i32
    %dma_start3A_1503 = arith.constant 0 : i32
    %dma_start3A_1504 = arith.constant 80 : i32
    %dma_start3A_1505 = tpu.memref_slice %arg5[%dma_start3A_1503, %dma_start3A_1504] : memref<32x2560xf32, #tpu.memory_space<vmem>> -> memref<32x2048xf32, #tpu.memory_space<vmem>>
    %dma_start3A_1506 = arith.constant 0 : i32
    %dma_start3A_1507 = arith.constant 0 : i32
    %dma_start3A_1508 = tpu.memref_slice %arg3[%add3A_1502, %dma_start3A_1506, %dma_start3A_1507] : memref<2048x32x2048xf32, #tpu.memory_space<hbm>> -> memref<1x32x2048xf32, #tpu.memory_space<hbm>>
    %dma_start3A_1509 = tpu.memref_squeeze %dma_start3A_1508 : memref<1x32x2048xf32, #tpu.memory_space<hbm>> -> memref<32x2048xf32, #tpu.memory_space<hbm>>
    %dma_start3A_1510 = arith.constant 0 : i32
    %dma_start3A_1511 = arith.constant 0 : i32
    %dma_start3A_1512 = tpu.memref_slice %arg3[%add3A_1502, %dma_start3A_1510, %dma_start3A_1511] : memref<2048x32x2048xf32, #tpu.memory_space<hbm>> -> memref<1x32x2048xf32, #tpu.memory_space<hbm>>
    %dma_start3A_1513 = tpu.memref_squeeze %dma_start3A_1512 : memref<1x32x2048xf32, #tpu.memory_space<hbm>> -> memref<32x2048xf32, #tpu.memory_space<hbm>>
    %dma_start3A_1514 = arith.constant 0 : i32
    %dma_start3A_1515 = arith.constant 80 : i32
    %dma_start3A_1516 = tpu.memref_slice %arg5[%dma_start3A_1514, %dma_start3A_1515] : memref<32x2560xf32, #tpu.memory_space<vmem>> -> memref<32x2048xf32, #tpu.memory_space<vmem>>
    tpu.enqueue_dma source(%dma_start3A_1516 : memref<32x2048xf32, #tpu.memory_space<vmem>>) target(%dma_start3A_1513 : memref<32x2048xf32, #tpu.memory_space<hbm>>) target_semaphore(%arg6 : memref<!tpu.dma_semaphore, #tpu.memory_space<semaphore_mem>>)
    %dma_wait3A_1517 = arith.constant 0 : i32
    %dma_wait3A_1518 = arith.constant 144 : i32
    %dma_wait3A_1519 = tpu.memref_slice %arg5[%dma_wait3A_1517, %dma_wait3A_1518] : memref<32x2560xf32, #tpu.memory_space<vmem>> -> memref<32x2048xf32, #tpu.memory_space<vmem>>
    %dma_wait3A_1520 = arith.constant 0 : i32
    %dma_wait3A_1521 = arith.constant 0 : i32
    %dma_wait3A_1522 = tpu.memref_slice %arg3[%add3A_1262, %dma_wait3A_1520, %dma_wait3A_1521] : memref<2048x32x2048xf32, #tpu.memory_space<hbm>> -> memref<1x32x2048xf32, #tpu.memory_space<hbm>>
    %dma_wait3A_1523 = tpu.memref_squeeze %dma_wait3A_1522 : memref<1x32x2048xf32, #tpu.memory_space<hbm>> -> memref<32x2048xf32, #tpu.memory_space<hbm>>
    %dma_wait3A_1524 = arith.constant 0 : i32
    %dma_wait3A_1525 = arith.constant 0 : i32
    %dma_wait3A_1526 = tpu.memref_slice %arg3[%add3A_1262, %dma_wait3A_1524, %dma_wait3A_1525] : memref<2048x32x2048xf32, #tpu.memory_space<hbm>> -> memref<1x32x2048xf32, #tpu.memory_space<hbm>>
    %dma_wait3A_1527 = tpu.memref_squeeze %dma_wait3A_1526 : memref<1x32x2048xf32, #tpu.memory_space<hbm>> -> memref<32x2048xf32, #tpu.memory_space<hbm>>
    %dma_wait3A_1528 = arith.constant 0 : i32
    %dma_wait3A_1529 = arith.constant 144 : i32
    %dma_wait3A_1530 = tpu.memref_slice %arg5[%dma_wait3A_1528, %dma_wait3A_1529] : memref<32x2560xf32, #tpu.memory_space<vmem>> -> memref<32x2048xf32, #tpu.memory_space<vmem>>
    tpu.wait_dma2 semaphore(%arg6 : memref<!tpu.dma_semaphore, #tpu.memory_space<semaphore_mem>>) src(%dma_wait3A_1530 : memref<32x2048xf32, #tpu.memory_space<vmem>>) dst(%dma_wait3A_1527 : memref<32x2048xf32, #tpu.memory_space<hbm>>)
    %add3A_1531 = arith.constant 432 : i32
    %add3A_1532 = arith.addi %add3A_22, %add3A_1531 : i32
    %dma_start3A_1533 = arith.constant 0 : i32
    %dma_start3A_1534 = arith.constant 72 : i32
    %dma_start3A_1535 = tpu.memref_slice %arg5[%dma_start3A_1533, %dma_start3A_1534] : memref<32x2560xf32, #tpu.memory_space<vmem>> -> memref<32x2048xf32, #tpu.memory_space<vmem>>
    %dma_start3A_1536 = arith.constant 0 : i32
    %dma_start3A_1537 = arith.constant 0 : i32
    %dma_start3A_1538 = tpu.memref_slice %arg3[%add3A_1532, %dma_start3A_1536, %dma_start3A_1537] : memref<2048x32x2048xf32, #tpu.memory_space<hbm>> -> memref<1x32x2048xf32, #tpu.memory_space<hbm>>
    %dma_start3A_1539 = tpu.memref_squeeze %dma_start3A_1538 : memref<1x32x2048xf32, #tpu.memory_space<hbm>> -> memref<32x2048xf32, #tpu.memory_space<hbm>>
    %dma_start3A_1540 = arith.constant 0 : i32
    %dma_start3A_1541 = arith.constant 0 : i32
    %dma_start3A_1542 = tpu.memref_slice %arg3[%add3A_1532, %dma_start3A_1540, %dma_start3A_1541] : memref<2048x32x2048xf32, #tpu.memory_space<hbm>> -> memref<1x32x2048xf32, #tpu.memory_space<hbm>>
    %dma_start3A_1543 = tpu.memref_squeeze %dma_start3A_1542 : memref<1x32x2048xf32, #tpu.memory_space<hbm>> -> memref<32x2048xf32, #tpu.memory_space<hbm>>
    %dma_start3A_1544 = arith.constant 0 : i32
    %dma_start3A_1545 = arith.constant 72 : i32
    %dma_start3A_1546 = tpu.memref_slice %arg5[%dma_start3A_1544, %dma_start3A_1545] : memref<32x2560xf32, #tpu.memory_space<vmem>> -> memref<32x2048xf32, #tpu.memory_space<vmem>>
    tpu.enqueue_dma source(%dma_start3A_1546 : memref<32x2048xf32, #tpu.memory_space<vmem>>) target(%dma_start3A_1543 : memref<32x2048xf32, #tpu.memory_space<hbm>>) target_semaphore(%arg6 : memref<!tpu.dma_semaphore, #tpu.memory_space<semaphore_mem>>)
    %dma_wait3A_1547 = arith.constant 0 : i32
    %dma_wait3A_1548 = arith.constant 136 : i32
    %dma_wait3A_1549 = tpu.memref_slice %arg5[%dma_wait3A_1547, %dma_wait3A_1548] : memref<32x2560xf32, #tpu.memory_space<vmem>> -> memref<32x2048xf32, #tpu.memory_space<vmem>>
    %dma_wait3A_1550 = arith.constant 0 : i32
    %dma_wait3A_1551 = arith.constant 0 : i32
    %dma_wait3A_1552 = tpu.memref_slice %arg3[%add3A_1292, %dma_wait3A_1550, %dma_wait3A_1551] : memref<2048x32x2048xf32, #tpu.memory_space<hbm>> -> memref<1x32x2048xf32, #tpu.memory_space<hbm>>
    %dma_wait3A_1553 = tpu.memref_squeeze %dma_wait3A_1552 : memref<1x32x2048xf32, #tpu.memory_space<hbm>> -> memref<32x2048xf32, #tpu.memory_space<hbm>>
    %dma_wait3A_1554 = arith.constant 0 : i32
    %dma_wait3A_1555 = arith.constant 0 : i32
    %dma_wait3A_1556 = tpu.memref_slice %arg3[%add3A_1292, %dma_wait3A_1554, %dma_wait3A_1555] : memref<2048x32x2048xf32, #tpu.memory_space<hbm>> -> memref<1x32x2048xf32, #tpu.memory_space<hbm>>
    %dma_wait3A_1557 = tpu.memref_squeeze %dma_wait3A_1556 : memref<1x32x2048xf32, #tpu.memory_space<hbm>> -> memref<32x2048xf32, #tpu.memory_space<hbm>>
    %dma_wait3A_1558 = arith.constant 0 : i32
    %dma_wait3A_1559 = arith.constant 136 : i32
    %dma_wait3A_1560 = tpu.memref_slice %arg5[%dma_wait3A_1558, %dma_wait3A_1559] : memref<32x2560xf32, #tpu.memory_space<vmem>> -> memref<32x2048xf32, #tpu.memory_space<vmem>>
    tpu.wait_dma2 semaphore(%arg6 : memref<!tpu.dma_semaphore, #tpu.memory_space<semaphore_mem>>) src(%dma_wait3A_1560 : memref<32x2048xf32, #tpu.memory_space<vmem>>) dst(%dma_wait3A_1557 : memref<32x2048xf32, #tpu.memory_space<hbm>>)
    %add3A_1561 = arith.constant 440 : i32
    %add3A_1562 = arith.addi %add3A_22, %add3A_1561 : i32
    %dma_start3A_1563 = arith.constant 0 : i32
    %dma_start3A_1564 = arith.constant 64 : i32
    %dma_start3A_1565 = tpu.memref_slice %arg5[%dma_start3A_1563, %dma_start3A_1564] : memref<32x2560xf32, #tpu.memory_space<vmem>> -> memref<32x2048xf32, #tpu.memory_space<vmem>>
    %dma_start3A_1566 = arith.constant 0 : i32
    %dma_start3A_1567 = arith.constant 0 : i32
    %dma_start3A_1568 = tpu.memref_slice %arg3[%add3A_1562, %dma_start3A_1566, %dma_start3A_1567] : memref<2048x32x2048xf32, #tpu.memory_space<hbm>> -> memref<1x32x2048xf32, #tpu.memory_space<hbm>>
    %dma_start3A_1569 = tpu.memref_squeeze %dma_start3A_1568 : memref<1x32x2048xf32, #tpu.memory_space<hbm>> -> memref<32x2048xf32, #tpu.memory_space<hbm>>
    %dma_start3A_1570 = arith.constant 0 : i32
    %dma_start3A_1571 = arith.constant 0 : i32
    %dma_start3A_1572 = tpu.memref_slice %arg3[%add3A_1562, %dma_start3A_1570, %dma_start3A_1571] : memref<2048x32x2048xf32, #tpu.memory_space<hbm>> -> memref<1x32x2048xf32, #tpu.memory_space<hbm>>
    %dma_start3A_1573 = tpu.memref_squeeze %dma_start3A_1572 : memref<1x32x2048xf32, #tpu.memory_space<hbm>> -> memref<32x2048xf32, #tpu.memory_space<hbm>>
    %dma_start3A_1574 = arith.constant 0 : i32
    %dma_start3A_1575 = arith.constant 64 : i32
    %dma_start3A_1576 = tpu.memref_slice %arg5[%dma_start3A_1574, %dma_start3A_1575] : memref<32x2560xf32, #tpu.memory_space<vmem>> -> memref<32x2048xf32, #tpu.memory_space<vmem>>
    tpu.enqueue_dma source(%dma_start3A_1576 : memref<32x2048xf32, #tpu.memory_space<vmem>>) target(%dma_start3A_1573 : memref<32x2048xf32, #tpu.memory_space<hbm>>) target_semaphore(%arg6 : memref<!tpu.dma_semaphore, #tpu.memory_space<semaphore_mem>>)
    %dma_wait3A_1577 = arith.constant 0 : i32
    %dma_wait3A_1578 = arith.constant 128 : i32
    %dma_wait3A_1579 = tpu.memref_slice %arg5[%dma_wait3A_1577, %dma_wait3A_1578] : memref<32x2560xf32, #tpu.memory_space<vmem>> -> memref<32x2048xf32, #tpu.memory_space<vmem>>
    %dma_wait3A_1580 = arith.constant 0 : i32
    %dma_wait3A_1581 = arith.constant 0 : i32
    %dma_wait3A_1582 = tpu.memref_slice %arg3[%add3A_1322, %dma_wait3A_1580, %dma_wait3A_1581] : memref<2048x32x2048xf32, #tpu.memory_space<hbm>> -> memref<1x32x2048xf32, #tpu.memory_space<hbm>>
    %dma_wait3A_1583 = tpu.memref_squeeze %dma_wait3A_1582 : memref<1x32x2048xf32, #tpu.memory_space<hbm>> -> memref<32x2048xf32, #tpu.memory_space<hbm>>
    %dma_wait3A_1584 = arith.constant 0 : i32
    %dma_wait3A_1585 = arith.constant 0 : i32
    %dma_wait3A_1586 = tpu.memref_slice %arg3[%add3A_1322, %dma_wait3A_1584, %dma_wait3A_1585] : memref<2048x32x2048xf32, #tpu.memory_space<hbm>> -> memref<1x32x2048xf32, #tpu.memory_space<hbm>>
    %dma_wait3A_1587 = tpu.memref_squeeze %dma_wait3A_1586 : memref<1x32x2048xf32, #tpu.memory_space<hbm>> -> memref<32x2048xf32, #tpu.memory_space<hbm>>
    %dma_wait3A_1588 = arith.constant 0 : i32
    %dma_wait3A_1589 = arith.constant 128 : i32
    %dma_wait3A_1590 = tpu.memref_slice %arg5[%dma_wait3A_1588, %dma_wait3A_1589] : memref<32x2560xf32, #tpu.memory_space<vmem>> -> memref<32x2048xf32, #tpu.memory_space<vmem>>
    tpu.wait_dma2 semaphore(%arg6 : memref<!tpu.dma_semaphore, #tpu.memory_space<semaphore_mem>>) src(%dma_wait3A_1590 : memref<32x2048xf32, #tpu.memory_space<vmem>>) dst(%dma_wait3A_1587 : memref<32x2048xf32, #tpu.memory_space<hbm>>)
    %add3A_1591 = arith.constant 448 : i32
    %add3A_1592 = arith.addi %add3A_22, %add3A_1591 : i32
    %dma_start3A_1593 = arith.constant 0 : i32
    %dma_start3A_1594 = arith.constant 56 : i32
    %dma_start3A_1595 = tpu.memref_slice %arg5[%dma_start3A_1593, %dma_start3A_1594] : memref<32x2560xf32, #tpu.memory_space<vmem>> -> memref<32x2048xf32, #tpu.memory_space<vmem>>
    %dma_start3A_1596 = arith.constant 0 : i32
    %dma_start3A_1597 = arith.constant 0 : i32
    %dma_start3A_1598 = tpu.memref_slice %arg3[%add3A_1592, %dma_start3A_1596, %dma_start3A_1597] : memref<2048x32x2048xf32, #tpu.memory_space<hbm>> -> memref<1x32x2048xf32, #tpu.memory_space<hbm>>
    %dma_start3A_1599 = tpu.memref_squeeze %dma_start3A_1598 : memref<1x32x2048xf32, #tpu.memory_space<hbm>> -> memref<32x2048xf32, #tpu.memory_space<hbm>>
    %dma_start3A_1600 = arith.constant 0 : i32
    %dma_start3A_1601 = arith.constant 0 : i32
    %dma_start3A_1602 = tpu.memref_slice %arg3[%add3A_1592, %dma_start3A_1600, %dma_start3A_1601] : memref<2048x32x2048xf32, #tpu.memory_space<hbm>> -> memref<1x32x2048xf32, #tpu.memory_space<hbm>>
    %dma_start3A_1603 = tpu.memref_squeeze %dma_start3A_1602 : memref<1x32x2048xf32, #tpu.memory_space<hbm>> -> memref<32x2048xf32, #tpu.memory_space<hbm>>
    %dma_start3A_1604 = arith.constant 0 : i32
    %dma_start3A_1605 = arith.constant 56 : i32
    %dma_start3A_1606 = tpu.memref_slice %arg5[%dma_start3A_1604, %dma_start3A_1605] : memref<32x2560xf32, #tpu.memory_space<vmem>> -> memref<32x2048xf32, #tpu.memory_space<vmem>>
    tpu.enqueue_dma source(%dma_start3A_1606 : memref<32x2048xf32, #tpu.memory_space<vmem>>) target(%dma_start3A_1603 : memref<32x2048xf32, #tpu.memory_space<hbm>>) target_semaphore(%arg6 : memref<!tpu.dma_semaphore, #tpu.memory_space<semaphore_mem>>)
    %dma_wait3A_1607 = arith.constant 0 : i32
    %dma_wait3A_1608 = arith.constant 120 : i32
    %dma_wait3A_1609 = tpu.memref_slice %arg5[%dma_wait3A_1607, %dma_wait3A_1608] : memref<32x2560xf32, #tpu.memory_space<vmem>> -> memref<32x2048xf32, #tpu.memory_space<vmem>>
    %dma_wait3A_1610 = arith.constant 0 : i32
    %dma_wait3A_1611 = arith.constant 0 : i32
    %dma_wait3A_1612 = tpu.memref_slice %arg3[%add3A_1352, %dma_wait3A_1610, %dma_wait3A_1611] : memref<2048x32x2048xf32, #tpu.memory_space<hbm>> -> memref<1x32x2048xf32, #tpu.memory_space<hbm>>
    %dma_wait3A_1613 = tpu.memref_squeeze %dma_wait3A_1612 : memref<1x32x2048xf32, #tpu.memory_space<hbm>> -> memref<32x2048xf32, #tpu.memory_space<hbm>>
    %dma_wait3A_1614 = arith.constant 0 : i32
    %dma_wait3A_1615 = arith.constant 0 : i32
    %dma_wait3A_1616 = tpu.memref_slice %arg3[%add3A_1352, %dma_wait3A_1614, %dma_wait3A_1615] : memref<2048x32x2048xf32, #tpu.memory_space<hbm>> -> memref<1x32x2048xf32, #tpu.memory_space<hbm>>
    %dma_wait3A_1617 = tpu.memref_squeeze %dma_wait3A_1616 : memref<1x32x2048xf32, #tpu.memory_space<hbm>> -> memref<32x2048xf32, #tpu.memory_space<hbm>>
    %dma_wait3A_1618 = arith.constant 0 : i32
    %dma_wait3A_1619 = arith.constant 120 : i32
    %dma_wait3A_1620 = tpu.memref_slice %arg5[%dma_wait3A_1618, %dma_wait3A_1619] : memref<32x2560xf32, #tpu.memory_space<vmem>> -> memref<32x2048xf32, #tpu.memory_space<vmem>>
    tpu.wait_dma2 semaphore(%arg6 : memref<!tpu.dma_semaphore, #tpu.memory_space<semaphore_mem>>) src(%dma_wait3A_1620 : memref<32x2048xf32, #tpu.memory_space<vmem>>) dst(%dma_wait3A_1617 : memref<32x2048xf32, #tpu.memory_space<hbm>>)
    %add3A_1621 = arith.constant 456 : i32
    %add3A_1622 = arith.addi %add3A_22, %add3A_1621 : i32
    %dma_start3A_1623 = arith.constant 0 : i32
    %dma_start3A_1624 = arith.constant 48 : i32
    %dma_start3A_1625 = tpu.memref_slice %arg5[%dma_start3A_1623, %dma_start3A_1624] : memref<32x2560xf32, #tpu.memory_space<vmem>> -> memref<32x2048xf32, #tpu.memory_space<vmem>>
    %dma_start3A_1626 = arith.constant 0 : i32
    %dma_start3A_1627 = arith.constant 0 : i32
    %dma_start3A_1628 = tpu.memref_slice %arg3[%add3A_1622, %dma_start3A_1626, %dma_start3A_1627] : memref<2048x32x2048xf32, #tpu.memory_space<hbm>> -> memref<1x32x2048xf32, #tpu.memory_space<hbm>>
    %dma_start3A_1629 = tpu.memref_squeeze %dma_start3A_1628 : memref<1x32x2048xf32, #tpu.memory_space<hbm>> -> memref<32x2048xf32, #tpu.memory_space<hbm>>
    %dma_start3A_1630 = arith.constant 0 : i32
    %dma_start3A_1631 = arith.constant 0 : i32
    %dma_start3A_1632 = tpu.memref_slice %arg3[%add3A_1622, %dma_start3A_1630, %dma_start3A_1631] : memref<2048x32x2048xf32, #tpu.memory_space<hbm>> -> memref<1x32x2048xf32, #tpu.memory_space<hbm>>
    %dma_start3A_1633 = tpu.memref_squeeze %dma_start3A_1632 : memref<1x32x2048xf32, #tpu.memory_space<hbm>> -> memref<32x2048xf32, #tpu.memory_space<hbm>>
    %dma_start3A_1634 = arith.constant 0 : i32
    %dma_start3A_1635 = arith.constant 48 : i32
    %dma_start3A_1636 = tpu.memref_slice %arg5[%dma_start3A_1634, %dma_start3A_1635] : memref<32x2560xf32, #tpu.memory_space<vmem>> -> memref<32x2048xf32, #tpu.memory_space<vmem>>
    tpu.enqueue_dma source(%dma_start3A_1636 : memref<32x2048xf32, #tpu.memory_space<vmem>>) target(%dma_start3A_1633 : memref<32x2048xf32, #tpu.memory_space<hbm>>) target_semaphore(%arg6 : memref<!tpu.dma_semaphore, #tpu.memory_space<semaphore_mem>>)
    %dma_wait3A_1637 = arith.constant 0 : i32
    %dma_wait3A_1638 = arith.constant 112 : i32
    %dma_wait3A_1639 = tpu.memref_slice %arg5[%dma_wait3A_1637, %dma_wait3A_1638] : memref<32x2560xf32, #tpu.memory_space<vmem>> -> memref<32x2048xf32, #tpu.memory_space<vmem>>
    %dma_wait3A_1640 = arith.constant 0 : i32
    %dma_wait3A_1641 = arith.constant 0 : i32
    %dma_wait3A_1642 = tpu.memref_slice %arg3[%add3A_1382, %dma_wait3A_1640, %dma_wait3A_1641] : memref<2048x32x2048xf32, #tpu.memory_space<hbm>> -> memref<1x32x2048xf32, #tpu.memory_space<hbm>>
    %dma_wait3A_1643 = tpu.memref_squeeze %dma_wait3A_1642 : memref<1x32x2048xf32, #tpu.memory_space<hbm>> -> memref<32x2048xf32, #tpu.memory_space<hbm>>
    %dma_wait3A_1644 = arith.constant 0 : i32
    %dma_wait3A_1645 = arith.constant 0 : i32
    %dma_wait3A_1646 = tpu.memref_slice %arg3[%add3A_1382, %dma_wait3A_1644, %dma_wait3A_1645] : memref<2048x32x2048xf32, #tpu.memory_space<hbm>> -> memref<1x32x2048xf32, #tpu.memory_space<hbm>>
    %dma_wait3A_1647 = tpu.memref_squeeze %dma_wait3A_1646 : memref<1x32x2048xf32, #tpu.memory_space<hbm>> -> memref<32x2048xf32, #tpu.memory_space<hbm>>
    %dma_wait3A_1648 = arith.constant 0 : i32
    %dma_wait3A_1649 = arith.constant 112 : i32
    %dma_wait3A_1650 = tpu.memref_slice %arg5[%dma_wait3A_1648, %dma_wait3A_1649] : memref<32x2560xf32, #tpu.memory_space<vmem>> -> memref<32x2048xf32, #tpu.memory_space<vmem>>
    tpu.wait_dma2 semaphore(%arg6 : memref<!tpu.dma_semaphore, #tpu.memory_space<semaphore_mem>>) src(%dma_wait3A_1650 : memref<32x2048xf32, #tpu.memory_space<vmem>>) dst(%dma_wait3A_1647 : memref<32x2048xf32, #tpu.memory_space<hbm>>)
    %add3A_1651 = arith.constant 464 : i32
    %add3A_1652 = arith.addi %add3A_22, %add3A_1651 : i32
    %dma_start3A_1653 = arith.constant 0 : i32
    %dma_start3A_1654 = arith.constant 40 : i32
    %dma_start3A_1655 = tpu.memref_slice %arg5[%dma_start3A_1653, %dma_start3A_1654] : memref<32x2560xf32, #tpu.memory_space<vmem>> -> memref<32x2048xf32, #tpu.memory_space<vmem>>
    %dma_start3A_1656 = arith.constant 0 : i32
    %dma_start3A_1657 = arith.constant 0 : i32
    %dma_start3A_1658 = tpu.memref_slice %arg3[%add3A_1652, %dma_start3A_1656, %dma_start3A_1657] : memref<2048x32x2048xf32, #tpu.memory_space<hbm>> -> memref<1x32x2048xf32, #tpu.memory_space<hbm>>
    %dma_start3A_1659 = tpu.memref_squeeze %dma_start3A_1658 : memref<1x32x2048xf32, #tpu.memory_space<hbm>> -> memref<32x2048xf32, #tpu.memory_space<hbm>>
    %dma_start3A_1660 = arith.constant 0 : i32
    %dma_start3A_1661 = arith.constant 0 : i32
    %dma_start3A_1662 = tpu.memref_slice %arg3[%add3A_1652, %dma_start3A_1660, %dma_start3A_1661] : memref<2048x32x2048xf32, #tpu.memory_space<hbm>> -> memref<1x32x2048xf32, #tpu.memory_space<hbm>>
    %dma_start3A_1663 = tpu.memref_squeeze %dma_start3A_1662 : memref<1x32x2048xf32, #tpu.memory_space<hbm>> -> memref<32x2048xf32, #tpu.memory_space<hbm>>
    %dma_start3A_1664 = arith.constant 0 : i32
    %dma_start3A_1665 = arith.constant 40 : i32
    %dma_start3A_1666 = tpu.memref_slice %arg5[%dma_start3A_1664, %dma_start3A_1665] : memref<32x2560xf32, #tpu.memory_space<vmem>> -> memref<32x2048xf32, #tpu.memory_space<vmem>>
    tpu.enqueue_dma source(%dma_start3A_1666 : memref<32x2048xf32, #tpu.memory_space<vmem>>) target(%dma_start3A_1663 : memref<32x2048xf32, #tpu.memory_space<hbm>>) target_semaphore(%arg6 : memref<!tpu.dma_semaphore, #tpu.memory_space<semaphore_mem>>)
    %dma_wait3A_1667 = arith.constant 0 : i32
    %dma_wait3A_1668 = arith.constant 104 : i32
    %dma_wait3A_1669 = tpu.memref_slice %arg5[%dma_wait3A_1667, %dma_wait3A_1668] : memref<32x2560xf32, #tpu.memory_space<vmem>> -> memref<32x2048xf32, #tpu.memory_space<vmem>>
    %dma_wait3A_1670 = arith.constant 0 : i32
    %dma_wait3A_1671 = arith.constant 0 : i32
    %dma_wait3A_1672 = tpu.memref_slice %arg3[%add3A_1412, %dma_wait3A_1670, %dma_wait3A_1671] : memref<2048x32x2048xf32, #tpu.memory_space<hbm>> -> memref<1x32x2048xf32, #tpu.memory_space<hbm>>
    %dma_wait3A_1673 = tpu.memref_squeeze %dma_wait3A_1672 : memref<1x32x2048xf32, #tpu.memory_space<hbm>> -> memref<32x2048xf32, #tpu.memory_space<hbm>>
    %dma_wait3A_1674 = arith.constant 0 : i32
    %dma_wait3A_1675 = arith.constant 0 : i32
    %dma_wait3A_1676 = tpu.memref_slice %arg3[%add3A_1412, %dma_wait3A_1674, %dma_wait3A_1675] : memref<2048x32x2048xf32, #tpu.memory_space<hbm>> -> memref<1x32x2048xf32, #tpu.memory_space<hbm>>
    %dma_wait3A_1677 = tpu.memref_squeeze %dma_wait3A_1676 : memref<1x32x2048xf32, #tpu.memory_space<hbm>> -> memref<32x2048xf32, #tpu.memory_space<hbm>>
    %dma_wait3A_1678 = arith.constant 0 : i32
    %dma_wait3A_1679 = arith.constant 104 : i32
    %dma_wait3A_1680 = tpu.memref_slice %arg5[%dma_wait3A_1678, %dma_wait3A_1679] : memref<32x2560xf32, #tpu.memory_space<vmem>> -> memref<32x2048xf32, #tpu.memory_space<vmem>>
    tpu.wait_dma2 semaphore(%arg6 : memref<!tpu.dma_semaphore, #tpu.memory_space<semaphore_mem>>) src(%dma_wait3A_1680 : memref<32x2048xf32, #tpu.memory_space<vmem>>) dst(%dma_wait3A_1677 : memref<32x2048xf32, #tpu.memory_space<hbm>>)
    %add3A_1681 = arith.constant 472 : i32
    %add3A_1682 = arith.addi %add3A_22, %add3A_1681 : i32
    %dma_start3A_1683 = arith.constant 0 : i32
    %dma_start3A_1684 = arith.constant 32 : i32
    %dma_start3A_1685 = tpu.memref_slice %arg5[%dma_start3A_1683, %dma_start3A_1684] : memref<32x2560xf32, #tpu.memory_space<vmem>> -> memref<32x2048xf32, #tpu.memory_space<vmem>>
    %dma_start3A_1686 = arith.constant 0 : i32
    %dma_start3A_1687 = arith.constant 0 : i32
    %dma_start3A_1688 = tpu.memref_slice %arg3[%add3A_1682, %dma_start3A_1686, %dma_start3A_1687] : memref<2048x32x2048xf32, #tpu.memory_space<hbm>> -> memref<1x32x2048xf32, #tpu.memory_space<hbm>>
    %dma_start3A_1689 = tpu.memref_squeeze %dma_start3A_1688 : memref<1x32x2048xf32, #tpu.memory_space<hbm>> -> memref<32x2048xf32, #tpu.memory_space<hbm>>
    %dma_start3A_1690 = arith.constant 0 : i32
    %dma_start3A_1691 = arith.constant 0 : i32
    %dma_start3A_1692 = tpu.memref_slice %arg3[%add3A_1682, %dma_start3A_1690, %dma_start3A_1691] : memref<2048x32x2048xf32, #tpu.memory_space<hbm>> -> memref<1x32x2048xf32, #tpu.memory_space<hbm>>
    %dma_start3A_1693 = tpu.memref_squeeze %dma_start3A_1692 : memref<1x32x2048xf32, #tpu.memory_space<hbm>> -> memref<32x2048xf32, #tpu.memory_space<hbm>>
    %dma_start3A_1694 = arith.constant 0 : i32
    %dma_start3A_1695 = arith.constant 32 : i32
    %dma_start3A_1696 = tpu.memref_slice %arg5[%dma_start3A_1694, %dma_start3A_1695] : memref<32x2560xf32, #tpu.memory_space<vmem>> -> memref<32x2048xf32, #tpu.memory_space<vmem>>
    tpu.enqueue_dma source(%dma_start3A_1696 : memref<32x2048xf32, #tpu.memory_space<vmem>>) target(%dma_start3A_1693 : memref<32x2048xf32, #tpu.memory_space<hbm>>) target_semaphore(%arg6 : memref<!tpu.dma_semaphore, #tpu.memory_space<semaphore_mem>>)
    %dma_wait3A_1697 = arith.constant 0 : i32
    %dma_wait3A_1698 = arith.constant 96 : i32
    %dma_wait3A_1699 = tpu.memref_slice %arg5[%dma_wait3A_1697, %dma_wait3A_1698] : memref<32x2560xf32, #tpu.memory_space<vmem>> -> memref<32x2048xf32, #tpu.memory_space<vmem>>
    %dma_wait3A_1700 = arith.constant 0 : i32
    %dma_wait3A_1701 = arith.constant 0 : i32
    %dma_wait3A_1702 = tpu.memref_slice %arg3[%add3A_1442, %dma_wait3A_1700, %dma_wait3A_1701] : memref<2048x32x2048xf32, #tpu.memory_space<hbm>> -> memref<1x32x2048xf32, #tpu.memory_space<hbm>>
    %dma_wait3A_1703 = tpu.memref_squeeze %dma_wait3A_1702 : memref<1x32x2048xf32, #tpu.memory_space<hbm>> -> memref<32x2048xf32, #tpu.memory_space<hbm>>
    %dma_wait3A_1704 = arith.constant 0 : i32
    %dma_wait3A_1705 = arith.constant 0 : i32
    %dma_wait3A_1706 = tpu.memref_slice %arg3[%add3A_1442, %dma_wait3A_1704, %dma_wait3A_1705] : memref<2048x32x2048xf32, #tpu.memory_space<hbm>> -> memref<1x32x2048xf32, #tpu.memory_space<hbm>>
    %dma_wait3A_1707 = tpu.memref_squeeze %dma_wait3A_1706 : memref<1x32x2048xf32, #tpu.memory_space<hbm>> -> memref<32x2048xf32, #tpu.memory_space<hbm>>
    %dma_wait3A_1708 = arith.constant 0 : i32
    %dma_wait3A_1709 = arith.constant 96 : i32
    %dma_wait3A_1710 = tpu.memref_slice %arg5[%dma_wait3A_1708, %dma_wait3A_1709] : memref<32x2560xf32, #tpu.memory_space<vmem>> -> memref<32x2048xf32, #tpu.memory_space<vmem>>
    tpu.wait_dma2 semaphore(%arg6 : memref<!tpu.dma_semaphore, #tpu.memory_space<semaphore_mem>>) src(%dma_wait3A_1710 : memref<32x2048xf32, #tpu.memory_space<vmem>>) dst(%dma_wait3A_1707 : memref<32x2048xf32, #tpu.memory_space<hbm>>)
    %add3A_1711 = arith.constant 480 : i32
    %add3A_1712 = arith.addi %add3A_22, %add3A_1711 : i32
    %dma_start3A_1713 = arith.constant 0 : i32
    %dma_start3A_1714 = arith.constant 24 : i32
    %dma_start3A_1715 = tpu.memref_slice %arg5[%dma_start3A_1713, %dma_start3A_1714] : memref<32x2560xf32, #tpu.memory_space<vmem>> -> memref<32x2048xf32, #tpu.memory_space<vmem>>
    %dma_start3A_1716 = arith.constant 0 : i32
    %dma_start3A_1717 = arith.constant 0 : i32
    %dma_start3A_1718 = tpu.memref_slice %arg3[%add3A_1712, %dma_start3A_1716, %dma_start3A_1717] : memref<2048x32x2048xf32, #tpu.memory_space<hbm>> -> memref<1x32x2048xf32, #tpu.memory_space<hbm>>
    %dma_start3A_1719 = tpu.memref_squeeze %dma_start3A_1718 : memref<1x32x2048xf32, #tpu.memory_space<hbm>> -> memref<32x2048xf32, #tpu.memory_space<hbm>>
    %dma_start3A_1720 = arith.constant 0 : i32
    %dma_start3A_1721 = arith.constant 0 : i32
    %dma_start3A_1722 = tpu.memref_slice %arg3[%add3A_1712, %dma_start3A_1720, %dma_start3A_1721] : memref<2048x32x2048xf32, #tpu.memory_space<hbm>> -> memref<1x32x2048xf32, #tpu.memory_space<hbm>>
    %dma_start3A_1723 = tpu.memref_squeeze %dma_start3A_1722 : memref<1x32x2048xf32, #tpu.memory_space<hbm>> -> memref<32x2048xf32, #tpu.memory_space<hbm>>
    %dma_start3A_1724 = arith.constant 0 : i32
    %dma_start3A_1725 = arith.constant 24 : i32
    %dma_start3A_1726 = tpu.memref_slice %arg5[%dma_start3A_1724, %dma_start3A_1725] : memref<32x2560xf32, #tpu.memory_space<vmem>> -> memref<32x2048xf32, #tpu.memory_space<vmem>>
    tpu.enqueue_dma source(%dma_start3A_1726 : memref<32x2048xf32, #tpu.memory_space<vmem>>) target(%dma_start3A_1723 : memref<32x2048xf32, #tpu.memory_space<hbm>>) target_semaphore(%arg6 : memref<!tpu.dma_semaphore, #tpu.memory_space<semaphore_mem>>)
    %dma_wait3A_1727 = arith.constant 0 : i32
    %dma_wait3A_1728 = arith.constant 88 : i32
    %dma_wait3A_1729 = tpu.memref_slice %arg5[%dma_wait3A_1727, %dma_wait3A_1728] : memref<32x2560xf32, #tpu.memory_space<vmem>> -> memref<32x2048xf32, #tpu.memory_space<vmem>>
    %dma_wait3A_1730 = arith.constant 0 : i32
    %dma_wait3A_1731 = arith.constant 0 : i32
    %dma_wait3A_1732 = tpu.memref_slice %arg3[%add3A_1472, %dma_wait3A_1730, %dma_wait3A_1731] : memref<2048x32x2048xf32, #tpu.memory_space<hbm>> -> memref<1x32x2048xf32, #tpu.memory_space<hbm>>
    %dma_wait3A_1733 = tpu.memref_squeeze %dma_wait3A_1732 : memref<1x32x2048xf32, #tpu.memory_space<hbm>> -> memref<32x2048xf32, #tpu.memory_space<hbm>>
    %dma_wait3A_1734 = arith.constant 0 : i32
    %dma_wait3A_1735 = arith.constant 0 : i32
    %dma_wait3A_1736 = tpu.memref_slice %arg3[%add3A_1472, %dma_wait3A_1734, %dma_wait3A_1735] : memref<2048x32x2048xf32, #tpu.memory_space<hbm>> -> memref<1x32x2048xf32, #tpu.memory_space<hbm>>
    %dma_wait3A_1737 = tpu.memref_squeeze %dma_wait3A_1736 : memref<1x32x2048xf32, #tpu.memory_space<hbm>> -> memref<32x2048xf32, #tpu.memory_space<hbm>>
    %dma_wait3A_1738 = arith.constant 0 : i32
    %dma_wait3A_1739 = arith.constant 88 : i32
    %dma_wait3A_1740 = tpu.memref_slice %arg5[%dma_wait3A_1738, %dma_wait3A_1739] : memref<32x2560xf32, #tpu.memory_space<vmem>> -> memref<32x2048xf32, #tpu.memory_space<vmem>>
    tpu.wait_dma2 semaphore(%arg6 : memref<!tpu.dma_semaphore, #tpu.memory_space<semaphore_mem>>) src(%dma_wait3A_1740 : memref<32x2048xf32, #tpu.memory_space<vmem>>) dst(%dma_wait3A_1737 : memref<32x2048xf32, #tpu.memory_space<hbm>>)
    %add3A_1741 = arith.constant 488 : i32
    %add3A_1742 = arith.addi %add3A_22, %add3A_1741 : i32
    %dma_start3A_1743 = arith.constant 0 : i32
    %dma_start3A_1744 = arith.constant 16 : i32
    %dma_start3A_1745 = tpu.memref_slice %arg5[%dma_start3A_1743, %dma_start3A_1744] : memref<32x2560xf32, #tpu.memory_space<vmem>> -> memref<32x2048xf32, #tpu.memory_space<vmem>>
    %dma_start3A_1746 = arith.constant 0 : i32
    %dma_start3A_1747 = arith.constant 0 : i32
    %dma_start3A_1748 = tpu.memref_slice %arg3[%add3A_1742, %dma_start3A_1746, %dma_start3A_1747] : memref<2048x32x2048xf32, #tpu.memory_space<hbm>> -> memref<1x32x2048xf32, #tpu.memory_space<hbm>>
    %dma_start3A_1749 = tpu.memref_squeeze %dma_start3A_1748 : memref<1x32x2048xf32, #tpu.memory_space<hbm>> -> memref<32x2048xf32, #tpu.memory_space<hbm>>
    %dma_start3A_1750 = arith.constant 0 : i32
    %dma_start3A_1751 = arith.constant 0 : i32
    %dma_start3A_1752 = tpu.memref_slice %arg3[%add3A_1742, %dma_start3A_1750, %dma_start3A_1751] : memref<2048x32x2048xf32, #tpu.memory_space<hbm>> -> memref<1x32x2048xf32, #tpu.memory_space<hbm>>
    %dma_start3A_1753 = tpu.memref_squeeze %dma_start3A_1752 : memref<1x32x2048xf32, #tpu.memory_space<hbm>> -> memref<32x2048xf32, #tpu.memory_space<hbm>>
    %dma_start3A_1754 = arith.constant 0 : i32
    %dma_start3A_1755 = arith.constant 16 : i32
    %dma_start3A_1756 = tpu.memref_slice %arg5[%dma_start3A_1754, %dma_start3A_1755] : memref<32x2560xf32, #tpu.memory_space<vmem>> -> memref<32x2048xf32, #tpu.memory_space<vmem>>
    tpu.enqueue_dma source(%dma_start3A_1756 : memref<32x2048xf32, #tpu.memory_space<vmem>>) target(%dma_start3A_1753 : memref<32x2048xf32, #tpu.memory_space<hbm>>) target_semaphore(%arg6 : memref<!tpu.dma_semaphore, #tpu.memory_space<semaphore_mem>>)
    %dma_wait3A_1757 = arith.constant 0 : i32
    %dma_wait3A_1758 = arith.constant 80 : i32
    %dma_wait3A_1759 = tpu.memref_slice %arg5[%dma_wait3A_1757, %dma_wait3A_1758] : memref<32x2560xf32, #tpu.memory_space<vmem>> -> memref<32x2048xf32, #tpu.memory_space<vmem>>
    %dma_wait3A_1760 = arith.constant 0 : i32
    %dma_wait3A_1761 = arith.constant 0 : i32
    %dma_wait3A_1762 = tpu.memref_slice %arg3[%add3A_1502, %dma_wait3A_1760, %dma_wait3A_1761] : memref<2048x32x2048xf32, #tpu.memory_space<hbm>> -> memref<1x32x2048xf32, #tpu.memory_space<hbm>>
    %dma_wait3A_1763 = tpu.memref_squeeze %dma_wait3A_1762 : memref<1x32x2048xf32, #tpu.memory_space<hbm>> -> memref<32x2048xf32, #tpu.memory_space<hbm>>
    %dma_wait3A_1764 = arith.constant 0 : i32
    %dma_wait3A_1765 = arith.constant 0 : i32
    %dma_wait3A_1766 = tpu.memref_slice %arg3[%add3A_1502, %dma_wait3A_1764, %dma_wait3A_1765] : memref<2048x32x2048xf32, #tpu.memory_space<hbm>> -> memref<1x32x2048xf32, #tpu.memory_space<hbm>>
    %dma_wait3A_1767 = tpu.memref_squeeze %dma_wait3A_1766 : memref<1x32x2048xf32, #tpu.memory_space<hbm>> -> memref<32x2048xf32, #tpu.memory_space<hbm>>
    %dma_wait3A_1768 = arith.constant 0 : i32
    %dma_wait3A_1769 = arith.constant 80 : i32
    %dma_wait3A_1770 = tpu.memref_slice %arg5[%dma_wait3A_1768, %dma_wait3A_1769] : memref<32x2560xf32, #tpu.memory_space<vmem>> -> memref<32x2048xf32, #tpu.memory_space<vmem>>
    tpu.wait_dma2 semaphore(%arg6 : memref<!tpu.dma_semaphore, #tpu.memory_space<semaphore_mem>>) src(%dma_wait3A_1770 : memref<32x2048xf32, #tpu.memory_space<vmem>>) dst(%dma_wait3A_1767 : memref<32x2048xf32, #tpu.memory_space<hbm>>)
    %add3A_1771 = arith.constant 496 : i32
    %add3A_1772 = arith.addi %add3A_22, %add3A_1771 : i32
    %dma_start3A_1773 = arith.constant 0 : i32
    %dma_start3A_1774 = arith.constant 8 : i32
    %dma_start3A_1775 = tpu.memref_slice %arg5[%dma_start3A_1773, %dma_start3A_1774] : memref<32x2560xf32, #tpu.memory_space<vmem>> -> memref<32x2048xf32, #tpu.memory_space<vmem>>
    %dma_start3A_1776 = arith.constant 0 : i32
    %dma_start3A_1777 = arith.constant 0 : i32
    %dma_start3A_1778 = tpu.memref_slice %arg3[%add3A_1772, %dma_start3A_1776, %dma_start3A_1777] : memref<2048x32x2048xf32, #tpu.memory_space<hbm>> -> memref<1x32x2048xf32, #tpu.memory_space<hbm>>
    %dma_start3A_1779 = tpu.memref_squeeze %dma_start3A_1778 : memref<1x32x2048xf32, #tpu.memory_space<hbm>> -> memref<32x2048xf32, #tpu.memory_space<hbm>>
    %dma_start3A_1780 = arith.constant 0 : i32
    %dma_start3A_1781 = arith.constant 0 : i32
    %dma_start3A_1782 = tpu.memref_slice %arg3[%add3A_1772, %dma_start3A_1780, %dma_start3A_1781] : memref<2048x32x2048xf32, #tpu.memory_space<hbm>> -> memref<1x32x2048xf32, #tpu.memory_space<hbm>>
    %dma_start3A_1783 = tpu.memref_squeeze %dma_start3A_1782 : memref<1x32x2048xf32, #tpu.memory_space<hbm>> -> memref<32x2048xf32, #tpu.memory_space<hbm>>
    %dma_start3A_1784 = arith.constant 0 : i32
    %dma_start3A_1785 = arith.constant 8 : i32
    %dma_start3A_1786 = tpu.memref_slice %arg5[%dma_start3A_1784, %dma_start3A_1785] : memref<32x2560xf32, #tpu.memory_space<vmem>> -> memref<32x2048xf32, #tpu.memory_space<vmem>>
    tpu.enqueue_dma source(%dma_start3A_1786 : memref<32x2048xf32, #tpu.memory_space<vmem>>) target(%dma_start3A_1783 : memref<32x2048xf32, #tpu.memory_space<hbm>>) target_semaphore(%arg6 : memref<!tpu.dma_semaphore, #tpu.memory_space<semaphore_mem>>)
    %dma_wait3A_1787 = arith.constant 0 : i32
    %dma_wait3A_1788 = arith.constant 72 : i32
    %dma_wait3A_1789 = tpu.memref_slice %arg5[%dma_wait3A_1787, %dma_wait3A_1788] : memref<32x2560xf32, #tpu.memory_space<vmem>> -> memref<32x2048xf32, #tpu.memory_space<vmem>>
    %dma_wait3A_1790 = arith.constant 0 : i32
    %dma_wait3A_1791 = arith.constant 0 : i32
    %dma_wait3A_1792 = tpu.memref_slice %arg3[%add3A_1532, %dma_wait3A_1790, %dma_wait3A_1791] : memref<2048x32x2048xf32, #tpu.memory_space<hbm>> -> memref<1x32x2048xf32, #tpu.memory_space<hbm>>
    %dma_wait3A_1793 = tpu.memref_squeeze %dma_wait3A_1792 : memref<1x32x2048xf32, #tpu.memory_space<hbm>> -> memref<32x2048xf32, #tpu.memory_space<hbm>>
    %dma_wait3A_1794 = arith.constant 0 : i32
    %dma_wait3A_1795 = arith.constant 0 : i32
    %dma_wait3A_1796 = tpu.memref_slice %arg3[%add3A_1532, %dma_wait3A_1794, %dma_wait3A_1795] : memref<2048x32x2048xf32, #tpu.memory_space<hbm>> -> memref<1x32x2048xf32, #tpu.memory_space<hbm>>
    %dma_wait3A_1797 = tpu.memref_squeeze %dma_wait3A_1796 : memref<1x32x2048xf32, #tpu.memory_space<hbm>> -> memref<32x2048xf32, #tpu.memory_space<hbm>>
    %dma_wait3A_1798 = arith.constant 0 : i32
    %dma_wait3A_1799 = arith.constant 72 : i32
    %dma_wait3A_1800 = tpu.memref_slice %arg5[%dma_wait3A_1798, %dma_wait3A_1799] : memref<32x2560xf32, #tpu.memory_space<vmem>> -> memref<32x2048xf32, #tpu.memory_space<vmem>>
    tpu.wait_dma2 semaphore(%arg6 : memref<!tpu.dma_semaphore, #tpu.memory_space<semaphore_mem>>) src(%dma_wait3A_1800 : memref<32x2048xf32, #tpu.memory_space<vmem>>) dst(%dma_wait3A_1797 : memref<32x2048xf32, #tpu.memory_space<hbm>>)
    %add3A_1801 = arith.constant 504 : i32
    %add3A_1802 = arith.addi %add3A_22, %add3A_1801 : i32
    %dma_start3A_1803 = arith.constant 0 : i32
    %dma_start3A_1804 = arith.constant 0 : i32
    %dma_start3A_1805 = tpu.memref_slice %arg5[%dma_start3A_1803, %dma_start3A_1804] : memref<32x2560xf32, #tpu.memory_space<vmem>> -> memref<32x2048xf32, #tpu.memory_space<vmem>>
    %dma_start3A_1806 = arith.constant 0 : i32
    %dma_start3A_1807 = arith.constant 0 : i32
    %dma_start3A_1808 = tpu.memref_slice %arg3[%add3A_1802, %dma_start3A_1806, %dma_start3A_1807] : memref<2048x32x2048xf32, #tpu.memory_space<hbm>> -> memref<1x32x2048xf32, #tpu.memory_space<hbm>>
    %dma_start3A_1809 = tpu.memref_squeeze %dma_start3A_1808 : memref<1x32x2048xf32, #tpu.memory_space<hbm>> -> memref<32x2048xf32, #tpu.memory_space<hbm>>
    %dma_start3A_1810 = arith.constant 0 : i32
    %dma_start3A_1811 = arith.constant 0 : i32
    %dma_start3A_1812 = tpu.memref_slice %arg3[%add3A_1802, %dma_start3A_1810, %dma_start3A_1811] : memref<2048x32x2048xf32, #tpu.memory_space<hbm>> -> memref<1x32x2048xf32, #tpu.memory_space<hbm>>
    %dma_start3A_1813 = tpu.memref_squeeze %dma_start3A_1812 : memref<1x32x2048xf32, #tpu.memory_space<hbm>> -> memref<32x2048xf32, #tpu.memory_space<hbm>>
    %dma_start3A_1814 = arith.constant 0 : i32
    %dma_start3A_1815 = arith.constant 0 : i32
    %dma_start3A_1816 = tpu.memref_slice %arg5[%dma_start3A_1814, %dma_start3A_1815] : memref<32x2560xf32, #tpu.memory_space<vmem>> -> memref<32x2048xf32, #tpu.memory_space<vmem>>
    tpu.enqueue_dma source(%dma_start3A_1816 : memref<32x2048xf32, #tpu.memory_space<vmem>>) target(%dma_start3A_1813 : memref<32x2048xf32, #tpu.memory_space<hbm>>) target_semaphore(%arg6 : memref<!tpu.dma_semaphore, #tpu.memory_space<semaphore_mem>>)
    %dma_wait3A_1817 = arith.constant 0 : i32
    %dma_wait3A_1818 = arith.constant 64 : i32
    %dma_wait3A_1819 = tpu.memref_slice %arg5[%dma_wait3A_1817, %dma_wait3A_1818] : memref<32x2560xf32, #tpu.memory_space<vmem>> -> memref<32x2048xf32, #tpu.memory_space<vmem>>
    %dma_wait3A_1820 = arith.constant 0 : i32
    %dma_wait3A_1821 = arith.constant 0 : i32
    %dma_wait3A_1822 = tpu.memref_slice %arg3[%add3A_1562, %dma_wait3A_1820, %dma_wait3A_1821] : memref<2048x32x2048xf32, #tpu.memory_space<hbm>> -> memref<1x32x2048xf32, #tpu.memory_space<hbm>>
    %dma_wait3A_1823 = tpu.memref_squeeze %dma_wait3A_1822 : memref<1x32x2048xf32, #tpu.memory_space<hbm>> -> memref<32x2048xf32, #tpu.memory_space<hbm>>
    %dma_wait3A_1824 = arith.constant 0 : i32
    %dma_wait3A_1825 = arith.constant 0 : i32
    %dma_wait3A_1826 = tpu.memref_slice %arg3[%add3A_1562, %dma_wait3A_1824, %dma_wait3A_1825] : memref<2048x32x2048xf32, #tpu.memory_space<hbm>> -> memref<1x32x2048xf32, #tpu.memory_space<hbm>>
    %dma_wait3A_1827 = tpu.memref_squeeze %dma_wait3A_1826 : memref<1x32x2048xf32, #tpu.memory_space<hbm>> -> memref<32x2048xf32, #tpu.memory_space<hbm>>
    %dma_wait3A_1828 = arith.constant 0 : i32
    %dma_wait3A_1829 = arith.constant 64 : i32
    %dma_wait3A_1830 = tpu.memref_slice %arg5[%dma_wait3A_1828, %dma_wait3A_1829] : memref<32x2560xf32, #tpu.memory_space<vmem>> -> memref<32x2048xf32, #tpu.memory_space<vmem>>
    tpu.wait_dma2 semaphore(%arg6 : memref<!tpu.dma_semaphore, #tpu.memory_space<semaphore_mem>>) src(%dma_wait3A_1830 : memref<32x2048xf32, #tpu.memory_space<vmem>>) dst(%dma_wait3A_1827 : memref<32x2048xf32, #tpu.memory_space<hbm>>)
    %dma_wait3A_1831 = arith.constant 0 : i32
    %dma_wait3A_1832 = arith.constant 56 : i32
    %dma_wait3A_1833 = tpu.memref_slice %arg5[%dma_wait3A_1831, %dma_wait3A_1832] : memref<32x2560xf32, #tpu.memory_space<vmem>> -> memref<32x2048xf32, #tpu.memory_space<vmem>>
    %dma_wait3A_1834 = arith.constant 0 : i32
    %dma_wait3A_1835 = arith.constant 0 : i32
    %dma_wait3A_1836 = tpu.memref_slice %arg3[%add3A_1592, %dma_wait3A_1834, %dma_wait3A_1835] : memref<2048x32x2048xf32, #tpu.memory_space<hbm>> -> memref<1x32x2048xf32, #tpu.memory_space<hbm>>
    %dma_wait3A_1837 = tpu.memref_squeeze %dma_wait3A_1836 : memref<1x32x2048xf32, #tpu.memory_space<hbm>> -> memref<32x2048xf32, #tpu.memory_space<hbm>>
    %dma_wait3A_1838 = arith.constant 0 : i32
    %dma_wait3A_1839 = arith.constant 0 : i32
    %dma_wait3A_1840 = tpu.memref_slice %arg3[%add3A_1592, %dma_wait3A_1838, %dma_wait3A_1839] : memref<2048x32x2048xf32, #tpu.memory_space<hbm>> -> memref<1x32x2048xf32, #tpu.memory_space<hbm>>
    %dma_wait3A_1841 = tpu.memref_squeeze %dma_wait3A_1840 : memref<1x32x2048xf32, #tpu.memory_space<hbm>> -> memref<32x2048xf32, #tpu.memory_space<hbm>>
    %dma_wait3A_1842 = arith.constant 0 : i32
    %dma_wait3A_1843 = arith.constant 56 : i32
    %dma_wait3A_1844 = tpu.memref_slice %arg5[%dma_wait3A_1842, %dma_wait3A_1843] : memref<32x2560xf32, #tpu.memory_space<vmem>> -> memref<32x2048xf32, #tpu.memory_space<vmem>>
    tpu.wait_dma2 semaphore(%arg6 : memref<!tpu.dma_semaphore, #tpu.memory_space<semaphore_mem>>) src(%dma_wait3A_1844 : memref<32x2048xf32, #tpu.memory_space<vmem>>) dst(%dma_wait3A_1841 : memref<32x2048xf32, #tpu.memory_space<hbm>>)
    %dma_wait3A_1845 = arith.constant 0 : i32
    %dma_wait3A_1846 = arith.constant 48 : i32
    %dma_wait3A_1847 = tpu.memref_slice %arg5[%dma_wait3A_1845, %dma_wait3A_1846] : memref<32x2560xf32, #tpu.memory_space<vmem>> -> memref<32x2048xf32, #tpu.memory_space<vmem>>
    %dma_wait3A_1848 = arith.constant 0 : i32
    %dma_wait3A_1849 = arith.constant 0 : i32
    %dma_wait3A_1850 = tpu.memref_slice %arg3[%add3A_1622, %dma_wait3A_1848, %dma_wait3A_1849] : memref<2048x32x2048xf32, #tpu.memory_space<hbm>> -> memref<1x32x2048xf32, #tpu.memory_space<hbm>>
    %dma_wait3A_1851 = tpu.memref_squeeze %dma_wait3A_1850 : memref<1x32x2048xf32, #tpu.memory_space<hbm>> -> memref<32x2048xf32, #tpu.memory_space<hbm>>
    %dma_wait3A_1852 = arith.constant 0 : i32
    %dma_wait3A_1853 = arith.constant 0 : i32
    %dma_wait3A_1854 = tpu.memref_slice %arg3[%add3A_1622, %dma_wait3A_1852, %dma_wait3A_1853] : memref<2048x32x2048xf32, #tpu.memory_space<hbm>> -> memref<1x32x2048xf32, #tpu.memory_space<hbm>>
    %dma_wait3A_1855 = tpu.memref_squeeze %dma_wait3A_1854 : memref<1x32x2048xf32, #tpu.memory_space<hbm>> -> memref<32x2048xf32, #tpu.memory_space<hbm>>
    %dma_wait3A_1856 = arith.constant 0 : i32
    %dma_wait3A_1857 = arith.constant 48 : i32
    %dma_wait3A_1858 = tpu.memref_slice %arg5[%dma_wait3A_1856, %dma_wait3A_1857] : memref<32x2560xf32, #tpu.memory_space<vmem>> -> memref<32x2048xf32, #tpu.memory_space<vmem>>
    tpu.wait_dma2 semaphore(%arg6 : memref<!tpu.dma_semaphore, #tpu.memory_space<semaphore_mem>>) src(%dma_wait3A_1858 : memref<32x2048xf32, #tpu.memory_space<vmem>>) dst(%dma_wait3A_1855 : memref<32x2048xf32, #tpu.memory_space<hbm>>)
    %dma_wait3A_1859 = arith.constant 0 : i32
    %dma_wait3A_1860 = arith.constant 40 : i32
    %dma_wait3A_1861 = tpu.memref_slice %arg5[%dma_wait3A_1859, %dma_wait3A_1860] : memref<32x2560xf32, #tpu.memory_space<vmem>> -> memref<32x2048xf32, #tpu.memory_space<vmem>>
    %dma_wait3A_1862 = arith.constant 0 : i32
    %dma_wait3A_1863 = arith.constant 0 : i32
    %dma_wait3A_1864 = tpu.memref_slice %arg3[%add3A_1652, %dma_wait3A_1862, %dma_wait3A_1863] : memref<2048x32x2048xf32, #tpu.memory_space<hbm>> -> memref<1x32x2048xf32, #tpu.memory_space<hbm>>
    %dma_wait3A_1865 = tpu.memref_squeeze %dma_wait3A_1864 : memref<1x32x2048xf32, #tpu.memory_space<hbm>> -> memref<32x2048xf32, #tpu.memory_space<hbm>>
    %dma_wait3A_1866 = arith.constant 0 : i32
    %dma_wait3A_1867 = arith.constant 0 : i32
    %dma_wait3A_1868 = tpu.memref_slice %arg3[%add3A_1652, %dma_wait3A_1866, %dma_wait3A_1867] : memref<2048x32x2048xf32, #tpu.memory_space<hbm>> -> memref<1x32x2048xf32, #tpu.memory_space<hbm>>
    %dma_wait3A_1869 = tpu.memref_squeeze %dma_wait3A_1868 : memref<1x32x2048xf32, #tpu.memory_space<hbm>> -> memref<32x2048xf32, #tpu.memory_space<hbm>>
    %dma_wait3A_1870 = arith.constant 0 : i32
    %dma_wait3A_1871 = arith.constant 40 : i32
    %dma_wait3A_1872 = tpu.memref_slice %arg5[%dma_wait3A_1870, %dma_wait3A_1871] : memref<32x2560xf32, #tpu.memory_space<vmem>> -> memref<32x2048xf32, #tpu.memory_space<vmem>>
    tpu.wait_dma2 semaphore(%arg6 : memref<!tpu.dma_semaphore, #tpu.memory_space<semaphore_mem>>) src(%dma_wait3A_1872 : memref<32x2048xf32, #tpu.memory_space<vmem>>) dst(%dma_wait3A_1869 : memref<32x2048xf32, #tpu.memory_space<hbm>>)
    %dma_wait3A_1873 = arith.constant 0 : i32
    %dma_wait3A_1874 = arith.constant 32 : i32
    %dma_wait3A_1875 = tpu.memref_slice %arg5[%dma_wait3A_1873, %dma_wait3A_1874] : memref<32x2560xf32, #tpu.memory_space<vmem>> -> memref<32x2048xf32, #tpu.memory_space<vmem>>
    %dma_wait3A_1876 = arith.constant 0 : i32
    %dma_wait3A_1877 = arith.constant 0 : i32
    %dma_wait3A_1878 = tpu.memref_slice %arg3[%add3A_1682, %dma_wait3A_1876, %dma_wait3A_1877] : memref<2048x32x2048xf32, #tpu.memory_space<hbm>> -> memref<1x32x2048xf32, #tpu.memory_space<hbm>>
    %dma_wait3A_1879 = tpu.memref_squeeze %dma_wait3A_1878 : memref<1x32x2048xf32, #tpu.memory_space<hbm>> -> memref<32x2048xf32, #tpu.memory_space<hbm>>
    %dma_wait3A_1880 = arith.constant 0 : i32
    %dma_wait3A_1881 = arith.constant 0 : i32
    %dma_wait3A_1882 = tpu.memref_slice %arg3[%add3A_1682, %dma_wait3A_1880, %dma_wait3A_1881] : memref<2048x32x2048xf32, #tpu.memory_space<hbm>> -> memref<1x32x2048xf32, #tpu.memory_space<hbm>>
    %dma_wait3A_1883 = tpu.memref_squeeze %dma_wait3A_1882 : memref<1x32x2048xf32, #tpu.memory_space<hbm>> -> memref<32x2048xf32, #tpu.memory_space<hbm>>
    %dma_wait3A_1884 = arith.constant 0 : i32
    %dma_wait3A_1885 = arith.constant 32 : i32
    %dma_wait3A_1886 = tpu.memref_slice %arg5[%dma_wait3A_1884, %dma_wait3A_1885] : memref<32x2560xf32, #tpu.memory_space<vmem>> -> memref<32x2048xf32, #tpu.memory_space<vmem>>
    tpu.wait_dma2 semaphore(%arg6 : memref<!tpu.dma_semaphore, #tpu.memory_space<semaphore_mem>>) src(%dma_wait3A_1886 : memref<32x2048xf32, #tpu.memory_space<vmem>>) dst(%dma_wait3A_1883 : memref<32x2048xf32, #tpu.memory_space<hbm>>)
    %dma_wait3A_1887 = arith.constant 0 : i32
    %dma_wait3A_1888 = arith.constant 24 : i32
    %dma_wait3A_1889 = tpu.memref_slice %arg5[%dma_wait3A_1887, %dma_wait3A_1888] : memref<32x2560xf32, #tpu.memory_space<vmem>> -> memref<32x2048xf32, #tpu.memory_space<vmem>>
    %dma_wait3A_1890 = arith.constant 0 : i32
    %dma_wait3A_1891 = arith.constant 0 : i32
    %dma_wait3A_1892 = tpu.memref_slice %arg3[%add3A_1712, %dma_wait3A_1890, %dma_wait3A_1891] : memref<2048x32x2048xf32, #tpu.memory_space<hbm>> -> memref<1x32x2048xf32, #tpu.memory_space<hbm>>
    %dma_wait3A_1893 = tpu.memref_squeeze %dma_wait3A_1892 : memref<1x32x2048xf32, #tpu.memory_space<hbm>> -> memref<32x2048xf32, #tpu.memory_space<hbm>>
    %dma_wait3A_1894 = arith.constant 0 : i32
    %dma_wait3A_1895 = arith.constant 0 : i32
    %dma_wait3A_1896 = tpu.memref_slice %arg3[%add3A_1712, %dma_wait3A_1894, %dma_wait3A_1895] : memref<2048x32x2048xf32, #tpu.memory_space<hbm>> -> memref<1x32x2048xf32, #tpu.memory_space<hbm>>
    %dma_wait3A_1897 = tpu.memref_squeeze %dma_wait3A_1896 : memref<1x32x2048xf32, #tpu.memory_space<hbm>> -> memref<32x2048xf32, #tpu.memory_space<hbm>>
    %dma_wait3A_1898 = arith.constant 0 : i32
    %dma_wait3A_1899 = arith.constant 24 : i32
    %dma_wait3A_1900 = tpu.memref_slice %arg5[%dma_wait3A_1898, %dma_wait3A_1899] : memref<32x2560xf32, #tpu.memory_space<vmem>> -> memref<32x2048xf32, #tpu.memory_space<vmem>>
    tpu.wait_dma2 semaphore(%arg6 : memref<!tpu.dma_semaphore, #tpu.memory_space<semaphore_mem>>) src(%dma_wait3A_1900 : memref<32x2048xf32, #tpu.memory_space<vmem>>) dst(%dma_wait3A_1897 : memref<32x2048xf32, #tpu.memory_space<hbm>>)
    %dma_wait3A_1901 = arith.constant 0 : i32
    %dma_wait3A_1902 = arith.constant 16 : i32
    %dma_wait3A_1903 = tpu.memref_slice %arg5[%dma_wait3A_1901, %dma_wait3A_1902] : memref<32x2560xf32, #tpu.memory_space<vmem>> -> memref<32x2048xf32, #tpu.memory_space<vmem>>
    %dma_wait3A_1904 = arith.constant 0 : i32
    %dma_wait3A_1905 = arith.constant 0 : i32
    %dma_wait3A_1906 = tpu.memref_slice %arg3[%add3A_1742, %dma_wait3A_1904, %dma_wait3A_1905] : memref<2048x32x2048xf32, #tpu.memory_space<hbm>> -> memref<1x32x2048xf32, #tpu.memory_space<hbm>>
    %dma_wait3A_1907 = tpu.memref_squeeze %dma_wait3A_1906 : memref<1x32x2048xf32, #tpu.memory_space<hbm>> -> memref<32x2048xf32, #tpu.memory_space<hbm>>
    %dma_wait3A_1908 = arith.constant 0 : i32
    %dma_wait3A_1909 = arith.constant 0 : i32
    %dma_wait3A_1910 = tpu.memref_slice %arg3[%add3A_1742, %dma_wait3A_1908, %dma_wait3A_1909] : memref<2048x32x2048xf32, #tpu.memory_space<hbm>> -> memref<1x32x2048xf32, #tpu.memory_space<hbm>>
    %dma_wait3A_1911 = tpu.memref_squeeze %dma_wait3A_1910 : memref<1x32x2048xf32, #tpu.memory_space<hbm>> -> memref<32x2048xf32, #tpu.memory_space<hbm>>
    %dma_wait3A_1912 = arith.constant 0 : i32
    %dma_wait3A_1913 = arith.constant 16 : i32
    %dma_wait3A_1914 = tpu.memref_slice %arg5[%dma_wait3A_1912, %dma_wait3A_1913] : memref<32x2560xf32, #tpu.memory_space<vmem>> -> memref<32x2048xf32, #tpu.memory_space<vmem>>
    tpu.wait_dma2 semaphore(%arg6 : memref<!tpu.dma_semaphore, #tpu.memory_space<semaphore_mem>>) src(%dma_wait3A_1914 : memref<32x2048xf32, #tpu.memory_space<vmem>>) dst(%dma_wait3A_1911 : memref<32x2048xf32, #tpu.memory_space<hbm>>)
    %dma_wait3A_1915 = arith.constant 0 : i32
    %dma_wait3A_1916 = arith.constant 8 : i32
    %dma_wait3A_1917 = tpu.memref_slice %arg5[%dma_wait3A_1915, %dma_wait3A_1916] : memref<32x2560xf32, #tpu.memory_space<vmem>> -> memref<32x2048xf32, #tpu.memory_space<vmem>>
    %dma_wait3A_1918 = arith.constant 0 : i32
    %dma_wait3A_1919 = arith.constant 0 : i32
    %dma_wait3A_1920 = tpu.memref_slice %arg3[%add3A_1772, %dma_wait3A_1918, %dma_wait3A_1919] : memref<2048x32x2048xf32, #tpu.memory_space<hbm>> -> memref<1x32x2048xf32, #tpu.memory_space<hbm>>
    %dma_wait3A_1921 = tpu.memref_squeeze %dma_wait3A_1920 : memref<1x32x2048xf32, #tpu.memory_space<hbm>> -> memref<32x2048xf32, #tpu.memory_space<hbm>>
    %dma_wait3A_1922 = arith.constant 0 : i32
    %dma_wait3A_1923 = arith.constant 0 : i32
    %dma_wait3A_1924 = tpu.memref_slice %arg3[%add3A_1772, %dma_wait3A_1922, %dma_wait3A_1923] : memref<2048x32x2048xf32, #tpu.memory_space<hbm>> -> memref<1x32x2048xf32, #tpu.memory_space<hbm>>
    %dma_wait3A_1925 = tpu.memref_squeeze %dma_wait3A_1924 : memref<1x32x2048xf32, #tpu.memory_space<hbm>> -> memref<32x2048xf32, #tpu.memory_space<hbm>>
    %dma_wait3A_1926 = arith.constant 0 : i32
    %dma_wait3A_1927 = arith.constant 8 : i32
    %dma_wait3A_1928 = tpu.memref_slice %arg5[%dma_wait3A_1926, %dma_wait3A_1927] : memref<32x2560xf32, #tpu.memory_space<vmem>> -> memref<32x2048xf32, #tpu.memory_space<vmem>>
    tpu.wait_dma2 semaphore(%arg6 : memref<!tpu.dma_semaphore, #tpu.memory_space<semaphore_mem>>) src(%dma_wait3A_1928 : memref<32x2048xf32, #tpu.memory_space<vmem>>) dst(%dma_wait3A_1925 : memref<32x2048xf32, #tpu.memory_space<hbm>>)
    %dma_wait3A_1929 = arith.constant 0 : i32
    %dma_wait3A_1930 = arith.constant 0 : i32
    %dma_wait3A_1931 = tpu.memref_slice %arg5[%dma_wait3A_1929, %dma_wait3A_1930] : memref<32x2560xf32, #tpu.memory_space<vmem>> -> memref<32x2048xf32, #tpu.memory_space<vmem>>
    %dma_wait3A_1932 = arith.constant 0 : i32
    %dma_wait3A_1933 = arith.constant 0 : i32
    %dma_wait3A_1934 = tpu.memref_slice %arg3[%add3A_1802, %dma_wait3A_1932, %dma_wait3A_1933] : memref<2048x32x2048xf32, #tpu.memory_space<hbm>> -> memref<1x32x2048xf32, #tpu.memory_space<hbm>>
    %dma_wait3A_1935 = tpu.memref_squeeze %dma_wait3A_1934 : memref<1x32x2048xf32, #tpu.memory_space<hbm>> -> memref<32x2048xf32, #tpu.memory_space<hbm>>
    %dma_wait3A_1936 = arith.constant 0 : i32
    %dma_wait3A_1937 = arith.constant 0 : i32
    %dma_wait3A_1938 = tpu.memref_slice %arg3[%add3A_1802, %dma_wait3A_1936, %dma_wait3A_1937] : memref<2048x32x2048xf32, #tpu.memory_space<hbm>> -> memref<1x32x2048xf32, #tpu.memory_space<hbm>>
    %dma_wait3A_1939 = tpu.memref_squeeze %dma_wait3A_1938 : memref<1x32x2048xf32, #tpu.memory_space<hbm>> -> memref<32x2048xf32, #tpu.memory_space<hbm>>
    %dma_wait3A_1940 = arith.constant 0 : i32
    %dma_wait3A_1941 = arith.constant 0 : i32
    %dma_wait3A_1942 = tpu.memref_slice %arg5[%dma_wait3A_1940, %dma_wait3A_1941] : memref<32x2560xf32, #tpu.memory_space<vmem>> -> memref<32x2048xf32, #tpu.memory_space<vmem>>
    tpu.wait_dma2 semaphore(%arg6 : memref<!tpu.dma_semaphore, #tpu.memory_space<semaphore_mem>>) src(%dma_wait3A_1942 : memref<32x2048xf32, #tpu.memory_space<vmem>>) dst(%dma_wait3A_1939 : memref<32x2048xf32, #tpu.memory_space<hbm>>)
    return
  }
}

</mosaic_0001>

<sc_bundles>
// kernel: kernel.3.cloned.1.call-start
scs
__scs_entry_jumppad:
0x0: {  	(pc) =	sbr.rel $0x88, $3  }
0x1: {  	(tag) =	ssettag $0x0;
	lr =	simm.s32 $0x1  }
0x2: {  	[smem:$0x3FA0] =	sst lr;
	_ =	strace $0xD0000000  }
0x3: {  	_ = 	snop  }
0x4: {  	_ = 	snop  }
0x5: {  	_ = 	snop  }
0x6: {  	_ = 	snop  }
0x7: {  	_ = 	snop  }
__scs_overlays_trampoline_lowered:
0x8: {  	[smem:$0x3FAF] =	sst s0  }
0x9: {  	[smem:$0x3FB0] =	sst s1  }
0xa: {  	[smem:$0x3FB1] =	sst s2  }
0xb: {  	[smem:$0x3FB2] =	sst s3  }
0xc: {  	[smem:$0x3FB3] =	sst s4  }
0xd: {  	[smem:$0x3FB4] =	sst s5  }
0xe: {  	[smem:$0x3FB5] =	sst s6  }
0xf: {  	[smem:$0x3FB6] =	sst s7  }
0x10: {  	[smem:$0x3FB7] =	sst s8  }
0x11: {  	[smem:$0x3FB8] =	sst s9;
	s0 =	simm.s32 @!p0 $0x0  }
0x12: {  	s1 =	sld [smem:$0x3F9E];
	s0 =	simm.s32 @p0 $0x1  }
0x13: {  	[smem:$0x3FB9] =	sst s0;
	s0 =	simm.s32 @!p1 $0x0  }
0x14: {  	s2 =	sld [smem:$0x3F9D];
	s0 =	simm.s32 @p1 $0x1  }
0x15: {  	[smem:$0x3FBA] =	sst s0;
	s0 =	simm.s32 @!p2 $0x0  }
0x16: {  	s3 =	sld [smem:$0x3FDB];
	s0 =	simm.s32 @p2 $0x1  }
0x17: {  	s4 =	simm.s32 $0x1BF5;
	[smem:$0x3FBC] =	sst s0  }
0x18: {  	s0 =	sld [smem:$0x3F9F];
	_ =	swait.ge [sflag:s4], $0x0  }
0x19: {  	s7 =	sld [smem:$0x3FA0]  }
0x1a: {  	s8 =	sadd.s32 $0xFFFFE003, lr  }
0x1b: {  	s9 =	sadd.s32 $0xFFFFFEF7, lr;
	s5 =	simm.s32 $0xFFFFFFFF;
	p2 =	slt.u32 s8, $0xFFFFF086  }
0x1c: {  	p1 =	slt.u32 s9, $0xF7A;
	s5 =	simm.s32 @!p2 $0x0  }
0x1d: {  	s5 =	simm.s32 @p1 $0x1;
	p0 =	seq.s32 s7, s2  }
0x1e: {  	s7 =	smul.u32 @!p0 $0xF7A, s2;
	p2 =	seq.s32 @!p0 s5, $0x0  }
0x1f: {  	s9 =	smul.u32 $0xF7A, s1;
	s8 =	simm.s32 @!p0 $0x1BF5;
	p2 =	por !p2, p0  }
0x20: {  	[sflag:s8] =	ssyncset.s32 @!p0 $0xFFFFF086;
	s6 =	sadd.s32 @!p0 s3, s7;
	s7 =	simm.s32 @!p0 $0x108  }
0x21: {  	s3 =	sadd.s32 s3, s9;
	s6 =	sadd.s32 @!p0 $0x88, s6;
	s7 =	simm.s32 @p2 $0x1082  }
0x22: {  	[simem:s7], [sflag:s8] =	dma.local @!p0 [hbm:s6], $0xF7A  }
0x23: {  	s9 =	sor.u32 $0xD0000000, s2;
	s6 =	simm.s32 $0x108;
	_ =	swait.ge @!p0 [sflag:s8], $0x0  }
0x24: {  	s3 =	sadd.s32 $0x88, s3;
	s6 =	simm.s32 @!p1 $0x1082;
	[sflag:s4] =	ssyncset.s32 $0xFFFFF086  }
0x25: {  	[simem:s6], [sflag:s4] =	dma.local [hbm:s3], $0xF7A  }
0x26: {  	[smem:$0x3FA0] =	sst s1;
	(tag) =	ssettag s2;
	_ =	strace s9  }
0x27: {  	s1 =	sld [smem:$0x3FB0]  }
0x28: {  	s2 =	sld [smem:$0x3FB1]  }
0x29: {  	s4 =	sld [smem:$0x3FB3]  }
0x2a: {  	p0 =	seq.s32 s5, $0x0;
	s5 =	sld [smem:$0x3FB4]  }
0x2b: {  	s6 =	sld [smem:$0x3FB5]  }
0x2c: {  	s7 =	sld [smem:$0x3FB6]  }
0x2d: {  	s3 =	simm.s32 $0x108;
	s8 =	sld [smem:$0x3FB7]  }
0x2e: {  	s3 =	simm.s32 @!p0 $0x1082;
	s9 =	sld [smem:$0x3FB8]  }
0x2f: {  	lr =	sadd.s32 s0, s3;
	s0 =	sld [smem:$0x3FAF]  }
0x30: {  	s3 =	sld [smem:$0x3FB2]  }
0x31: {  	[smem:$0x3FBB] =	sst s10  }
0x32: {  	s10 =	sld [smem:$0x3FB9];
	_ =	sdelay $0x3  }
0x33: {  	p0 =	seq.s32 s10, $0x1;
	s10 =	sld [smem:$0x3FBB];
	_ =	sdelay $0x3  }
0x34: {  	[smem:$0x3FBB] =	sst s10  }
0x35: {  	s10 =	sld [smem:$0x3FBA];
	_ =	sdelay $0x3  }
0x36: {  	p1 =	seq.s32 s10, $0x1;
	s10 =	sld [smem:$0x3FBB];
	_ =	sdelay $0x3  }
0x37: {  	[smem:$0x3FBB] =	sst s10  }
0x38: {  	s10 =	sld [smem:$0x3FBC]  }
0x39: {  	_ = 	snop;
	(pc) =	sbr.ind lr, $3  }
0x3a: {  	_ = 	snop  }
0x3b: {  	_ = 	snop  }
0x3c: {  	p2 =	seq.s32 s10, $0x1;
	s10 =	sld [smem:$0x3FBB]  }
0x3d: {  	_ =	shalt  }
0x3e: {  	_ =	shalt  }
0x3f: {  	_ =	shalt  }
0x40: {  	_ =	shalt  }
0x41: {  	_ =	shalt  }
0x42: {  	_ =	shalt  }
0x43: {  	_ =	shalt  }
0x44: {  	_ =	shalt  }
0x45: {  	_ =	shalt  }
0x46: {  	_ =	shalt  }
0x47: {  	_ =	shalt  }
0x48: {  	_ =	shalt  }
0x49: {  	_ =	shalt  }
0x4a: {  	_ =	shalt  }
0x4b: {  	_ =	shalt  }
0x4c: {  	_ =	shalt  }
0x4d: {  	_ =	shalt  }
0x4e: {  	_ =	shalt  }
0x4f: {  	_ =	shalt  }
0x50: {  	_ =	shalt  }
0x51: {  	_ =	shalt  }
0x52: {  	_ =	shalt  }
0x53: {  	_ =	shalt  }
0x54: {  	_ =	shalt  }
0x55: {  	_ =	shalt  }
0x56: {  	_ =	shalt  }
0x57: {  	_ =	shalt  }
0x58: {  	_ =	shalt  }
0x59: {  	_ =	shalt  }
0x5a: {  	_ =	shalt  }
0x5b: {  	_ =	shalt  }
0x5c: {  	_ =	shalt  }
0x5d: {  	_ =	shalt  }
0x5e: {  	_ =	shalt  }
0x5f: {  	_ =	shalt  }
0x60: {  	_ =	shalt  }
0x61: {  	_ =	shalt  }
0x62: {  	_ =	shalt  }
0x63: {  	_ =	shalt  }
0x64: {  	_ =	shalt  }
0x65: {  	_ =	shalt  }
0x66: {  	_ =	shalt  }
0x67: {  	_ =	shalt  }
0x68: {  	_ =	shalt  }
0x69: {  	_ =	shalt  }
0x6a: {  	_ =	shalt  }
0x6b: {  	_ =	shalt  }
0x6c: {  	_ =	shalt  }
0x6d: {  	_ =	shalt  }
0x6e: {  	_ =	shalt  }
0x6f: {  	_ =	shalt  }
0x70: {  	_ =	shalt  }
0x71: {  	_ =	shalt  }
0x72: {  	_ =	shalt  }
0x73: {  	_ =	shalt  }
0x74: {  	_ =	shalt  }
0x75: {  	_ =	shalt  }
0x76: {  	_ =	shalt  }
0x77: {  	_ =	shalt  }
0x78: {  	_ =	shalt  }
0x79: {  	_ =	shalt  }
0x7a: {  	_ =	shalt  }
0x7b: {  	_ =	shalt  }
0x7c: {  	_ =	shalt  }
0x7d: {  	_ =	shalt  }
0x7e: {  	_ =	shalt  }
0x7f: {  	_ =	shalt  }
0x80: {  	_ =	shalt  }
0x81: {  	_ =	shalt  }
0x82: {  	_ =	shalt  }
0x83: {  	_ =	shalt  }
0x84: {  	_ =	shalt  }
0x85: {  	_ =	shalt  }
0x86: {  	_ =	shalt  }
0x87: {  	_ =	shalt  }
.Lfunc_end0:
.L_simem_size_0:
called_computation_lowered:
.L_overlay_start_0:
0x88: {  	s2 =	sld [smem:$0x3FD9]  }
0x89: {  	s3 =	sld [smem:$0x3FFE];
	_ =	sdelay $0x1  }
0x8a: {  	s1 =	srdreg.scid  }
0x8b: {  	s0 =	sand.u32 $0x1, s1  }
0x8c: {  	s17 =	sshll.u32 s0, $0xA;
	s2 =	sadd.s32 s3, s2  }
0x8d: {  	s2 =	sadd.s32 s2, s17  }
0x8e: {  	[smem:$0x3FC7] =	sst s2  }
0x8f: {  	_ = 	snop  }
0x90: {  	s2 =	sld [smem:$0x3FD0];
	(tm) =	ssettm $0x1  }
0x91: {  	s18 =	sld [smem:$0x3FFB];
	_ =	sdelay $0x3  }
0x92: {  	_ =	strace s18  }
0x93: {  	s3 =	sld [smem:$0x3FFC];
	_ =	sdelay $0x3  }
0x94: {  	_ =	strace s3  }
0x95: {  	s3 =	sld [smem:$0x3FFD];
	_ =	sdelay $0x3  }
0x96: {  	_ =	strace s3  }
0x97: {  	_ =	strace $0x8FFFFFFF  }
0x98: {  	s19 =	sld [smem:$0x3FDB];
	_ =	sdelay $0x1  }
0x99: {  	s4 =	simm.s32 $_scs_section_size  }
0x9a: {  	s5 =	simm.s32 $_size__tile_overlayer_lowered;
	s6 =	simm.s32 $_tile_overlayer_lowered  }
0x9b: {  	s22 =	simm.s32 $0x1BFF;
	s21 =	sshll.u32 s6, $0x1;
	s3 =	sadd.s32 s4, s19  }
0x9c: {  	s7 =	simm.s32 $0x0;
	s20 =	sshll.u32 s5, $0x1;
	s5 =	sadd.s32 s21, s3  }
0x9d: {  	[timem:s7], [sflag:s22] =	dma.local [hbm:s5], s20  }
0x9e: {  	_ =	swait.ge [sflag:s22], s20  }
0x9f: {  	s4 =	ssub.s32 $0x0, s20;
	[sflag:s22] =	ssyncset.done $0x0  }
0xa0: {  	[sflag:s22] =	ssyncadd.s32 s4;
	_ =	sdelay $0x1  }
0xa1: {  	s23 =	simm.s32 $0x1B8B  }
0xa2: {  	_ =	swait.ge [sflag:s23], $0x1  }
0xa3: {  	[sflag:s23] =	ssyncset.done $0x0  }
0xa4: {  	s25 =	simm.s32 $0x1B8E;
	s24 =	sld [smem:$0x3FFE];
	[sflag:s23] =	ssyncadd.s32 $0xFFFFFFFF  }
0xa5: {  	s26 =	simm.s32 $execute0_lowered;
	[smem:$0x3FD2] =	sst s25  }
0xa6: {  	s5 =	sshll.u32 s26, $0x1;
	_ =	strace $0x80000046;
	[dreg:$0x1] =	wrdreg $0xFFFFFFFF  }
0xa7: {  	s28 =	simm.s32 $_size_execute0_lowered;
	s3 =	sadd.s32 s3, s5;
	[dreg:$0x0] =	wrdreg $0x0  }
0xa8: {  	s5 =	sshll.u32 s28, $0x1;
	[dreg:$0x2] =	wrdreg s3  }
0xa9: {  	[dreg:$0x3] =	wrdreg s5  }
0xaa: {  	[dreg:$0x4] =	wrdreg $0xC0  }
0xab: {  	_ =	task [dreg:s7], $0x5FFFF  }
0xac: {  	[dreg:$0x1] =	wrdreg $0xFFFFFFFF  }
0xad: {  	[dreg:$0x0] =	wrdreg $0x60  }
0xae: {  	[dreg:$0x2] =	wrdreg s2  }
0xaf: {  	[dreg:$0x3] =	wrdreg s24  }
0xb0: {  	[dreg:$0x4] =	wrdreg $0x9  }
0xb1: {  	_ =	task.clear_ibuf [dreg:s7], $0x5FFFF;
	_ =	strace $0x90000046  }
0xb2: {  	s29 =	simm.s32 $0x9;
	_ =	strace $0x80000048  }
0xb3: {  	_ =	swait.ge [sflag:s29], $0x1  }
0xb4: {  	[sflag:s29] =	ssyncadd.s32 $0xFFFFFFFF  }
0xb5: {  	_ =	strace $0x90000048  }
0xb6: {  	_ =	sfence  }
0xb7: {  	s30 =	sld [smem:$0x0];
	_ =	sdelay $0x2  }
0xb8: {  	s31 =	sshll.u32 s1, $0xD;
	s1 =	sshrl.u32 s1, $0x2  }
0xb9: {  	s3 =	sand.u32 $0x4000, s31;
	s1 =	sadd.s32 s1, s30  }
0xba: {  	s0 =	sor.u32 s3, s0;
	s1 =	sshll.u32 s1, $0x11  }
0xbb: {  	s0 =	sor.u32 s1, s0  }
0xbc: {  	s0 =	sadd.s32 $0x8F2B, s0  }
0xbd: {  	[sflag:s0] =	ssyncadd.remote.s32 $0x1  }
0xbe: {  	_ =	sfence.sel $0xFFFF  }
0xbf: {  	[dreg:$0x0] =	wrdreg $0xFFFFFFFF;
	(pc) =	sbr.abs _section_cstart, $3  }
0xc0: {  	[dreg:$0x1] =	wrdreg $0xFFFFFFFF  }
0xc1: {  	_ =	task.clear_ibuf [dreg:s7], $0x2FFFF;
	_ =	strace $0x9FFFFFFF  }
0xc2: {  	(tm) =	ssettm $0x7FFFFFFF  }
0xc3: {  	_ =	shalt  }
tec
execute0_lowered:
.L_overlay_start_1:
0x0: {  	(tag) =	ssettag $0x1  }
0x1: {  	s0 =	srdreg.scid  }
0x2: {  	s2 =	stileid.u32;
	s3 =	rddreg [dreg:$0x1]  }
0x3: {  	s0 =	sand.u32 $0x1, s0;
	s1 =	sshll.u32 s2, $0x1;
	s2 =	sshrl.u32 s2, $0x2  }
0x4: {  	s4 =	sor.u32 s0, s1;
	s5 =	sshll.u32 s2, $0x3;
	s1 =	simm.s32 $0x0  }
0x5: {  	s2 =	sshll.u32 s2, $0x9;
	s0 =	ssub.s32 $0x2, s0;
	s4 =	ssub.s32 s4, s5  }
0x6: {  	[smem:$0x7FF] =	sst s1;
	s5 =	sadd.s32 $0x400, s3;
	s6 =	sadd.s32 s2, s4  }
0x7: {  	s25 =	sshrl.u32 s0, $0x1;
	s2 =	sshll.u32 s6, $0xD;
	s4 =	sshll.u32 s6, $0x10  }
0x8: {  	s7 =	ssub.s32 s0, s25;
	s2 =	sand.u32 $0x1FFFE000, s2;
	s8 =	sadd.s32 $0x80000, s4  }
0x9: {  	s28 =	sadd.s32 $0x100000, s4;
	s29 =	sadd.s32 $0x180000, s4;
	s30 =	sadd.s32 $0x200000, s4  }
0xa: {  	s3 =	sadd.s32 $0x280000, s4;
	s9 =	sadd.s32 $0x380000, s4;
	s15 =	sadd.s32 $0x400000, s4  }
0xb: {  	s16 =	sadd.s32 $0x480000, s4;
	s17 =	sadd.s32 $0x500000, s4;
	s21 =	sadd.s32 $0x580000, s4  }
0xc: {  	s22 =	sadd.s32 $0x600000, s4;
	s23 =	sadd.s32 $0x680000, s4;
	s11 =	sadd.s32 s5, s2  }
0xd: {  	s26 =	sshrl.u32 s8, $0x3;
	s0 =	sshrl.u32 s28, $0x3;
	s2 =	sshrl.u32 s29, $0x3  }
0xe: {  	s8 =	sadd.s32 $0x300000, s4;
	s14 =	sshrl.u32 s9, $0x3;
	s20 =	sshrl.u32 s17, $0x3  }
0xf: {  	s25 =	sshrl.u32 s23, $0x3;
	s28 =	sadd.s32 $0x780000, s4;
	s29 =	sadd.s32 $0x800000, s4  }
0x10: {  	s17 =	sadd.s32 $0xB00000, s4;
	s23 =	sadd.s32 $0xC80000, s4;
	s12 =	sadd.s32 s5, s26  }
0x11: {  	s13 =	sadd.s32 s5, s0;
	s31 =	sadd.s32 s5, s2;
	s2 =	sshrl.u32 s30, $0x3  }
0x12: {  	s0 =	sshrl.u32 s3, $0x3;
	s26 =	sadd.s32 $0x700000, s4;
	s3 =	sadd.s32 $0x900000, s4  }
0x13: {  	[dreg:$0x6] =	wrdreg s31;
	s19 =	sadd.s32 s5, s2;
	s2 =	sshrl.u32 s8, $0x3  }
0x14: {  	s0 =	sadd.s32 s5, s0;
	s31 =	sshrl.u32 s29, $0x3;
	s8 =	sadd.s32 $0x980000, s4  }
0x15: {  	s29 =	sadd.s32 $0xE00000, s4;
	[dreg:$0x8] =	wrdreg s0;
	s10 =	sadd.s32 s5, s2  }
0x16: {  	s0 =	sadd.s32 s5, s14;
	s2 =	sshrl.u32 s16, $0x3;
	[dreg:$0x9] =	wrdreg s10  }
0x17: {  	s14 =	sadd.s32 $0xA00000, s4;
	[dreg:$0xa] =	wrdreg s0;
	s0 =	sshrl.u32 s15, $0x3  }
0x18: {  	s18 =	sadd.s32 s5, s2;
	s2 =	sshrl.u32 s22, $0x3;
	s10 =	sshrl.u32 s8, $0x3  }
0x19: {  	s15 =	sadd.s32 $0xA80000, s4;
	s22 =	sadd.s32 $0xC00000, s4;
	s8 =	sadd.s32 $0xF80000, s4  }
0x1a: {  	s0 =	sadd.s32 s5, s0;
	[dreg:$0xc] =	wrdreg s18;
	s24 =	sadd.s32 s5, s2  }
0x1b: {  	s2 =	sshrl.u32 s28, $0x3;
	s28 =	sadd.s32 $0xD80000, s4;
	[dreg:$0xb] =	wrdreg s0  }
0x1c: {  	s0 =	sadd.s32 s5, s20;
	[dreg:$0xf] =	wrdreg s24;
	s30 =	sadd.s32 s5, s2  }
0x1d: {  	s2 =	sadd.s32 $0x880000, s4;
	[dreg:$0xd] =	wrdreg s0;
	s0 =	sshrl.u32 s21, $0x3  }
0x1e: {  	s20 =	sshrl.u32 s17, $0x3;
	[dreg:$0x12] =	wrdreg s30;
	s0 =	sadd.s32 s5, s0  }
0x1f: {  	s17 =	sadd.s32 s5, s20;
	[dreg:$0xe] =	wrdreg s0;
	s0 =	sadd.s32 s5, s25  }
0x20: {  	s21 =	sadd.s32 $0xB80000, s4;
	[dreg:$0x10] =	wrdreg s0;
	s0 =	sshrl.u32 s26, $0x3  }
0x21: {  	s25 =	sshrl.u32 s23, $0x3;
	s26 =	sadd.s32 $0xD00000, s4;
	s16 =	sadd.s32 s5, s0  }
0x22: {  	s0 =	sadd.s32 s5, s31;
	s31 =	sshrl.u32 s29, $0x3;
	s29 =	sadd.s32 $0x1300000, s4  }
0x23: {  	[dreg:$0x13] =	wrdreg s0;
	s0 =	sshrl.u32 s2, $0x3;
	s2 =	sshrl.u32 s3, $0x3  }
0x24: {  	s3 =	sadd.s32 $0xF00000, s4;
	s0 =	sadd.s32 s5, s0;
	s9 =	sadd.s32 s5, s2  }
0x25: {  	s2 =	sshrl.u32 s15, $0x3;
	s15 =	sadd.s32 $0x1080000, s4;
	[dreg:$0x14] =	wrdreg s0  }
0x26: {  	[dreg:$0x15] =	wrdreg s9;
	s0 =	sadd.s32 s5, s10;
	s18 =	sadd.s32 s5, s2  }
0x27: {  	s2 =	sshrl.u32 s22, $0x3;
	s9 =	sshrl.u32 s8, $0x3;
	[dreg:$0x16] =	wrdreg s0  }
0x28: {  	s10 =	sadd.s32 $0x1000000, s4;
	s0 =	sshrl.u32 s14, $0x3;
	[dreg:$0x18] =	wrdreg s18  }
0x29: {  	s24 =	sadd.s32 s5, s2;
	s2 =	sshrl.u32 s28, $0x3;
	s18 =	sadd.s32 $0x1100000, s4  }
0x2a: {  	s0 =	sadd.s32 s5, s0;
	[dreg:$0x1b] =	wrdreg s24;
	s30 =	sadd.s32 s5, s2  }
0x2b: {  	s2 =	sadd.s32 $0xE80000, s4;
	s23 =	sshrl.u32 s18, $0x3;
	[dreg:$0x17] =	wrdreg s0  }
0x2c: {  	s24 =	sadd.s32 $0x1180000, s4;
	s0 =	sshrl.u32 s21, $0x3;
	[dreg:$0x1e] =	wrdreg s30  }
0x2d: {  	s21 =	sadd.s32 s5, s31;
	s18 =	sadd.s32 s5, s23;
	s31 =	sadd.s32 $0x1400000, s4  }
0x2e: {  	s30 =	sadd.s32 $0x1380000, s4;
	s0 =	sadd.s32 s5, s0;
	s8 =	sshrl.u32 s31, $0x3  }
0x2f: {  	[dreg:$0x1a] =	wrdreg s0;
	s0 =	sadd.s32 s5, s25;
	s25 =	sadd.s32 $0x1200000, s4  }
0x30: {  	s23 =	sadd.s32 s5, s8;
	[dreg:$0x1c] =	wrdreg s0;
	s0 =	sshrl.u32 s26, $0x3  }
0x31: {  	s8 =	sadd.s32 $0x1880000, s4;
	s26 =	sadd.s32 $0x1280000, s4;
	s20 =	sadd.s32 s5, s0  }
0x32: {  	s0 =	sshrl.u32 s2, $0x3;
	s2 =	sshrl.u32 s3, $0x3;
	s28 =	sshrl.u32 s26, $0x3  }
0x33: {  	s26 =	sadd.s32 $0x1600000, s4;
	s3 =	sadd.s32 $0x1800000, s4;
	s0 =	sadd.s32 s5, s0  }
0x34: {  	s14 =	sadd.s32 s5, s2;
	s2 =	sshrl.u32 s15, $0x3;
	s15 =	sadd.s32 $0x1580000, s4  }
0x35: {  	[smem:$0x7DF] =	sst s0;
	s0 =	sadd.s32 s5, s9;
	s22 =	sadd.s32 s5, s2  }
0x36: {  	s2 =	sshrl.u32 s25, $0x3;
	s9 =	sadd.s32 $0x1480000, s4;
	[smem:$0x7E0] =	sst s0  }
0x37: {  	s25 =	sshrl.u32 s15, $0x3;
	s0 =	sshrl.u32 s10, $0x3;
	[smem:$0x7E2] =	sst s22  }
0x38: {  	s22 =	sadd.s32 s5, s2;
	s2 =	sshrl.u32 s30, $0x3;
	s0 =	sadd.s32 s5, s0  }
0x39: {  	s2 =	sadd.s32 s5, s2;
	[smem:$0x7E1] =	sst s0;
	s0 =	sshrl.u32 s24, $0x3  }
0x3a: {  	s15 =	sadd.s32 $0x1900000, s4;
	[smem:$0x7E6] =	sst s2;
	s0 =	sadd.s32 s5, s0  }
0x3b: {  	s10 =	sadd.s32 $0x1500000, s4;
	[smem:$0x7E3] =	sst s0;
	s0 =	sadd.s32 s5, s28  }
0x3c: {  	s2 =	sshrl.u32 s10, $0x3;
	[smem:$0x7E4] =	sst s0;
	s0 =	sshrl.u32 s29, $0x3  }
0x3d: {  	s10 =	sshrl.u32 s8, $0x3;
	s8 =	sadd.s32 $0x1B80000, s4;
	s0 =	sadd.s32 s5, s0  }
0x3e: {  	s28 =	sadd.s32 $0x1680000, s4;
	[smem:$0x7E5] =	sst s0;
	s0 =	sshrl.u32 s9, $0x3  }
0x3f: {  	s24 =	sadd.s32 s5, s2;
	s2 =	sshrl.u32 s28, $0x3;
	s0 =	sadd.s32 s5, s0  }
0x40: {  	s28 =	sadd.s32 $0x1980000, s4;
	[smem:$0x7E7] =	sst s0;
	s0 =	sadd.s32 s5, s25  }
0x41: {  	s30 =	sadd.s32 s5, s2;
	[smem:$0x7E8] =	sst s0;
	s0 =	sshrl.u32 s26, $0x3  }
0x42: {  	s2 =	sadd.s32 $0x1780000, s4;
	[smem:$0x7E9] =	sst s30;
	s25 =	sadd.s32 s5, s0  }
0x43: {  	s0 =	sshrl.u32 s2, $0x3;
	s2 =	sshrl.u32 s3, $0x3;
	s3 =	sadd.s32 $0x1B00000, s4  }
0x44: {  	s0 =	sadd.s32 s5, s0;
	s9 =	sadd.s32 s5, s2;
	s2 =	sshrl.u32 s28, $0x3  }
0x45: {  	[smem:$0x7EA] =	sst s0;
	s0 =	sadd.s32 s5, s10;
	s30 =	sadd.s32 s5, s2  }
0x46: {  	s2 =	sadd.s32 $0x1A80000, s4;
	[smem:$0x7EC] =	sst s0;
	s0 =	sshrl.u32 s15, $0x3  }
0x47: {  	[smem:$0x7EB] =	sst s9;
	s15 =	sadd.s32 s5, s0;
	s0 =	sshrl.u32 s2, $0x3  }
0x48: {  	[smem:$0x7ED] =	sst s30;
	s2 =	sshrl.u32 s3, $0x3;
	s0 =	sadd.s32 s5, s0  }
0x49: {  	s10 =	sshrl.u32 s8, $0x3;
	s9 =	sadd.s32 s5, s2;
	[smem:$0x7EE] =	sst s0  }
0x4a: {  	[smem:$0x7EF] =	sst s9;
	s0 =	sadd.s32 s5, s10  }
0x4b: {  	s7 =	smax.u32 s7, $0x1;
	[smem:$0x7F0] =	sst s0  }
0x4c: {  	_ =	strace $0x80000047;
	[smem:$0x7F1] =	sst s7  }
0x4d: {  	[dreg:$0x3] =	wrdreg s11  }
0x4e: {  	[dreg:$0x4] =	wrdreg s12  }
0x4f: {  	[dreg:$0x5] =	wrdreg s13  }
0x50: {  	[dreg:$0x7] =	wrdreg s19  }
0x51: {  	s6 =	sadd.s32 $0x1F8, s6;
	s29 =	sadd.s32 $0x1700000, s4;
	[dreg:$0x11] =	wrdreg s16  }
0x52: {  	s31 =	sshrl.u32 s29, $0x3;
	s29 =	sadd.s32 $0x1A00000, s4;
	[dreg:$0x19] =	wrdreg s17  }
0x53: {  	s26 =	sadd.s32 s5, s31;
	s31 =	sshrl.u32 s29, $0x3;
	[dreg:$0x1d] =	wrdreg s20  }
0x54: {  	s29 =	sadd.s32 $0x1C00000, s4;
	s28 =	sadd.s32 s5, s31;
	[dreg:$0x1f] =	wrdreg s21  }
0x55: {  	s31 =	sadd.s32 $0x1D00000, s4;
	s30 =	sadd.s32 $0x1C80000, s4;
	[smem:$0x7F2] =	sst s14  }
0x56: {  	s8 =	sadd.s32 $0x1E00000, s4;
	s2 =	sshrl.u32 s30, $0x3;
	[smem:$0x7F3] =	sst s18  }
0x57: {  	s3 =	sadd.s32 $0x1D80000, s4;
	s30 =	sadd.s32 s5, s2;
	[smem:$0x7F4] =	sst s22  }
0x58: {  	s2 =	sshrl.u32 s31, $0x3;
	s9 =	sadd.s32 $0x1E80000, s4;
	[smem:$0x7F5] =	sst s23  }
0x59: {  	s10 =	sadd.s32 $0x1F00000, s4;
	s4 =	sadd.s32 $0x1F80000, s4;
	[smem:$0x7F6] =	sst s24  }
0x5a: {  	s0 =	sshrl.u32 s29, $0x3;
	s31 =	sadd.s32 s5, s2;
	[smem:$0x7F7] =	sst s25  }
0x5b: {  	s2 =	sshrl.u32 s8, $0x3;
	s8 =	sshrl.u32 s10, $0x3;
	[smem:$0x7F8] =	sst s26  }
0x5c: {  	s29 =	sadd.s32 s5, s0;
	s0 =	sshrl.u32 s3, $0x3;
	[smem:$0x7F9] =	sst s15  }
0x5d: {  	v0 =	vlaneseq.u32;
	s2 =	sadd.s32 s5, s2;
	s3 =	sshrl.u32 s9, $0x3;
	[smem:$0x7FA] =	sst s28  }
0x5e: {  	v23 =	vmul.u32 $0xFFFFFFFF, v0;
	s9 =	sshrl.u32 s4, $0x3;
	s4 =	sadd.s32 s5, s8;
	[smem:$0x7FC] =	sst s30  }
0x5f: {  	[smem:$0x7FD] =	sst s31;
	s0 =	sadd.s32 s5, s0;
	s3 =	sadd.s32 s5, s3  }
0x60: {  	[tilespmem:$0x1FFF0] =	vst v23;
	s5 =	sadd.s32 s5, s9;
	s9 =	simm.s32 $0x0;
	[smem:$0x7FB] =	sst s29  }
.LBB2_1:
0x61: {  	s7 =	ssub.s32 s6, s1  }
0x62: {  	s8 =	sadd.s32 $0xFFFFFFD0, s7  }
0x63: {  	v0 =	vadd.s32 s8, v23  }
0x64: {  	s26 =	sadd.s32 $0xFFFFFFF0, s7;
	vm0 =	vgt.s32 v0, $0xFFFFFF01  }
0x65: {  	v1 =	vadd.s32 s26, v23;
	v0 =	vnsel vm0, $0xFFFFFF01, v0  }
0x66: {  	v3 =	vadd.s32 s7, v23;
	s7 =	sadd.s32 $0xFFFFFFE0, s7;
	vm5 =	vgt.s32 v1, $0xFFFFFF01;
	vm1 =	vlt.s32 v0, $0xFF  }
0x67: {  	[smem:$0x7DE] =	sst s9;
	v2 =	vadd.s32 s7, v23;
	v1 =	vnsel vm5, $0xFFFFFF01, v1;
	v4 =	vnsel vm1, $0xFF, v0  }
0x68: {  	s28 =	rddreg [dreg:$0x0];
	s29 =	simm.s32 $0x2;
	vm6 =	vgt.s32 v2, $0xFFFFFF01;
	vm7 =	vlt.s32 v1, $0xFF;
	v0 =	vadd.s32 $0xFF, v4  }
0x69: {  	[tilespmem:s1], [sflag:$0x2] =	stream.linear.gather [hbm4b:s28+s1], $0x3FE0, $0x38;
	vm2 =	vgt.s32 v3, $0xFFFFFF01;
	v5 =	vnsel vm6, $0xFFFFFF01, v2;
	v2 =	vnsel vm7, $0xFF, v1;
	[tilespmem:$0x17FE0] =	vst v63  }
0x6a: {  	_ =	swait.ge [sflag:s29], $0x3FE0;
	vm0 =	vlt.s32 v5, $0xFF;
	v1 =	vnsel vm2, $0xFFFFFF01, v3;
	v6 =	vadd.s32 $0xFF, v2  }
0x6b: {  	[sflag:s29] =	ssyncset.done $0x0;
	v3 =	vnsel vm0, $0xFF, v5;
	vm8 =	vlt.s32 v1, $0xFF  }
0x6c: {  	[sflag:s29] =	ssyncadd.s32 $0xFFFFC020;
	v8 =	vnsel vm8, $0xFF, v1;
	v1 =	vadd.s32 $0xFF, v3  }
0x6d: {  	v5 =	vadd.s32 $0xFF, v8;
	v0 =	vld.idx.msk [tilespmem:v0+s1+$0x0], $0xffff  }
0x6e: {  	v7 =	vadd.s32 $0x2FE, v4  }
0x6f: {  	v6 =	vld.idx.msk [tilespmem:v6+s1+$0x0], $0xffff  }
0x70: {  	v9 =	vadd.s32 $0x2FE, v2  }
0x71: {  	s7 =	simm.s32 $0x17610;
	v1 =	vld.idx.msk [tilespmem:v1+s1+$0x0], $0xffff  }
0x72: {  	v10 =	vadd.s32 $0x2FE, v3;
	v5 =	vld.idx.msk [tilespmem:v5+s1+$0x0], $0xffff;
	[tilespmem:s7+$0xFFFECA00] =	vst v0  }
0x73: {  	v0 =	vadd.s32 $0x2FE, v8;
	v7 =	vld.idx.msk [tilespmem:v7+s1+$0x0], $0xffff  }
0x74: {  	[tilespmem:s7+$0xFFFEC9E0] =	vst v6;
	v6 =	vadd.s32 $0x4FD, v4  }
0x75: {  	v9 =	vld.idx.msk [tilespmem:v9+s1+$0x0], $0xffff  }
0x76: {  	v11 =	vadd.s32 $0x4FD, v2;
	[tilespmem:s7+$0xFFFEC9F0] =	vst v1  }
0x77: {  	[tilespmem:s7+$0xFFFEC9D0] =	vst v5;
	v1 =	vld.idx.msk [tilespmem:v10+s1+$0x0], $0xffff  }
0x78: {  	v5 =	vadd.s32 $0x4FD, v3;
	v0 =	vld.idx.msk [tilespmem:v0+s1+$0x0], $0xffff;
	[tilespmem:s7+$0xFFFED400] =	vst v7  }
0x79: {  	v7 =	vadd.s32 $0x4FD, v8;
	v6 =	vld.idx.msk [tilespmem:v6+s1+$0x0], $0xffff  }
0x7a: {  	[tilespmem:s7+$0xFFFED3E0] =	vst v9;
	v9 =	vadd.s32 $0x6FC, v4  }
0x7b: {  	v10 =	vld.idx.msk [tilespmem:v11+s1+$0x0], $0xffff  }
0x7c: {  	v11 =	vadd.s32 $0x6FC, v2;
	[tilespmem:s7+$0xFFFED3F0] =	vst v1  }
0x7d: {  	[tilespmem:s7+$0xFFFED3D0] =	vst v0;
	v0 =	vld.idx.msk [tilespmem:v5+s1+$0x0], $0xffff  }
0x7e: {  	v1 =	vadd.s32 $0x6FC, v3;
	v5 =	vld.idx.msk [tilespmem:v7+s1+$0x0], $0xffff;
	[tilespmem:s7+$0xFFFEDE00] =	vst v6  }
0x7f: {  	v6 =	vadd.s32 $0x6FC, v8;
	v7 =	vld.idx.msk [tilespmem:v9+s1+$0x0], $0xffff  }
0x80: {  	[tilespmem:s7+$0xFFFEDDE0] =	vst v10;
	v9 =	vadd.s32 $0x8FB, v4  }
0x81: {  	v10 =	vld.idx.msk [tilespmem:v11+s1+$0x0], $0xffff  }
0x82: {  	v11 =	vadd.s32 $0x8FB, v2;
	[tilespmem:s7+$0xFFFEDDF0] =	vst v0  }
0x83: {  	[tilespmem:s7+$0xFFFEDDD0] =	vst v5;
	v0 =	vld.idx.msk [tilespmem:v1+s1+$0x0], $0xffff  }
0x84: {  	v1 =	vadd.s32 $0x8FB, v3;
	v5 =	vld.idx.msk [tilespmem:v6+s1+$0x0], $0xffff;
	[tilespmem:s7+$0xFFFEE800] =	vst v7  }
0x85: {  	v6 =	vadd.s32 $0x8FB, v8;
	v7 =	vld.idx.msk [tilespmem:v9+s1+$0x0], $0xffff  }
0x86: {  	[tilespmem:s7+$0xFFFEE7E0] =	vst v10;
	v9 =	vadd.s32 $0xAFA, v4  }
0x87: {  	v10 =	vld.idx.msk [tilespmem:v11+s1+$0x0], $0xffff  }
0x88: {  	v11 =	vadd.s32 $0xAFA, v2;
	[tilespmem:s7+$0xFFFEE7F0] =	vst v0  }
0x89: {  	[tilespmem:s7+$0xFFFEE7D0] =	vst v5;
	v0 =	vld.idx.msk [tilespmem:v1+s1+$0x0], $0xffff  }
0x8a: {  	v1 =	vadd.s32 $0xAFA, v3;
	v5 =	vld.idx.msk [tilespmem:v6+s1+$0x0], $0xffff;
	[tilespmem:s7+$0xFFFEF200] =	vst v7  }
0x8b: {  	v6 =	vadd.s32 $0xAFA, v8;
	v7 =	vld.idx.msk [tilespmem:v9+s1+$0x0], $0xffff  }
0x8c: {  	[tilespmem:s7+$0xFFFEF1E0] =	vst v10;
	v9 =	vadd.s32 $0xCF9, v4  }
0x8d: {  	v10 =	vld.idx.msk [tilespmem:v11+s1+$0x0], $0xffff  }
0x8e: {  	v11 =	vadd.s32 $0xCF9, v2;
	[tilespmem:s7+$0xFFFEF1F0] =	vst v0  }
0x8f: {  	[tilespmem:s7+$0xFFFEF1D0] =	vst v5;
	v0 =	vld.idx.msk [tilespmem:v1+s1+$0x0], $0xffff  }
0x90: {  	v1 =	vadd.s32 $0xCF9, v3;
	v5 =	vld.idx.msk [tilespmem:v6+s1+$0x0], $0xffff;
	[tilespmem:s7+$0xFFFEFC00] =	vst v7  }
0x91: {  	v6 =	vadd.s32 $0xCF9, v8;
	v7 =	vld.idx.msk [tilespmem:v9+s1+$0x0], $0xffff  }
0x92: {  	[tilespmem:s7+$0xFFFEFBE0] =	vst v10;
	v9 =	vadd.s32 $0xEF8, v4  }
0x93: {  	v10 =	vld.idx.msk [tilespmem:v11+s1+$0x0], $0xffff  }
0x94: {  	v11 =	vadd.s32 $0xEF8, v2;
	[tilespmem:s7+$0xFFFEFBF0] =	vst v0  }
0x95: {  	[tilespmem:s7+$0xFFFEFBD0] =	vst v5;
	v0 =	vld.idx.msk [tilespmem:v1+s1+$0x0], $0xffff  }
0x96: {  	v1 =	vadd.s32 $0xEF8, v3;
	v5 =	vld.idx.msk [tilespmem:v6+s1+$0x0], $0xffff;
	[tilespmem:s7+$0xFFFF0600] =	vst v7  }
0x97: {  	v6 =	vadd.s32 $0xEF8, v8;
	v7 =	vld.idx.msk [tilespmem:v9+s1+$0x0], $0xffff  }
0x98: {  	[tilespmem:s7+$0xFFFF05E0] =	vst v10;
	v9 =	vadd.s32 $0x10F7, v4  }
0x99: {  	v10 =	vld.idx.msk [tilespmem:v11+s1+$0x0], $0xffff  }
0x9a: {  	v11 =	vadd.s32 $0x10F7, v2;
	[tilespmem:s7+$0xFFFF05F0] =	vst v0  }
0x9b: {  	[tilespmem:s7+$0xFFFF05D0] =	vst v5;
	v0 =	vld.idx.msk [tilespmem:v1+s1+$0x0], $0xffff  }
0x9c: {  	v1 =	vadd.s32 $0x10F7, v3;
	v5 =	vld.idx.msk [tilespmem:v6+s1+$0x0], $0xffff;
	[tilespmem:s7+$0xFFFF1000] =	vst v7  }
0x9d: {  	v6 =	vadd.s32 $0x10F7, v8;
	v7 =	vld.idx.msk [tilespmem:v9+s1+$0x0], $0xffff  }
0x9e: {  	[tilespmem:s7+$0xFFFF0FE0] =	vst v10;
	v9 =	vadd.s32 $0x12F6, v4  }
0x9f: {  	v10 =	vld.idx.msk [tilespmem:v11+s1+$0x0], $0xffff  }
0xa0: {  	v11 =	vadd.s32 $0x12F6, v2;
	[tilespmem:s7+$0xFFFF0FF0] =	vst v0  }
0xa1: {  	[tilespmem:s7+$0xFFFF0FD0] =	vst v5;
	v0 =	vld.idx.msk [tilespmem:v1+s1+$0x0], $0xffff  }
0xa2: {  	v1 =	vadd.s32 $0x12F6, v3;
	v5 =	vld.idx.msk [tilespmem:v6+s1+$0x0], $0xffff;
	[tilespmem:s7+$0xFFFF1A00] =	vst v7  }
0xa3: {  	v6 =	vadd.s32 $0x12F6, v8;
	v7 =	vld.idx.msk [tilespmem:v9+s1+$0x0], $0xffff  }
0xa4: {  	[tilespmem:s7+$0xFFFF19E0] =	vst v10;
	v9 =	vadd.s32 $0x14F5, v4  }
0xa5: {  	v10 =	vld.idx.msk [tilespmem:v11+s1+$0x0], $0xffff  }
0xa6: {  	v11 =	vadd.s32 $0x14F5, v2;
	[tilespmem:s7+$0xFFFF19F0] =	vst v0  }
0xa7: {  	[tilespmem:s7+$0xFFFF19D0] =	vst v5;
	v0 =	vld.idx.msk [tilespmem:v1+s1+$0x0], $0xffff  }
0xa8: {  	v1 =	vadd.s32 $0x14F5, v3;
	v5 =	vld.idx.msk [tilespmem:v6+s1+$0x0], $0xffff;
	[tilespmem:s7+$0xFFFF2400] =	vst v7  }
0xa9: {  	v6 =	vadd.s32 $0x14F5, v8;
	v7 =	vld.idx.msk [tilespmem:v9+s1+$0x0], $0xffff  }
0xaa: {  	[tilespmem:s7+$0xFFFF23E0] =	vst v10;
	v9 =	vadd.s32 $0x16F4, v4  }
0xab: {  	v10 =	vld.idx.msk [tilespmem:v11+s1+$0x0], $0xffff  }
0xac: {  	v11 =	vadd.s32 $0x16F4, v2;
	[tilespmem:s7+$0xFFFF23F0] =	vst v0  }
0xad: {  	[tilespmem:s7+$0xFFFF23D0] =	vst v5;
	v0 =	vld.idx.msk [tilespmem:v1+s1+$0x0], $0xffff  }
0xae: {  	v1 =	vadd.s32 $0x16F4, v3;
	v5 =	vld.idx.msk [tilespmem:v6+s1+$0x0], $0xffff;
	[tilespmem:s7+$0xFFFF2E00] =	vst v7  }
0xaf: {  	v6 =	vadd.s32 $0x16F4, v8;
	v7 =	vld.idx.msk [tilespmem:v9+s1+$0x0], $0xffff  }
0xb0: {  	[tilespmem:s7+$0xFFFF2DE0] =	vst v10;
	v9 =	vadd.s32 $0x18F3, v4  }
0xb1: {  	v10 =	vld.idx.msk [tilespmem:v11+s1+$0x0], $0xffff  }
0xb2: {  	v11 =	vadd.s32 $0x18F3, v2;
	[tilespmem:s7+$0xFFFF2DF0] =	vst v0  }
0xb3: {  	[tilespmem:s7+$0xFFFF2DD0] =	vst v5;
	v0 =	vld.idx.msk [tilespmem:v1+s1+$0x0], $0xffff  }
0xb4: {  	v1 =	vadd.s32 $0x18F3, v3;
	v5 =	vld.idx.msk [tilespmem:v6+s1+$0x0], $0xffff;
	[tilespmem:s7+$0xFFFF3800] =	vst v7  }
0xb5: {  	v6 =	vadd.s32 $0x18F3, v8;
	v7 =	vld.idx.msk [tilespmem:v9+s1+$0x0], $0xffff  }
0xb6: {  	[tilespmem:s7+$0xFFFF37E0] =	vst v10;
	v9 =	vadd.s32 $0x1AF2, v4  }
0xb7: {  	v10 =	vld.idx.msk [tilespmem:v11+s1+$0x0], $0xffff  }
0xb8: {  	v11 =	vadd.s32 $0x1AF2, v2;
	[tilespmem:s7+$0xFFFF37F0] =	vst v0  }
0xb9: {  	[tilespmem:s7+$0xFFFF37D0] =	vst v5;
	v0 =	vld.idx.msk [tilespmem:v1+s1+$0x0], $0xffff  }
0xba: {  	v1 =	vadd.s32 $0x1AF2, v3;
	v5 =	vld.idx.msk [tilespmem:v6+s1+$0x0], $0xffff;
	[tilespmem:s7+$0xFFFF4200] =	vst v7  }
0xbb: {  	v6 =	vadd.s32 $0x1AF2, v8;
	v7 =	vld.idx.msk [tilespmem:v9+s1+$0x0], $0xffff  }
0xbc: {  	[tilespmem:s7+$0xFFFF41E0] =	vst v10;
	v9 =	vadd.s32 $0x1CF1, v4  }
0xbd: {  	v10 =	vld.idx.msk [tilespmem:v11+s1+$0x0], $0xffff  }
0xbe: {  	v11 =	vadd.s32 $0x1CF1, v2;
	[tilespmem:s7+$0xFFFF41F0] =	vst v0  }
0xbf: {  	[tilespmem:s7+$0xFFFF41D0] =	vst v5;
	v0 =	vld.idx.msk [tilespmem:v1+s1+$0x0], $0xffff  }
0xc0: {  	v1 =	vadd.s32 $0x1CF1, v3;
	v5 =	vld.idx.msk [tilespmem:v6+s1+$0x0], $0xffff;
	[tilespmem:s7+$0xFFFF4C00] =	vst v7  }
0xc1: {  	v6 =	vadd.s32 $0x1CF1, v8;
	v7 =	vld.idx.msk [tilespmem:v9+s1+$0x0], $0xffff  }
0xc2: {  	[tilespmem:s7+$0xFFFF4BE0] =	vst v10;
	v9 =	vadd.s32 $0x1EF0, v4  }
0xc3: {  	v10 =	vld.idx.msk [tilespmem:v11+s1+$0x0], $0xffff  }
0xc4: {  	v11 =	vadd.s32 $0x1EF0, v2;
	[tilespmem:s7+$0xFFFF4BF0] =	vst v0  }
0xc5: {  	[tilespmem:s7+$0xFFFF4BD0] =	vst v5;
	v0 =	vld.idx.msk [tilespmem:v1+s1+$0x0], $0xffff  }
0xc6: {  	v1 =	vadd.s32 $0x1EF0, v3;
	v5 =	vld.idx.msk [tilespmem:v6+s1+$0x0], $0xffff;
	[tilespmem:s7+$0xFFFF5600] =	vst v7  }
0xc7: {  	v6 =	vadd.s32 $0x1EF0, v8;
	v7 =	vld.idx.msk [tilespmem:v9+s1+$0x0], $0xffff  }
0xc8: {  	[tilespmem:s7+$0xFFFF55E0] =	vst v10;
	v9 =	vadd.s32 $0x20EF, v4  }
0xc9: {  	v10 =	vld.idx.msk [tilespmem:v11+s1+$0x0], $0xffff  }
0xca: {  	v11 =	vadd.s32 $0x20EF, v2;
	[tilespmem:s7+$0xFFFF55F0] =	vst v0  }
0xcb: {  	[tilespmem:s7+$0xFFFF55D0] =	vst v5;
	v0 =	vld.idx.msk [tilespmem:v1+s1+$0x0], $0xffff  }
0xcc: {  	s30 =	simm.s32 $0x40;
	v1 =	vadd.s32 $0x20EF, v3;
	v5 =	vld.idx.msk [tilespmem:v6+s1+$0x0], $0xffff;
	[tilespmem:s7+$0xFFFF6000] =	vst v7  }
0xcd: {  	s8 =	ssub.s32 s6, s30;
	v6 =	vadd.s32 $0x20EF, v8;
	v7 =	vld.idx.msk [tilespmem:v9+s1+$0x0], $0xffff  }
0xce: {  	v15 =	vadd.s32 s8, v23;
	[tilespmem:s7+$0xFFFF5FE0] =	vst v10;
	v9 =	vadd.s32 $0x22EE, v4  }
0xcf: {  	s31 =	sadd.s32 $0xFFFFFFD0, s8;
	vm10 =	vgt.s32 v15, $0xFFFFFF01;
	v11 =	vld.idx.msk [tilespmem:v11+s1+$0x0], $0xffff  }
0xd0: {  	s10 =	sadd.s32 $0xFFFFFFF0, s8;
	v13 =	vadd.s32 $0x22EE, v3;
	v10 =	vadd.s32 $0x22EE, v2;
	[tilespmem:s7+$0xFFFF5FF0] =	vst v0;
	v0 =	vadd.s32 s31, v23  }
0xd1: {  	v14 =	vadd.s32 $0x24ED, v2;
	[tilespmem:s7+$0xFFFF5FD0] =	vst v5;
	v5 =	vld.idx.msk [tilespmem:v1+s1+$0x0], $0xffff;
	v1 =	vadd.s32 s10, v23;
	vm9 =	vgt.s32 v0, $0xFFFFFF01  }
0xd2: {  	s8 =	sadd.s32 $0xFFFFFFE0, s8;
	v12 =	vadd.s32 $0x22EE, v8;
	v6 =	vld.idx.msk [tilespmem:v6+s1+$0x0], $0xffff;
	vm11 =	vgt.s32 v1, $0xFFFFFF01;
	v0 =	vnsel vm9, $0xFFFFFF01, v0;
	[tilespmem:s7+$0xFFFF6A00] =	vst v7  }
0xd3: {  	v7 =	vadd.s32 s8, v23;
	v16 =	vnsel vm11, $0xFFFFFF01, v1;
	vm0 =	vlt.s32 v0, $0xFF;
	v9 =	vld.idx.msk [tilespmem:v9+s1+$0x0], $0xffff  }
0xd4: {  	[tilespmem:s7+$0xFFFF69E0] =	vst v11;
	v11 =	vadd.s32 $0x24ED, v4;
	vm12 =	vgt.s32 v7, $0xFFFFFF01;
	v1 =	vnsel vm0, $0xFF, v0  }
0xd5: {  	vm13 =	vlt.s32 v16, $0xFF;
	v0 =	vnsel vm12, $0xFFFFFF01, v7;
	v7 =	vld.idx.msk [tilespmem:v10+s1+$0x0], $0xffff;
	v10 =	vadd.s32 $0xFF, v1  }
0xd6: {  	v46 =	vnsel vm13, $0xFF, v16;
	[tilespmem:s7+$0xFFFF69F0] =	vst v5;
	v5 =	vnsel vm10, $0xFFFFFF01, v15;
	vm14 =	vlt.s32 v0, $0xFF  }
0xd7: {  	[tilespmem:s7+$0xFFFF69D0] =	vst v6;
	v6 =	vld.idx.msk [tilespmem:v13+s1+$0x0], $0xffff;
	vm15 =	vlt.s32 v5, $0xFF;
	v48 =	vnsel vm14, $0xFF, v0;
	v0 =	vadd.s32 $0xFF, v46  }
0xd8: {  	v12 =	vld.idx.msk [tilespmem:v12+s1+$0x0], $0xffff;
	v54 =	vnsel vm15, $0xFF, v5;
	v5 =	vadd.s32 $0xFF, v48;
	[tilespmem:s7+$0xFFFF7400] =	vst v9  }
0xd9: {  	v9 =	vadd.s32 $0xFF, v54;
	v11 =	vld.idx.msk [tilespmem:v11+s1+$0x0], $0xffff  }
0xda: {  	v13 =	vadd.s32 $0x24ED, v3;
	[tilespmem:s7+$0xFFFF73E0] =	vst v7;
	v7 =	vld.idx.msk [tilespmem:v10+s1+$0x0], $0xffff  }
0xdb: {  	v10 =	vadd.s32 $0x26EC, v4;
	v14 =	vld.idx.msk [tilespmem:v14+s1+$0x0], $0xffff  }
0xdc: {  	v15 =	vadd.s32 $0x2FE, v1;
	v0 =	vld.idx.msk [tilespmem:v0+s1+$0x0], $0xffff;
	[tilespmem:s7+$0xFFFF73F0] =	vst v6  }
0xdd: {  	v16 =	vadd.s32 $0x24ED, v8;
	v5 =	vld.idx.msk [tilespmem:v5+s1+$0x0], $0xffff;
	[tilespmem:s7+$0xFFFF73D0] =	vst v12  }
0xde: {  	s8 =	simm.s32 $0x17650;
	v6 =	vadd.s32 $0x2FE, v46;
	v9 =	vld.idx.msk [tilespmem:v9+s1+$0x0], $0xffff;
	[tilespmem:s7+$0xFFFF7E00] =	vst v11  }
0xdf: {  	v11 =	vadd.s32 $0x2FE, v48;
	[tilespmem:s8+$0xFFFECA00] =	vst v7;
	v7 =	vld.idx.msk [tilespmem:v13+s1+$0x0], $0xffff  }
0xe0: {  	v12 =	vadd.s32 $0x2FE, v54;
	v10 =	vld.idx.msk [tilespmem:v10+s1+$0x0], $0xffff;
	[tilespmem:s7+$0xFFFF7DE0] =	vst v14  }
0xe1: {  	v13 =	vld.idx.msk [tilespmem:v15+s1+$0x0], $0xffff;
	v15 =	vadd.s32 $0x26EC, v2;
	[tilespmem:s8+$0xFFFEC9E0] =	vst v0  }
0xe2: {  	v14 =	vadd.s32 $0x28EB, v4;
	v0 =	vld.idx.msk [tilespmem:v16+s1+$0x0], $0xffff;
	[tilespmem:s8+$0xFFFEC9F0] =	vst v5  }
0xe3: {  	v6 =	vld.idx.msk [tilespmem:v6+s1+$0x0], $0xffff;
	v5 =	vadd.s32 $0x4FD, v1;
	[tilespmem:s8+$0xFFFEC9D0] =	vst v9  }
0xe4: {  	v16 =	vadd.s32 $0x26EC, v3;
	v9 =	vld.idx.msk [tilespmem:v11+s1+$0x0], $0xffff;
	[tilespmem:s7+$0xFFFF7DF0] =	vst v7  }
0xe5: {  	v11 =	vadd.s32 $0x4FD, v46;
	v12 =	vld.idx.msk [tilespmem:v12+s1+$0x0], $0xffff;
	[tilespmem:s7+$0xFFFF8800] =	vst v10  }
0xe6: {  	v10 =	vadd.s32 $0x4FD, v48;
	[tilespmem:s8+$0xFFFED400] =	vst v13;
	v13 =	vld.idx.msk [tilespmem:v15+s1+$0x0], $0xffff  }
0xe7: {  	v7 =	vld.idx.msk [tilespmem:v14+s1+$0x0], $0xffff;
	v14 =	vadd.s32 $0x4FD, v54;
	[tilespmem:s7+$0xFFFF7DD0] =	vst v0  }
0xe8: {  	v0 =	vadd.s32 $0x2AEA, v4;
	v5 =	vld.idx.msk [tilespmem:v5+s1+$0x0], $0xffff;
	[tilespmem:s8+$0xFFFED3E0] =	vst v6  }
0xe9: {  	v15 =	vadd.s32 $0x26EC, v8;
	v6 =	vld.idx.msk [tilespmem:v16+s1+$0x0], $0xffff;
	[tilespmem:s8+$0xFFFED3F0] =	vst v9  }
0xea: {  	v11 =	vld.idx.msk [tilespmem:v11+s1+$0x0], $0xffff;
	v9 =	vadd.s32 $0x6FC, v1;
	[tilespmem:s8+$0xFFFED3D0] =	vst v12  }
0xeb: {  	v16 =	vadd.s32 $0x28EB, v2;
	v10 =	vld.idx.msk [tilespmem:v10+s1+$0x0], $0xffff;
	[tilespmem:s7+$0xFFFF87E0] =	vst v13  }
0xec: {  	v12 =	vadd.s32 $0x6FC, v46;
	v14 =	vld.idx.msk [tilespmem:v14+s1+$0x0], $0xffff;
	[tilespmem:s7+$0xFFFF9200] =	vst v7  }
0xed: {  	v7 =	vadd.s32 $0x6FC, v48;
	v0 =	vld.idx.msk [tilespmem:v0+s1+$0x0], $0xffff;
	[tilespmem:s8+$0xFFFEDE00] =	vst v5  }
0xee: {  	v13 =	vadd.s32 $0x6FC, v54;
	v5 =	vld.idx.msk [tilespmem:v15+s1+$0x0], $0xffff;
	[tilespmem:s7+$0xFFFF87F0] =	vst v6  }
0xef: {  	v6 =	vadd.s32 $0x2CE9, v4;
	v9 =	vld.idx.msk [tilespmem:v9+s1+$0x0], $0xffff;
	[tilespmem:s8+$0xFFFEDDE0] =	vst v11  }
0xf0: {  	v15 =	vadd.s32 $0x28EB, v3;
	v11 =	vld.idx.msk [tilespmem:v16+s1+$0x0], $0xffff;
	[tilespmem:s8+$0xFFFEDDF0] =	vst v10  }
0xf1: {  	v12 =	vld.idx.msk [tilespmem:v12+s1+$0x0], $0xffff;
	v10 =	vadd.s32 $0x8FB, v1;
	[tilespmem:s8+$0xFFFEDDD0] =	vst v14  }
0xf2: {  	v16 =	vadd.s32 $0x28EB, v8;
	v7 =	vld.idx.msk [tilespmem:v7+s1+$0x0], $0xffff;
	[tilespmem:s7+$0xFFFF9C00] =	vst v0  }
0xf3: {  	v14 =	vadd.s32 $0x8FB, v46;
	v13 =	vld.idx.msk [tilespmem:v13+s1+$0x0], $0xffff;
	[tilespmem:s7+$0xFFFF87D0] =	vst v5  }
0xf4: {  	v0 =	vadd.s32 $0x8FB, v48;
	v5 =	vld.idx.msk [tilespmem:v6+s1+$0x0], $0xffff;
	[tilespmem:s8+$0xFFFEE800] =	vst v9  }
0xf5: {  	v6 =	vadd.s32 $0x8FB, v54;
	v9 =	vld.idx.msk [tilespmem:v15+s1+$0x0], $0xffff;
	[tilespmem:s7+$0xFFFF91E0] =	vst v11  }
0xf6: {  	v11 =	vadd.s32 $0x2EE8, v4;
	v10 =	vld.idx.msk [tilespmem:v10+s1+$0x0], $0xffff;
	[tilespmem:s8+$0xFFFEE7E0] =	vst v12  }
0xf7: {  	v15 =	vadd.s32 $0x2AEA, v2;
	v12 =	vld.idx.msk [tilespmem:v16+s1+$0x0], $0xffff;
	[tilespmem:s8+$0xFFFEE7F0] =	vst v7  }
0xf8: {  	v14 =	vld.idx.msk [tilespmem:v14+s1+$0x0], $0xffff;
	v7 =	vadd.s32 $0xAFA, v1;
	[tilespmem:s8+$0xFFFEE7D0] =	vst v13  }
0xf9: {  	v16 =	vadd.s32 $0x2AEA, v3;
	v0 =	vld.idx.msk [tilespmem:v0+s1+$0x0], $0xffff;
	[tilespmem:s7+$0xFFFFA600] =	vst v5  }
0xfa: {  	v13 =	vadd.s32 $0xAFA, v46;
	v6 =	vld.idx.msk [tilespmem:v6+s1+$0x0], $0xffff;
	[tilespmem:s7+$0xFFFF91F0] =	vst v9  }
0xfb: {  	v5 =	vadd.s32 $0xAFA, v48;
	v9 =	vld.idx.msk [tilespmem:v11+s1+$0x0], $0xffff;
	[tilespmem:s8+$0xFFFEF200] =	vst v10  }
0xfc: {  	v11 =	vadd.s32 $0xAFA, v54;
	v10 =	vld.idx.msk [tilespmem:v15+s1+$0x0], $0xffff;
	[tilespmem:s7+$0xFFFF91D0] =	vst v12  }
0xfd: {  	v12 =	vadd.s32 $0x30E7, v4;
	v7 =	vld.idx.msk [tilespmem:v7+s1+$0x0], $0xffff;
	[tilespmem:s8+$0xFFFEF1E0] =	vst v14  }
0xfe: {  	v15 =	vadd.s32 $0x2AEA, v8;
	v14 =	vld.idx.msk [tilespmem:v16+s1+$0x0], $0xffff;
	[tilespmem:s8+$0xFFFEF1F0] =	vst v0  }
0xff: {  	v13 =	vld.idx.msk [tilespmem:v13+s1+$0x0], $0xffff;
	v0 =	vadd.s32 $0xCF9, v1;
	[tilespmem:s8+$0xFFFEF1D0] =	vst v6  }
0x100: {  	v16 =	vadd.s32 $0x2CE9, v2;
	v5 =	vld.idx.msk [tilespmem:v5+s1+$0x0], $0xffff;
	[tilespmem:s7+$0xFFFFB000] =	vst v9  }
0x101: {  	v6 =	vadd.s32 $0xCF9, v46;
	v11 =	vld.idx.msk [tilespmem:v11+s1+$0x0], $0xffff;
	[tilespmem:s7+$0xFFFF9BE0] =	vst v10  }
0x102: {  	v9 =	vadd.s32 $0xCF9, v48;
	v10 =	vld.idx.msk [tilespmem:v12+s1+$0x0], $0xffff;
	[tilespmem:s8+$0xFFFEFC00] =	vst v7  }
0x103: {  	v12 =	vadd.s32 $0xCF9, v54;
	v7 =	vld.idx.msk [tilespmem:v15+s1+$0x0], $0xffff;
	[tilespmem:s7+$0xFFFF9BF0] =	vst v14  }
0x104: {  	v14 =	vadd.s32 $0x32E6, v4;
	v0 =	vld.idx.msk [tilespmem:v0+s1+$0x0], $0xffff;
	[tilespmem:s8+$0xFFFEFBE0] =	vst v13  }
0x105: {  	v15 =	vadd.s32 $0x2CE9, v3;
	v13 =	vld.idx.msk [tilespmem:v16+s1+$0x0], $0xffff;
	[tilespmem:s8+$0xFFFEFBF0] =	vst v5  }
0x106: {  	v6 =	vld.idx.msk [tilespmem:v6+s1+$0x0], $0xffff;
	v5 =	vadd.s32 $0xEF8, v1;
	[tilespmem:s8+$0xFFFEFBD0] =	vst v11  }
0x107: {  	v16 =	vadd.s32 $0x2CE9, v8;
	v9 =	vld.idx.msk [tilespmem:v9+s1+$0x0], $0xffff;
	[tilespmem:s7+$0xFFFFBA00] =	vst v10  }
0x108: {  	v11 =	vadd.s32 $0xEF8, v46;
	v12 =	vld.idx.msk [tilespmem:v12+s1+$0x0], $0xffff;
	[tilespmem:s7+$0xFFFF9BD0] =	vst v7  }
0x109: {  	v10 =	vadd.s32 $0xEF8, v48;
	v7 =	vld.idx.msk [tilespmem:v14+s1+$0x0], $0xffff;
	[tilespmem:s8+$0xFFFF0600] =	vst v0  }
0x10a: {  	v14 =	vadd.s32 $0xEF8, v54;
	v0 =	vld.idx.msk [tilespmem:v15+s1+$0x0], $0xffff;
	[tilespmem:s7+$0xFFFFA5E0] =	vst v13  }
0x10b: {  	v13 =	vadd.s32 $0x34E5, v4;
	v5 =	vld.idx.msk [tilespmem:v5+s1+$0x0], $0xffff;
	[tilespmem:s8+$0xFFFF05E0] =	vst v6  }
0x10c: {  	v15 =	vadd.s32 $0x2EE8, v2;
	v6 =	vld.idx.msk [tilespmem:v16+s1+$0x0], $0xffff;
	[tilespmem:s8+$0xFFFF05F0] =	vst v9  }
0x10d: {  	v11 =	vld.idx.msk [tilespmem:v11+s1+$0x0], $0xffff;
	v9 =	vadd.s32 $0x10F7, v1;
	[tilespmem:s8+$0xFFFF05D0] =	vst v12  }
0x10e: {  	v16 =	vadd.s32 $0x2EE8, v3;
	v10 =	vld.idx.msk [tilespmem:v10+s1+$0x0], $0xffff;
	[tilespmem:s7+$0xFFFFC400] =	vst v7  }
0x10f: {  	v12 =	vadd.s32 $0x10F7, v46;
	v14 =	vld.idx.msk [tilespmem:v14+s1+$0x0], $0xffff;
	[tilespmem:s7+$0xFFFFA5F0] =	vst v0  }
0x110: {  	v7 =	vadd.s32 $0x10F7, v48;
	v0 =	vld.idx.msk [tilespmem:v13+s1+$0x0], $0xffff;
	[tilespmem:s8+$0xFFFF1000] =	vst v5  }
0x111: {  	v13 =	vadd.s32 $0x10F7, v54;
	v5 =	vld.idx.msk [tilespmem:v15+s1+$0x0], $0xffff;
	[tilespmem:s7+$0xFFFFA5D0] =	vst v6  }
0x112: {  	v6 =	vadd.s32 $0x36E4, v4;
	v9 =	vld.idx.msk [tilespmem:v9+s1+$0x0], $0xffff;
	[tilespmem:s8+$0xFFFF0FE0] =	vst v11  }
0x113: {  	v15 =	vadd.s32 $0x2EE8, v8;
	v11 =	vld.idx.msk [tilespmem:v16+s1+$0x0], $0xffff;
	[tilespmem:s8+$0xFFFF0FF0] =	vst v10  }
0x114: {  	v12 =	vld.idx.msk [tilespmem:v12+s1+$0x0], $0xffff;
	v10 =	vadd.s32 $0x12F6, v1;
	[tilespmem:s8+$0xFFFF0FD0] =	vst v14  }
0x115: {  	v16 =	vadd.s32 $0x30E7, v2;
	v7 =	vld.idx.msk [tilespmem:v7+s1+$0x0], $0xffff;
	[tilespmem:s7+$0xFFFFCE00] =	vst v0  }
0x116: {  	v14 =	vadd.s32 $0x12F6, v46;
	v13 =	vld.idx.msk [tilespmem:v13+s1+$0x0], $0xffff;
	[tilespmem:s7+$0xFFFFAFE0] =	vst v5  }
0x117: {  	v0 =	vadd.s32 $0x12F6, v48;
	v5 =	vld.idx.msk [tilespmem:v6+s1+$0x0], $0xffff;
	[tilespmem:s8+$0xFFFF1A00] =	vst v9  }
0x118: {  	v6 =	vadd.s32 $0x12F6, v54;
	v9 =	vld.idx.msk [tilespmem:v15+s1+$0x0], $0xffff;
	[tilespmem:s7+$0xFFFFAFF0] =	vst v11  }
0x119: {  	v11 =	vadd.s32 $0x38E3, v4;
	v10 =	vld.idx.msk [tilespmem:v10+s1+$0x0], $0xffff;
	[tilespmem:s8+$0xFFFF19E0] =	vst v12  }
0x11a: {  	v15 =	vadd.s32 $0x30E7, v3;
	v12 =	vld.idx.msk [tilespmem:v16+s1+$0x0], $0xffff;
	[tilespmem:s8+$0xFFFF19F0] =	vst v7  }
0x11b: {  	v14 =	vld.idx.msk [tilespmem:v14+s1+$0x0], $0xffff;
	v7 =	vadd.s32 $0x14F5, v1;
	[tilespmem:s8+$0xFFFF19D0] =	vst v13  }
0x11c: {  	v16 =	vadd.s32 $0x30E7, v8;
	v0 =	vld.idx.msk [tilespmem:v0+s1+$0x0], $0xffff;
	[tilespmem:s7+$0xFFFFD800] =	vst v5  }
0x11d: {  	v13 =	vadd.s32 $0x14F5, v46;
	v6 =	vld.idx.msk [tilespmem:v6+s1+$0x0], $0xffff;
	[tilespmem:s7+$0xFFFFAFD0] =	vst v9  }
0x11e: {  	v5 =	vadd.s32 $0x14F5, v48;
	v9 =	vld.idx.msk [tilespmem:v11+s1+$0x0], $0xffff;
	[tilespmem:s8+$0xFFFF2400] =	vst v10  }
0x11f: {  	v11 =	vadd.s32 $0x14F5, v54;
	v10 =	vld.idx.msk [tilespmem:v15+s1+$0x0], $0xffff;
	[tilespmem:s7+$0xFFFFB9E0] =	vst v12  }
0x120: {  	v12 =	vadd.s32 $0x3AE2, v4;
	v7 =	vld.idx.msk [tilespmem:v7+s1+$0x0], $0xffff;
	[tilespmem:s8+$0xFFFF23E0] =	vst v14  }
0x121: {  	v15 =	vadd.s32 $0x32E6, v2;
	v14 =	vld.idx.msk [tilespmem:v16+s1+$0x0], $0xffff;
	[tilespmem:s8+$0xFFFF23F0] =	vst v0  }
0x122: {  	v13 =	vld.idx.msk [tilespmem:v13+s1+$0x0], $0xffff;
	v0 =	vadd.s32 $0x16F4, v1;
	[tilespmem:s8+$0xFFFF23D0] =	vst v6  }
0x123: {  	v16 =	vadd.s32 $0x32E6, v3;
	v5 =	vld.idx.msk [tilespmem:v5+s1+$0x0], $0xffff;
	[tilespmem:s7+$0xFFFFE200] =	vst v9  }
0x124: {  	v6 =	vadd.s32 $0x16F4, v46;
	v11 =	vld.idx.msk [tilespmem:v11+s1+$0x0], $0xffff;
	[tilespmem:s7+$0xFFFFB9F0] =	vst v10  }
0x125: {  	v9 =	vadd.s32 $0x16F4, v48;
	v10 =	vld.idx.msk [tilespmem:v12+s1+$0x0], $0xffff;
	[tilespmem:s8+$0xFFFF2E00] =	vst v7  }
0x126: {  	v12 =	vadd.s32 $0x16F4, v54;
	v7 =	vld.idx.msk [tilespmem:v15+s1+$0x0], $0xffff;
	[tilespmem:s7+$0xFFFFB9D0] =	vst v14  }
0x127: {  	v14 =	vadd.s32 $0x3CE1, v4;
	v0 =	vld.idx.msk [tilespmem:v0+s1+$0x0], $0xffff;
	[tilespmem:s8+$0xFFFF2DE0] =	vst v13  }
0x128: {  	v15 =	vadd.s32 $0x32E6, v8;
	v13 =	vld.idx.msk [tilespmem:v16+s1+$0x0], $0xffff;
	[tilespmem:s8+$0xFFFF2DF0] =	vst v5  }
0x129: {  	v6 =	vld.idx.msk [tilespmem:v6+s1+$0x0], $0xffff;
	v5 =	vadd.s32 $0x18F3, v1;
	[tilespmem:s8+$0xFFFF2DD0] =	vst v11  }
0x12a: {  	v16 =	vadd.s32 $0x34E5, v2;
	v9 =	vld.idx.msk [tilespmem:v9+s1+$0x0], $0xffff;
	[tilespmem:s7+$0xFFFFEC00] =	vst v10  }
0x12b: {  	v11 =	vadd.s32 $0x18F3, v46;
	v12 =	vld.idx.msk [tilespmem:v12+s1+$0x0], $0xffff;
	[tilespmem:s7+$0xFFFFC3E0] =	vst v7  }
0x12c: {  	v10 =	vadd.s32 $0x18F3, v48;
	v7 =	vld.idx.msk [tilespmem:v14+s1+$0x0], $0xffff;
	[tilespmem:s8+$0xFFFF3800] =	vst v0  }
0x12d: {  	v14 =	vadd.s32 $0x18F3, v54;
	v0 =	vld.idx.msk [tilespmem:v15+s1+$0x0], $0xffff;
	[tilespmem:s7+$0xFFFFC3F0] =	vst v13  }
0x12e: {  	v4 =	vadd.s32 $0x3EE0, v4;
	v5 =	vld.idx.msk [tilespmem:v5+s1+$0x0], $0xffff;
	[tilespmem:s8+$0xFFFF37E0] =	vst v6  }
0x12f: {  	v13 =	vadd.s32 $0x34E5, v3;
	v6 =	vld.idx.msk [tilespmem:v16+s1+$0x0], $0xffff;
	[tilespmem:s8+$0xFFFF37F0] =	vst v9  }
0x130: {  	v11 =	vld.idx.msk [tilespmem:v11+s1+$0x0], $0xffff;
	v9 =	vadd.s32 $0x1AF2, v1;
	[tilespmem:s8+$0xFFFF37D0] =	vst v12  }
0x131: {  	v15 =	vadd.s32 $0x34E5, v8;
	v10 =	vld.idx.msk [tilespmem:v10+s1+$0x0], $0xffff;
	[tilespmem:s7+$0xFFFFF600] =	vst v7  }
0x132: {  	v12 =	vadd.s32 $0x1AF2, v46;
	v14 =	vld.idx.msk [tilespmem:v14+s1+$0x0], $0xffff;
	[tilespmem:s7+$0xFFFFC3D0] =	vst v0  }
0x133: {  	v7 =	vadd.s32 $0x1AF2, v48;
	v0 =	vld.idx.msk [tilespmem:v4+s1+$0x0], $0xffff;
	[tilespmem:s8+$0xFFFF4200] =	vst v5  }
0x134: {  	v4 =	vadd.s32 $0x1AF2, v54;
	v5 =	vld.idx.msk [tilespmem:v13+s1+$0x0], $0xffff;
	[tilespmem:s7+$0xFFFFCDE0] =	vst v6  }
0x135: {  	v13 =	vadd.s32 $0x36E4, v2;
	v9 =	vld.idx.msk [tilespmem:v9+s1+$0x0], $0xffff;
	[tilespmem:s8+$0xFFFF41E0] =	vst v11  }
0x136: {  	v17 =	vadd.s32 $0x36E4, v3;
	v11 =	vld.idx.msk [tilespmem:v15+s1+$0x0], $0xffff;
	[tilespmem:s8+$0xFFFF41F0] =	vst v10  }
0x137: {  	v12 =	vld.idx.msk [tilespmem:v12+s1+$0x0], $0xffff;
	v10 =	vadd.s32 $0x1CF1, v1;
	[tilespmem:s8+$0xFFFF41D0] =	vst v14  }
0x138: {  	v7 =	vld.idx.msk [tilespmem:v7+s1+$0x0], $0xffff;
	[tilespmem:s7+$0x0] =	vst v0  }
0x139: {  	v20 =	vadd.s32 $0x3AE2, v2;
	v27 =	vadd.s32 $0x3CE1, v2;
	v4 =	vld.idx.msk [tilespmem:v4+s1+$0x0], $0xffff;
	[tilespmem:s7+$0xFFFFCDF0] =	vst v5  }
0x13a: {  	v28 =	vadd.s32 $0x3EE0, v2;
	v22 =	vadd.s32 $0x1CF1, v46;
	v16 =	vadd.s32 $0x38E3, v2;
	v2 =	vld.idx.msk [tilespmem:v13+s1+$0x0], $0xffff;
	[tilespmem:s8+$0xFFFF4C00] =	vst v9  }
0x13b: {  	v6 =	vadd.s32 $0x36E4, v8;
	v13 =	vadd.s32 $0x20EF, v54;
	v5 =	vld.idx.msk [tilespmem:v17+s1+$0x0], $0xffff;
	[tilespmem:s7+$0xFFFFCDD0] =	vst v11  }
0x13c: {  	v18 =	vadd.s32 $0x38E3, v3;
	v21 =	vadd.s32 $0x3AE2, v3;
	v10 =	vld.idx.msk [tilespmem:v10+s1+$0x0], $0xffff;
	[tilespmem:$0x1FFB0] =	vst v13;
	v13 =	vadd.s32 $0x22EE, v46  }
0x13d: {  	v26 =	vadd.s32 $0x3CE1, v3;
	v19 =	vadd.s32 $0x3AE2, v8;
	v0 =	vadd.s32 $0x1CF1, v48;
	[tilespmem:$0x1FFC0] =	vst v13  }
0x13e: {  	v25 =	vadd.s32 $0x3CE1, v8;
	v14 =	vadd.s32 $0x3EE0, v3;
	v3 =	vadd.s32 $0x1CF1, v54;
	[tilespmem:s8+$0xFFFF4BE0] =	vst v12  }
0x13f: {  	v24 =	vadd.s32 $0x3EE0, v8;
	v57 =	vadd.s32 $0x24ED, v46;
	[tilespmem:s8+$0xFFFF4BF0] =	vst v7;
	v13 =	vld.idx.msk [tilespmem:v22+s1+$0x0], $0xffff;
	v22 =	vadd.s32 $0x22EE, v48  }
0x140: {  	v51 =	vadd.s32 $0x26EC, v46;
	v50 =	vadd.s32 $0x28EB, v46;
	v62 =	vadd.s32 $0x2AEA, v46;
	v6 =	vld.idx.msk [tilespmem:v6+s1+$0x0], $0xffff;
	[tilespmem:$0x1FFD0] =	vst v22  }
0x141: {  	v53 =	vadd.s32 $0x2CE9, v46;
	v39 =	vadd.s32 $0x2EE8, v46;
	v7 =	vadd.s32 $0x1EF0, v1;
	[tilespmem:s8+$0xFFFF4BD0] =	vst v4  }
0x142: {  	v36 =	vadd.s32 $0x30E7, v46;
	v15 =	vadd.s32 $0x38E3, v8;
	v0 =	vld.idx.msk [tilespmem:v0+s1+$0x0], $0xffff;
	[tilespmem:s7+$0xFFFFD7E0] =	vst v2;
	v2 =	vadd.s32 $0x28EB, v54  }
0x143: {  	v32 =	vadd.s32 $0x32E6, v46;
	v29 =	vadd.s32 $0x34E5, v46;
	v8 =	vadd.s32 $0x1EF0, v46;
	v3 =	vld.idx.msk [tilespmem:v3+s1+$0x0], $0xffff;
	[tilespmem:$0x1FFE0] =	vst v2  }
0x144: {  	v60 =	vadd.s32 $0x3CE1, v46;
	v49 =	vadd.s32 $0x3EE0, v46;
	v9 =	vadd.s32 $0x1EF0, v48;
	v2 =	vld.idx.msk [tilespmem:v16+s1+$0x0], $0xffff;
	[tilespmem:s7+$0xFFFFD7F0] =	vst v5  }
0x145: {  	v56 =	vadd.s32 $0x24ED, v48;
	v45 =	vadd.s32 $0x26EC, v48;
	v17 =	vadd.s32 $0x1EF0, v54;
	[tilespmem:s8+$0xFFFF5600] =	vst v10;
	v4 =	vld.idx.msk [tilespmem:v18+s1+$0x0], $0xffff  }
0x146: {  	v63 =	vadd.s32 $0x28EB, v48;
	v52 =	vadd.s32 $0x2AEA, v48;
	v44 =	vadd.s32 $0x2CE9, v48;
	[tilespmem:s7+$0xFFFFD7D0] =	vst v6;
	v5 =	vld.idx.msk [tilespmem:v7+s1+$0x0], $0xffff  }
0x147: {  	v38 =	vadd.s32 $0x2EE8, v48;
	v40 =	vadd.s32 $0x30E7, v48;
	v35 =	vadd.s32 $0x32E6, v48;
	[tilespmem:s8+$0xFFFF55E0] =	vst v13;
	v6 =	vld.idx.msk [tilespmem:v15+s1+$0x0], $0xffff  }
0x148: {  	v33 =	vadd.s32 $0x34E5, v48;
	v31 =	vadd.s32 $0x36E4, v48;
	v7 =	vld.idx.msk [tilespmem:v8+s1+$0x0], $0xffff;
	[tilespmem:s8+$0xFFFF55F0] =	vst v0;
	v0 =	vadd.s32 $0x20EF, v1  }
0x149: {  	v42 =	vadd.s32 $0x3CE1, v48;
	v58 =	vadd.s32 $0x22EE, v54;
	v55 =	vadd.s32 $0x24ED, v54;
	[tilespmem:s8+$0xFFFF55D0] =	vst v3;
	v8 =	vld.idx.msk [tilespmem:v9+s1+$0x0], $0xffff  }
0x14a: {  	v43 =	vadd.s32 $0x26EC, v54;
	v59 =	vadd.s32 $0x2AEA, v54;
	v11 =	vadd.s32 $0x20EF, v46;
	v9 =	vld.idx.msk [tilespmem:v17+s1+$0x0], $0xffff;
	[tilespmem:s7+$0xFFFFE1E0] =	vst v2  }
0x14b: {  	v47 =	vadd.s32 $0x2CE9, v54;
	v41 =	vadd.s32 $0x2EE8, v54;
	v12 =	vadd.s32 $0x20EF, v48;
	v3 =	vld.idx.msk [tilespmem:v20+s1+$0x0], $0xffff;
	[tilespmem:s7+$0xFFFFE1F0] =	vst v4  }
0x14c: {  	v37 =	vadd.s32 $0x30E7, v54;
	v34 =	vadd.s32 $0x32E6, v54;
	v30 =	vadd.s32 $0x34E5, v54;
	[tilespmem:s8+$0xFFFF6000] =	vst v5;
	v2 =	vld.idx.msk [tilespmem:v21+s1+$0x0], $0xffff  }
0x14d: {  	v61 =	vadd.s32 $0x3CE1, v54;
	v22 =	vadd.s32 $0x36E4, v46;
	v16 =	vadd.s32 $0x38E3, v54;
	[tilespmem:s7+$0xFFFFE1D0] =	vst v6;
	v4 =	vld.idx.msk [tilespmem:v0+s1+$0x0], $0xffff  }
0x14e: {  	v10 =	vadd.s32 $0x3AE2, v54;
	v18 =	vadd.s32 $0x38E3, v48;
	v15 =	vadd.s32 $0x3AE2, v46;
	[tilespmem:s8+$0xFFFF5FE0] =	vst v7;
	v0 =	vld.idx.msk [tilespmem:v19+s1+$0x0], $0xffff  }
0x14f: {  	v13 =	vadd.s32 $0x3AE2, v48;
	v48 =	vadd.s32 $0x3EE0, v48;
	v17 =	vadd.s32 $0x38E3, v46;
	v5 =	vld.idx.msk [tilespmem:v11+s1+$0x0], $0xffff;
	[tilespmem:s8+$0xFFFF5FF0] =	vst v8  }
0x150: {  	s9 =	simm.s32 $0x4;
	s10 =	simm.s32 $0x80;
	v46 =	vadd.s32 $0x3EE0, v54;
	v20 =	vadd.s32 $0x36E4, v54;
	v7 =	vadd.s32 $0x22EE, v1;
	[tilespmem:s8+$0xFFFF5FD0] =	vst v9;
	v6 =	vld.idx.msk [tilespmem:v12+s1+$0x0], $0xffff  }
.LBB2_2:
0x151: {  	[tilespmem:$0x1FCF0] =	vst v40  }
0x152: {  	[tilespmem:$0x1FCB0] =	vst v36  }
0x153: {  	[tilespmem:$0x1FD10] =	vst v37  }
0x154: {  	[tilespmem:$0x1FD50] =	vst v32  }
0x155: {  	[tilespmem:$0x1FD60] =	vst v35  }
0x156: {  	[tilespmem:$0x1FDA0] =	vst v34  }
0x157: {  	[tilespmem:$0x1FDF0] =	vst v33  }
0x158: {  	[tilespmem:$0x1FDB0] =	vst v29  }
0x159: {  	[tilespmem:$0x1FE70] =	vst v20  }
0x15a: {  	[tilespmem:$0x1FE60] =	vst v31  }
0x15b: {  	[tilespmem:$0x1FE00] =	vst v30  }
0x15c: {  	[tilespmem:$0x1FED0] =	vst v18  }
0x15d: {  	[tilespmem:$0x1FE50] =	vst v22  }
0x15e: {  	[tilespmem:$0x1FF30] =	vst v15  }
0x15f: {  	[tilespmem:$0x1FEB0] =	vst v17  }
0x160: {  	[tilespmem:$0x1FEE0] =	vst v16;
	v8 =	vld [tilespmem:$0x1FFB0]  }
0x161: {  	[tilespmem:$0x1FF70] =	vst v10  }
0x162: {  	[tilespmem:s7+$0xFFFFEBE0] =	vst v3  }
0x163: {  	s11 =	ssub.s32 s6, s10;
	[tilespmem:s7+$0xFFFFEBF0] =	vst v2;
	v11 =	vmov v42  }
0x164: {  	s12 =	sadd.s32 $0xFFFFFFF0, s11;
	s13 =	sadd.s32 $0xFFFFFFD0, s11;
	[tilespmem:$0x1FC50] =	vst v11;
	v3 =	vadd.s32 s11, v23;
	s11 =	sadd.s32 $0xFFFFFFE0, s11  }
0x165: {  	v2 =	vmov v60;
	v9 =	vld.idx.msk [tilespmem:v27+s1+$0x0], $0xffff;
	[tilespmem:s8+$0xFFFF6A00] =	vst v4;
	v11 =	vadd.s32 s11, v23  }
0x166: {  	v10 =	vmovc v61;
	[tilespmem:$0x1FC10] =	vst v2;
	v2 =	vadd.s32 s12, v23;
	v12 =	vadd.s32 s13, v23;
	v7 =	vld.idx.msk [tilespmem:v7+s1+$0x0], $0xffff;
	vm11 =	vgt.s32 v11, $0xFFFFFF01  }
0x167: {  	[tilespmem:$0x1FC60] =	vst v10;
	vm1 =	vgt.s32 v2, $0xFFFFFF01;
	vm2 =	vgt.s32 v12, $0xFFFFFF01;
	v10 =	vnsel vm11, $0xFFFFFF01, v11;
	v11 =	vld [tilespmem:$0x1FFC0]  }
0x168: {  	v8 =	vld.idx.msk [tilespmem:v8+s1+$0x0], $0xffff;
	[tilespmem:s7+$0xFFFFEBD0] =	vst v0;
	v0 =	vnsel vm1, $0xFFFFFF01, v2;
	v2 =	vnsel vm2, $0xFFFFFF01, v12  }
0x169: {  	[tilespmem:s8+$0xFFFF69E0] =	vst v5;
	v5 =	vld.idx.msk [tilespmem:v25+s1+$0x0], $0xffff;
	vm12 =	vlt.s32 v2, $0xFF  }
0x16a: {  	[tilespmem:$0x1FF50] =	vst v13;
	v54 =	vnsel vm12, $0xFF, v2;
	v2 =	vld [tilespmem:$0x1FFD0]  }
0x16b: {  	v4 =	vld.idx.msk [tilespmem:v26+s1+$0x0], $0xffff;
	[tilespmem:s8+$0xFFFF69F0] =	vst v6  }
0x16c: {  	vm15 =	vlt.s32 v10, $0xFF;
	[tilespmem:s8+$0xFFFF7400] =	vst v7  }
0x16d: {  	v26 =	vnsel vm15, $0xFF, v10;
	v10 =	vmov v48;
	[tilespmem:s8+$0xFFFF69D0] =	vst v8  }
0x16e: {  	vm0 =	vgt.s32 v3, $0xFFFFFF01;
	vm13 =	vlt.s32 v0, $0xFF;
	[tilespmem:$0x1FE20] =	vst v10;
	v12 =	vld.idx.msk [tilespmem:v58+s1+$0x0], $0xffff  }
0x16f: {  	v6 =	vadd.s32 $0x24ED, v1;
	v3 =	vnsel vm0, $0xFFFFFF01, v3;
	v27 =	vnsel vm13, $0xFF, v0;
	v0 =	vmovc v49;
	[tilespmem:s7+$0xFFFFF5D0] =	vst v5;
	v11 =	vld.idx.msk [tilespmem:v11+s1+$0x0], $0xffff  }
0x170: {  	vm14 =	vlt.s32 v3, $0xFF;
	[tilespmem:s7+$0xFFFFF5E0] =	vst v9;
	v5 =	vld.idx.msk [tilespmem:v24+s1+$0x0], $0xffff  }
0x171: {  	v23 =	vnsel vm14, $0xFF, v3;
	[tilespmem:$0x1FC30] =	vst v0;
	v9 =	vadd.s32 $0xFF, v27;
	v3 =	vld.idx.msk [tilespmem:v28+s1+$0x0], $0xffff  }
0x172: {  	v0 =	vmov v46;
	v2 =	vld.idx.msk [tilespmem:v2+s1+$0x0], $0xffff;
	[tilespmem:s7+$0xFFFFF5F0] =	vst v4  }
0x173: {  	[tilespmem:$0x1FC40] =	vst v0;
	v4 =	vadd.s32 $0xFF, v23;
	v7 =	vld.idx.msk [tilespmem:v14+s1+$0x0], $0xffff  }
0x174: {  	v13 =	vadd.s32 $0xFF, v26;
	v14 =	vld.idx.msk [tilespmem:v6+s1+$0x0], $0xffff;
	[tilespmem:s8+$0xFFFF73E0] =	vst v11  }
0x175: {  	[tilespmem:s8+$0xFFFF73D0] =	vst v12;
	v11 =	vld.idx.msk [tilespmem:v57+s1+$0x0], $0xffff  }
0x176: {  	v8 =	vadd.s32 $0xFF, v54;
	v12 =	vld.idx.msk [tilespmem:v9+s1+$0x0], $0xffff;
	[tilespmem:s7+$0xFFFFFFE0] =	vst v3  }
0x177: {  	[tilespmem:s8+$0xFFFF73F0] =	vst v2  }
0x178: {  	v49 =	vld.idx.msk [tilespmem:v4+s1+$0x0], $0xffff;
	[tilespmem:s7+$0xFFFFFFD0] =	vst v5  }
0x179: {  	v4 =	vadd.s32 $0xCF9, v23;
	v3 =	vld.idx.msk [tilespmem:v13+s1+$0x0], $0xffff;
	[tilespmem:s7+$0xFFFFFFF0] =	vst v7  }
0x17a: {  	[tilespmem:$0x1FC00] =	vst v4  }
0x17b: {  	v8 =	vld.idx.msk [tilespmem:v8+s1+$0x0], $0xffff;
	v2 =	vadd.s32 $0x26EC, v1;
	v4 =	vadd.s32 $0xEF8, v27;
	[tilespmem:s8+$0xFFFF7E00] =	vst v14  }
0x17c: {  	[tilespmem:$0x1FC20] =	vst v4;
	v4 =	vadd.s32 $0x10F7, v27  }
0x17d: {  	s7 =	smov.u32 s8;
	[tilespmem:$0x1FC70] =	vst v4  }
0x17e: {  	s8 =	sadd.s32 $0x40, s8;
	[tilespmem:s7+$0xFFFF7DE0] =	vst v11  }
0x17f: {  	v17 =	vadd.s32 $0x2FE, v27;
	v57 =	vld.idx.msk [tilespmem:v56+s1+$0x0], $0xffff;
	[tilespmem:s8+$0xFFFEC9E0] =	vst v12  }
0x180: {  	v21 =	vadd.s32 $0x2FE, v26;
	v24 =	vmov v53;
	v53 =	vld.idx.msk [tilespmem:v2+s1+$0x0], $0xffff;
	[tilespmem:s8+$0xFFFECA00] =	vst v8  }
0x181: {  	v12 =	vld.idx.msk [tilespmem:v55+s1+$0x0], $0xffff;
	v2 =	vadd.s32 $0x10F7, v23;
	[tilespmem:s8+$0xFFFEC9D0] =	vst v49  }
0x182: {  	v16 =	vadd.s32 $0x2FE, v23;
	[tilespmem:$0x1FC90] =	vst v2  }
0x183: {  	v2 =	vadd.s32 $0x12F6, v27;
	[tilespmem:s8+$0xFFFEC9F0] =	vst v3  }
0x184: {  	v42 =	vadd.s32 $0x2FE, v54;
	v17 =	vld.idx.msk [tilespmem:v17+s1+$0x0], $0xffff;
	[tilespmem:$0x1FCC0] =	vst v2  }
0x185: {  	v2 =	vadd.s32 $0x10F7, v26;
	v21 =	vld.idx.msk [tilespmem:v21+s1+$0x0], $0xffff;
	[tilespmem:s7+$0xFFFF7DF0] =	vst v57  }
0x186: {  	v58 =	vld.idx.msk [tilespmem:v51+s1+$0x0], $0xffff;
	[tilespmem:$0x1FC80] =	vst v2  }
0x187: {  	v29 =	vadd.s32 $0x4FD, v27;
	v16 =	vld.idx.msk [tilespmem:v16+s1+$0x0], $0xffff;
	v2 =	vadd.s32 $0x12F6, v23;
	[tilespmem:s7+$0xFFFF7DD0] =	vst v12  }
0x188: {  	[tilespmem:$0x1FCE0] =	vst v2  }
0x189: {  	v11 =	vadd.s32 $0x28EB, v1;
	v33 =	vld.idx.msk [tilespmem:v42+s1+$0x0], $0xffff;
	v2 =	vadd.s32 $0x12F6, v26;
	[tilespmem:s8+$0xFFFED3E0] =	vst v17  }
0x18a: {  	[tilespmem:$0x1FCD0] =	vst v2  }
0x18b: {  	[tilespmem:s7+$0xFFFF8800] =	vst v53  }
0x18c: {  	v2 =	vadd.s32 $0x14F5, v23;
	v29 =	vld.idx.msk [tilespmem:v29+s1+$0x0], $0xffff;
	[tilespmem:s7+$0xFFFF87E0] =	vst v58  }
0x18d: {  	[tilespmem:$0x1FD40] =	vst v2  }
0x18e: {  	v11 =	vld.idx.msk [tilespmem:v11+s1+$0x0], $0xffff;
	[tilespmem:s8+$0xFFFED400] =	vst v33  }
0x18f: {  	v30 =	vadd.s32 $0x4FD, v26;
	v17 =	vld.idx.msk [tilespmem:v45+s1+$0x0], $0xffff;
	v2 =	vadd.s32 $0x14F5, v27;
	[tilespmem:s8+$0xFFFED3D0] =	vst v16  }
0x190: {  	[tilespmem:$0x1FD20] =	vst v2  }
0x191: {  	v2 =	vadd.s32 $0x14F5, v26;
	[tilespmem:s8+$0xFFFED3F0] =	vst v21  }
0x192: {  	v3 =	vadd.s32 $0x4FD, v54;
	[tilespmem:$0x1FD30] =	vst v2;
	v2 =	vadd.s32 $0x16F4, v27  }
0x193: {  	[tilespmem:$0x1FD70] =	vst v2  }
0x194: {  	v16 =	vld.idx.msk [tilespmem:v30+s1+$0x0], $0xffff;
	v30 =	vadd.s32 $0x26EC, v23;
	v2 =	vadd.s32 $0x16F4, v26;
	[tilespmem:s7+$0xFFFF87F0] =	vst v17  }
0x195: {  	v13 =	vmov v30;
	[tilespmem:$0x1FD80] =	vst v2  }
0x196: {  	[tilespmem:$0x1FF40] =	vst v13  }
0x197: {  	v12 =	vadd.s32 $0x2AEA, v1;
	v3 =	vld.idx.msk [tilespmem:v3+s1+$0x0], $0xffff;
	v2 =	vadd.s32 $0x16F4, v23;
	[tilespmem:s8+$0xFFFEDDE0] =	vst v29  }
0x198: {  	[tilespmem:$0x1FD90] =	vst v2  }
0x199: {  	v13 =	vadd.s32 $0x3AE2, v23;
	[tilespmem:s7+$0xFFFF9200] =	vst v11  }
0x19a: {  	v2 =	vadd.s32 $0x18F3, v27;
	[tilespmem:$0x1FF80] =	vst v13  }
0x19b: {  	[tilespmem:$0x1FDC0] =	vst v2  }
0x19c: {  	v49 =	vadd.s32 $0x28EB, v23;
	v13 =	vadd.s32 $0x3AE2, v26;
	v12 =	vld.idx.msk [tilespmem:v12+s1+$0x0], $0xffff;
	[tilespmem:s8+$0xFFFEDE00] =	vst v3  }
0x19d: {  	v14 =	vmov v49;
	[tilespmem:$0x1FF60] =	vst v13  }
0x19e: {  	v2 =	vadd.s32 $0x18F3, v26;
	v13 =	vld [tilespmem:$0x1FFE0];
	[tilespmem:$0x1FFE0] =	vst v14  }
0x19f: {  	[tilespmem:$0x1FDD0] =	vst v2;
	v2 =	vadd.s32 $0x18F3, v23  }
0x1a0: {  	[tilespmem:$0x1FDE0] =	vst v2;
	v2 =	vadd.s32 $0x1AF2, v27  }
0x1a1: {  	[tilespmem:$0x1FE10] =	vst v2;
	v2 =	vadd.s32 $0x1AF2, v26  }
0x1a2: {  	[tilespmem:$0x1FE30] =	vst v2;
	v2 =	vadd.s32 $0x1AF2, v23  }
0x1a3: {  	[tilespmem:$0x1FE40] =	vst v2;
	v2 =	vadd.s32 $0x1CF1, v27  }
0x1a4: {  	[tilespmem:$0x1FE80] =	vst v2;
	v2 =	vadd.s32 $0x1CF1, v26  }
0x1a5: {  	[tilespmem:$0x1FE90] =	vst v2;
	v2 =	vadd.s32 $0x1CF1, v23  }
0x1a6: {  	[tilespmem:$0x1FEA0] =	vst v2;
	v2 =	vadd.s32 $0x1EF0, v27  }
0x1a7: {  	[tilespmem:$0x1FF00] =	vst v2;
	v2 =	vadd.s32 $0x1EF0, v26  }
0x1a8: {  	v22 =	vadd.s32 $0x4FD, v23;
	[tilespmem:$0x1FF10] =	vst v2;
	v2 =	vadd.s32 $0x1EF0, v23  }
0x1a9: {  	v34 =	vadd.s32 $0x8FB, v23;
	v10 =	vadd.s32 $0x6FC, v27;
	[tilespmem:$0x1FF20] =	vst v2;
	v2 =	vadd.s32 $0x20EF, v27  }
0x1aa: {  	v19 =	vadd.s32 $0xAFA, v23;
	v18 =	vadd.s32 $0xEF8, v23;
	[tilespmem:$0x1FF90] =	vst v2;
	v2 =	vadd.s32 $0x20EF, v23  }
0x1ab: {  	v15 =	vadd.s32 $0x22EE, v23;
	v32 =	vadd.s32 $0xAFA, v26;
	[tilespmem:$0x1FFB0] =	vst v2;
	v2 =	vadd.s32 $0x22EE, v27  }
0x1ac: {  	v20 =	vadd.s32 $0xEF8, v26;
	v36 =	vadd.s32 $0x2EE8, v26;
	v42 =	vld.idx.msk [tilespmem:v50+s1+$0x0], $0xffff;
	[tilespmem:$0x1FFC0] =	vst v2;
	v2 =	vadd.s32 $0x20EF, v26  }
0x1ad: {  	v48 =	vadd.s32 $0x8FB, v27;
	v31 =	vadd.s32 $0xAFA, v27;
	[tilespmem:$0x1FFA0] =	vst v2;
	v2 =	vadd.s32 $0x22EE, v26  }
0x1ae: {  	v25 =	vadd.s32 $0xCF9, v27;
	v21 =	vadd.s32 $0x6FC, v54;
	v60 =	vld.idx.msk [tilespmem:v10+s1+$0x0], $0xffff;
	[tilespmem:$0x1FFD0] =	vst v2;
	v2 =	vadd.s32 $0x24ED, v23  }
0x1af: {  	v40 =	vadd.s32 $0x2AEA, v27;
	v0 =	vadd.s32 $0x6FC, v26;
	[tilespmem:$0x1FCA0] =	vst v2;
	v2 =	vadd.s32 $0x24ED, v26  }
0x1b0: {  	v37 =	vadd.s32 $0x2EE8, v27;
	v35 =	vadd.s32 $0x30E7, v27;
	v46 =	vadd.s32 $0x8FB, v26;
	v22 =	vld.idx.msk [tilespmem:v22+s1+$0x0], $0xffff;
	[tilespmem:s8+$0xFFFEDDF0] =	vst v16  }
0x1b1: {  	v28 =	vadd.s32 $0xCF9, v26;
	v6 =	vadd.s32 $0x6FC, v23;
	v9 =	vmovc v39;
	v39 =	vadd.s32 $0x2AEA, v23;
	[tilespmem:s7+$0xFFFF91E0] =	vst v42  }
0x1b2: {  	v5 =	vadd.s32 $0x24ED, v27;
	v7 =	vadd.s32 $0x26EC, v27;
	v53 =	vadd.s32 $0x2CE9, v1;
	[tilespmem:$0x1FD00] =	vst v2;
	v2 =	vmovc v52;
	v52 =	vld.idx.msk [tilespmem:v43+s1+$0x0], $0xffff  }
0x1b3: {  	v56 =	vadd.s32 $0x30E7, v26;
	v55 =	vadd.s32 $0x26EC, v26;
	v51 =	vadd.s32 $0x28EB, v26;
	v4 =	vld.idx.msk [tilespmem:v21+s1+$0x0], $0xffff;
	[tilespmem:s8+$0xFFFEE7E0] =	vst v60  }
0x1b4: {  	v8 =	vmovc v38;
	v38 =	vadd.s32 $0x2CE9, v23;
	v49 =	vadd.s32 $0x3EE0, v27;
	v0 =	vld.idx.msk [tilespmem:v0+s1+$0x0], $0xffff;
	[tilespmem:s7+$0xFFFF9C00] =	vst v12;
	v43 =	vadd.s32 $0x8FB, v54  }
0x1b5: {  	v57 =	vadd.s32 $0x2CE9, v27;
	v45 =	vmovc v41;
	v41 =	vadd.s32 $0x2AEA, v26;
	v12 =	vadd.s32 $0x38E3, v27;
	v14 =	vld.idx.msk [tilespmem:v48+s1+$0x0], $0xffff;
	[tilespmem:s8+$0xFFFEDDD0] =	vst v22  }
0x1b6: {  	v58 =	vadd.s32 $0x2CE9, v26;
	v33 =	vadd.s32 $0x30E7, v23;
	v30 =	vadd.s32 $0x32E6, v27;
	[tilespmem:$0x1FEC0] =	vst v12;
	v61 =	vld.idx.msk [tilespmem:v6+s1+$0x0], $0xffff  }
0x1b7: {  	v17 =	vadd.s32 $0x34E5, v26;
	v29 =	vadd.s32 $0x32E6, v26;
	v11 =	vadd.s32 $0x28EB, v27;
	[tilespmem:s7+$0xFFFF87D0] =	vst v52;
	v52 =	vmovc v62;
	v62 =	vld.idx.msk [tilespmem:v53+s1+$0x0], $0xffff  }
0x1b8: {  	v10 =	vadd.s32 $0x36E4, v23;
	[tilespmem:s8+$0xFFFEE800] =	vst v4;
	v53 =	vld.idx.msk [tilespmem:v63+s1+$0x0], $0xffff;
	v63 =	vmovc v51;
	v51 =	vmovc v47;
	v47 =	vmov v44;
	v44 =	vadd.s32 $0x2EE8, v1  }
0x1b9: {  	v50 =	vmovc v59;
	v3 =	vmovc v11;
	v11 =	vadd.s32 $0x2EE8, v23;
	v21 =	vadd.s32 $0x34E5, v27;
	v4 =	vadd.s32 $0x38E3, v23;
	[tilespmem:s8+$0xFFFEE7F0] =	vst v0;
	v59 =	vld.idx.msk [tilespmem:v43+s1+$0x0], $0xffff  }
0x1ba: {  	v16 =	vadd.s32 $0x34E5, v23;
	v60 =	vadd.s32 $0x3CE1, v27;
	v42 =	vadd.s32 $0x3CE1, v26;
	[tilespmem:$0x1FEF0] =	vst v4;
	v13 =	vld.idx.msk [tilespmem:v13+s1+$0x0], $0xffff  }
0x1bb: {  	v48 =	vadd.s32 $0x3EE0, v26;
	v6 =	vadd.s32 $0x36E4, v27;
	v43 =	vadd.s32 $0x3AE2, v27;
	[tilespmem:s8+$0xFFFEE7D0] =	vst v61;
	v27 =	vld.idx.msk [tilespmem:v46+s1+$0x0], $0xffff  }
0x1bc: {  	v12 =	vadd.s32 $0x36E4, v26;
	v0 =	vadd.s32 $0xAFA, v54;
	v4 =	vadd.s32 $0x38E3, v26;
	v26 =	vld.idx.msk [tilespmem:v34+s1+$0x0], $0xffff;
	[tilespmem:s7+$0xFFFFA600] =	vst v62  }
0x1bd: {  	v22 =	vadd.s32 $0x32E6, v23;
	v61 =	vadd.s32 $0x3CE1, v23;
	v46 =	vadd.s32 $0x3EE0, v23;
	[tilespmem:s7+$0xFFFF91F0] =	vst v53;
	v23 =	vld.idx.msk [tilespmem:v44+s1+$0x0], $0xffff  }
0x1be: {  	[tilespmem:s8+$0xFFFEF200] =	vst v59;
	v59 =	vld.idx.msk [tilespmem:v52+s1+$0x0], $0xffff  }
0x1bf: {  	[tilespmem:s8+$0xFFFEF1E0] =	vst v14;
	v14 =	vld.idx.msk [tilespmem:v2+s1+$0x0], $0xffff  }
0x1c0: {  	[tilespmem:s7+$0xFFFF91D0] =	vst v13;
	v13 =	vadd.s32 $0x30E7, v1;
	v2 =	vld [tilespmem:$0x1FC00]  }
0x1c1: {  	[tilespmem:s8+$0xFFFEF1F0] =	vst v27;
	v0 =	vld.idx.msk [tilespmem:v0+s1+$0x0], $0xffff  }
0x1c2: {  	v27 =	vadd.s32 $0xCF9, v54;
	v31 =	vld.idx.msk [tilespmem:v31+s1+$0x0], $0xffff;
	[tilespmem:s8+$0xFFFEF1D0] =	vst v26  }
0x1c3: {  	v44 =	vld.idx.msk [tilespmem:v19+s1+$0x0], $0xffff  }
0x1c4: {  	v26 =	vld.idx.msk [tilespmem:v32+s1+$0x0], $0xffff;
	[tilespmem:s7+$0xFFFFB000] =	vst v23  }
0x1c5: {  	[tilespmem:s7+$0xFFFF9BE0] =	vst v59;
	v13 =	vld.idx.msk [tilespmem:v13+s1+$0x0], $0xffff  }
0x1c6: {  	[tilespmem:s8+$0xFFFEFC00] =	vst v0;
	v0 =	vld.idx.msk [tilespmem:v50+s1+$0x0], $0xffff  }
0x1c7: {  	[tilespmem:s8+$0xFFFEFBE0] =	vst v31;
	v23 =	vld.idx.msk [tilespmem:v27+s1+$0x0], $0xffff  }
0x1c8: {  	v27 =	vld.idx.msk [tilespmem:v24+s1+$0x0], $0xffff;
	[tilespmem:s8+$0xFFFEFBD0] =	vst v44  }
0x1c9: {  	v24 =	vld.idx.msk [tilespmem:v2+s1+$0x0], $0xffff  }
0x1ca: {  	v2 =	vld [tilespmem:$0x1FC20];
	_ =	sdelay $0x1  }
0x1cb: {  	v25 =	vld.idx.msk [tilespmem:v25+s1+$0x0], $0xffff;
	_ =	sdelay $0x1  }
0x1cc: {  	[tilespmem:s7+$0xFFFF9BF0] =	vst v14  }
0x1cd: {  	[tilespmem:s8+$0xFFFEFBF0] =	vst v26  }
0x1ce: {  	[tilespmem:s7+$0xFFFFA5E0] =	vst v27  }
0x1cf: {  	v28 =	vld.idx.msk [tilespmem:v28+s1+$0x0], $0xffff;
	[tilespmem:s8+$0xFFFF05E0] =	vst v25  }
0x1d0: {  	v14 =	vadd.s32 $0x32E6, v1;
	v19 =	vld.idx.msk [tilespmem:v2+s1+$0x0], $0xffff  }
0x1d1: {  	v2 =	vld [tilespmem:$0x1FC70]  }
0x1d2: {  	[tilespmem:s7+$0xFFFFBA00] =	vst v13;
	v13 =	vld.idx.msk [tilespmem:v47+s1+$0x0], $0xffff;
	_ =	sdelay $0x1  }
0x1d3: {  	v53 =	vmov v57;
	v57 =	vmov v5;
	v5 =	vld [tilespmem:$0x1FCB0]  }
0x1d4: {  	[tilespmem:s7+$0xFFFF9BD0] =	vst v0;
	v0 =	vld.idx.msk [tilespmem:v14+s1+$0x0], $0xffff  }
0x1d5: {  	v25 =	vld.idx.msk [tilespmem:v51+s1+$0x0], $0xffff;
	[tilespmem:s8+$0xFFFF05F0] =	vst v28  }
0x1d6: {  	v26 =	vadd.s32 $0xEF8, v54;
	v20 =	vld.idx.msk [tilespmem:v20+s1+$0x0], $0xffff;
	[tilespmem:s7+$0xFFFFA5F0] =	vst v13  }
0x1d7: {  	v13 =	vld.idx.msk [tilespmem:v9+s1+$0x0], $0xffff;
	[tilespmem:s8+$0xFFFF0FE0] =	vst v19  }
0x1d8: {  	[tilespmem:s8+$0xFFFF0600] =	vst v23;
	v23 =	vadd.s32 $0x34E5, v1;
	v51 =	vmov v7;
	v7 =	vld.idx.msk [tilespmem:v2+s1+$0x0], $0xffff  }
0x1d9: {  	v2 =	vld [tilespmem:$0x1FC80];
	_ =	sdelay $0x1  }
0x1da: {  	v14 =	vld.idx.msk [tilespmem:v26+s1+$0x0], $0xffff;
	[tilespmem:s7+$0xFFFFC400] =	vst v0  }
0x1db: {  	[tilespmem:s7+$0xFFFFAFE0] =	vst v13  }
0x1dc: {  	v0 =	vld.idx.msk [tilespmem:v23+s1+$0x0], $0xffff;
	[tilespmem:s8+$0xFFFF19E0] =	vst v7  }
0x1dd: {  	v26 =	vadd.s32 $0x10F7, v54;
	v7 =	vld.idx.msk [tilespmem:v5+s1+$0x0], $0xffff  }
0x1de: {  	v5 =	vld [tilespmem:$0x1FCC0]  }
0x1df: {  	v19 =	vld.idx.msk [tilespmem:v8+s1+$0x0], $0xffff;
	[tilespmem:s8+$0xFFFF0FF0] =	vst v20  }
0x1e0: {  	v44 =	vmov v58;
	v58 =	vmov v15;
	v23 =	vadd.s32 $0x36E4, v1;
	v15 =	vld.idx.msk [tilespmem:v2+s1+$0x0], $0xffff  }
0x1e1: {  	[tilespmem:s8+$0xFFFF1000] =	vst v14;
	v2 =	vld [tilespmem:$0x1FC90]  }
0x1e2: {  	[tilespmem:s8+$0xFFFF05D0] =	vst v24;
	v14 =	vld.idx.msk [tilespmem:v26+s1+$0x0], $0xffff  }
0x1e3: {  	v18 =	vld.idx.msk [tilespmem:v18+s1+$0x0], $0xffff;
	v20 =	vadd.s32 $0x12F6, v54  }
0x1e4: {  	v52 =	vmov v41;
	v41 =	vmov v11;
	v11 =	vld [tilespmem:$0x1FD20];
	[tilespmem:s7+$0xFFFFCE00] =	vst v0  }
0x1e5: {  	v0 =	vld.idx.msk [tilespmem:v23+s1+$0x0], $0xffff  }
0x1e6: {  	[tilespmem:s7+$0xFFFFA5D0] =	vst v25;
	v9 =	vld.idx.msk [tilespmem:v5+s1+$0x0], $0xffff  }
0x1e7: {  	[tilespmem:s8+$0xFFFF1A00] =	vst v14;
	v5 =	vld [tilespmem:$0x1FCE0]  }
0x1e8: {  	v50 =	vmov v3;
	[tilespmem:s8+$0xFFFF0FD0] =	vst v18;
	v14 =	vadd.s32 $0x38E3, v1;
	v3 =	vld.idx.msk [tilespmem:v20+s1+$0x0], $0xffff  }
0x1e9: {  	v2 =	vld.idx.msk [tilespmem:v2+s1+$0x0], $0xffff;
	_ =	sdelay $0x1  }
0x1ea: {  	[tilespmem:s8+$0xFFFF23E0] =	vst v9;
	v9 =	vld [tilespmem:$0x1FD10]  }
0x1eb: {  	v13 =	vld.idx.msk [tilespmem:v45+s1+$0x0], $0xffff;
	[tilespmem:s7+$0xFFFFD800] =	vst v0  }
0x1ec: {  	v0 =	vld.idx.msk [tilespmem:v14+s1+$0x0], $0xffff;
	[tilespmem:s8+$0xFFFF2400] =	vst v3  }
0x1ed: {  	[tilespmem:s8+$0xFFFF19D0] =	vst v2;
	v2 =	vld [tilespmem:$0x1FCD0]  }
0x1ee: {  	[tilespmem:s8+$0xFFFF19F0] =	vst v15;
	v5 =	vld.idx.msk [tilespmem:v5+s1+$0x0], $0xffff  }
0x1ef: {  	v3 =	vld [tilespmem:$0x1FCF0];
	v15 =	vadd.s32 $0x14F5, v54;
	[tilespmem:s7+$0xFFFFB9E0] =	vst v7  }
0x1f0: {  	[tilespmem:s7+$0xFFFFAFD0] =	vst v13;
	v13 =	vld.idx.msk [tilespmem:v11+s1+$0x0], $0xffff  }
0x1f1: {  	v11 =	vld [tilespmem:$0x1FD40]  }
0x1f2: {  	v9 =	vld.idx.msk [tilespmem:v9+s1+$0x0], $0xffff  }
0x1f3: {  	v7 =	vadd.s32 $0x3AE2, v1;
	[tilespmem:s8+$0xFFFF23D0] =	vst v5;
	v5 =	vld [tilespmem:$0x1FD30]  }
0x1f4: {  	[tilespmem:s7+$0xFFFFAFF0] =	vst v19;
	v8 =	vld.idx.msk [tilespmem:v15+s1+$0x0], $0xffff  }
0x1f5: {  	v2 =	vld.idx.msk [tilespmem:v2+s1+$0x0], $0xffff;
	_ =	sdelay $0x1  }
0x1f6: {  	v3 =	vld.idx.msk [tilespmem:v3+s1+$0x0], $0xffff;
	[tilespmem:s7+$0xFFFFE200] =	vst v0  }
0x1f7: {  	v0 =	vld.idx.msk [tilespmem:v7+s1+$0x0], $0xffff  }
0x1f8: {  	[tilespmem:s8+$0xFFFF2E00] =	vst v8;
	v8 =	vld [tilespmem:$0x1FD60]  }
0x1f9: {  	v14 =	vld.idx.msk [tilespmem:v11+s1+$0x0], $0xffff;
	[tilespmem:s8+$0xFFFF23F0] =	vst v2  }
0x1fa: {  	v5 =	vld.idx.msk [tilespmem:v5+s1+$0x0], $0xffff  }
0x1fb: {  	[tilespmem:s7+$0xFFFFB9F0] =	vst v3;
	v3 =	vld [tilespmem:$0x1FD50]  }
0x1fc: {  	v11 =	vld [tilespmem:$0x1FD80];
	_ =	sdelay $0x5  }
0x1fd: {  	v8 =	vld.idx.msk [tilespmem:v8+s1+$0x0], $0xffff  }
0x1fe: {  	[tilespmem:s8+$0xFFFF2DF0] =	vst v5;
	v3 =	vld.idx.msk [tilespmem:v3+s1+$0x0], $0xffff  }
0x1ff: {  	[tilespmem:s8+$0xFFFF2DE0] =	vst v13;
	v13 =	vld.idx.msk [tilespmem:v11+s1+$0x0], $0xffff  }
0x200: {  	v2 =	vadd.s32 $0x16F4, v54;
	v11 =	vld [tilespmem:$0x1FD90]  }
0x201: {  	v7 =	vadd.s32 $0x3CE1, v1  }
0x202: {  	[tilespmem:s7+$0xFFFFB9D0] =	vst v9;
	v9 =	vld [tilespmem:$0x1FD70];
	_ =	sdelay $0x2  }
0x203: {  	v2 =	vld.idx.msk [tilespmem:v2+s1+$0x0], $0xffff;
	[tilespmem:s7+$0xFFFFEC00] =	vst v0  }
0x204: {  	v0 =	vld.idx.msk [tilespmem:v7+s1+$0x0], $0xffff  }
0x205: {  	[tilespmem:s8+$0xFFFF2DD0] =	vst v14;
	v7 =	vld [tilespmem:$0x1FDB0]  }
0x206: {  	v14 =	vld.idx.msk [tilespmem:v11+s1+$0x0], $0xffff  }
0x207: {  	v11 =	vld [tilespmem:$0x1FDD0]  }
0x208: {  	v5 =	vadd.s32 $0x18F3, v54;
	v9 =	vld.idx.msk [tilespmem:v9+s1+$0x0], $0xffff;
	_ =	sdelay $0x1  }
0x209: {  	[tilespmem:s7+$0xFFFFC3F0] =	vst v8  }
0x20a: {  	v8 =	vld [tilespmem:$0x1FDC0];
	[tilespmem:s8+$0xFFFF3800] =	vst v2  }
0x20b: {  	v2 =	vld [tilespmem:$0x1FDA0];
	[tilespmem:s7+$0xFFFFC3E0] =	vst v3  }
0x20c: {  	v3 =	vld.idx.msk [tilespmem:v5+s1+$0x0], $0xffff;
	v5 =	vadd.s32 $0x3EE0, v1;
	[tilespmem:s8+$0xFFFF37E0] =	vst v9  }
0x20d: {  	[tilespmem:s8+$0xFFFF37F0] =	vst v13;
	v7 =	vld.idx.msk [tilespmem:v7+s1+$0x0], $0xffff  }
0x20e: {  	v1 =	vmov v54;
	v13 =	vld.idx.msk [tilespmem:v11+s1+$0x0], $0xffff  }
0x20f: {  	v9 =	vadd.s32 $0x1AF2, v1;
	v11 =	vld [tilespmem:$0x1FDE0]  }
0x210: {  	[tilespmem:s7+$0xFFFFF600] =	vst v0  }
0x211: {  	v0 =	vld.idx.msk [tilespmem:v5+s1+$0x0], $0xffff  }
0x212: {  	v8 =	vld.idx.msk [tilespmem:v8+s1+$0x0], $0xffff  }
0x213: {  	v2 =	vld.idx.msk [tilespmem:v2+s1+$0x0], $0xffff;
	[tilespmem:s8+$0xFFFF4200] =	vst v3  }
0x214: {  	v3 =	vld.idx.msk [tilespmem:v9+s1+$0x0], $0xffff;
	[tilespmem:s7+$0xFFFFCDE0] =	vst v7  }
0x215: {  	v7 =	vld [tilespmem:$0x1FE10];
	[tilespmem:s8+$0xFFFF37D0] =	vst v14  }
0x216: {  	[tilespmem:s7+$0x0] =	vst v0;
	v0 =	vld [tilespmem:$0x1FE50]  }
0x217: {  	v14 =	vld.idx.msk [tilespmem:v11+s1+$0x0], $0xffff  }
0x218: {  	[tilespmem:s7+$0xFFFFC3D0] =	vst v2;
	v2 =	vld [tilespmem:$0x1FDF0];
	_ =	sdelay $0x1  }
0x219: {  	v5 =	vld [tilespmem:$0x1FE00]  }
0x21a: {  	v34 =	vmov v22;
	v22 =	vmov v6;
	v6 =	vld [tilespmem:$0x1FE80]  }
0x21b: {  	v9 =	vld [tilespmem:$0x1FE30];
	[tilespmem:s8+$0xFFFF41E0] =	vst v8  }
0x21c: {  	v7 =	vld.idx.msk [tilespmem:v7+s1+$0x0], $0xffff;
	_ =	sdelay $0x1  }
0x21d: {  	v0 =	vld.idx.msk [tilespmem:v0+s1+$0x0], $0xffff  }
0x21e: {  	v2 =	vld.idx.msk [tilespmem:v2+s1+$0x0], $0xffff  }
0x21f: {  	v11 =	vld [tilespmem:$0x1FE40]  }
0x220: {  	v5 =	vld.idx.msk [tilespmem:v5+s1+$0x0], $0xffff;
	[tilespmem:s8+$0xFFFF4BE0] =	vst v7  }
0x221: {  	v7 =	vld.idx.msk [tilespmem:v6+s1+$0x0], $0xffff;
	[tilespmem:s8+$0xFFFF41F0] =	vst v13  }
0x222: {  	v9 =	vld.idx.msk [tilespmem:v9+s1+$0x0], $0xffff  }
0x223: {  	[tilespmem:s7+$0xFFFFCDF0] =	vst v2;
	v2 =	vld [tilespmem:$0x1FE60]  }
0x224: {  	v8 =	vadd.s32 $0x1CF1, v1;
	v6 =	vld [tilespmem:$0x1FE90];
	_ =	sdelay $0x1  }
0x225: {  	[tilespmem:s8+$0xFFFF41D0] =	vst v14  }
0x226: {  	[tilespmem:s8+$0xFFFF4C00] =	vst v3;
	v13 =	vld.idx.msk [tilespmem:v11+s1+$0x0], $0xffff  }
0x227: {  	[tilespmem:s7+$0xFFFFCDD0] =	vst v5;
	v5 =	vld [tilespmem:$0x1FE70]  }
0x228: {  	v3 =	vld.idx.msk [tilespmem:v8+s1+$0x0], $0xffff;
	_ =	sdelay $0x1  }
0x229: {  	v2 =	vld.idx.msk [tilespmem:v2+s1+$0x0], $0xffff;
	[tilespmem:s8+$0xFFFF4BF0] =	vst v9  }
0x22a: {  	v9 =	vld.idx.msk [tilespmem:v6+s1+$0x0], $0xffff  }
0x22b: {  	v6 =	vld [tilespmem:$0x1FEA0]  }
0x22c: {  	[tilespmem:s8+$0xFFFF5600] =	vst v3;
	v3 =	vld [tilespmem:$0x1FEE0];
	_ =	sdelay $0x1  }
0x22d: {  	v5 =	vld.idx.msk [tilespmem:v5+s1+$0x0], $0xffff;
	_ =	sdelay $0x3  }
0x22e: {  	[tilespmem:s8+$0xFFFF4BD0] =	vst v13  }
0x22f: {  	v20 =	vmov v10;
	v10 =	vld.idx.msk [tilespmem:v6+s1+$0x0], $0xffff;
	[tilespmem:s7+$0xFFFFD7D0] =	vst v5  }
0x230: {  	v5 =	vld.idx.msk [tilespmem:v3+s1+$0x0], $0xffff  }
0x231: {  	v3 =	vld [tilespmem:$0x1FEF0];
	_ =	sdelay $0x2  }
0x232: {  	[tilespmem:s7+$0xFFFFD7E0] =	vst v0;
	v0 =	vld [tilespmem:$0x1FEB0];
	_ =	sdelay $0x1  }
0x233: {  	v32 =	vmov v30;
	v30 =	vmov v16;
	v16 =	vmov v3;
	v3 =	vld [tilespmem:$0x1FF00];
	_ =	sdelay $0x1  }
0x234: {  	[tilespmem:s7+$0xFFFFD7F0] =	vst v2;
	v2 =	vld [tilespmem:$0x1FEC0];
	_ =	sdelay $0x3  }
0x235: {  	v0 =	vld.idx.msk [tilespmem:v0+s1+$0x0], $0xffff  }
0x236: {  	v59 =	vmovc v39;
	v39 =	vmovc v37;
	v37 =	vmov v33;
	v33 =	vmov v17;
	[tilespmem:s8+$0xFFFF55E0] =	vst v7;
	v17 =	vmov v2;
	v2 =	vld [tilespmem:$0x1FED0]  }
0x237: {  	v6 =	vld.idx.msk [tilespmem:v3+s1+$0x0], $0xffff  }
0x238: {  	v3 =	vld [tilespmem:$0x1FF10]  }
0x239: {  	v8 =	vadd.s32 $0x1EF0, v1;
	_ =	sdelay $0x4  }
0x23a: {  	v18 =	vmov v4;
	v4 =	vld.idx.msk [tilespmem:v8+s1+$0x0], $0xffff  }
0x23b: {  	v2 =	vld.idx.msk [tilespmem:v2+s1+$0x0], $0xffff;
	[tilespmem:s8+$0xFFFF55F0] =	vst v9  }
0x23c: {  	v8 =	vld.idx.msk [tilespmem:v3+s1+$0x0], $0xffff  }
0x23d: {  	v3 =	vld [tilespmem:$0x1FF20]  }
0x23e: {  	[tilespmem:s7+$0xFFFFE1E0] =	vst v0;
	v0 =	vld [tilespmem:$0x1FF30];
	_ =	sdelay $0x5  }
0x23f: {  	[tilespmem:s8+$0xFFFF55D0] =	vst v10  }
0x240: {  	v9 =	vld.idx.msk [tilespmem:v3+s1+$0x0], $0xffff  }
0x241: {  	v3 =	vld.idx.msk [tilespmem:v0+s1+$0x0], $0xffff  }
0x242: {  	v0 =	vld [tilespmem:$0x1FF50];
	_ =	sdelay $0x2  }
0x243: {  	v62 =	vmov v40;
	v40 =	vmov v56;
	v56 =	vld [tilespmem:$0x1FD00]  }
0x244: {  	v27 =	vld [tilespmem:$0x1FC10]  }
0x245: {  	v28 =	vld [tilespmem:$0x1FC30]  }
0x246: {  	v24 =	vld [tilespmem:$0x1FC40];
	[tilespmem:s7+$0xFFFFE1F0] =	vst v2  }
0x247: {  	[tilespmem:s7+$0xFFFFE1D0] =	vst v5;
	v5 =	vld [tilespmem:$0x1FF80]  }
0x248: {  	v2 =	vld.idx.msk [tilespmem:v0+s1+$0x0], $0xffff  }
0x249: {  	v0 =	vld [tilespmem:$0x1FF60]  }
0x24a: {  	v25 =	vld [tilespmem:$0x1FC60]  }
0x24b: {  	v26 =	vld [tilespmem:$0x1FC50]  }
0x24c: {  	[tilespmem:s8+$0xFFFF5FE0] =	vst v6;
	v6 =	vld [tilespmem:$0x1FFA0]  }
0x24d: {  	v10 =	vmov v5;
	v5 =	vld [tilespmem:$0x1FF90]  }
0x24e: {  	v7 =	vadd.s32 $0x20EF, v1;
	v13 =	vmov v0;
	v0 =	vld [tilespmem:$0x1FF70]  }
0x24f: {  	v23 =	vld [tilespmem:$0x1FFF0]  }
0x250: {  	s9 =	sadd.s32 $0x4, s9;
	v45 =	vmov v55;
	v55 =	vld [tilespmem:$0x1FCA0]  }
0x251: {  	p0 =	slt.u32 s9, $0x9C;
	v15 =	vmov v43;
	v43 =	vld [tilespmem:$0x1FF40]  }
.Ltmp0:
0x252: {  	v14 =	vld [tilespmem:$0x1FE20];
	[tilespmem:s8+$0xFFFF6000] =	vst v4;
	(pc) =	sbr.rel @p0 .LBB2_2-.Ltmp0, $4  }
0x253: {  	v4 =	vld.idx.msk [tilespmem:v7+s1+$0x0], $0xffff;
	[tilespmem:s8+$0xFFFF5FF0] =	vst v8  }
0x254: {  	v6 =	vld.idx.msk [tilespmem:v6+s1+$0x0], $0xffff  }
0x255: {  	v31 =	vmov v12;
	v47 =	vmov v38;
	v5 =	vld.idx.msk [tilespmem:v5+s1+$0x0], $0xffff  }
0x256: {  	s10 =	sadd.s32 $0x40, s10;
	v38 =	vmovc v36;
	v36 =	vmovc v35;
	v35 =	vmov v29;
	v29 =	vmov v21;
	v7 =	vadd.s32 $0x22EE, v1;
	v0 =	vld.idx.msk [tilespmem:v0+s1+$0x0], $0xffff;
	[tilespmem:s8+$0xFFFF5FD0] =	vst v9  }
0x257: {  	v8 =	vld [tilespmem:$0x1FFB0];
	_ =	sdelay $0x7  }
0x258: {  	v8 =	vld.idx.msk [tilespmem:v8+s1+$0x0], $0xffff;
	_ =	sdelay $0x1  }
0x259: {  	[tilespmem:s8+$0xFFFF6A00] =	vst v4  }
0x25a: {  	[tilespmem:s8+$0xFFFF69E0] =	vst v5  }
0x25b: {  	v5 =	vld [tilespmem:$0x1FFC0];
	[tilespmem:s8+$0xFFFF69F0] =	vst v6  }
0x25c: {  	[tilespmem:s8+$0xFFFF69D0] =	vst v8  }
0x25d: {  	v12 =	vld [tilespmem:$0x1FFD0];
	_ =	sdelay $0x4  }
0x25e: {  	v4 =	vld.idx.msk [tilespmem:v7+s1+$0x0], $0xffff  }
0x25f: {  	v54 =	vadd.s32 $0x24ED, v1;
	v5 =	vld.idx.msk [tilespmem:v5+s1+$0x0], $0xffff  }
0x260: {  	v8 =	vld.idx.msk [tilespmem:v58+s1+$0x0], $0xffff  }
0x261: {  	v7 =	vld.idx.msk [tilespmem:v12+s1+$0x0], $0xffff;
	_ =	sdelay $0x1  }
0x262: {  	[tilespmem:s8+$0xFFFF7400] =	vst v4  }
0x263: {  	v4 =	vld.idx.msk [tilespmem:v54+s1+$0x0], $0xffff;
	[tilespmem:s8+$0xFFFF73E0] =	vst v5  }
0x264: {  	v19 =	vadd.s32 $0x26EC, v1;
	v54 =	vld.idx.msk [tilespmem:v57+s1+$0x0], $0xffff;
	[tilespmem:s8+$0xFFFF73D0] =	vst v8  }
0x265: {  	v8 =	vld.idx.msk [tilespmem:v55+s1+$0x0], $0xffff;
	[tilespmem:s8+$0xFFFF73F0] =	vst v7  }
0x266: {  	v7 =	vld.idx.msk [tilespmem:v56+s1+$0x0], $0xffff;
	_ =	sdelay $0x1  }
0x267: {  	[tilespmem:s8+$0xFFFF7E00] =	vst v4  }
0x268: {  	v4 =	vld.idx.msk [tilespmem:v19+s1+$0x0], $0xffff;
	[tilespmem:s8+$0xFFFF7DE0] =	vst v54  }
0x269: {  	v6 =	vld.idx.msk [tilespmem:v51+s1+$0x0], $0xffff;
	[tilespmem:s8+$0xFFFF7DD0] =	vst v8  }
0x26a: {  	v8 =	vld.idx.msk [tilespmem:v43+s1+$0x0], $0xffff;
	[tilespmem:s8+$0xFFFF7DF0] =	vst v7  }
0x26b: {  	v7 =	vld.idx.msk [tilespmem:v45+s1+$0x0], $0xffff;
	_ =	sdelay $0x1  }
0x26c: {  	[tilespmem:s8+$0xFFFF8800] =	vst v4  }
0x26d: {  	[tilespmem:s8+$0xFFFF87E0] =	vst v6  }
0x26e: {  	[tilespmem:s8+$0xFFFF87D0] =	vst v8  }
0x26f: {  	v57 =	vadd.s32 $0x28EB, v1;
	[tilespmem:s8+$0xFFFF87F0] =	vst v7  }
0x270: {  	v8 =	vld [tilespmem:$0x1FFE0];
	_ =	sdelay $0x3  }
0x271: {  	v4 =	vld.idx.msk [tilespmem:v57+s1+$0x0], $0xffff  }
0x272: {  	v58 =	vadd.s32 $0x2AEA, v1;
	v6 =	vld.idx.msk [tilespmem:v50+s1+$0x0], $0xffff  }
0x273: {  	v7 =	vld.idx.msk [tilespmem:v63+s1+$0x0], $0xffff;
	_ =	sdelay $0x1  }
0x274: {  	v8 =	vld.idx.msk [tilespmem:v8+s1+$0x0], $0xffff  }
0x275: {  	[tilespmem:s8+$0xFFFF9200] =	vst v4  }
0x276: {  	[tilespmem:s8+$0xFFFF91E0] =	vst v6;
	v4 =	vld.idx.msk [tilespmem:v58+s1+$0x0], $0xffff  }
0x277: {  	v63 =	vadd.s32 $0x2CE9, v1;
	v6 =	vld.idx.msk [tilespmem:v62+s1+$0x0], $0xffff;
	[tilespmem:s8+$0xFFFF91F0] =	vst v7  }
0x278: {  	v7 =	vld.idx.msk [tilespmem:v52+s1+$0x0], $0xffff  }
0x279: {  	[tilespmem:s8+$0xFFFF91D0] =	vst v8  }
0x27a: {  	v8 =	vld.idx.msk [tilespmem:v59+s1+$0x0], $0xffff  }
0x27b: {  	[tilespmem:s8+$0xFFFF9C00] =	vst v4  }
0x27c: {  	[tilespmem:s8+$0xFFFF9BE0] =	vst v6;
	v4 =	vld.idx.msk [tilespmem:v63+s1+$0x0], $0xffff  }
0x27d: {  	v12 =	vadd.s32 $0x2EE8, v1;
	v6 =	vld.idx.msk [tilespmem:v53+s1+$0x0], $0xffff;
	[tilespmem:s8+$0xFFFF9BF0] =	vst v7  }
0x27e: {  	v7 =	vld.idx.msk [tilespmem:v44+s1+$0x0], $0xffff  }
0x27f: {  	[tilespmem:s8+$0xFFFF9BD0] =	vst v8  }
0x280: {  	v8 =	vld.idx.msk [tilespmem:v47+s1+$0x0], $0xffff  }
0x281: {  	[tilespmem:s8+$0xFFFFA600] =	vst v4  }
0x282: {  	[tilespmem:s8+$0xFFFFA5E0] =	vst v6;
	v4 =	vld.idx.msk [tilespmem:v12+s1+$0x0], $0xffff  }
0x283: {  	v19 =	vadd.s32 $0x30E7, v1;
	v6 =	vld.idx.msk [tilespmem:v39+s1+$0x0], $0xffff;
	[tilespmem:s8+$0xFFFFA5F0] =	vst v7  }
0x284: {  	v7 =	vld.idx.msk [tilespmem:v38+s1+$0x0], $0xffff  }
0x285: {  	[tilespmem:s8+$0xFFFFA5D0] =	vst v8  }
0x286: {  	v8 =	vld.idx.msk [tilespmem:v41+s1+$0x0], $0xffff  }
0x287: {  	[tilespmem:s8+$0xFFFFB000] =	vst v4  }
0x288: {  	[tilespmem:s8+$0xFFFFAFE0] =	vst v6;
	v4 =	vld.idx.msk [tilespmem:v19+s1+$0x0], $0xffff  }
0x289: {  	v39 =	vadd.s32 $0x32E6, v1;
	v6 =	vld.idx.msk [tilespmem:v36+s1+$0x0], $0xffff;
	[tilespmem:s8+$0xFFFFAFF0] =	vst v7  }
0x28a: {  	v7 =	vld.idx.msk [tilespmem:v40+s1+$0x0], $0xffff  }
0x28b: {  	[tilespmem:s8+$0xFFFFAFD0] =	vst v8  }
0x28c: {  	v8 =	vld.idx.msk [tilespmem:v37+s1+$0x0], $0xffff  }
0x28d: {  	[tilespmem:s8+$0xFFFFBA00] =	vst v4  }
0x28e: {  	[tilespmem:s8+$0xFFFFB9E0] =	vst v6;
	v4 =	vld.idx.msk [tilespmem:v39+s1+$0x0], $0xffff  }
0x28f: {  	v40 =	vadd.s32 $0x34E5, v1;
	v6 =	vld.idx.msk [tilespmem:v32+s1+$0x0], $0xffff;
	[tilespmem:s8+$0xFFFFB9F0] =	vst v7  }
0x290: {  	v7 =	vld.idx.msk [tilespmem:v35+s1+$0x0], $0xffff  }
0x291: {  	[tilespmem:s8+$0xFFFFB9D0] =	vst v8  }
0x292: {  	v8 =	vld.idx.msk [tilespmem:v34+s1+$0x0], $0xffff  }
0x293: {  	[tilespmem:s8+$0xFFFFC400] =	vst v4  }
0x294: {  	[tilespmem:s8+$0xFFFFC3E0] =	vst v6;
	v4 =	vld.idx.msk [tilespmem:v40+s1+$0x0], $0xffff  }
0x295: {  	v41 =	vadd.s32 $0x36E4, v1;
	v6 =	vld.idx.msk [tilespmem:v29+s1+$0x0], $0xffff;
	[tilespmem:s8+$0xFFFFC3F0] =	vst v7  }
0x296: {  	v7 =	vld.idx.msk [tilespmem:v33+s1+$0x0], $0xffff  }
0x297: {  	[tilespmem:s8+$0xFFFFC3D0] =	vst v8  }
0x298: {  	v8 =	vld.idx.msk [tilespmem:v30+s1+$0x0], $0xffff  }
0x299: {  	[tilespmem:s8+$0xFFFFCE00] =	vst v4  }
0x29a: {  	[tilespmem:s8+$0xFFFFCDE0] =	vst v6;
	v4 =	vld.idx.msk [tilespmem:v41+s1+$0x0], $0xffff  }
0x29b: {  	v43 =	vadd.s32 $0x38E3, v1;
	v6 =	vld.idx.msk [tilespmem:v22+s1+$0x0], $0xffff;
	[tilespmem:s8+$0xFFFFCDF0] =	vst v7  }
0x29c: {  	v7 =	vld.idx.msk [tilespmem:v31+s1+$0x0], $0xffff  }
0x29d: {  	[tilespmem:s8+$0xFFFFCDD0] =	vst v8  }
0x29e: {  	v8 =	vld.idx.msk [tilespmem:v20+s1+$0x0], $0xffff  }
0x29f: {  	[tilespmem:s8+$0xFFFFD800] =	vst v4  }
0x2a0: {  	[tilespmem:s8+$0xFFFFD7E0] =	vst v6;
	v44 =	vld.idx.msk [tilespmem:v43+s1+$0x0], $0xffff  }
0x2a1: {  	v45 =	vadd.s32 $0x3AE2, v1;
	v47 =	vld.idx.msk [tilespmem:v17+s1+$0x0], $0xffff;
	[tilespmem:s8+$0xFFFFD7F0] =	vst v7  }
0x2a2: {  	[tilespmem:s7+$0xFFFFEBE0] =	vst v3;
	v50 =	vld.idx.msk [tilespmem:v18+s1+$0x0], $0xffff  }
0x2a3: {  	[tilespmem:s8+$0xFFFFD7D0] =	vst v8  }
0x2a4: {  	[tilespmem:s7+$0xFFFFEBD0] =	vst v0;
	v51 =	vld.idx.msk [tilespmem:v16+s1+$0x0], $0xffff  }
0x2a5: {  	v55 =	vld.idx.msk [tilespmem:v25+s1+$0x0], $0xffff;
	[tilespmem:s8+$0xFFFFE200] =	vst v44  }
0x2a6: {  	[tilespmem:s8+$0xFFFFE1E0] =	vst v47;
	v3 =	vld.idx.msk [tilespmem:v45+s1+$0x0], $0xffff  }
0x2a7: {  	v54 =	vadd.s32 $0x3CE1, v1;
	v5 =	vld.idx.msk [tilespmem:v15+s1+$0x0], $0xffff;
	[tilespmem:s8+$0xFFFFE1F0] =	vst v50  }
0x2a8: {  	[tilespmem:s7+$0xFFFFEBF0] =	vst v2;
	v6 =	vld.idx.msk [tilespmem:v13+s1+$0x0], $0xffff  }
0x2a9: {  	v52 =	vld.idx.msk [tilespmem:v27+s1+$0x0], $0xffff;
	[tilespmem:s8+$0xFFFFE1D0] =	vst v51  }
0x2aa: {  	[tilespmem:s7+$0xFFFFF5D0] =	vst v55;
	v2 =	vld.idx.msk [tilespmem:v10+s1+$0x0], $0xffff  }
0x2ab: {  	v53 =	vld.idx.msk [tilespmem:v26+s1+$0x0], $0xffff;
	[tilespmem:s8+$0xFFFFEC00] =	vst v3  }
0x2ac: {  	[tilespmem:s8+$0xFFFFEBE0] =	vst v5;
	v3 =	vld.idx.msk [tilespmem:v54+s1+$0x0], $0xffff  }
0x2ad: {  	v57 =	vadd.s32 $0x3EE0, v1;
	v58 =	vld.idx.msk [tilespmem:v60+s1+$0x0], $0xffff;
	[tilespmem:s8+$0xFFFFEBF0] =	vst v6  }
0x2ae: {  	[tilespmem:s7+$0xFFFFF5E0] =	vst v52;
	v59 =	vld.idx.msk [tilespmem:v42+s1+$0x0], $0xffff  }
0x2af: {  	v56 =	vld.idx.msk [tilespmem:v28+s1+$0x0], $0xffff;
	[tilespmem:s8+$0xFFFFEBD0] =	vst v2  }
0x2b0: {  	[tilespmem:s7+$0xFFFFF5F0] =	vst v53;
	v2 =	vld.idx.msk [tilespmem:v61+s1+$0x0], $0xffff  }
0x2b1: {  	v60 =	vld.idx.msk [tilespmem:v14+s1+$0x0], $0xffff;
	[tilespmem:s8+$0xFFFFF600] =	vst v3  }
0x2b2: {  	[tilespmem:s8+$0xFFFFF5E0] =	vst v58;
	v1 =	vld.idx.msk [tilespmem:v57+s1+$0x0], $0xffff  }
0x2b3: {  	v62 =	vld.idx.msk [tilespmem:v49+s1+$0x0], $0xffff;
	[tilespmem:s8+$0xFFFFF5F0] =	vst v59  }
0x2b4: {  	[tilespmem:s7+$0xFFFFFFE0] =	vst v56;
	v63 =	vld.idx.msk [tilespmem:v48+s1+$0x0], $0xffff  }
0x2b5: {  	v61 =	vld.idx.msk [tilespmem:v24+s1+$0x0], $0xffff;
	[tilespmem:s8+$0xFFFFF5D0] =	vst v2  }
0x2b6: {  	[tilespmem:s7+$0xFFFFFFF0] =	vst v60;
	v2 =	vld.idx.msk [tilespmem:v46+s1+$0x0], $0xffff  }
0x2b7: {  	[tilespmem:s8+$0x0] =	vst v1  }
0x2b8: {  	[tilespmem:s8+$0xFFFFFFE0] =	vst v62  }
0x2b9: {  	[tilespmem:s8+$0xFFFFFFF0] =	vst v63  }
0x2ba: {  	[tilespmem:s7+$0xFFFFFFD0] =	vst v61  }
0x2bb: {  	[tilespmem:s8+$0xFFFFFFD0] =	vst v2  }
0x2bc: {  	s9 =	simm.s32 $0x4BD8;
	s11 =	rddreg [dreg:$0x3]  }
0x2bd: {  	s7 =	simm.s32 $0x41D8;
	s8 =	simm.s32 $0x100;
	s10 =	sadd.s32 $0x0, s11  }
.LBB2_4:
0x2be: {  	[hbm4b:s10+s1] =	stream.linear.scatter [tilespmem:s7], [sflag:$0x1], $0x800, $0x38;
	[tilespmem:$0x17FE0] =	vst v63  }
0x2bf: {  	s10 =	smov.u32 s8;
	s7 =	smov.u32 s9;
	p0 =	sne.s32 s8, $0x1F00  }
.Ltmp1:
0x2c0: {  	s8 =	sadd.s32 $0x100, s8;
	(pc) =	sbr.rel @p0 .LBB2_4-.Ltmp1, $2  }
0x2c1: {  	_ =	sdelay $0x2  }
0x2c2: {  	s9 =	sadd.s32 $0xA00, s9;
	s10 =	sadd.s32 s10, s11  }
0x2c3: {  	[hbm4b:s10+s1] =	stream.linear.scatter [tilespmem:s7], [sflag:$0x1], $0x800, $0x38;
	[tilespmem:$0x17FE0] =	vst v63  }
0x2c4: {  	s7 =	simm.s32 $0x41D0;
	s8 =	simm.s32 $0x100;
	s12 =	rddreg [dreg:$0x4]  }
0x2c5: {  	s9 =	simm.s32 $0x4BD0;
	s13 =	rddreg [dreg:$0x5];
	s10 =	sadd.s32 $0x0, s12  }
.LBB2_6:
0x2c6: {  	[hbm4b:s10+s1] =	stream.linear.scatter [tilespmem:s7], [sflag:$0x1], $0x800, $0x38;
	[tilespmem:$0x17FE0] =	vst v63  }
0x2c7: {  	s10 =	smov.u32 s8;
	s7 =	smov.u32 s9;
	p0 =	sne.s32 s8, $0x1F00  }
.Ltmp2:
0x2c8: {  	s8 =	sadd.s32 $0x100, s8;
	(pc) =	sbr.rel @p0 .LBB2_6-.Ltmp2, $2  }
0x2c9: {  	_ =	sdelay $0x2  }
0x2ca: {  	s9 =	sadd.s32 $0xA00, s9;
	s10 =	sadd.s32 s10, s12  }
0x2cb: {  	[hbm4b:s10+s1] =	stream.linear.scatter [tilespmem:s7], [sflag:$0x1], $0x800, $0x38;
	[tilespmem:$0x17FE0] =	vst v63  }
0x2cc: {  	s7 =	simm.s32 $0x41C8  }
0x2cd: {  	s8 =	simm.s32 $0x100;
	s10 =	sadd.s32 $0x0, s13;
	s9 =	simm.s32 $0x4BC8  }
.LBB2_8:
0x2ce: {  	[hbm4b:s10+s1] =	stream.linear.scatter [tilespmem:s7], [sflag:$0x1], $0x800, $0x38;
	[tilespmem:$0x17FE0] =	vst v63  }
0x2cf: {  	s10 =	smov.u32 s8;
	s7 =	smov.u32 s9;
	p0 =	sne.s32 s8, $0x1F00  }
.Ltmp3:
0x2d0: {  	s8 =	sadd.s32 $0x100, s8;
	(pc) =	sbr.rel @p0 .LBB2_8-.Ltmp3, $2  }
0x2d1: {  	_ =	sdelay $0x2  }
0x2d2: {  	s9 =	sadd.s32 $0xA00, s9;
	s10 =	sadd.s32 s10, s13  }
0x2d3: {  	[hbm4b:s10+s1] =	stream.linear.scatter [tilespmem:s7], [sflag:$0x1], $0x800, $0x38;
	[tilespmem:$0x17FE0] =	vst v63  }
0x2d4: {  	s7 =	simm.s32 $0x41C0;
	s14 =	rddreg [dreg:$0x6]  }
0x2d5: {  	s8 =	simm.s32 $0x100;
	s9 =	simm.s32 $0x4BC0;
	s10 =	sadd.s32 $0x0, s14  }
.LBB2_10:
0x2d6: {  	[hbm4b:s10+s1] =	stream.linear.scatter [tilespmem:s7], [sflag:$0x1], $0x800, $0x38;
	[tilespmem:$0x17FE0] =	vst v63  }
0x2d7: {  	s10 =	smov.u32 s8;
	s7 =	smov.u32 s9;
	p0 =	sne.s32 s8, $0x1F00  }
.Ltmp4:
0x2d8: {  	s8 =	sadd.s32 $0x100, s8;
	(pc) =	sbr.rel @p0 .LBB2_10-.Ltmp4, $2  }
0x2d9: {  	_ =	sdelay $0x2  }
0x2da: {  	s9 =	sadd.s32 $0xA00, s9;
	s10 =	sadd.s32 s10, s14  }
0x2db: {  	[hbm4b:s10+s1] =	stream.linear.scatter [tilespmem:s7], [sflag:$0x1], $0x800, $0x38;
	[tilespmem:$0x17FE0] =	vst v63  }
0x2dc: {  	s7 =	simm.s32 $0x41B8;
	s17 =	rddreg [dreg:$0x7]  }
0x2dd: {  	s8 =	simm.s32 $0x100;
	s9 =	simm.s32 $0x4BB8;
	s10 =	sadd.s32 $0x0, s17  }
.LBB2_12:
0x2de: {  	[hbm4b:s10+s1] =	stream.linear.scatter [tilespmem:s7], [sflag:$0x1], $0x800, $0x38;
	[tilespmem:$0x17FE0] =	vst v63  }
0x2df: {  	s10 =	smov.u32 s8;
	s7 =	smov.u32 s9;
	p0 =	sne.s32 s8, $0x1F00  }
.Ltmp5:
0x2e0: {  	s8 =	sadd.s32 $0x100, s8;
	(pc) =	sbr.rel @p0 .LBB2_12-.Ltmp5, $2  }
0x2e1: {  	_ =	sdelay $0x2  }
0x2e2: {  	s9 =	sadd.s32 $0xA00, s9;
	s10 =	sadd.s32 s10, s17  }
0x2e3: {  	[hbm4b:s10+s1] =	stream.linear.scatter [tilespmem:s7], [sflag:$0x1], $0x800, $0x38;
	[tilespmem:$0x17FE0] =	vst v63  }
0x2e4: {  	s7 =	simm.s32 $0x41B0;
	s14 =	rddreg [dreg:$0x8]  }
0x2e5: {  	s8 =	simm.s32 $0x100;
	s9 =	simm.s32 $0x4BB0;
	s10 =	sadd.s32 $0x0, s14  }
.LBB2_14:
0x2e6: {  	[hbm4b:s10+s1] =	stream.linear.scatter [tilespmem:s7], [sflag:$0x1], $0x800, $0x38;
	[tilespmem:$0x17FE0] =	vst v63  }
0x2e7: {  	s10 =	smov.u32 s8;
	s7 =	smov.u32 s9;
	p0 =	sne.s32 s8, $0x1F00  }
.Ltmp6:
0x2e8: {  	s8 =	sadd.s32 $0x100, s8;
	(pc) =	sbr.rel @p0 .LBB2_14-.Ltmp6, $2  }
0x2e9: {  	_ =	sdelay $0x2  }
0x2ea: {  	s9 =	sadd.s32 $0xA00, s9;
	s10 =	sadd.s32 s10, s14  }
0x2eb: {  	[hbm4b:s10+s1] =	stream.linear.scatter [tilespmem:s7], [sflag:$0x1], $0x800, $0x38;
	[tilespmem:$0x17FE0] =	vst v63  }
0x2ec: {  	s7 =	simm.s32 $0x41A8;
	s14 =	rddreg [dreg:$0x9]  }
0x2ed: {  	s8 =	simm.s32 $0x100;
	s9 =	simm.s32 $0x4BA8;
	s10 =	sadd.s32 $0x0, s14  }
.LBB2_16:
0x2ee: {  	[hbm4b:s10+s1] =	stream.linear.scatter [tilespmem:s7], [sflag:$0x1], $0x800, $0x38;
	[tilespmem:$0x17FE0] =	vst v63  }
0x2ef: {  	s10 =	smov.u32 s8;
	s7 =	smov.u32 s9;
	p0 =	sne.s32 s8, $0x1F00  }
.Ltmp7:
0x2f0: {  	s8 =	sadd.s32 $0x100, s8;
	(pc) =	sbr.rel @p0 .LBB2_16-.Ltmp7, $2  }
0x2f1: {  	_ =	sdelay $0x2  }
0x2f2: {  	s9 =	sadd.s32 $0xA00, s9;
	s10 =	sadd.s32 s10, s14  }
0x2f3: {  	[hbm4b:s10+s1] =	stream.linear.scatter [tilespmem:s7], [sflag:$0x1], $0x800, $0x38;
	[tilespmem:$0x17FE0] =	vst v63  }
0x2f4: {  	s7 =	simm.s32 $0x41A0;
	s15 =	rddreg [dreg:$0xa]  }
0x2f5: {  	s8 =	simm.s32 $0x100;
	s9 =	simm.s32 $0x4BA0;
	s10 =	sadd.s32 $0x0, s15  }
.LBB2_18:
0x2f6: {  	[hbm4b:s10+s1] =	stream.linear.scatter [tilespmem:s7], [sflag:$0x1], $0x800, $0x38;
	[tilespmem:$0x17FE0] =	vst v63  }
0x2f7: {  	s10 =	smov.u32 s8;
	s7 =	smov.u32 s9;
	p0 =	sne.s32 s8, $0x1F00  }
.Ltmp8:
0x2f8: {  	s8 =	sadd.s32 $0x100, s8;
	(pc) =	sbr.rel @p0 .LBB2_18-.Ltmp8, $2  }
0x2f9: {  	_ =	sdelay $0x2  }
0x2fa: {  	s9 =	sadd.s32 $0xA00, s9;
	s10 =	sadd.s32 s10, s15  }
0x2fb: {  	[hbm4b:s10+s1] =	stream.linear.scatter [tilespmem:s7], [sflag:$0x1], $0x800, $0x38;
	[tilespmem:$0x17FE0] =	vst v63  }
0x2fc: {  	s7 =	simm.s32 $0x4198;
	s15 =	rddreg [dreg:$0xb]  }
0x2fd: {  	s8 =	simm.s32 $0x100;
	s9 =	simm.s32 $0x4B98;
	s10 =	sadd.s32 $0x0, s15  }
.LBB2_20:
0x2fe: {  	[hbm4b:s10+s1] =	stream.linear.scatter [tilespmem:s7], [sflag:$0x1], $0x800, $0x38;
	[tilespmem:$0x17FE0] =	vst v63  }
0x2ff: {  	s10 =	smov.u32 s8;
	s7 =	smov.u32 s9;
	p0 =	sne.s32 s8, $0x1F00  }
.Ltmp9:
0x300: {  	s8 =	sadd.s32 $0x100, s8;
	(pc) =	sbr.rel @p0 .LBB2_20-.Ltmp9, $2  }
0x301: {  	_ =	sdelay $0x2  }
0x302: {  	s9 =	sadd.s32 $0xA00, s9;
	s10 =	sadd.s32 s10, s15  }
0x303: {  	[hbm4b:s10+s1] =	stream.linear.scatter [tilespmem:s7], [sflag:$0x1], $0x800, $0x38;
	[tilespmem:$0x17FE0] =	vst v63  }
0x304: {  	s31 =	simm.s32 $0x1  }
0x305: {  	s7 =	simm.s32 $0x4190;
	_ =	swait.ge [sflag:s31], $0x10000  }
0x306: {  	s8 =	simm.s32 $0x100;
	[sflag:s31] =	ssyncset.done $0x0;
	s15 =	rddreg [dreg:$0xc]  }
0x307: {  	s9 =	simm.s32 $0x4B90;
	[sflag:s31] =	ssyncadd.s32 $0xFFFF0000;
	s10 =	sadd.s32 $0x0, s15  }
.LBB2_22:
0x308: {  	[hbm4b:s10+s1] =	stream.linear.scatter [tilespmem:s7], [sflag:$0x1], $0x800, $0x38;
	[tilespmem:$0x17FE0] =	vst v63  }
0x309: {  	s10 =	smov.u32 s8;
	s7 =	smov.u32 s9;
	p0 =	sne.s32 s8, $0x1F00  }
.Ltmp10:
0x30a: {  	s8 =	sadd.s32 $0x100, s8;
	(pc) =	sbr.rel @p0 .LBB2_22-.Ltmp10, $2  }
0x30b: {  	_ =	sdelay $0x2  }
0x30c: {  	s9 =	sadd.s32 $0xA00, s9;
	s10 =	sadd.s32 s10, s15  }
0x30d: {  	[hbm4b:s10+s1] =	stream.linear.scatter [tilespmem:s7], [sflag:$0x1], $0x800, $0x38;
	[tilespmem:$0x17FE0] =	vst v63  }
0x30e: {  	s31 =	simm.s32 $0x1  }
0x30f: {  	s7 =	simm.s32 $0x4188;
	_ =	swait.ge [sflag:s31], $0x10000  }
0x310: {  	s8 =	simm.s32 $0x100;
	[sflag:s31] =	ssyncset.done $0x0;
	s15 =	rddreg [dreg:$0xd]  }
0x311: {  	s9 =	simm.s32 $0x4B88;
	[sflag:s31] =	ssyncadd.s32 $0xFFFF0000;
	s10 =	sadd.s32 $0x0, s15  }
.LBB2_24:
0x312: {  	[hbm4b:s10+s1] =	stream.linear.scatter [tilespmem:s7], [sflag:$0x1], $0x800, $0x38;
	[tilespmem:$0x17FE0] =	vst v63  }
0x313: {  	s10 =	smov.u32 s8;
	s7 =	smov.u32 s9;
	p0 =	sne.s32 s8, $0x1F00  }
.Ltmp11:
0x314: {  	s8 =	sadd.s32 $0x100, s8;
	(pc) =	sbr.rel @p0 .LBB2_24-.Ltmp11, $2  }
0x315: {  	_ =	sdelay $0x2  }
0x316: {  	s9 =	sadd.s32 $0xA00, s9;
	s10 =	sadd.s32 s10, s15  }
0x317: {  	[hbm4b:s10+s1] =	stream.linear.scatter [tilespmem:s7], [sflag:$0x1], $0x800, $0x38;
	[tilespmem:$0x17FE0] =	vst v63  }
0x318: {  	s31 =	simm.s32 $0x1  }
0x319: {  	s7 =	simm.s32 $0x4180;
	_ =	swait.ge [sflag:s31], $0x10000  }
0x31a: {  	s8 =	simm.s32 $0x100;
	[sflag:s31] =	ssyncset.done $0x0;
	s16 =	rddreg [dreg:$0xe]  }
0x31b: {  	s9 =	simm.s32 $0x4B80;
	[sflag:s31] =	ssyncadd.s32 $0xFFFF0000;
	s10 =	sadd.s32 $0x0, s16  }
.LBB2_26:
0x31c: {  	[hbm4b:s10+s1] =	stream.linear.scatter [tilespmem:s7], [sflag:$0x1], $0x800, $0x38;
	[tilespmem:$0x17FE0] =	vst v63  }
0x31d: {  	s10 =	smov.u32 s8;
	s7 =	smov.u32 s9;
	p0 =	sne.s32 s8, $0x1F00  }
.Ltmp12:
0x31e: {  	s8 =	sadd.s32 $0x100, s8;
	(pc) =	sbr.rel @p0 .LBB2_26-.Ltmp12, $2  }
0x31f: {  	_ =	sdelay $0x2  }
0x320: {  	s9 =	sadd.s32 $0xA00, s9;
	s10 =	sadd.s32 s10, s16  }
0x321: {  	[hbm4b:s10+s1] =	stream.linear.scatter [tilespmem:s7], [sflag:$0x1], $0x800, $0x38;
	[tilespmem:$0x17FE0] =	vst v63  }
0x322: {  	s31 =	simm.s32 $0x1  }
0x323: {  	s7 =	simm.s32 $0x4178;
	_ =	swait.ge [sflag:s31], $0x10000  }
0x324: {  	s8 =	simm.s32 $0x100;
	[sflag:s31] =	ssyncset.done $0x0;
	s14 =	rddreg [dreg:$0xf]  }
0x325: {  	s9 =	simm.s32 $0x4B78;
	[sflag:s31] =	ssyncadd.s32 $0xFFFF0000;
	s10 =	sadd.s32 $0x0, s14  }
.LBB2_28:
0x326: {  	[hbm4b:s10+s1] =	stream.linear.scatter [tilespmem:s7], [sflag:$0x1], $0x800, $0x38;
	[tilespmem:$0x17FE0] =	vst v63  }
0x327: {  	s10 =	smov.u32 s8;
	s7 =	smov.u32 s9;
	p0 =	sne.s32 s8, $0x1F00  }
.Ltmp13:
0x328: {  	s8 =	sadd.s32 $0x100, s8;
	(pc) =	sbr.rel @p0 .LBB2_28-.Ltmp13, $2  }
0x329: {  	_ =	sdelay $0x2  }
0x32a: {  	s9 =	sadd.s32 $0xA00, s9;
	s10 =	sadd.s32 s10, s14  }
0x32b: {  	[hbm4b:s10+s1] =	stream.linear.scatter [tilespmem:s7], [sflag:$0x1], $0x800, $0x38;
	[tilespmem:$0x17FE0] =	vst v63  }
0x32c: {  	s31 =	simm.s32 $0x1  }
0x32d: {  	s7 =	simm.s32 $0x4170;
	_ =	swait.ge [sflag:s31], $0x10000  }
0x32e: {  	s8 =	simm.s32 $0x100;
	[sflag:s31] =	ssyncset.done $0x0;
	s16 =	rddreg [dreg:$0x10]  }
0x32f: {  	s9 =	simm.s32 $0x4B70;
	[sflag:s31] =	ssyncadd.s32 $0xFFFF0000;
	s10 =	sadd.s32 $0x0, s16  }
.LBB2_30:
0x330: {  	[hbm4b:s10+s1] =	stream.linear.scatter [tilespmem:s7], [sflag:$0x1], $0x800, $0x38;
	[tilespmem:$0x17FE0] =	vst v63  }
0x331: {  	s10 =	smov.u32 s8;
	s7 =	smov.u32 s9;
	p0 =	sne.s32 s8, $0x1F00  }
.Ltmp14:
0x332: {  	s8 =	sadd.s32 $0x100, s8;
	(pc) =	sbr.rel @p0 .LBB2_30-.Ltmp14, $2  }
0x333: {  	_ =	sdelay $0x2  }
0x334: {  	s9 =	sadd.s32 $0xA00, s9;
	s10 =	sadd.s32 s10, s16  }
0x335: {  	[hbm4b:s10+s1] =	stream.linear.scatter [tilespmem:s7], [sflag:$0x1], $0x800, $0x38;
	[tilespmem:$0x17FE0] =	vst v63  }
0x336: {  	s31 =	simm.s32 $0x1  }
0x337: {  	s7 =	simm.s32 $0x4168;
	_ =	swait.ge [sflag:s31], $0x10000  }
0x338: {  	s8 =	simm.s32 $0x100;
	[sflag:s31] =	ssyncset.done $0x0;
	s16 =	rddreg [dreg:$0x11]  }
0x339: {  	s9 =	simm.s32 $0x4B68;
	[sflag:s31] =	ssyncadd.s32 $0xFFFF0000;
	s10 =	sadd.s32 $0x0, s16  }
.LBB2_32:
0x33a: {  	[hbm4b:s10+s1] =	stream.linear.scatter [tilespmem:s7], [sflag:$0x1], $0x800, $0x38;
	[tilespmem:$0x17FE0] =	vst v63  }
0x33b: {  	s10 =	smov.u32 s8;
	s7 =	smov.u32 s9;
	p0 =	sne.s32 s8, $0x1F00  }
.Ltmp15:
0x33c: {  	s8 =	sadd.s32 $0x100, s8;
	(pc) =	sbr.rel @p0 .LBB2_32-.Ltmp15, $2  }
0x33d: {  	_ =	sdelay $0x2  }
0x33e: {  	s9 =	sadd.s32 $0xA00, s9;
	s10 =	sadd.s32 s10, s16  }
0x33f: {  	[hbm4b:s10+s1] =	stream.linear.scatter [tilespmem:s7], [sflag:$0x1], $0x800, $0x38;
	[tilespmem:$0x17FE0] =	vst v63  }
0x340: {  	s31 =	simm.s32 $0x1  }
0x341: {  	s7 =	simm.s32 $0x4160;
	_ =	swait.ge [sflag:s31], $0x10000  }
0x342: {  	s8 =	simm.s32 $0x100;
	[sflag:s31] =	ssyncset.done $0x0;
	s17 =	rddreg [dreg:$0x12]  }
0x343: {  	s9 =	simm.s32 $0x4B60;
	[sflag:s31] =	ssyncadd.s32 $0xFFFF0000;
	s10 =	sadd.s32 $0x0, s17  }
.LBB2_34:
0x344: {  	[hbm4b:s10+s1] =	stream.linear.scatter [tilespmem:s7], [sflag:$0x1], $0x800, $0x38;
	[tilespmem:$0x17FE0] =	vst v63  }
0x345: {  	s10 =	smov.u32 s8;
	s7 =	smov.u32 s9;
	p0 =	sne.s32 s8, $0x1F00  }
.Ltmp16:
0x346: {  	s8 =	sadd.s32 $0x100, s8;
	(pc) =	sbr.rel @p0 .LBB2_34-.Ltmp16, $2  }
0x347: {  	_ =	sdelay $0x2  }
0x348: {  	s9 =	sadd.s32 $0xA00, s9;
	s10 =	sadd.s32 s10, s17  }
0x349: {  	[hbm4b:s10+s1] =	stream.linear.scatter [tilespmem:s7], [sflag:$0x1], $0x800, $0x38;
	[tilespmem:$0x17FE0] =	vst v63  }
0x34a: {  	s31 =	simm.s32 $0x1  }
0x34b: {  	s7 =	simm.s32 $0x4158;
	_ =	swait.ge [sflag:s31], $0x10000  }
0x34c: {  	s8 =	simm.s32 $0x100;
	[sflag:s31] =	ssyncset.done $0x0;
	s14 =	rddreg [dreg:$0x13]  }
0x34d: {  	s9 =	simm.s32 $0x4B58;
	[sflag:s31] =	ssyncadd.s32 $0xFFFF0000;
	s10 =	sadd.s32 $0x0, s14  }
.LBB2_36:
0x34e: {  	[hbm4b:s10+s1] =	stream.linear.scatter [tilespmem:s7], [sflag:$0x1], $0x800, $0x38;
	[tilespmem:$0x17FE0] =	vst v63  }
0x34f: {  	s10 =	smov.u32 s8;
	s7 =	smov.u32 s9;
	p0 =	sne.s32 s8, $0x1F00  }
.Ltmp17:
0x350: {  	s8 =	sadd.s32 $0x100, s8;
	(pc) =	sbr.rel @p0 .LBB2_36-.Ltmp17, $2  }
0x351: {  	_ =	sdelay $0x2  }
0x352: {  	s9 =	sadd.s32 $0xA00, s9;
	s10 =	sadd.s32 s10, s14  }
0x353: {  	[hbm4b:s10+s1] =	stream.linear.scatter [tilespmem:s7], [sflag:$0x1], $0x800, $0x38;
	[tilespmem:$0x17FE0] =	vst v63  }
0x354: {  	s31 =	simm.s32 $0x1  }
0x355: {  	s7 =	simm.s32 $0x4150;
	_ =	swait.ge [sflag:s31], $0x10000  }
0x356: {  	s8 =	simm.s32 $0x100;
	[sflag:s31] =	ssyncset.done $0x0;
	s18 =	rddreg [dreg:$0x14]  }
0x357: {  	s9 =	simm.s32 $0x4B50;
	[sflag:s31] =	ssyncadd.s32 $0xFFFF0000;
	s10 =	sadd.s32 $0x0, s18  }
.LBB2_38:
0x358: {  	[hbm4b:s10+s1] =	stream.linear.scatter [tilespmem:s7], [sflag:$0x1], $0x800, $0x38;
	[tilespmem:$0x17FE0] =	vst v63  }
0x359: {  	s10 =	smov.u32 s8;
	s7 =	smov.u32 s9;
	p0 =	sne.s32 s8, $0x1F00  }
.Ltmp18:
0x35a: {  	s8 =	sadd.s32 $0x100, s8;
	(pc) =	sbr.rel @p0 .LBB2_38-.Ltmp18, $2  }
0x35b: {  	_ =	sdelay $0x2  }
0x35c: {  	s9 =	sadd.s32 $0xA00, s9;
	s10 =	sadd.s32 s10, s18  }
0x35d: {  	[hbm4b:s10+s1] =	stream.linear.scatter [tilespmem:s7], [sflag:$0x1], $0x800, $0x38;
	[tilespmem:$0x17FE0] =	vst v63  }
0x35e: {  	s31 =	simm.s32 $0x1  }
0x35f: {  	s7 =	simm.s32 $0x4148;
	_ =	swait.ge [sflag:s31], $0x10000  }
0x360: {  	s8 =	simm.s32 $0x100;
	[sflag:s31] =	ssyncset.done $0x0;
	s23 =	rddreg [dreg:$0x15]  }
0x361: {  	s9 =	simm.s32 $0x4B48;
	[sflag:s31] =	ssyncadd.s32 $0xFFFF0000;
	s10 =	sadd.s32 $0x0, s23  }
.LBB2_40:
0x362: {  	[hbm4b:s10+s1] =	stream.linear.scatter [tilespmem:s7], [sflag:$0x1], $0x800, $0x38;
	[tilespmem:$0x17FE0] =	vst v63  }
0x363: {  	s10 =	smov.u32 s8;
	s7 =	smov.u32 s9;
	p0 =	sne.s32 s8, $0x1F00  }
.Ltmp19:
0x364: {  	s8 =	sadd.s32 $0x100, s8;
	(pc) =	sbr.rel @p0 .LBB2_40-.Ltmp19, $2  }
0x365: {  	_ =	sdelay $0x2  }
0x366: {  	s9 =	sadd.s32 $0xA00, s9;
	s10 =	sadd.s32 s10, s23  }
0x367: {  	[hbm4b:s10+s1] =	stream.linear.scatter [tilespmem:s7], [sflag:$0x1], $0x800, $0x38;
	[tilespmem:$0x17FE0] =	vst v63  }
0x368: {  	s31 =	simm.s32 $0x1  }
0x369: {  	s7 =	simm.s32 $0x4140;
	_ =	swait.ge [sflag:s31], $0x10000  }
0x36a: {  	s8 =	simm.s32 $0x100;
	[sflag:s31] =	ssyncset.done $0x0;
	s17 =	rddreg [dreg:$0x16]  }
0x36b: {  	s9 =	simm.s32 $0x4B40;
	[sflag:s31] =	ssyncadd.s32 $0xFFFF0000;
	s10 =	sadd.s32 $0x0, s17  }
.LBB2_42:
0x36c: {  	[hbm4b:s10+s1] =	stream.linear.scatter [tilespmem:s7], [sflag:$0x1], $0x800, $0x38;
	[tilespmem:$0x17FE0] =	vst v63  }
0x36d: {  	s10 =	smov.u32 s8;
	s7 =	smov.u32 s9;
	p0 =	sne.s32 s8, $0x1F00  }
.Ltmp20:
0x36e: {  	s8 =	sadd.s32 $0x100, s8;
	(pc) =	sbr.rel @p0 .LBB2_42-.Ltmp20, $2  }
0x36f: {  	_ =	sdelay $0x2  }
0x370: {  	s9 =	sadd.s32 $0xA00, s9;
	s10 =	sadd.s32 s10, s17  }
0x371: {  	[hbm4b:s10+s1] =	stream.linear.scatter [tilespmem:s7], [sflag:$0x1], $0x800, $0x38;
	[tilespmem:$0x17FE0] =	vst v63  }
0x372: {  	s31 =	simm.s32 $0x1  }
0x373: {  	s7 =	simm.s32 $0x4138;
	_ =	swait.ge [sflag:s31], $0x10000  }
0x374: {  	s8 =	simm.s32 $0x100;
	[sflag:s31] =	ssyncset.done $0x0;
	s17 =	rddreg [dreg:$0x17]  }
0x375: {  	s9 =	simm.s32 $0x4B38;
	[sflag:s31] =	ssyncadd.s32 $0xFFFF0000;
	s10 =	sadd.s32 $0x0, s17  }
.LBB2_44:
0x376: {  	[hbm4b:s10+s1] =	stream.linear.scatter [tilespmem:s7], [sflag:$0x1], $0x800, $0x38;
	[tilespmem:$0x17FE0] =	vst v63  }
0x377: {  	s10 =	smov.u32 s8;
	s7 =	smov.u32 s9;
	p0 =	sne.s32 s8, $0x1F00  }
.Ltmp21:
0x378: {  	s8 =	sadd.s32 $0x100, s8;
	(pc) =	sbr.rel @p0 .LBB2_44-.Ltmp21, $2  }
0x379: {  	_ =	sdelay $0x2  }
0x37a: {  	s9 =	sadd.s32 $0xA00, s9;
	s10 =	sadd.s32 s10, s17  }
0x37b: {  	[hbm4b:s10+s1] =	stream.linear.scatter [tilespmem:s7], [sflag:$0x1], $0x800, $0x38;
	[tilespmem:$0x17FE0] =	vst v63  }
0x37c: {  	s31 =	simm.s32 $0x1  }
0x37d: {  	s7 =	simm.s32 $0x4130;
	_ =	swait.ge [sflag:s31], $0x10000  }
0x37e: {  	s8 =	simm.s32 $0x100;
	[sflag:s31] =	ssyncset.done $0x0;
	s17 =	rddreg [dreg:$0x18]  }
0x37f: {  	s9 =	simm.s32 $0x4B30;
	[sflag:s31] =	ssyncadd.s32 $0xFFFF0000;
	s10 =	sadd.s32 $0x0, s17  }
.LBB2_46:
0x380: {  	[hbm4b:s10+s1] =	stream.linear.scatter [tilespmem:s7], [sflag:$0x1], $0x800, $0x38;
	[tilespmem:$0x17FE0] =	vst v63  }
0x381: {  	s10 =	smov.u32 s8;
	s7 =	smov.u32 s9;
	p0 =	sne.s32 s8, $0x1F00  }
.Ltmp22:
0x382: {  	s8 =	sadd.s32 $0x100, s8;
	(pc) =	sbr.rel @p0 .LBB2_46-.Ltmp22, $2  }
0x383: {  	_ =	sdelay $0x2  }
0x384: {  	s9 =	sadd.s32 $0xA00, s9;
	s10 =	sadd.s32 s10, s17  }
0x385: {  	[hbm4b:s10+s1] =	stream.linear.scatter [tilespmem:s7], [sflag:$0x1], $0x800, $0x38;
	[tilespmem:$0x17FE0] =	vst v63  }
0x386: {  	s31 =	simm.s32 $0x1  }
0x387: {  	s7 =	simm.s32 $0x4128;
	_ =	swait.ge [sflag:s31], $0x10000  }
0x388: {  	s8 =	simm.s32 $0x100;
	[sflag:s31] =	ssyncset.done $0x0;
	s17 =	rddreg [dreg:$0x19]  }
0x389: {  	s9 =	simm.s32 $0x4B28;
	[sflag:s31] =	ssyncadd.s32 $0xFFFF0000;
	s10 =	sadd.s32 $0x0, s17  }
.LBB2_48:
0x38a: {  	[hbm4b:s10+s1] =	stream.linear.scatter [tilespmem:s7], [sflag:$0x1], $0x800, $0x38;
	[tilespmem:$0x17FE0] =	vst v63  }
0x38b: {  	s10 =	smov.u32 s8;
	s7 =	smov.u32 s9;
	p0 =	sne.s32 s8, $0x1F00  }
.Ltmp23:
0x38c: {  	s8 =	sadd.s32 $0x100, s8;
	(pc) =	sbr.rel @p0 .LBB2_48-.Ltmp23, $2  }
0x38d: {  	_ =	sdelay $0x2  }
0x38e: {  	s9 =	sadd.s32 $0xA00, s9;
	s10 =	sadd.s32 s10, s17  }
0x38f: {  	[hbm4b:s10+s1] =	stream.linear.scatter [tilespmem:s7], [sflag:$0x1], $0x800, $0x38;
	[tilespmem:$0x17FE0] =	vst v63  }
0x390: {  	s31 =	simm.s32 $0x1  }
0x391: {  	s7 =	simm.s32 $0x4120;
	_ =	swait.ge [sflag:s31], $0x10000  }
0x392: {  	s8 =	simm.s32 $0x100;
	[sflag:s31] =	ssyncset.done $0x0;
	s19 =	rddreg [dreg:$0x1a]  }
0x393: {  	s9 =	simm.s32 $0x4B20;
	[sflag:s31] =	ssyncadd.s32 $0xFFFF0000;
	s10 =	sadd.s32 $0x0, s19  }
.LBB2_50:
0x394: {  	[hbm4b:s10+s1] =	stream.linear.scatter [tilespmem:s7], [sflag:$0x1], $0x800, $0x38;
	[tilespmem:$0x17FE0] =	vst v63  }
0x395: {  	s10 =	smov.u32 s8;
	s7 =	smov.u32 s9;
	p0 =	sne.s32 s8, $0x1F00  }
.Ltmp24:
0x396: {  	s8 =	sadd.s32 $0x100, s8;
	(pc) =	sbr.rel @p0 .LBB2_50-.Ltmp24, $2  }
0x397: {  	_ =	sdelay $0x2  }
0x398: {  	s9 =	sadd.s32 $0xA00, s9;
	s10 =	sadd.s32 s10, s19  }
0x399: {  	[hbm4b:s10+s1] =	stream.linear.scatter [tilespmem:s7], [sflag:$0x1], $0x800, $0x38;
	[tilespmem:$0x17FE0] =	vst v63  }
0x39a: {  	s31 =	simm.s32 $0x1  }
0x39b: {  	s7 =	simm.s32 $0x4118;
	_ =	swait.ge [sflag:s31], $0x10000  }
0x39c: {  	s8 =	simm.s32 $0x100;
	[sflag:s31] =	ssyncset.done $0x0;
	s19 =	rddreg [dreg:$0x1b]  }
0x39d: {  	s9 =	simm.s32 $0x4B18;
	[sflag:s31] =	ssyncadd.s32 $0xFFFF0000;
	s10 =	sadd.s32 $0x0, s19  }
.LBB2_52:
0x39e: {  	[hbm4b:s10+s1] =	stream.linear.scatter [tilespmem:s7], [sflag:$0x1], $0x800, $0x38;
	[tilespmem:$0x17FE0] =	vst v63  }
0x39f: {  	s10 =	smov.u32 s8;
	s7 =	smov.u32 s9;
	p0 =	sne.s32 s8, $0x1F00  }
.Ltmp25:
0x3a0: {  	s8 =	sadd.s32 $0x100, s8;
	(pc) =	sbr.rel @p0 .LBB2_52-.Ltmp25, $2  }
0x3a1: {  	_ =	sdelay $0x2  }
0x3a2: {  	s9 =	sadd.s32 $0xA00, s9;
	s10 =	sadd.s32 s10, s19  }
0x3a3: {  	[hbm4b:s10+s1] =	stream.linear.scatter [tilespmem:s7], [sflag:$0x1], $0x800, $0x38;
	[tilespmem:$0x17FE0] =	vst v63  }
0x3a4: {  	s31 =	simm.s32 $0x1  }
0x3a5: {  	s7 =	simm.s32 $0x4110;
	_ =	swait.ge [sflag:s31], $0x10000  }
0x3a6: {  	s8 =	simm.s32 $0x100;
	[sflag:s31] =	ssyncset.done $0x0;
	s20 =	rddreg [dreg:$0x1c]  }
0x3a7: {  	s9 =	simm.s32 $0x4B10;
	[sflag:s31] =	ssyncadd.s32 $0xFFFF0000;
	s10 =	sadd.s32 $0x0, s20  }
.LBB2_54:
0x3a8: {  	[hbm4b:s10+s1] =	stream.linear.scatter [tilespmem:s7], [sflag:$0x1], $0x800, $0x38;
	[tilespmem:$0x17FE0] =	vst v63  }
0x3a9: {  	s10 =	smov.u32 s8;
	s7 =	smov.u32 s9;
	p0 =	sne.s32 s8, $0x1F00  }
.Ltmp26:
0x3aa: {  	s8 =	sadd.s32 $0x100, s8;
	(pc) =	sbr.rel @p0 .LBB2_54-.Ltmp26, $2  }
0x3ab: {  	_ =	sdelay $0x2  }
0x3ac: {  	s9 =	sadd.s32 $0xA00, s9;
	s10 =	sadd.s32 s10, s20  }
0x3ad: {  	[hbm4b:s10+s1] =	stream.linear.scatter [tilespmem:s7], [sflag:$0x1], $0x800, $0x38;
	[tilespmem:$0x17FE0] =	vst v63  }
0x3ae: {  	s31 =	simm.s32 $0x1  }
0x3af: {  	s7 =	simm.s32 $0x4108;
	_ =	swait.ge [sflag:s31], $0x10000  }
0x3b0: {  	s8 =	simm.s32 $0x100;
	[sflag:s31] =	ssyncset.done $0x0;
	s20 =	rddreg [dreg:$0x1d]  }
0x3b1: {  	s9 =	simm.s32 $0x4B08;
	[sflag:s31] =	ssyncadd.s32 $0xFFFF0000;
	s10 =	sadd.s32 $0x0, s20  }
.LBB2_56:
0x3b2: {  	[hbm4b:s10+s1] =	stream.linear.scatter [tilespmem:s7], [sflag:$0x1], $0x800, $0x38;
	[tilespmem:$0x17FE0] =	vst v63  }
0x3b3: {  	s10 =	smov.u32 s8;
	s7 =	smov.u32 s9;
	p0 =	sne.s32 s8, $0x1F00  }
.Ltmp27:
0x3b4: {  	s8 =	sadd.s32 $0x100, s8;
	(pc) =	sbr.rel @p0 .LBB2_56-.Ltmp27, $2  }
0x3b5: {  	_ =	sdelay $0x2  }
0x3b6: {  	s9 =	sadd.s32 $0xA00, s9;
	s10 =	sadd.s32 s10, s20  }
0x3b7: {  	[hbm4b:s10+s1] =	stream.linear.scatter [tilespmem:s7], [sflag:$0x1], $0x800, $0x38;
	[tilespmem:$0x17FE0] =	vst v63  }
0x3b8: {  	s31 =	simm.s32 $0x1  }
0x3b9: {  	s7 =	simm.s32 $0x4100;
	_ =	swait.ge [sflag:s31], $0x10000  }
0x3ba: {  	s8 =	simm.s32 $0x100;
	[sflag:s31] =	ssyncset.done $0x0;
	s21 =	rddreg [dreg:$0x1e]  }
0x3bb: {  	s9 =	simm.s32 $0x4B00;
	[sflag:s31] =	ssyncadd.s32 $0xFFFF0000;
	s10 =	sadd.s32 $0x0, s21  }
.LBB2_58:
0x3bc: {  	[hbm4b:s10+s1] =	stream.linear.scatter [tilespmem:s7], [sflag:$0x1], $0x800, $0x38;
	[tilespmem:$0x17FE0] =	vst v63  }
0x3bd: {  	s10 =	smov.u32 s8;
	s7 =	smov.u32 s9;
	p0 =	sne.s32 s8, $0x1F00  }
.Ltmp28:
0x3be: {  	s8 =	sadd.s32 $0x100, s8;
	(pc) =	sbr.rel @p0 .LBB2_58-.Ltmp28, $2  }
0x3bf: {  	_ =	sdelay $0x2  }
0x3c0: {  	s9 =	sadd.s32 $0xA00, s9;
	s10 =	sadd.s32 s10, s21  }
0x3c1: {  	[hbm4b:s10+s1] =	stream.linear.scatter [tilespmem:s7], [sflag:$0x1], $0x800, $0x38;
	[tilespmem:$0x17FE0] =	vst v63  }
0x3c2: {  	s31 =	simm.s32 $0x1  }
0x3c3: {  	s7 =	simm.s32 $0x40F8;
	_ =	swait.ge [sflag:s31], $0x10000  }
0x3c4: {  	s8 =	simm.s32 $0x100;
	[sflag:s31] =	ssyncset.done $0x0;
	s21 =	rddreg [dreg:$0x1f]  }
0x3c5: {  	s9 =	simm.s32 $0x4AF8;
	[sflag:s31] =	ssyncadd.s32 $0xFFFF0000;
	s10 =	sadd.s32 $0x0, s21  }
.LBB2_60:
0x3c6: {  	[hbm4b:s10+s1] =	stream.linear.scatter [tilespmem:s7], [sflag:$0x1], $0x800, $0x38;
	[tilespmem:$0x17FE0] =	vst v63  }
0x3c7: {  	s10 =	smov.u32 s8;
	s7 =	smov.u32 s9;
	p0 =	sne.s32 s8, $0x1F00  }
.Ltmp29:
0x3c8: {  	s8 =	sadd.s32 $0x100, s8;
	(pc) =	sbr.rel @p0 .LBB2_60-.Ltmp29, $2  }
0x3c9: {  	_ =	sdelay $0x2  }
0x3ca: {  	s9 =	sadd.s32 $0xA00, s9;
	s10 =	sadd.s32 s10, s21  }
0x3cb: {  	[hbm4b:s10+s1] =	stream.linear.scatter [tilespmem:s7], [sflag:$0x1], $0x800, $0x38;
	[tilespmem:$0x17FE0] =	vst v63  }
0x3cc: {  	s31 =	simm.s32 $0x1  }
0x3cd: {  	_ =	swait.ge [sflag:s31], $0x10000  }
0x3ce: {  	s14 =	sld [smem:$0x7DF];
	_ =	sdelay $0x1  }
0x3cf: {  	s7 =	simm.s32 $0x40F0;
	s8 =	simm.s32 $0x100;
	[sflag:s31] =	ssyncset.done $0x0  }
0x3d0: {  	s9 =	simm.s32 $0x4AF0;
	[sflag:s31] =	ssyncadd.s32 $0xFFFF0000;
	s10 =	sadd.s32 $0x0, s14  }
.LBB2_62:
0x3d1: {  	[hbm4b:s10+s1] =	stream.linear.scatter [tilespmem:s7], [sflag:$0x1], $0x800, $0x38;
	[tilespmem:$0x17FE0] =	vst v63  }
0x3d2: {  	s10 =	smov.u32 s8;
	s7 =	smov.u32 s9;
	p0 =	sne.s32 s8, $0x1F00  }
.Ltmp30:
0x3d3: {  	s8 =	sadd.s32 $0x100, s8;
	(pc) =	sbr.rel @p0 .LBB2_62-.Ltmp30, $2  }
0x3d4: {  	_ =	sdelay $0x2  }
0x3d5: {  	s9 =	sadd.s32 $0xA00, s9;
	s10 =	sadd.s32 s10, s14  }
0x3d6: {  	[hbm4b:s10+s1] =	stream.linear.scatter [tilespmem:s7], [sflag:$0x1], $0x800, $0x38;
	[tilespmem:$0x17FE0] =	vst v63  }
0x3d7: {  	s31 =	simm.s32 $0x1  }
0x3d8: {  	_ =	swait.ge [sflag:s31], $0x10000  }
0x3d9: {  	s14 =	sld [smem:$0x7F2];
	_ =	sdelay $0x1  }
0x3da: {  	s7 =	simm.s32 $0x40E8;
	s8 =	simm.s32 $0x100;
	[sflag:s31] =	ssyncset.done $0x0  }
0x3db: {  	s9 =	simm.s32 $0x4AE8;
	[sflag:s31] =	ssyncadd.s32 $0xFFFF0000;
	s10 =	sadd.s32 $0x0, s14  }
.LBB2_64:
0x3dc: {  	[hbm4b:s10+s1] =	stream.linear.scatter [tilespmem:s7], [sflag:$0x1], $0x800, $0x38;
	[tilespmem:$0x17FE0] =	vst v63  }
0x3dd: {  	s10 =	smov.u32 s8;
	s7 =	smov.u32 s9;
	p0 =	sne.s32 s8, $0x1F00  }
.Ltmp31:
0x3de: {  	s8 =	sadd.s32 $0x100, s8;
	(pc) =	sbr.rel @p0 .LBB2_64-.Ltmp31, $2  }
0x3df: {  	_ =	sdelay $0x2  }
0x3e0: {  	s9 =	sadd.s32 $0xA00, s9;
	s10 =	sadd.s32 s10, s14  }
0x3e1: {  	[hbm4b:s10+s1] =	stream.linear.scatter [tilespmem:s7], [sflag:$0x1], $0x800, $0x38;
	[tilespmem:$0x17FE0] =	vst v63  }
0x3e2: {  	s31 =	simm.s32 $0x1  }
0x3e3: {  	_ =	swait.ge [sflag:s31], $0x10000  }
0x3e4: {  	s18 =	sld [smem:$0x7E0];
	_ =	sdelay $0x1  }
0x3e5: {  	s7 =	simm.s32 $0x40E0;
	s8 =	simm.s32 $0x100;
	[sflag:s31] =	ssyncset.done $0x0  }
0x3e6: {  	s9 =	simm.s32 $0x4AE0;
	[sflag:s31] =	ssyncadd.s32 $0xFFFF0000;
	s10 =	sadd.s32 $0x0, s18  }
.LBB2_66:
0x3e7: {  	[hbm4b:s10+s1] =	stream.linear.scatter [tilespmem:s7], [sflag:$0x1], $0x800, $0x38;
	[tilespmem:$0x17FE0] =	vst v63  }
0x3e8: {  	s10 =	smov.u32 s8;
	s7 =	smov.u32 s9;
	p0 =	sne.s32 s8, $0x1F00  }
.Ltmp32:
0x3e9: {  	s8 =	sadd.s32 $0x100, s8;
	(pc) =	sbr.rel @p0 .LBB2_66-.Ltmp32, $2  }
0x3ea: {  	_ =	sdelay $0x2  }
0x3eb: {  	s9 =	sadd.s32 $0xA00, s9;
	s10 =	sadd.s32 s10, s18  }
0x3ec: {  	[hbm4b:s10+s1] =	stream.linear.scatter [tilespmem:s7], [sflag:$0x1], $0x800, $0x38;
	[tilespmem:$0x17FE0] =	vst v63  }
0x3ed: {  	s31 =	simm.s32 $0x1  }
0x3ee: {  	_ =	swait.ge [sflag:s31], $0x10000  }
0x3ef: {  	s18 =	sld [smem:$0x7E1];
	_ =	sdelay $0x1  }
0x3f0: {  	s7 =	simm.s32 $0x40D8;
	s8 =	simm.s32 $0x100;
	[sflag:s31] =	ssyncset.done $0x0  }
0x3f1: {  	s9 =	simm.s32 $0x4AD8;
	[sflag:s31] =	ssyncadd.s32 $0xFFFF0000;
	s10 =	sadd.s32 $0x0, s18  }
.LBB2_68:
0x3f2: {  	[hbm4b:s10+s1] =	stream.linear.scatter [tilespmem:s7], [sflag:$0x1], $0x800, $0x38;
	[tilespmem:$0x17FE0] =	vst v63  }
0x3f3: {  	s10 =	smov.u32 s8;
	s7 =	smov.u32 s9;
	p0 =	sne.s32 s8, $0x1F00  }
.Ltmp33:
0x3f4: {  	s8 =	sadd.s32 $0x100, s8;
	(pc) =	sbr.rel @p0 .LBB2_68-.Ltmp33, $2  }
0x3f5: {  	_ =	sdelay $0x2  }
0x3f6: {  	s9 =	sadd.s32 $0xA00, s9;
	s10 =	sadd.s32 s10, s18  }
0x3f7: {  	[hbm4b:s10+s1] =	stream.linear.scatter [tilespmem:s7], [sflag:$0x1], $0x800, $0x38;
	[tilespmem:$0x17FE0] =	vst v63  }
0x3f8: {  	s31 =	simm.s32 $0x1  }
0x3f9: {  	_ =	swait.ge [sflag:s31], $0x10000  }
0x3fa: {  	s18 =	sld [smem:$0x7E2];
	_ =	sdelay $0x1  }
0x3fb: {  	s7 =	simm.s32 $0x40D0;
	s8 =	simm.s32 $0x100;
	[sflag:s31] =	ssyncset.done $0x0  }
0x3fc: {  	s9 =	simm.s32 $0x4AD0;
	[sflag:s31] =	ssyncadd.s32 $0xFFFF0000;
	s10 =	sadd.s32 $0x0, s18  }
.LBB2_70:
0x3fd: {  	[hbm4b:s10+s1] =	stream.linear.scatter [tilespmem:s7], [sflag:$0x1], $0x800, $0x38;
	[tilespmem:$0x17FE0] =	vst v63  }
0x3fe: {  	s10 =	smov.u32 s8;
	s7 =	smov.u32 s9;
	p0 =	sne.s32 s8, $0x1F00  }
.Ltmp34:
0x3ff: {  	s8 =	sadd.s32 $0x100, s8;
	(pc) =	sbr.rel @p0 .LBB2_70-.Ltmp34, $2  }
0x400: {  	_ =	sdelay $0x2  }
0x401: {  	s9 =	sadd.s32 $0xA00, s9;
	s10 =	sadd.s32 s10, s18  }
0x402: {  	[hbm4b:s10+s1] =	stream.linear.scatter [tilespmem:s7], [sflag:$0x1], $0x800, $0x38;
	[tilespmem:$0x17FE0] =	vst v63  }
0x403: {  	s31 =	simm.s32 $0x1  }
0x404: {  	_ =	swait.ge [sflag:s31], $0x10000  }
0x405: {  	s18 =	sld [smem:$0x7F3]  }
0x406: {  	s7 =	simm.s32 $0x40C8  }
0x407: {  	s8 =	simm.s32 $0x100;
	s9 =	simm.s32 $0x4AC8;
	[sflag:s31] =	ssyncset.done $0x0  }
0x408: {  	s29 =	sld [smem:$0x7FB];
	[sflag:s31] =	ssyncadd.s32 $0xFFFF0000;
	s10 =	sadd.s32 $0x0, s18  }
.LBB2_72:
0x409: {  	[hbm4b:s10+s1] =	stream.linear.scatter [tilespmem:s7], [sflag:$0x1], $0x800, $0x38;
	[tilespmem:$0x17FE0] =	vst v63  }
0x40a: {  	s10 =	smov.u32 s8;
	s7 =	smov.u32 s9;
	p0 =	sne.s32 s8, $0x1F00  }
.Ltmp35:
0x40b: {  	s8 =	sadd.s32 $0x100, s8;
	(pc) =	sbr.rel @p0 .LBB2_72-.Ltmp35, $2  }
0x40c: {  	_ =	sdelay $0x2  }
0x40d: {  	s9 =	sadd.s32 $0xA00, s9;
	s10 =	sadd.s32 s10, s18  }
0x40e: {  	[hbm4b:s10+s1] =	stream.linear.scatter [tilespmem:s7], [sflag:$0x1], $0x800, $0x38;
	[tilespmem:$0x17FE0] =	vst v63  }
0x40f: {  	s31 =	simm.s32 $0x1  }
0x410: {  	_ =	swait.ge [sflag:s31], $0x10000  }
0x411: {  	s22 =	sld [smem:$0x7E3];
	_ =	sdelay $0x1  }
0x412: {  	s7 =	simm.s32 $0x40C0;
	s8 =	simm.s32 $0x100;
	[sflag:s31] =	ssyncset.done $0x0  }
0x413: {  	s9 =	simm.s32 $0x4AC0;
	[sflag:s31] =	ssyncadd.s32 $0xFFFF0000;
	s10 =	sadd.s32 $0x0, s22  }
.LBB2_74:
0x414: {  	[hbm4b:s10+s1] =	stream.linear.scatter [tilespmem:s7], [sflag:$0x1], $0x800, $0x38;
	[tilespmem:$0x17FE0] =	vst v63  }
0x415: {  	s10 =	smov.u32 s8;
	s7 =	smov.u32 s9;
	p0 =	sne.s32 s8, $0x1F00  }
.Ltmp36:
0x416: {  	s8 =	sadd.s32 $0x100, s8;
	(pc) =	sbr.rel @p0 .LBB2_74-.Ltmp36, $2  }
0x417: {  	_ =	sdelay $0x2  }
0x418: {  	s9 =	sadd.s32 $0xA00, s9;
	s10 =	sadd.s32 s10, s22  }
0x419: {  	[hbm4b:s10+s1] =	stream.linear.scatter [tilespmem:s7], [sflag:$0x1], $0x800, $0x38;
	[tilespmem:$0x17FE0] =	vst v63  }
0x41a: {  	s31 =	simm.s32 $0x1  }
0x41b: {  	_ =	swait.ge [sflag:s31], $0x10000  }
0x41c: {  	s22 =	sld [smem:$0x7F4];
	_ =	sdelay $0x1  }
0x41d: {  	s7 =	simm.s32 $0x40B8;
	s8 =	simm.s32 $0x100;
	[sflag:s31] =	ssyncset.done $0x0  }
0x41e: {  	s9 =	simm.s32 $0x4AB8;
	[sflag:s31] =	ssyncadd.s32 $0xFFFF0000;
	s10 =	sadd.s32 $0x0, s22  }
.LBB2_76:
0x41f: {  	[hbm4b:s10+s1] =	stream.linear.scatter [tilespmem:s7], [sflag:$0x1], $0x800, $0x38;
	[tilespmem:$0x17FE0] =	vst v63  }
0x420: {  	s10 =	smov.u32 s8;
	s7 =	smov.u32 s9;
	p0 =	sne.s32 s8, $0x1F00  }
.Ltmp37:
0x421: {  	s8 =	sadd.s32 $0x100, s8;
	(pc) =	sbr.rel @p0 .LBB2_76-.Ltmp37, $2  }
0x422: {  	_ =	sdelay $0x2  }
0x423: {  	s9 =	sadd.s32 $0xA00, s9;
	s10 =	sadd.s32 s10, s22  }
0x424: {  	[hbm4b:s10+s1] =	stream.linear.scatter [tilespmem:s7], [sflag:$0x1], $0x800, $0x38;
	[tilespmem:$0x17FE0] =	vst v63  }
0x425: {  	s31 =	simm.s32 $0x1  }
0x426: {  	_ =	swait.ge [sflag:s31], $0x10000  }
0x427: {  	s23 =	sld [smem:$0x7E4];
	_ =	sdelay $0x1  }
0x428: {  	s7 =	simm.s32 $0x40B0;
	s8 =	simm.s32 $0x100;
	[sflag:s31] =	ssyncset.done $0x0  }
0x429: {  	s9 =	simm.s32 $0x4AB0;
	[sflag:s31] =	ssyncadd.s32 $0xFFFF0000;
	s10 =	sadd.s32 $0x0, s23  }
.LBB2_78:
0x42a: {  	[hbm4b:s10+s1] =	stream.linear.scatter [tilespmem:s7], [sflag:$0x1], $0x800, $0x38;
	[tilespmem:$0x17FE0] =	vst v63  }
0x42b: {  	s10 =	smov.u32 s8;
	s7 =	smov.u32 s9;
	p0 =	sne.s32 s8, $0x1F00  }
.Ltmp38:
0x42c: {  	s8 =	sadd.s32 $0x100, s8;
	(pc) =	sbr.rel @p0 .LBB2_78-.Ltmp38, $2  }
0x42d: {  	_ =	sdelay $0x2  }
0x42e: {  	s9 =	sadd.s32 $0xA00, s9;
	s10 =	sadd.s32 s10, s23  }
0x42f: {  	[hbm4b:s10+s1] =	stream.linear.scatter [tilespmem:s7], [sflag:$0x1], $0x800, $0x38;
	[tilespmem:$0x17FE0] =	vst v63  }
0x430: {  	s31 =	simm.s32 $0x1  }
0x431: {  	_ =	swait.ge [sflag:s31], $0x10000  }
0x432: {  	s23 =	sld [smem:$0x7E5];
	_ =	sdelay $0x1  }
0x433: {  	s7 =	simm.s32 $0x40A8;
	s8 =	simm.s32 $0x100;
	[sflag:s31] =	ssyncset.done $0x0  }
0x434: {  	s9 =	simm.s32 $0x4AA8;
	[sflag:s31] =	ssyncadd.s32 $0xFFFF0000;
	s10 =	sadd.s32 $0x0, s23  }
.LBB2_80:
0x435: {  	[hbm4b:s10+s1] =	stream.linear.scatter [tilespmem:s7], [sflag:$0x1], $0x800, $0x38;
	[tilespmem:$0x17FE0] =	vst v63  }
0x436: {  	s10 =	smov.u32 s8;
	s7 =	smov.u32 s9;
	p0 =	sne.s32 s8, $0x1F00  }
.Ltmp39:
0x437: {  	s8 =	sadd.s32 $0x100, s8;
	(pc) =	sbr.rel @p0 .LBB2_80-.Ltmp39, $2  }
0x438: {  	_ =	sdelay $0x2  }
0x439: {  	s9 =	sadd.s32 $0xA00, s9;
	s10 =	sadd.s32 s10, s23  }
0x43a: {  	[hbm4b:s10+s1] =	stream.linear.scatter [tilespmem:s7], [sflag:$0x1], $0x800, $0x38;
	[tilespmem:$0x17FE0] =	vst v63  }
0x43b: {  	s31 =	simm.s32 $0x1  }
0x43c: {  	_ =	swait.ge [sflag:s31], $0x10000  }
0x43d: {  	s23 =	sld [smem:$0x7E6];
	_ =	sdelay $0x1  }
0x43e: {  	s7 =	simm.s32 $0x40A0;
	s8 =	simm.s32 $0x100;
	[sflag:s31] =	ssyncset.done $0x0  }
0x43f: {  	s9 =	simm.s32 $0x4AA0;
	[sflag:s31] =	ssyncadd.s32 $0xFFFF0000;
	s10 =	sadd.s32 $0x0, s23  }
.LBB2_82:
0x440: {  	[hbm4b:s10+s1] =	stream.linear.scatter [tilespmem:s7], [sflag:$0x1], $0x800, $0x38;
	[tilespmem:$0x17FE0] =	vst v63  }
0x441: {  	s10 =	smov.u32 s8;
	s7 =	smov.u32 s9;
	p0 =	sne.s32 s8, $0x1F00  }
.Ltmp40:
0x442: {  	s8 =	sadd.s32 $0x100, s8;
	(pc) =	sbr.rel @p0 .LBB2_82-.Ltmp40, $2  }
0x443: {  	_ =	sdelay $0x2  }
0x444: {  	s9 =	sadd.s32 $0xA00, s9;
	s10 =	sadd.s32 s10, s23  }
0x445: {  	[hbm4b:s10+s1] =	stream.linear.scatter [tilespmem:s7], [sflag:$0x1], $0x800, $0x38;
	[tilespmem:$0x17FE0] =	vst v63  }
0x446: {  	s31 =	simm.s32 $0x1  }
0x447: {  	_ =	swait.ge [sflag:s31], $0x10000  }
0x448: {  	s23 =	sld [smem:$0x7F5]  }
0x449: {  	s7 =	simm.s32 $0x4098  }
0x44a: {  	s8 =	simm.s32 $0x100;
	s9 =	simm.s32 $0x4A98;
	[sflag:s31] =	ssyncset.done $0x0  }
0x44b: {  	s30 =	sld [smem:$0x7FC];
	[sflag:s31] =	ssyncadd.s32 $0xFFFF0000;
	s10 =	sadd.s32 $0x0, s23  }
.LBB2_84:
0x44c: {  	[hbm4b:s10+s1] =	stream.linear.scatter [tilespmem:s7], [sflag:$0x1], $0x800, $0x38;
	[tilespmem:$0x17FE0] =	vst v63  }
0x44d: {  	s10 =	smov.u32 s8;
	s7 =	smov.u32 s9;
	p0 =	sne.s32 s8, $0x1F00  }
.Ltmp41:
0x44e: {  	s8 =	sadd.s32 $0x100, s8;
	(pc) =	sbr.rel @p0 .LBB2_84-.Ltmp41, $2  }
0x44f: {  	_ =	sdelay $0x2  }
0x450: {  	s9 =	sadd.s32 $0xA00, s9;
	s10 =	sadd.s32 s10, s23  }
0x451: {  	[hbm4b:s10+s1] =	stream.linear.scatter [tilespmem:s7], [sflag:$0x1], $0x800, $0x38;
	[tilespmem:$0x17FE0] =	vst v63  }
0x452: {  	s31 =	simm.s32 $0x1  }
0x453: {  	_ =	swait.ge [sflag:s31], $0x10000  }
0x454: {  	s24 =	sld [smem:$0x7E7];
	_ =	sdelay $0x1  }
0x455: {  	s7 =	simm.s32 $0x4090;
	s8 =	simm.s32 $0x100;
	[sflag:s31] =	ssyncset.done $0x0  }
0x456: {  	s9 =	simm.s32 $0x4A90;
	[sflag:s31] =	ssyncadd.s32 $0xFFFF0000;
	s10 =	sadd.s32 $0x0, s24  }
.LBB2_86:
0x457: {  	[hbm4b:s10+s1] =	stream.linear.scatter [tilespmem:s7], [sflag:$0x1], $0x800, $0x38;
	[tilespmem:$0x17FE0] =	vst v63  }
0x458: {  	s10 =	smov.u32 s8;
	s7 =	smov.u32 s9;
	p0 =	sne.s32 s8, $0x1F00  }
.Ltmp42:
0x459: {  	s8 =	sadd.s32 $0x100, s8;
	(pc) =	sbr.rel @p0 .LBB2_86-.Ltmp42, $2  }
0x45a: {  	_ =	sdelay $0x2  }
0x45b: {  	s9 =	sadd.s32 $0xA00, s9;
	s10 =	sadd.s32 s10, s24  }
0x45c: {  	[hbm4b:s10+s1] =	stream.linear.scatter [tilespmem:s7], [sflag:$0x1], $0x800, $0x38;
	[tilespmem:$0x17FE0] =	vst v63  }
0x45d: {  	s31 =	simm.s32 $0x1  }
0x45e: {  	_ =	swait.ge [sflag:s31], $0x10000  }
0x45f: {  	s24 =	sld [smem:$0x7F6];
	_ =	sdelay $0x1  }
0x460: {  	s7 =	simm.s32 $0x4088;
	s8 =	simm.s32 $0x100;
	[sflag:s31] =	ssyncset.done $0x0  }
0x461: {  	s9 =	simm.s32 $0x4A88;
	[sflag:s31] =	ssyncadd.s32 $0xFFFF0000;
	s10 =	sadd.s32 $0x0, s24  }
.LBB2_88:
0x462: {  	[hbm4b:s10+s1] =	stream.linear.scatter [tilespmem:s7], [sflag:$0x1], $0x800, $0x38;
	[tilespmem:$0x17FE0] =	vst v63  }
0x463: {  	s10 =	smov.u32 s8;
	s7 =	smov.u32 s9;
	p0 =	sne.s32 s8, $0x1F00  }
.Ltmp43:
0x464: {  	s8 =	sadd.s32 $0x100, s8;
	(pc) =	sbr.rel @p0 .LBB2_88-.Ltmp43, $2  }
0x465: {  	_ =	sdelay $0x2  }
0x466: {  	s9 =	sadd.s32 $0xA00, s9;
	s10 =	sadd.s32 s10, s24  }
0x467: {  	[hbm4b:s10+s1] =	stream.linear.scatter [tilespmem:s7], [sflag:$0x1], $0x800, $0x38;
	[tilespmem:$0x17FE0] =	vst v63  }
0x468: {  	s31 =	simm.s32 $0x1  }
0x469: {  	_ =	swait.ge [sflag:s31], $0x10000  }
0x46a: {  	s25 =	sld [smem:$0x7E8];
	_ =	sdelay $0x1  }
0x46b: {  	s7 =	simm.s32 $0x4080;
	s8 =	simm.s32 $0x100;
	[sflag:s31] =	ssyncset.done $0x0  }
0x46c: {  	s9 =	simm.s32 $0x4A80;
	[sflag:s31] =	ssyncadd.s32 $0xFFFF0000;
	s10 =	sadd.s32 $0x0, s25  }
.LBB2_90:
0x46d: {  	[hbm4b:s10+s1] =	stream.linear.scatter [tilespmem:s7], [sflag:$0x1], $0x800, $0x38;
	[tilespmem:$0x17FE0] =	vst v63  }
0x46e: {  	s10 =	smov.u32 s8;
	s7 =	smov.u32 s9;
	p0 =	sne.s32 s8, $0x1F00  }
.Ltmp44:
0x46f: {  	s8 =	sadd.s32 $0x100, s8;
	(pc) =	sbr.rel @p0 .LBB2_90-.Ltmp44, $2  }
0x470: {  	_ =	sdelay $0x2  }
0x471: {  	s9 =	sadd.s32 $0xA00, s9;
	s10 =	sadd.s32 s10, s25  }
0x472: {  	[hbm4b:s10+s1] =	stream.linear.scatter [tilespmem:s7], [sflag:$0x1], $0x800, $0x38;
	[tilespmem:$0x17FE0] =	vst v63  }
0x473: {  	s31 =	simm.s32 $0x1  }
0x474: {  	_ =	swait.ge [sflag:s31], $0x10000  }
0x475: {  	s25 =	sld [smem:$0x7F7];
	_ =	sdelay $0x1  }
0x476: {  	s7 =	simm.s32 $0x4078;
	s8 =	simm.s32 $0x100;
	[sflag:s31] =	ssyncset.done $0x0  }
0x477: {  	s9 =	simm.s32 $0x4A78;
	[sflag:s31] =	ssyncadd.s32 $0xFFFF0000;
	s10 =	sadd.s32 $0x0, s25  }
.LBB2_92:
0x478: {  	[hbm4b:s10+s1] =	stream.linear.scatter [tilespmem:s7], [sflag:$0x1], $0x800, $0x38;
	[tilespmem:$0x17FE0] =	vst v63  }
0x479: {  	s10 =	smov.u32 s8;
	s7 =	smov.u32 s9;
	p0 =	sne.s32 s8, $0x1F00  }
.Ltmp45:
0x47a: {  	s8 =	sadd.s32 $0x100, s8;
	(pc) =	sbr.rel @p0 .LBB2_92-.Ltmp45, $2  }
0x47b: {  	_ =	sdelay $0x2  }
0x47c: {  	s9 =	sadd.s32 $0xA00, s9;
	s10 =	sadd.s32 s10, s25  }
0x47d: {  	[hbm4b:s10+s1] =	stream.linear.scatter [tilespmem:s7], [sflag:$0x1], $0x800, $0x38;
	[tilespmem:$0x17FE0] =	vst v63  }
0x47e: {  	s31 =	simm.s32 $0x1  }
0x47f: {  	_ =	swait.ge [sflag:s31], $0x10000  }
0x480: {  	s26 =	sld [smem:$0x7E9];
	_ =	sdelay $0x1  }
0x481: {  	s7 =	simm.s32 $0x4070;
	s8 =	simm.s32 $0x100;
	[sflag:s31] =	ssyncset.done $0x0  }
0x482: {  	s9 =	simm.s32 $0x4A70;
	[sflag:s31] =	ssyncadd.s32 $0xFFFF0000;
	s10 =	sadd.s32 $0x0, s26  }
.LBB2_94:
0x483: {  	[hbm4b:s10+s1] =	stream.linear.scatter [tilespmem:s7], [sflag:$0x1], $0x800, $0x38;
	[tilespmem:$0x17FE0] =	vst v63  }
0x484: {  	s10 =	smov.u32 s8;
	s7 =	smov.u32 s9;
	p0 =	sne.s32 s8, $0x1F00  }
.Ltmp46:
0x485: {  	s8 =	sadd.s32 $0x100, s8;
	(pc) =	sbr.rel @p0 .LBB2_94-.Ltmp46, $2  }
0x486: {  	_ =	sdelay $0x2  }
0x487: {  	s9 =	sadd.s32 $0xA00, s9;
	s10 =	sadd.s32 s10, s26  }
0x488: {  	[hbm4b:s10+s1] =	stream.linear.scatter [tilespmem:s7], [sflag:$0x1], $0x800, $0x38;
	[tilespmem:$0x17FE0] =	vst v63  }
0x489: {  	s31 =	simm.s32 $0x1  }
0x48a: {  	_ =	swait.ge [sflag:s31], $0x10000  }
0x48b: {  	s26 =	sld [smem:$0x7F8];
	_ =	sdelay $0x1  }
0x48c: {  	s7 =	simm.s32 $0x4068;
	s8 =	simm.s32 $0x100;
	[sflag:s31] =	ssyncset.done $0x0  }
0x48d: {  	s9 =	simm.s32 $0x4A68;
	[sflag:s31] =	ssyncadd.s32 $0xFFFF0000;
	s10 =	sadd.s32 $0x0, s26  }
.LBB2_96:
0x48e: {  	[hbm4b:s10+s1] =	stream.linear.scatter [tilespmem:s7], [sflag:$0x1], $0x800, $0x38;
	[tilespmem:$0x17FE0] =	vst v63  }
0x48f: {  	s10 =	smov.u32 s8;
	s7 =	smov.u32 s9;
	p0 =	sne.s32 s8, $0x1F00  }
.Ltmp47:
0x490: {  	s8 =	sadd.s32 $0x100, s8;
	(pc) =	sbr.rel @p0 .LBB2_96-.Ltmp47, $2  }
0x491: {  	_ =	sdelay $0x2  }
0x492: {  	s9 =	sadd.s32 $0xA00, s9;
	s10 =	sadd.s32 s10, s26  }
0x493: {  	[hbm4b:s10+s1] =	stream.linear.scatter [tilespmem:s7], [sflag:$0x1], $0x800, $0x38;
	[tilespmem:$0x17FE0] =	vst v63  }
0x494: {  	s31 =	simm.s32 $0x1  }
0x495: {  	_ =	swait.ge [sflag:s31], $0x10000  }
0x496: {  	s15 =	sld [smem:$0x7EA];
	_ =	sdelay $0x1  }
0x497: {  	s7 =	simm.s32 $0x4060;
	s8 =	simm.s32 $0x100;
	[sflag:s31] =	ssyncset.done $0x0  }
0x498: {  	s9 =	simm.s32 $0x4A60;
	[sflag:s31] =	ssyncadd.s32 $0xFFFF0000;
	s10 =	sadd.s32 $0x0, s15  }
.LBB2_98:
0x499: {  	[hbm4b:s10+s1] =	stream.linear.scatter [tilespmem:s7], [sflag:$0x1], $0x800, $0x38;
	[tilespmem:$0x17FE0] =	vst v63  }
0x49a: {  	s10 =	smov.u32 s8;
	s7 =	smov.u32 s9;
	p0 =	sne.s32 s8, $0x1F00  }
.Ltmp48:
0x49b: {  	s8 =	sadd.s32 $0x100, s8;
	(pc) =	sbr.rel @p0 .LBB2_98-.Ltmp48, $2  }
0x49c: {  	_ =	sdelay $0x2  }
0x49d: {  	s9 =	sadd.s32 $0xA00, s9;
	s10 =	sadd.s32 s10, s15  }
0x49e: {  	[hbm4b:s10+s1] =	stream.linear.scatter [tilespmem:s7], [sflag:$0x1], $0x800, $0x38;
	[tilespmem:$0x17FE0] =	vst v63  }
0x49f: {  	s31 =	simm.s32 $0x1  }
0x4a0: {  	_ =	swait.ge [sflag:s31], $0x10000  }
0x4a1: {  	s15 =	sld [smem:$0x7EB];
	_ =	sdelay $0x1  }
0x4a2: {  	s7 =	simm.s32 $0x4058;
	s8 =	simm.s32 $0x100;
	[sflag:s31] =	ssyncset.done $0x0  }
0x4a3: {  	s9 =	simm.s32 $0x4A58;
	[sflag:s31] =	ssyncadd.s32 $0xFFFF0000;
	s10 =	sadd.s32 $0x0, s15  }
.LBB2_100:
0x4a4: {  	[hbm4b:s10+s1] =	stream.linear.scatter [tilespmem:s7], [sflag:$0x1], $0x800, $0x38;
	[tilespmem:$0x17FE0] =	vst v63  }
0x4a5: {  	s10 =	smov.u32 s8;
	s7 =	smov.u32 s9;
	p0 =	sne.s32 s8, $0x1F00  }
.Ltmp49:
0x4a6: {  	s8 =	sadd.s32 $0x100, s8;
	(pc) =	sbr.rel @p0 .LBB2_100-.Ltmp49, $2  }
0x4a7: {  	_ =	sdelay $0x2  }
0x4a8: {  	s9 =	sadd.s32 $0xA00, s9;
	s10 =	sadd.s32 s10, s15  }
0x4a9: {  	[hbm4b:s10+s1] =	stream.linear.scatter [tilespmem:s7], [sflag:$0x1], $0x800, $0x38;
	[tilespmem:$0x17FE0] =	vst v63  }
0x4aa: {  	s31 =	simm.s32 $0x1  }
0x4ab: {  	_ =	swait.ge [sflag:s31], $0x10000  }
0x4ac: {  	s15 =	sld [smem:$0x7EC];
	_ =	sdelay $0x1  }
0x4ad: {  	s7 =	simm.s32 $0x4050;
	s8 =	simm.s32 $0x100;
	[sflag:s31] =	ssyncset.done $0x0  }
0x4ae: {  	s9 =	simm.s32 $0x4A50;
	[sflag:s31] =	ssyncadd.s32 $0xFFFF0000;
	s10 =	sadd.s32 $0x0, s15  }
.LBB2_102:
0x4af: {  	[hbm4b:s10+s1] =	stream.linear.scatter [tilespmem:s7], [sflag:$0x1], $0x800, $0x38;
	[tilespmem:$0x17FE0] =	vst v63  }
0x4b0: {  	s10 =	smov.u32 s8;
	s7 =	smov.u32 s9;
	p0 =	sne.s32 s8, $0x1F00  }
.Ltmp50:
0x4b1: {  	s8 =	sadd.s32 $0x100, s8;
	(pc) =	sbr.rel @p0 .LBB2_102-.Ltmp50, $2  }
0x4b2: {  	_ =	sdelay $0x2  }
0x4b3: {  	s9 =	sadd.s32 $0xA00, s9;
	s10 =	sadd.s32 s10, s15  }
0x4b4: {  	[hbm4b:s10+s1] =	stream.linear.scatter [tilespmem:s7], [sflag:$0x1], $0x800, $0x38;
	[tilespmem:$0x17FE0] =	vst v63  }
0x4b5: {  	s31 =	simm.s32 $0x1  }
0x4b6: {  	_ =	swait.ge [sflag:s31], $0x10000  }
0x4b7: {  	s15 =	sld [smem:$0x7F9];
	_ =	sdelay $0x1  }
0x4b8: {  	s7 =	simm.s32 $0x4048;
	s8 =	simm.s32 $0x100;
	[sflag:s31] =	ssyncset.done $0x0  }
0x4b9: {  	s9 =	simm.s32 $0x4A48;
	[sflag:s31] =	ssyncadd.s32 $0xFFFF0000;
	s10 =	sadd.s32 $0x0, s15  }
.LBB2_104:
0x4ba: {  	[hbm4b:s10+s1] =	stream.linear.scatter [tilespmem:s7], [sflag:$0x1], $0x800, $0x38;
	[tilespmem:$0x17FE0] =	vst v63  }
0x4bb: {  	s10 =	smov.u32 s8;
	s7 =	smov.u32 s9;
	p0 =	sne.s32 s8, $0x1F00  }
.Ltmp51:
0x4bc: {  	s8 =	sadd.s32 $0x100, s8;
	(pc) =	sbr.rel @p0 .LBB2_104-.Ltmp51, $2  }
0x4bd: {  	_ =	sdelay $0x2  }
0x4be: {  	s9 =	sadd.s32 $0xA00, s9;
	s10 =	sadd.s32 s10, s15  }
0x4bf: {  	[hbm4b:s10+s1] =	stream.linear.scatter [tilespmem:s7], [sflag:$0x1], $0x800, $0x38;
	[tilespmem:$0x17FE0] =	vst v63  }
0x4c0: {  	s31 =	simm.s32 $0x1  }
0x4c1: {  	_ =	swait.ge [sflag:s31], $0x10000  }
0x4c2: {  	s28 =	sld [smem:$0x7ED];
	_ =	sdelay $0x1  }
0x4c3: {  	s7 =	simm.s32 $0x4040;
	s8 =	simm.s32 $0x100;
	[sflag:s31] =	ssyncset.done $0x0  }
0x4c4: {  	s9 =	simm.s32 $0x4A40;
	[sflag:s31] =	ssyncadd.s32 $0xFFFF0000;
	s10 =	sadd.s32 $0x0, s28  }
.LBB2_106:
0x4c5: {  	[hbm4b:s10+s1] =	stream.linear.scatter [tilespmem:s7], [sflag:$0x1], $0x800, $0x38;
	[tilespmem:$0x17FE0] =	vst v63  }
0x4c6: {  	s10 =	smov.u32 s8;
	s7 =	smov.u32 s9;
	p0 =	sne.s32 s8, $0x1F00  }
.Ltmp52:
0x4c7: {  	s8 =	sadd.s32 $0x100, s8;
	(pc) =	sbr.rel @p0 .LBB2_106-.Ltmp52, $2  }
0x4c8: {  	_ =	sdelay $0x2  }
0x4c9: {  	s9 =	sadd.s32 $0xA00, s9;
	s10 =	sadd.s32 s10, s28  }
0x4ca: {  	[hbm4b:s10+s1] =	stream.linear.scatter [tilespmem:s7], [sflag:$0x1], $0x800, $0x38;
	[tilespmem:$0x17FE0] =	vst v63  }
0x4cb: {  	s31 =	simm.s32 $0x1  }
0x4cc: {  	_ =	swait.ge [sflag:s31], $0x10000  }
0x4cd: {  	s28 =	sld [smem:$0x7FA];
	_ =	sdelay $0x1  }
0x4ce: {  	s7 =	simm.s32 $0x4038;
	s8 =	simm.s32 $0x100;
	[sflag:s31] =	ssyncset.done $0x0  }
0x4cf: {  	s9 =	simm.s32 $0x4A38;
	[sflag:s31] =	ssyncadd.s32 $0xFFFF0000;
	s10 =	sadd.s32 $0x0, s28  }
.LBB2_108:
0x4d0: {  	[hbm4b:s10+s1] =	stream.linear.scatter [tilespmem:s7], [sflag:$0x1], $0x800, $0x38;
	[tilespmem:$0x17FE0] =	vst v63  }
0x4d1: {  	s10 =	smov.u32 s8;
	s7 =	smov.u32 s9;
	p0 =	sne.s32 s8, $0x1F00  }
.Ltmp53:
0x4d2: {  	s8 =	sadd.s32 $0x100, s8;
	(pc) =	sbr.rel @p0 .LBB2_108-.Ltmp53, $2  }
0x4d3: {  	_ =	sdelay $0x2  }
0x4d4: {  	s9 =	sadd.s32 $0xA00, s9;
	s10 =	sadd.s32 s10, s28  }
0x4d5: {  	[hbm4b:s10+s1] =	stream.linear.scatter [tilespmem:s7], [sflag:$0x1], $0x800, $0x38;
	[tilespmem:$0x17FE0] =	vst v63  }
0x4d6: {  	s31 =	simm.s32 $0x1  }
0x4d7: {  	_ =	swait.ge [sflag:s31], $0x10000  }
0x4d8: {  	s19 =	sld [smem:$0x7EE];
	_ =	sdelay $0x1  }
0x4d9: {  	s7 =	simm.s32 $0x4030;
	s8 =	simm.s32 $0x100;
	[sflag:s31] =	ssyncset.done $0x0  }
0x4da: {  	s9 =	simm.s32 $0x4A30;
	[sflag:s31] =	ssyncadd.s32 $0xFFFF0000;
	s10 =	sadd.s32 $0x0, s19  }
.LBB2_110:
0x4db: {  	[hbm4b:s10+s1] =	stream.linear.scatter [tilespmem:s7], [sflag:$0x1], $0x800, $0x38;
	[tilespmem:$0x17FE0] =	vst v63  }
0x4dc: {  	s10 =	smov.u32 s8;
	s7 =	smov.u32 s9;
	p0 =	sne.s32 s8, $0x1F00  }
.Ltmp54:
0x4dd: {  	s8 =	sadd.s32 $0x100, s8;
	(pc) =	sbr.rel @p0 .LBB2_110-.Ltmp54, $2  }
0x4de: {  	_ =	sdelay $0x2  }
0x4df: {  	s9 =	sadd.s32 $0xA00, s9;
	s10 =	sadd.s32 s10, s19  }
0x4e0: {  	[hbm4b:s10+s1] =	stream.linear.scatter [tilespmem:s7], [sflag:$0x1], $0x800, $0x38;
	[tilespmem:$0x17FE0] =	vst v63  }
0x4e1: {  	s31 =	simm.s32 $0x1  }
0x4e2: {  	_ =	swait.ge [sflag:s31], $0x10000  }
0x4e3: {  	s19 =	sld [smem:$0x7EF];
	_ =	sdelay $0x1  }
0x4e4: {  	s7 =	simm.s32 $0x4028;
	s8 =	simm.s32 $0x100;
	[sflag:s31] =	ssyncset.done $0x0  }
0x4e5: {  	s9 =	simm.s32 $0x4A28;
	[sflag:s31] =	ssyncadd.s32 $0xFFFF0000;
	s10 =	sadd.s32 $0x0, s19  }
.LBB2_112:
0x4e6: {  	[hbm4b:s10+s1] =	stream.linear.scatter [tilespmem:s7], [sflag:$0x1], $0x800, $0x38;
	[tilespmem:$0x17FE0] =	vst v63  }
0x4e7: {  	s10 =	smov.u32 s8;
	s7 =	smov.u32 s9;
	p0 =	sne.s32 s8, $0x1F00  }
.Ltmp55:
0x4e8: {  	s8 =	sadd.s32 $0x100, s8;
	(pc) =	sbr.rel @p0 .LBB2_112-.Ltmp55, $2  }
0x4e9: {  	_ =	sdelay $0x2  }
0x4ea: {  	s9 =	sadd.s32 $0xA00, s9;
	s10 =	sadd.s32 s10, s19  }
0x4eb: {  	[hbm4b:s10+s1] =	stream.linear.scatter [tilespmem:s7], [sflag:$0x1], $0x800, $0x38;
	[tilespmem:$0x17FE0] =	vst v63  }
0x4ec: {  	s31 =	simm.s32 $0x1  }
0x4ed: {  	_ =	swait.ge [sflag:s31], $0x10000  }
0x4ee: {  	s19 =	sld [smem:$0x7F0];
	_ =	sdelay $0x1  }
0x4ef: {  	s7 =	simm.s32 $0x4020;
	s8 =	simm.s32 $0x100;
	[sflag:s31] =	ssyncset.done $0x0  }
0x4f0: {  	s9 =	simm.s32 $0x4A20;
	[sflag:s31] =	ssyncadd.s32 $0xFFFF0000;
	s10 =	sadd.s32 $0x0, s19  }
.LBB2_114:
0x4f1: {  	[hbm4b:s10+s1] =	stream.linear.scatter [tilespmem:s7], [sflag:$0x1], $0x800, $0x38;
	[tilespmem:$0x17FE0] =	vst v63  }
0x4f2: {  	s10 =	smov.u32 s8;
	s7 =	smov.u32 s9;
	p0 =	sne.s32 s8, $0x1F00  }
.Ltmp56:
0x4f3: {  	s8 =	sadd.s32 $0x100, s8;
	(pc) =	sbr.rel @p0 .LBB2_114-.Ltmp56, $2  }
0x4f4: {  	_ =	sdelay $0x2  }
0x4f5: {  	s9 =	sadd.s32 $0xA00, s9;
	s10 =	sadd.s32 s10, s19  }
0x4f6: {  	[hbm4b:s10+s1] =	stream.linear.scatter [tilespmem:s7], [sflag:$0x1], $0x800, $0x38;
	[tilespmem:$0x17FE0] =	vst v63  }
0x4f7: {  	s28 =	simm.s32 $0x1  }
0x4f8: {  	s7 =	simm.s32 $0x4018;
	_ =	swait.ge [sflag:s28], $0x10000  }
0x4f9: {  	s8 =	simm.s32 $0x100;
	s10 =	sadd.s32 $0x0, s29;
	[sflag:s28] =	ssyncset.done $0x0  }
0x4fa: {  	s9 =	simm.s32 $0x4A18;
	s31 =	sld [smem:$0x7FD];
	[sflag:s28] =	ssyncadd.s32 $0xFFFF0000  }
.LBB2_116:
0x4fb: {  	[hbm4b:s10+s1] =	stream.linear.scatter [tilespmem:s7], [sflag:$0x1], $0x800, $0x38;
	[tilespmem:$0x17FE0] =	vst v63  }
0x4fc: {  	s10 =	smov.u32 s8;
	s7 =	smov.u32 s9;
	p0 =	sne.s32 s8, $0x1F00  }
.Ltmp57:
0x4fd: {  	s8 =	sadd.s32 $0x100, s8;
	(pc) =	sbr.rel @p0 .LBB2_116-.Ltmp57, $2  }
0x4fe: {  	_ =	sdelay $0x2  }
0x4ff: {  	s9 =	sadd.s32 $0xA00, s9;
	s10 =	sadd.s32 s10, s29  }
0x500: {  	[hbm4b:s10+s1] =	stream.linear.scatter [tilespmem:s7], [sflag:$0x1], $0x800, $0x38;
	[tilespmem:$0x17FE0] =	vst v63  }
0x501: {  	s29 =	simm.s32 $0x1  }
0x502: {  	_ =	swait.ge [sflag:s29], $0x10000  }
0x503: {  	s7 =	simm.s32 $0x4010;
	s8 =	simm.s32 $0x100;
	[sflag:s29] =	ssyncset.done $0x0  }
0x504: {  	s10 =	sadd.s32 $0x0, s30;
	s9 =	simm.s32 $0x4A10;
	[sflag:s29] =	ssyncadd.s32 $0xFFFF0000  }
.LBB2_118:
0x505: {  	[hbm4b:s10+s1] =	stream.linear.scatter [tilespmem:s7], [sflag:$0x1], $0x800, $0x38;
	[tilespmem:$0x17FE0] =	vst v63  }
0x506: {  	s10 =	smov.u32 s8;
	s7 =	smov.u32 s9;
	p0 =	sne.s32 s8, $0x1F00  }
.Ltmp58:
0x507: {  	s8 =	sadd.s32 $0x100, s8;
	(pc) =	sbr.rel @p0 .LBB2_118-.Ltmp58, $2  }
0x508: {  	_ =	sdelay $0x2  }
0x509: {  	s9 =	sadd.s32 $0xA00, s9;
	s10 =	sadd.s32 s10, s30  }
0x50a: {  	[hbm4b:s10+s1] =	stream.linear.scatter [tilespmem:s7], [sflag:$0x1], $0x800, $0x38;
	[tilespmem:$0x17FE0] =	vst v63  }
0x50b: {  	s30 =	simm.s32 $0x1  }
0x50c: {  	_ =	swait.ge [sflag:s30], $0x10000  }
0x50d: {  	s7 =	simm.s32 $0x4008;
	s8 =	simm.s32 $0x100;
	[sflag:s30] =	ssyncset.done $0x0  }
0x50e: {  	s10 =	sadd.s32 $0x0, s31;
	s9 =	simm.s32 $0x4A08;
	[sflag:s30] =	ssyncadd.s32 $0xFFFF0000  }
.LBB2_120:
0x50f: {  	[hbm4b:s10+s1] =	stream.linear.scatter [tilespmem:s7], [sflag:$0x1], $0x800, $0x38;
	[tilespmem:$0x17FE0] =	vst v63  }
0x510: {  	s10 =	smov.u32 s8;
	s7 =	smov.u32 s9;
	p0 =	sne.s32 s8, $0x1F00  }
.Ltmp59:
0x511: {  	s8 =	sadd.s32 $0x100, s8;
	(pc) =	sbr.rel @p0 .LBB2_120-.Ltmp59, $2  }
0x512: {  	_ =	sdelay $0x2  }
0x513: {  	s9 =	sadd.s32 $0xA00, s9;
	s10 =	sadd.s32 s10, s31  }
0x514: {  	[hbm4b:s10+s1] =	stream.linear.scatter [tilespmem:s7], [sflag:$0x1], $0x800, $0x38;
	[tilespmem:$0x17FE0] =	vst v63  }
0x515: {  	s31 =	simm.s32 $0x1  }
0x516: {  	_ =	swait.ge [sflag:s31], $0x10000  }
0x517: {  	s7 =	simm.s32 $0x4000;
	s8 =	simm.s32 $0x100;
	[sflag:s31] =	ssyncset.done $0x0  }
0x518: {  	s10 =	sadd.s32 $0x0, s0;
	s9 =	simm.s32 $0x4A00;
	[sflag:s31] =	ssyncadd.s32 $0xFFFF0000  }
.LBB2_122:
0x519: {  	[hbm4b:s10+s1] =	stream.linear.scatter [tilespmem:s7], [sflag:$0x1], $0x800, $0x38;
	[tilespmem:$0x17FE0] =	vst v63  }
0x51a: {  	s10 =	smov.u32 s8;
	s7 =	smov.u32 s9;
	p0 =	sne.s32 s8, $0x1F00  }
.Ltmp60:
0x51b: {  	s8 =	sadd.s32 $0x100, s8;
	(pc) =	sbr.rel @p0 .LBB2_122-.Ltmp60, $2  }
0x51c: {  	_ =	sdelay $0x2  }
0x51d: {  	s9 =	sadd.s32 $0xA00, s9;
	s10 =	sadd.s32 s10, s0  }
0x51e: {  	[hbm4b:s10+s1] =	stream.linear.scatter [tilespmem:s7], [sflag:$0x1], $0x800, $0x38;
	[tilespmem:$0x17FE0] =	vst v63  }
0x51f: {  	s31 =	simm.s32 $0x1  }
0x520: {  	_ =	swait.ge [sflag:s31], $0x10000  }
0x521: {  	s7 =	simm.s32 $0x3FF8;
	s8 =	simm.s32 $0x100;
	[sflag:s31] =	ssyncset.done $0x0  }
0x522: {  	s10 =	sadd.s32 $0x0, s2;
	s9 =	simm.s32 $0x49F8;
	[sflag:s31] =	ssyncadd.s32 $0xFFFF0000  }
.LBB2_124:
0x523: {  	[hbm4b:s10+s1] =	stream.linear.scatter [tilespmem:s7], [sflag:$0x1], $0x800, $0x38;
	[tilespmem:$0x17FE0] =	vst v63  }
0x524: {  	s10 =	smov.u32 s8;
	s7 =	smov.u32 s9;
	p0 =	sne.s32 s8, $0x1F00  }
.Ltmp61:
0x525: {  	s8 =	sadd.s32 $0x100, s8;
	(pc) =	sbr.rel @p0 .LBB2_124-.Ltmp61, $2  }
0x526: {  	_ =	sdelay $0x2  }
0x527: {  	s9 =	sadd.s32 $0xA00, s9;
	s10 =	sadd.s32 s10, s2  }
0x528: {  	[hbm4b:s10+s1] =	stream.linear.scatter [tilespmem:s7], [sflag:$0x1], $0x800, $0x38;
	[tilespmem:$0x17FE0] =	vst v63  }
0x529: {  	s31 =	simm.s32 $0x1  }
0x52a: {  	_ =	swait.ge [sflag:s31], $0x10000  }
0x52b: {  	s7 =	simm.s32 $0x3FF0;
	s8 =	simm.s32 $0x100;
	[sflag:s31] =	ssyncset.done $0x0  }
0x52c: {  	s10 =	sadd.s32 $0x0, s3;
	s9 =	simm.s32 $0x49F0;
	[sflag:s31] =	ssyncadd.s32 $0xFFFF0000  }
.LBB2_126:
0x52d: {  	[hbm4b:s10+s1] =	stream.linear.scatter [tilespmem:s7], [sflag:$0x1], $0x800, $0x38;
	[tilespmem:$0x17FE0] =	vst v63  }
0x52e: {  	s10 =	smov.u32 s8;
	s7 =	smov.u32 s9;
	p0 =	sne.s32 s8, $0x1F00  }
.Ltmp62:
0x52f: {  	s8 =	sadd.s32 $0x100, s8;
	(pc) =	sbr.rel @p0 .LBB2_126-.Ltmp62, $2  }
0x530: {  	_ =	sdelay $0x2  }
0x531: {  	s9 =	sadd.s32 $0xA00, s9;
	s10 =	sadd.s32 s10, s3  }
0x532: {  	[hbm4b:s10+s1] =	stream.linear.scatter [tilespmem:s7], [sflag:$0x1], $0x800, $0x38;
	[tilespmem:$0x17FE0] =	vst v63  }
0x533: {  	s31 =	simm.s32 $0x1  }
0x534: {  	_ =	swait.ge [sflag:s31], $0x10000  }
0x535: {  	s7 =	simm.s32 $0x3FE8;
	s8 =	simm.s32 $0x100;
	[sflag:s31] =	ssyncset.done $0x0  }
0x536: {  	s10 =	sadd.s32 $0x0, s4;
	s9 =	simm.s32 $0x49E8;
	[sflag:s31] =	ssyncadd.s32 $0xFFFF0000  }
.LBB2_128:
0x537: {  	[hbm4b:s10+s1] =	stream.linear.scatter [tilespmem:s7], [sflag:$0x1], $0x800, $0x38;
	[tilespmem:$0x17FE0] =	vst v63  }
0x538: {  	s10 =	smov.u32 s8;
	s7 =	smov.u32 s9;
	p0 =	sne.s32 s8, $0x1F00  }
.Ltmp63:
0x539: {  	s8 =	sadd.s32 $0x100, s8;
	(pc) =	sbr.rel @p0 .LBB2_128-.Ltmp63, $2  }
0x53a: {  	_ =	sdelay $0x2  }
0x53b: {  	s9 =	sadd.s32 $0xA00, s9;
	s10 =	sadd.s32 s10, s4  }
0x53c: {  	[hbm4b:s10+s1] =	stream.linear.scatter [tilespmem:s7], [sflag:$0x1], $0x800, $0x38;
	[tilespmem:$0x17FE0] =	vst v63  }
0x53d: {  	s31 =	simm.s32 $0x1  }
0x53e: {  	_ =	swait.ge [sflag:s31], $0x10000  }
0x53f: {  	s7 =	simm.s32 $0x3FE0;
	s8 =	simm.s32 $0x100;
	[sflag:s31] =	ssyncset.done $0x0  }
0x540: {  	s10 =	sadd.s32 $0x0, s5;
	s9 =	simm.s32 $0x49E0;
	[sflag:s31] =	ssyncadd.s32 $0xFFFF0000  }
.LBB2_130:
0x541: {  	[hbm4b:s10+s1] =	stream.linear.scatter [tilespmem:s7], [sflag:$0x1], $0x800, $0x38;
	[tilespmem:$0x17FE0] =	vst v63  }
0x542: {  	s10 =	smov.u32 s8;
	s7 =	smov.u32 s9;
	p0 =	sne.s32 s8, $0x1F00  }
.Ltmp64:
0x543: {  	s8 =	sadd.s32 $0x100, s8;
	(pc) =	sbr.rel @p0 .LBB2_130-.Ltmp64, $2  }
0x544: {  	_ =	sdelay $0x2  }
0x545: {  	s9 =	sadd.s32 $0xA00, s9;
	s10 =	sadd.s32 s10, s5  }
0x546: {  	[hbm4b:s10+s1] =	stream.linear.scatter [tilespmem:s7], [sflag:$0x1], $0x800, $0x38;
	[tilespmem:$0x17FE0] =	vst v63  }
0x547: {  	s8 =	simm.s32 $0x1  }
0x548: {  	_ =	swait.ge [sflag:s8], $0x10000  }
0x549: {  	[sflag:s8] =	ssyncset.done $0x0  }
0x54a: {  	[sflag:s8] =	ssyncadd.s32 $0xFFFF0000  }
0x54b: {  	_ =	swait.ge [sflag:s8], $0x10000  }
0x54c: {  	[sflag:s8] =	ssyncset.done $0x0  }
0x54d: {  	[sflag:s8] =	ssyncadd.s32 $0xFFFF0000  }
0x54e: {  	_ =	swait.ge [sflag:s8], $0x10000  }
0x54f: {  	[sflag:s8] =	ssyncset.done $0x0  }
0x550: {  	[sflag:s8] =	ssyncadd.s32 $0xFFFF0000  }
0x551: {  	_ =	swait.ge [sflag:s8], $0x10000  }
0x552: {  	[sflag:s8] =	ssyncset.done $0x0  }
0x553: {  	[sflag:s8] =	ssyncadd.s32 $0xFFFF0000  }
0x554: {  	_ =	swait.ge [sflag:s8], $0x10000  }
0x555: {  	[sflag:s8] =	ssyncset.done $0x0  }
0x556: {  	[sflag:s8] =	ssyncadd.s32 $0xFFFF0000  }
0x557: {  	_ =	swait.ge [sflag:s8], $0x10000  }
0x558: {  	[sflag:s8] =	ssyncset.done $0x0  }
0x559: {  	[sflag:s8] =	ssyncadd.s32 $0xFFFF0000  }
0x55a: {  	_ =	swait.ge [sflag:s8], $0x10000  }
0x55b: {  	[sflag:s8] =	ssyncset.done $0x0  }
0x55c: {  	[sflag:s8] =	ssyncadd.s32 $0xFFFF0000  }
0x55d: {  	_ =	swait.ge [sflag:s8], $0x10000  }
0x55e: {  	[sflag:s8] =	ssyncset.done $0x0  }
0x55f: {  	[sflag:s8] =	ssyncadd.s32 $0xFFFF0000  }
0x560: {  	_ =	swait.ge [sflag:s8], $0x10000  }
0x561: {  	s9 =	sld [smem:$0x7DE]  }
0x562: {  	s31 =	sld [smem:$0x7F1];
	_ =	sdelay $0x1  }
0x563: {  	s9 =	sadd.s32 $0x1, s9  }
0x564: {  	p0 =	sne.s32 s9, s31  }
.Ltmp65:
0x565: {  	_ = 	snop;
	(pc) =	sbr.rel @p0 .LBB2_1-.Ltmp65, $3  }
0x566: {  	_ =	sdelay $0x1  }
0x567: {  	[sflag:s8] =	ssyncset.done $0x0  }
0x568: {  	[sflag:s8] =	ssyncadd.s32 $0xFFFF0000  }
0x569: {  	_ =	sfence.sel $0x180000  }
0x56a: {  	[bflag:$0x0] =	sbarrier.arrive $0xFFFF  }
0x56b: {  	_ =	strace $0x90000047  }
0x56c: {  	s0 =	stileid.u32;
	[bflag:$0x2] =	sbarrier.arrive $0xFFFF  }
0x56d: {  	p0 =	sne.s32 s0, $0x0;
	s0 =	rddreg [dreg:$0x2]  }
0x56e: {  	s0 =	sadd.s32 @!p0 $0x100000, s0  }
0x56f: {  	[sflag:s0] =	ssyncadd.tile.s32 @!p0 $0x1;
	_ =	shalt  }
.Lfunc_end2:
_tile_overlayer_lowered:
.L_overlay_start_2:
0x570: {  	(tag) =	ssettag $0x2  }
0x571: {  	s0 =	rddreg [dreg:$0x0];
	s2 =	stileid.u32  }
0x572: {  	s1 =	rddreg [dreg:$0x1];
	p0 =	sne.s32 s2, $0x0  }
0x573: {  	s3 =	rddreg [dreg:$0x2];
	[bflag:$0x3] =	sbarrier.arrive $0xFFFF;
	s2 =	simm.s32 @!p0 $0x1C02  }
0x574: {  	[timem:s3], [sflag:s2] =	dma.local @!p0 [hbm:s0], s1  }
0x575: {  	s0 =	simm.s32 @!p0 $0x2  }
0x576: {  	_ =	swait.ge @!p0 [sflag:s0], s1  }
0x577: {  	s1 =	ssub.s32 @!p0 $0x0, s1;
	[sflag:s0] =	ssyncset.done @!p0 $0x0  }
0x578: {  	[sflag:s0] =	ssyncadd.s32 @!p0 s1  }
0x579: {  	[bflag:$0x3] =	sbarrier.arrive $0xFFFF  }
0x57a: {  	_ =	shalt  }

</sc_bundles>
